<compile_context>
chip_gen: v7x
topology: tpu7x:2x2x1
jax: 0.10.2.dev20260603
libtpu: 0.0.44.dev20260713+nightly
codegen_flags: <defaults>
</compile_context>

<pallas_src>
import jax
import jax.numpy as jnp
from jax import lax
from jax.experimental import pallas as pl
from jax.experimental.pallas import tpu as pltpu
from jax.experimental.pallas import tpu_sc as plsc

NUM_ENT = 100000
NUM_REL = 1000
MARGIN = 10.0
B = 16384
D = 128

NC = 2
NS = 16
NW = NC * NS
EW = B // NW
CHUNK = 128
NCH = EW // CHUNK


def _sc_mesh():
    return plsc.VectorSubcoreMesh(core_axis_name="c", subcore_axis_name="s",
                                  num_cores=NC, num_subcores=NS)


def _make_gather(n_tabs, spec):
    nslot = len(spec)

    def body(ih, it, ir, *rest):
        tabs = rest[:n_tabs]
        out = rest[n_tabs]
        ihv, itv, irv, buf, sem0, sem1 = rest[n_tabs + 1:]
        sems = (sem0, sem1)
        idxvs = (ihv, itv, irv)

        wid = lax.axis_index("s") * NC + lax.axis_index("c")
        pltpu.sync_copy(ih.at[wid], ihv)
        pltpu.sync_copy(it.at[wid], itv)
        pltpu.sync_copy(ir.at[wid], irv)

        def chunk_body(c, carry):
            rowbase = wid * EW + c * CHUNK

            def start(k):
                ti, ii = spec[k]
                return pltpu.async_copy(tabs[ti].at[idxvs[ii].at[c]],
                                        buf.at[k % 2], sems[k % 2])

            cp = start(0)
            for k in range(1, nslot):
                cp_next = start(k)
                cp.wait()
                pltpu.sync_copy(buf.at[(k - 1) % 2],
                                out.at[k - 1, pl.ds(rowbase, CHUNK)])
                cp = cp_next
            cp.wait()
            pltpu.sync_copy(buf.at[(nslot - 1) % 2],
                            out.at[nslot - 1, pl.ds(rowbase, CHUNK)])
            return carry

        lax.fori_loop(0, NCH, chunk_body, 0)

    def run(ih, it, ir, tables):
        f = pl.kernel(
            body,
            out_type=jax.ShapeDtypeStruct((nslot, B, D), jnp.float32),
            mesh=_sc_mesh(),
            scratch_types=[
                pltpu.VMEM((NCH, CHUNK), jnp.int32),
                pltpu.VMEM((NCH, CHUNK), jnp.int32),
                pltpu.VMEM((NCH, CHUNK), jnp.int32),
                pltpu.VMEM((2, CHUNK, D), jnp.float32),
                pltpu.SemaphoreType.DMA,
                pltpu.SemaphoreType.DMA,
            ],
            compiler_params=pltpu.CompilerParams(use_tc_tiling_on_sc=True),
        )
        return f(ih, it, ir, *tables)

    return run


BT = 512

_MAGIC = 12582912.0
_INV2PI = 0.15915493667125702
_P2A = 6.28125
_P2B = 0.0019353071795864769
_S1 = 0.99998459
_S2 = -0.16663258
_S3 = 0.0083123829
_S4 = -0.00019316182
_S5 = 2.1732101e-06
_HALF_PI = 1.5707963267948966


def _psin(x):
    n = (x * _INV2PI + _MAGIC) - _MAGIC
    r = (x - n * _P2A) - n * _P2B
    r2 = r * r
    return r * (_S1 + r2 * (_S2 + r2 * (_S3 + r2 * (_S4 + r2 * _S5))))


def _pcos(x):
    return _psin(x + _HALF_PI)


def _combine_body(y_ref, m_ref, d_ref, ge_ref, gy_ref, gm_ref, gd_ref, o_ref):
    a_h = ge_ref[0]
    a_t = ge_ref[1]
    r = ge_ref[2]

    def term(g, t_ref, side):
        tt = t_ref[:]
        b = 3 * side
        return g[b + 2] * _psin(g[b] * tt + g[b + 1])

    t_h = (term(gy_ref, y_ref, 0) + term(gm_ref, m_ref, 0)
           + term(gd_ref, d_ref, 0))
    t_t = (term(gy_ref, y_ref, 1) + term(gm_ref, m_ref, 1)
           + term(gd_ref, d_ref, 1))
    cr = _pcos(r)
    sr = _psin(r)

    def part(h_re, h_im, t_re, t_im, c, s):
        re = h_re * c - h_im * s - t_re
        im = h_re * s + h_im * c - t_im
        return jnp.sum(jnp.sqrt(re * re + im * im), axis=1)

    H = 64
    tot = part(a_h[:, :H], a_t[:, H:], a_t[:, :H], a_h[:, H:],
               cr[:, :H], sr[:, :H])
    tot += part(t_h[:, :H], t_t[:, :H], t_t[:, H:], t_h[:, H:],
                cr[:, H:], sr[:, H:])
    o_ref[:] = MARGIN - tot


def _tc_combine(years, months, days, ge, gy, gm, gd):
    p6 = pl.BlockSpec((6, BT, D), lambda i: (0, i, 0))
    pt = pl.BlockSpec((BT, 1), lambda i: (i, 0))
    return pl.pallas_call(
        _combine_body,
        grid=(B // BT,),
        in_specs=[pt, pt, pt,
                  pl.BlockSpec((3, BT, D), lambda i: (0, i, 0)), p6, p6, p6],
        out_specs=pl.BlockSpec((BT,), lambda i: (i,)),
        out_shape=jax.ShapeDtypeStruct((B,), jnp.float32),
    )(years, months, days, ge, gy, gm, gd)


_GATHER_E = _make_gather(2, [(0, 0), (0, 1), (1, 2)])
_GATHER_P = _make_gather(3, [(0, 0), (1, 0), (2, 0), (0, 1), (1, 1), (2, 1)])

EB = 8192


def _pack_body(a_ref, b_ref, o_ref):
    o_ref[:, :64] = a_ref[:].T
    o_ref[:, 64:] = b_ref[:].T


def _tc_pack(at, bt):
    return pl.pallas_call(
        _pack_body,
        grid=((NUM_ENT + EB - 1) // EB,),
        in_specs=[
            pl.BlockSpec((64, EB), lambda i: (0, i)),
            pl.BlockSpec((64, EB), lambda i: (0, i)),
        ],
        out_specs=pl.BlockSpec((EB, D), lambda i: (i, 0)),
        out_shape=jax.ShapeDtypeStruct((NUM_ENT, D), jnp.float32),
    )(at, bt)


def kernel(heads, rels, tails, years, months, days, ent_embs_h, ent_embs_t,
           rel_embs, y_freq_h, y_freq_t, y_phi_h, y_phi_t, y_amps_h,
           y_amps_t, m_freq_h, m_freq_t, m_phi_h, m_phi_t, m_amps_h,
           m_amps_t, d_freq_h, d_freq_t, d_phi_h, d_phi_t, d_amps_h,
           d_amps_t):
    ih = heads.astype(jnp.int32).reshape(NW, NCH, CHUNK)
    it = tails.astype(jnp.int32).reshape(NW, NCH, CHUNK)
    ir = rels.astype(jnp.int32).reshape(NW, NCH, CHUNK)

    def pack(a, b):
        return _tc_pack(a.T, b.T)

    ge = _GATHER_E(ih, it, ir, (pack(ent_embs_h, ent_embs_t), rel_embs))
    gy = _GATHER_P(ih, it, ir, (pack(y_freq_h, y_freq_t),
                                pack(y_phi_h, y_phi_t),
                                pack(y_amps_h, y_amps_t)))
    gm = _GATHER_P(ih, it, ir, (pack(m_freq_h, m_freq_t),
                                pack(m_phi_h, m_phi_t),
                                pack(m_amps_h, m_amps_t)))
    gd = _GATHER_P(ih, it, ir, (pack(d_freq_h, d_freq_t),
                                pack(d_phi_h, d_phi_t),
                                pack(d_amps_h, d_amps_t)))
    return _tc_combine(years.reshape(B, 1), months.reshape(B, 1),
                       days.reshape(B, 1), ge, gy, gm, gd)

# --- scband reference (transcript-rebuilt; emitter-appended) ---
"""Pipeline reference for scband-de-rotat-e-21827023798775 (READ-ONLY COPY).

The authoritative reference and input builder live on the scoring server;
editing this copy changes nothing except your own understanding.
"""

import jax, jax.numpy as jnp
import numpy as np

NUM_ENT = 100000
NUM_REL = 1000
S_DIM = 64
T_DIM = 64
MARGIN = 10.0
B = 16384

TABLE_NAMES = [p + '_' + q + '_' + s for p in ('y', 'm', 'd') for q in ('freq', 'phi', 'amps') for s in ('h', 't')]


def setup_inputs(seed: int = 0):
    key = jax.random.key(seed)
    inp = {}
    inp['heads'] = jax.random.randint(jax.random.fold_in(key, 0), (B,), 0, NUM_ENT)
    inp['rels'] = jax.random.randint(jax.random.fold_in(key, 1), (B,), 0, NUM_REL)
    inp['tails'] = jax.random.randint(jax.random.fold_in(key, 2), (B,), 0, NUM_ENT)
    inp['years'] = jax.random.uniform(jax.random.fold_in(key, 3), (B,), dtype=jnp.float32)
    inp['months'] = jax.random.uniform(jax.random.fold_in(key, 4), (B,), dtype=jnp.float32)
    inp['days'] = jax.random.uniform(jax.random.fold_in(key, 5), (B,), dtype=jnp.float32)
    inp['ent_embs_h'] = jax.random.uniform(jax.random.fold_in(key, 6), (NUM_ENT, S_DIM), minval=-MARGIN, maxval=MARGIN, dtype=jnp.float32)
    inp['ent_embs_t'] = jax.random.uniform(jax.random.fold_in(key, 7), (NUM_ENT, S_DIM), minval=-MARGIN, maxval=MARGIN, dtype=jnp.float32)
    inp['rel_embs'] = jax.random.uniform(jax.random.fold_in(key, 8), (NUM_REL, S_DIM + T_DIM), minval=-np.pi, maxval=np.pi, dtype=jnp.float32)
    for i, nm in enumerate(TABLE_NAMES):
        inp[nm] = jax.random.uniform(jax.random.fold_in(key, 100 + i), (NUM_ENT, T_DIM), minval=-MARGIN, maxval=MARGIN, dtype=jnp.float32)
    return inp


def _forward(heads, rels, tails, years, months, days, P):
    years = years.reshape(-1, 1)
    months = months.reshape(-1, 1)
    days = days.reshape(-1, 1)

    def temb(ent, side):
        e = P['y_amps_' + side][ent] * jnp.sin(P['y_freq_' + side][ent] * years + P['y_phi_' + side][ent])
        e = e + P['m_amps_' + side][ent] * jnp.sin(P['m_freq_' + side][ent] * months + P['m_phi_' + side][ent])
        e = e + P['d_amps_' + side][ent] * jnp.sin(P['d_freq_' + side][ent] * days + P['d_phi_' + side][ent])
        return e

    h_re = jnp.concatenate([P['ent_embs_h'][heads], temb(heads, 'h')], axis=1)
    t_re = jnp.concatenate([P['ent_embs_h'][tails], temb(tails, 't')], axis=1)
    h_im = jnp.concatenate([P['ent_embs_t'][tails], temb(tails, 'h')], axis=1)
    t_im = jnp.concatenate([P['ent_embs_t'][heads], temb(heads, 't')], axis=1)
    phase_rel = P['rel_embs'][rels]
    r_re = jnp.cos(phase_rel)
    r_im = jnp.sin(phase_rel)
    re_score = h_re * r_re - h_im * r_im - t_re
    im_score = h_re * r_im + h_im * r_re - t_im
    score = jnp.sqrt(re_score ** 2 + im_score ** 2)
    return MARGIN - jnp.sum(score, axis=1)


def reference(heads, rels, tails, years, months, days, ent_embs_h, ent_embs_t,
              rel_embs, y_freq_h, y_freq_t, y_phi_h, y_phi_t, y_amps_h,
              y_amps_t, m_freq_h, m_freq_t, m_phi_h, m_phi_t, m_amps_h,
              m_amps_t, d_freq_h, d_freq_t, d_phi_h, d_phi_t, d_amps_h,
              d_amps_t):
    P = dict(locals())
    for nm in ('heads', 'rels', 'tails', 'years', 'months', 'days'):
        P.pop(nm)
    return _forward(heads, rels, tails, years, months, days, P)

if __name__ == "__main__":
    import jax
    _d = setup_inputs()
    print(jax.jit(kernel)(*tuple(_d.values())))

</pallas_src>

<mosaic_0001>
#map = affine_map<(d0, d1) -> (0, 0, 0)>
#map1 = affine_map<(d0, d1) -> (0, 0)>
module attributes {stable_mosaic.version = 14 : i64} {
  func.func @body(%arg0: i32, %arg1: i32, %arg2: memref<32x4x128xi32, #tpu.memory_space<hbm>>, %arg3: memref<32x4x128xi32, #tpu.memory_space<hbm>>, %arg4: memref<32x4x128xi32, #tpu.memory_space<hbm>>, %arg5: memref<100000x128xf32, #tpu.memory_space<hbm>>, %arg6: memref<1000x128xf32, #tpu.memory_space<hbm>>, %arg7: memref<3x16384x128xf32, #tpu.memory_space<hbm>>, %arg8: memref<4x128xi32, #tpu.memory_space<vmem>>, %arg9: memref<4x128xi32, #tpu.memory_space<vmem>>, %arg10: memref<4x128xi32, #tpu.memory_space<vmem>>, %arg11: memref<2x128x128xf32, #tpu.memory_space<vmem>>, %arg12: memref<!tpu.dma_semaphore, #tpu.memory_space<semaphore_mem>>, %arg13: memref<!tpu.dma_semaphore, #tpu.memory_space<semaphore_mem>>) attributes {dimension_semantics = [#tpu.dimension_semantics<core_parallel>, #tpu.dimension_semantics<subcore_parallel>], iteration_bounds = array<i64: 2, 16>, scalar_prefetch = 0 : i64, scratch_operands = 6 : i64, tpu.core_type = #tpu.core_type<sc_vector_subcore>, window_params = [{transform_indices = #map}, {transform_indices = #map}, {transform_indices = #map}, {transform_indices = #map1}, {transform_indices = #map1}, {transform_indices = #map}]} {
    %mul3A = arith.constant 2 : i32
    %mul3A_0 = arith.muli %arg1, %mul3A : i32
    %add3A = arith.addi %mul3A_0, %arg0 : i32
    "tpu.region"() ({
      %run_scoped3A = tpu.sem_alloc : memref<!tpu.dma_semaphore, #tpu.memory_space<semaphore_mem>>
      %dma_start3A = arith.constant 0 : i32
      %dma_start3A_6 = arith.constant 0 : i32
      %dma_start3A_7 = tpu.memref_slice %arg2[%add3A, %dma_start3A, %dma_start3A_6] : memref<32x4x128xi32, #tpu.memory_space<hbm>> -> memref<1x4x128xi32, #tpu.memory_space<hbm>>
      %dma_start3A_8 = tpu.memref_squeeze %dma_start3A_7 : memref<1x4x128xi32, #tpu.memory_space<hbm>> -> memref<4x128xi32, #tpu.memory_space<hbm>>
      %dma_start3A_9 = arith.constant 0 : i32
      %dma_start3A_10 = arith.constant 0 : i32
      %dma_start3A_11 = tpu.memref_slice %arg2[%add3A, %dma_start3A_9, %dma_start3A_10] : memref<32x4x128xi32, #tpu.memory_space<hbm>> -> memref<1x4x128xi32, #tpu.memory_space<hbm>>
      %dma_start3A_12 = tpu.memref_squeeze %dma_start3A_11 : memref<1x4x128xi32, #tpu.memory_space<hbm>> -> memref<4x128xi32, #tpu.memory_space<hbm>>
      tpu.enqueue_dma source(%dma_start3A_12 : memref<4x128xi32, #tpu.memory_space<hbm>>) target(%arg8 : memref<4x128xi32, #tpu.memory_space<vmem>>) target_semaphore(%run_scoped3A : memref<!tpu.dma_semaphore, #tpu.memory_space<semaphore_mem>>)
      %dma_wait3A = arith.constant 0 : i32
      %dma_wait3A_13 = arith.constant 0 : i32
      %dma_wait3A_14 = tpu.memref_slice %arg2[%add3A, %dma_wait3A, %dma_wait3A_13] : memref<32x4x128xi32, #tpu.memory_space<hbm>> -> memref<1x4x128xi32, #tpu.memory_space<hbm>>
      %dma_wait3A_15 = tpu.memref_squeeze %dma_wait3A_14 : memref<1x4x128xi32, #tpu.memory_space<hbm>> -> memref<4x128xi32, #tpu.memory_space<hbm>>
      %dma_wait3A_16 = arith.constant 0 : i32
      %dma_wait3A_17 = arith.constant 0 : i32
      %dma_wait3A_18 = tpu.memref_slice %arg2[%add3A, %dma_wait3A_16, %dma_wait3A_17] : memref<32x4x128xi32, #tpu.memory_space<hbm>> -> memref<1x4x128xi32, #tpu.memory_space<hbm>>
      %dma_wait3A_19 = tpu.memref_squeeze %dma_wait3A_18 : memref<1x4x128xi32, #tpu.memory_space<hbm>> -> memref<4x128xi32, #tpu.memory_space<hbm>>
      tpu.wait_dma2 semaphore(%run_scoped3A : memref<!tpu.dma_semaphore, #tpu.memory_space<semaphore_mem>>) src(%dma_wait3A_19 : memref<4x128xi32, #tpu.memory_space<hbm>>) dst(%arg8 : memref<4x128xi32, #tpu.memory_space<vmem>>)
      tpu.yield
    }) : () -> ()
    "tpu.region"() ({
      %run_scoped3A = tpu.sem_alloc : memref<!tpu.dma_semaphore, #tpu.memory_space<semaphore_mem>>
      %dma_start3A = arith.constant 0 : i32
      %dma_start3A_6 = arith.constant 0 : i32
      %dma_start3A_7 = tpu.memref_slice %arg3[%add3A, %dma_start3A, %dma_start3A_6] : memref<32x4x128xi32, #tpu.memory_space<hbm>> -> memref<1x4x128xi32, #tpu.memory_space<hbm>>
      %dma_start3A_8 = tpu.memref_squeeze %dma_start3A_7 : memref<1x4x128xi32, #tpu.memory_space<hbm>> -> memref<4x128xi32, #tpu.memory_space<hbm>>
      %dma_start3A_9 = arith.constant 0 : i32
      %dma_start3A_10 = arith.constant 0 : i32
      %dma_start3A_11 = tpu.memref_slice %arg3[%add3A, %dma_start3A_9, %dma_start3A_10] : memref<32x4x128xi32, #tpu.memory_space<hbm>> -> memref<1x4x128xi32, #tpu.memory_space<hbm>>
      %dma_start3A_12 = tpu.memref_squeeze %dma_start3A_11 : memref<1x4x128xi32, #tpu.memory_space<hbm>> -> memref<4x128xi32, #tpu.memory_space<hbm>>
      tpu.enqueue_dma source(%dma_start3A_12 : memref<4x128xi32, #tpu.memory_space<hbm>>) target(%arg9 : memref<4x128xi32, #tpu.memory_space<vmem>>) target_semaphore(%run_scoped3A : memref<!tpu.dma_semaphore, #tpu.memory_space<semaphore_mem>>)
      %dma_wait3A = arith.constant 0 : i32
      %dma_wait3A_13 = arith.constant 0 : i32
      %dma_wait3A_14 = tpu.memref_slice %arg3[%add3A, %dma_wait3A, %dma_wait3A_13] : memref<32x4x128xi32, #tpu.memory_space<hbm>> -> memref<1x4x128xi32, #tpu.memory_space<hbm>>
      %dma_wait3A_15 = tpu.memref_squeeze %dma_wait3A_14 : memref<1x4x128xi32, #tpu.memory_space<hbm>> -> memref<4x128xi32, #tpu.memory_space<hbm>>
      %dma_wait3A_16 = arith.constant 0 : i32
      %dma_wait3A_17 = arith.constant 0 : i32
      %dma_wait3A_18 = tpu.memref_slice %arg3[%add3A, %dma_wait3A_16, %dma_wait3A_17] : memref<32x4x128xi32, #tpu.memory_space<hbm>> -> memref<1x4x128xi32, #tpu.memory_space<hbm>>
      %dma_wait3A_19 = tpu.memref_squeeze %dma_wait3A_18 : memref<1x4x128xi32, #tpu.memory_space<hbm>> -> memref<4x128xi32, #tpu.memory_space<hbm>>
      tpu.wait_dma2 semaphore(%run_scoped3A : memref<!tpu.dma_semaphore, #tpu.memory_space<semaphore_mem>>) src(%dma_wait3A_19 : memref<4x128xi32, #tpu.memory_space<hbm>>) dst(%arg9 : memref<4x128xi32, #tpu.memory_space<vmem>>)
      tpu.yield
    }) : () -> ()
    "tpu.region"() ({
      %run_scoped3A = tpu.sem_alloc : memref<!tpu.dma_semaphore, #tpu.memory_space<semaphore_mem>>
      %dma_start3A = arith.constant 0 : i32
      %dma_start3A_6 = arith.constant 0 : i32
      %dma_start3A_7 = tpu.memref_slice %arg4[%add3A, %dma_start3A, %dma_start3A_6] : memref<32x4x128xi32, #tpu.memory_space<hbm>> -> memref<1x4x128xi32, #tpu.memory_space<hbm>>
      %dma_start3A_8 = tpu.memref_squeeze %dma_start3A_7 : memref<1x4x128xi32, #tpu.memory_space<hbm>> -> memref<4x128xi32, #tpu.memory_space<hbm>>
      %dma_start3A_9 = arith.constant 0 : i32
      %dma_start3A_10 = arith.constant 0 : i32
      %dma_start3A_11 = tpu.memref_slice %arg4[%add3A, %dma_start3A_9, %dma_start3A_10] : memref<32x4x128xi32, #tpu.memory_space<hbm>> -> memref<1x4x128xi32, #tpu.memory_space<hbm>>
      %dma_start3A_12 = tpu.memref_squeeze %dma_start3A_11 : memref<1x4x128xi32, #tpu.memory_space<hbm>> -> memref<4x128xi32, #tpu.memory_space<hbm>>
      tpu.enqueue_dma source(%dma_start3A_12 : memref<4x128xi32, #tpu.memory_space<hbm>>) target(%arg10 : memref<4x128xi32, #tpu.memory_space<vmem>>) target_semaphore(%run_scoped3A : memref<!tpu.dma_semaphore, #tpu.memory_space<semaphore_mem>>)
      %dma_wait3A = arith.constant 0 : i32
      %dma_wait3A_13 = arith.constant 0 : i32
      %dma_wait3A_14 = tpu.memref_slice %arg4[%add3A, %dma_wait3A, %dma_wait3A_13] : memref<32x4x128xi32, #tpu.memory_space<hbm>> -> memref<1x4x128xi32, #tpu.memory_space<hbm>>
      %dma_wait3A_15 = tpu.memref_squeeze %dma_wait3A_14 : memref<1x4x128xi32, #tpu.memory_space<hbm>> -> memref<4x128xi32, #tpu.memory_space<hbm>>
      %dma_wait3A_16 = arith.constant 0 : i32
      %dma_wait3A_17 = arith.constant 0 : i32
      %dma_wait3A_18 = tpu.memref_slice %arg4[%add3A, %dma_wait3A_16, %dma_wait3A_17] : memref<32x4x128xi32, #tpu.memory_space<hbm>> -> memref<1x4x128xi32, #tpu.memory_space<hbm>>
      %dma_wait3A_19 = tpu.memref_squeeze %dma_wait3A_18 : memref<1x4x128xi32, #tpu.memory_space<hbm>> -> memref<4x128xi32, #tpu.memory_space<hbm>>
      tpu.wait_dma2 semaphore(%run_scoped3A : memref<!tpu.dma_semaphore, #tpu.memory_space<semaphore_mem>>) src(%dma_wait3A_19 : memref<4x128xi32, #tpu.memory_space<hbm>>) dst(%arg10 : memref<4x128xi32, #tpu.memory_space<vmem>>)
      tpu.yield
    }) : () -> ()
    %scan3A = arith.constant 0 : i32
    %scan3A_1 = arith.constant 0 : i32
    %scan3A_2 = arith.constant 4 : i32
    %scan3A_3 = arith.addi %scan3A_1, %scan3A_2 : i32
    %scan3A_4 = arith.constant 1 : i32
    scf.for %scan3A_6 = %scan3A_1 to %scan3A_3 step %scan3A_4  : i32 {
      %mul3A_7 = arith.constant 512 : i32
      %mul3A_8 = arith.muli %add3A, %mul3A_7 : i32
      %mul3A_9 = arith.constant 128 : i32
      %mul3A_10 = arith.muli %scan3A_6, %mul3A_9 : i32
      %add3A_11 = arith.addi %mul3A_8, %mul3A_10 : i32
      %dma_start3A = arith.constant 0 : i32
      %dma_start3A_12 = arith.constant 0 : i32
      %dma_start3A_13 = arith.constant 0 : i32
      %dma_start3A_14 = tpu.memref_slice %arg11[%dma_start3A, %dma_start3A_12, %dma_start3A_13] : memref<2x128x128xf32, #tpu.memory_space<vmem>> -> memref<1x128x128xf32, #tpu.memory_space<vmem>>
      %dma_start3A_15 = tpu.memref_squeeze %dma_start3A_14 : memref<1x128x128xf32, #tpu.memory_space<vmem>> -> memref<128x128xf32, #tpu.memory_space<vmem>>
      %dma_start3A_16 = arith.constant 0 : i32
      %dma_start3A_17 = tpu.memref_slice %arg8[%scan3A_6, %dma_start3A_16] : memref<4x128xi32, #tpu.memory_space<vmem>> -> memref<1x128xi32, #tpu.memory_space<vmem>>
      %dma_start3A_18 = tpu.memref_squeeze %dma_start3A_17 : memref<1x128xi32, #tpu.memory_space<vmem>> -> memref<128xi32, #tpu.memory_space<vmem>>
      %dma_start3A_19 = arith.constant 0 : i32
      %dma_start3A_20 = arith.constant 0 : i32
      %dma_start3A_21 = tpu.memref_slice %arg5[%dma_start3A_19, %dma_start3A_20] : memref<100000x128xf32, #tpu.memory_space<hbm>> -> memref<100000x128xf32, #tpu.memory_space<hbm>>
      tpu.enqueue_indirect_dma source(%dma_start3A_21 : memref<100000x128xf32, #tpu.memory_space<hbm>>) target(%dma_start3A_15 : memref<128x128xf32, #tpu.memory_space<vmem>>) offsets(%dma_start3A_18 : memref<128xi32, #tpu.memory_space<vmem>>) semaphore(%arg12 : memref<!tpu.dma_semaphore, #tpu.memory_space<semaphore_mem>>)
      %dma_start3A_22 = arith.constant 1 : i32
      %dma_start3A_23 = arith.constant 0 : i32
      %dma_start3A_24 = arith.constant 0 : i32
      %dma_start3A_25 = tpu.memref_slice %arg11[%dma_start3A_22, %dma_start3A_23, %dma_start3A_24] : memref<2x128x128xf32, #tpu.memory_space<vmem>> -> memref<1x128x128xf32, #tpu.memory_space<vmem>>
      %dma_start3A_26 = tpu.memref_squeeze %dma_start3A_25 : memref<1x128x128xf32, #tpu.memory_space<vmem>> -> memref<128x128xf32, #tpu.memory_space<vmem>>
      %dma_start3A_27 = arith.constant 0 : i32
      %dma_start3A_28 = tpu.memref_slice %arg9[%scan3A_6, %dma_start3A_27] : memref<4x128xi32, #tpu.memory_space<vmem>> -> memref<1x128xi32, #tpu.memory_space<vmem>>
      %dma_start3A_29 = tpu.memref_squeeze %dma_start3A_28 : memref<1x128xi32, #tpu.memory_space<vmem>> -> memref<128xi32, #tpu.memory_space<vmem>>
      %dma_start3A_30 = arith.constant 0 : i32
      %dma_start3A_31 = arith.constant 0 : i32
      %dma_start3A_32 = tpu.memref_slice %arg5[%dma_start3A_30, %dma_start3A_31] : memref<100000x128xf32, #tpu.memory_space<hbm>> -> memref<100000x128xf32, #tpu.memory_space<hbm>>
      tpu.enqueue_indirect_dma source(%dma_start3A_32 : memref<100000x128xf32, #tpu.memory_space<hbm>>) target(%dma_start3A_26 : memref<128x128xf32, #tpu.memory_space<vmem>>) offsets(%dma_start3A_29 : memref<128xi32, #tpu.memory_space<vmem>>) semaphore(%arg13 : memref<!tpu.dma_semaphore, #tpu.memory_space<semaphore_mem>>)
      %dma_wait3A = arith.constant 0 : i32
      %dma_wait3A_33 = arith.constant 0 : i32
      %dma_wait3A_34 = arith.constant 0 : i32
      %dma_wait3A_35 = tpu.memref_slice %arg11[%dma_wait3A, %dma_wait3A_33, %dma_wait3A_34] : memref<2x128x128xf32, #tpu.memory_space<vmem>> -> memref<1x128x128xf32, #tpu.memory_space<vmem>>
      %dma_wait3A_36 = tpu.memref_squeeze %dma_wait3A_35 : memref<1x128x128xf32, #tpu.memory_space<vmem>> -> memref<128x128xf32, #tpu.memory_space<vmem>>
      %dma_wait3A_37 = arith.constant 0 : i32
      %dma_wait3A_38 = tpu.memref_slice %arg8[%scan3A_6, %dma_wait3A_37] : memref<4x128xi32, #tpu.memory_space<vmem>> -> memref<1x128xi32, #tpu.memory_space<vmem>>
      %dma_wait3A_39 = tpu.memref_squeeze %dma_wait3A_38 : memref<1x128xi32, #tpu.memory_space<vmem>> -> memref<128xi32, #tpu.memory_space<vmem>>
      %dma_wait3A_40 = arith.constant 0 : i32
      %dma_wait3A_41 = arith.constant 0 : i32
      %dma_wait3A_42 = tpu.memref_slice %arg5[%dma_wait3A_40, %dma_wait3A_41] : memref<100000x128xf32, #tpu.memory_space<hbm>> -> memref<100000x128xf32, #tpu.memory_space<hbm>>
      tpu.wait_indirect_dma semaphore(%arg12 : memref<!tpu.dma_semaphore, #tpu.memory_space<semaphore_mem>>) src(%dma_wait3A_42 : memref<100000x128xf32, #tpu.memory_space<hbm>>) dst(%dma_wait3A_36 : memref<128x128xf32, #tpu.memory_space<vmem>>)
      %run_scoped3A = arith.constant 0 : i32
      %run_scoped3A_43 = arith.constant 0 : i32
      "tpu.region"() ({
        %run_scoped3A_81 = tpu.sem_alloc : memref<!tpu.dma_semaphore, #tpu.memory_space<semaphore_mem>>
        %dma_start3A_82 = arith.constant 0 : i32
        %dma_start3A_83 = arith.constant 0 : i32
        %dma_start3A_84 = tpu.memref_slice %arg11[%run_scoped3A, %dma_start3A_82, %dma_start3A_83] : memref<2x128x128xf32, #tpu.memory_space<vmem>> -> memref<1x128x128xf32, #tpu.memory_space<vmem>>
        %dma_start3A_85 = tpu.memref_squeeze %dma_start3A_84 : memref<1x128x128xf32, #tpu.memory_space<vmem>> -> memref<128x128xf32, #tpu.memory_space<vmem>>
        %dma_start3A_86 = arith.constant 0 : i32
        %dma_start3A_87 = tpu.memref_slice %arg7[%run_scoped3A_43, %add3A_11, %dma_start3A_86] : memref<3x16384x128xf32, #tpu.memory_space<hbm>> -> memref<1x128x128xf32, #tpu.memory_space<hbm>>
        %dma_start3A_88 = tpu.memref_squeeze %dma_start3A_87 : memref<1x128x128xf32, #tpu.memory_space<hbm>> -> memref<128x128xf32, #tpu.memory_space<hbm>>
        %dma_start3A_89 = arith.constant 0 : i32
        %dma_start3A_90 = tpu.memref_slice %arg7[%run_scoped3A_43, %add3A_11, %dma_start3A_89] : memref<3x16384x128xf32, #tpu.memory_space<hbm>> -> memref<1x128x128xf32, #tpu.memory_space<hbm>>
        %dma_start3A_91 = tpu.memref_squeeze %dma_start3A_90 : memref<1x128x128xf32, #tpu.memory_space<hbm>> -> memref<128x128xf32, #tpu.memory_space<hbm>>
        %dma_start3A_92 = arith.constant 0 : i32
        %dma_start3A_93 = arith.constant 0 : i32
        %dma_start3A_94 = tpu.memref_slice %arg11[%run_scoped3A, %dma_start3A_92, %dma_start3A_93] : memref<2x128x128xf32, #tpu.memory_space<vmem>> -> memref<1x128x128xf32, #tpu.memory_space<vmem>>
        %dma_start3A_95 = tpu.memref_squeeze %dma_start3A_94 : memref<1x128x128xf32, #tpu.memory_space<vmem>> -> memref<128x128xf32, #tpu.memory_space<vmem>>
        tpu.enqueue_dma source(%dma_start3A_95 : memref<128x128xf32, #tpu.memory_space<vmem>>) target(%dma_start3A_91 : memref<128x128xf32, #tpu.memory_space<hbm>>) target_semaphore(%run_scoped3A_81 : memref<!tpu.dma_semaphore, #tpu.memory_space<semaphore_mem>>)
        %dma_wait3A_96 = arith.constant 0 : i32
        %dma_wait3A_97 = arith.constant 0 : i32
        %dma_wait3A_98 = tpu.memref_slice %arg11[%run_scoped3A, %dma_wait3A_96, %dma_wait3A_97] : memref<2x128x128xf32, #tpu.memory_space<vmem>> -> memref<1x128x128xf32, #tpu.memory_space<vmem>>
        %dma_wait3A_99 = tpu.memref_squeeze %dma_wait3A_98 : memref<1x128x128xf32, #tpu.memory_space<vmem>> -> memref<128x128xf32, #tpu.memory_space<vmem>>
        %dma_wait3A_100 = arith.constant 0 : i32
        %dma_wait3A_101 = tpu.memref_slice %arg7[%run_scoped3A_43, %add3A_11, %dma_wait3A_100] : memref<3x16384x128xf32, #tpu.memory_space<hbm>> -> memref<1x128x128xf32, #tpu.memory_space<hbm>>
        %dma_wait3A_102 = tpu.memref_squeeze %dma_wait3A_101 : memref<1x128x128xf32, #tpu.memory_space<hbm>> -> memref<128x128xf32, #tpu.memory_space<hbm>>
        %dma_wait3A_103 = arith.constant 0 : i32
        %dma_wait3A_104 = tpu.memref_slice %arg7[%run_scoped3A_43, %add3A_11, %dma_wait3A_103] : memref<3x16384x128xf32, #tpu.memory_space<hbm>> -> memref<1x128x128xf32, #tpu.memory_space<hbm>>
        %dma_wait3A_105 = tpu.memref_squeeze %dma_wait3A_104 : memref<1x128x128xf32, #tpu.memory_space<hbm>> -> memref<128x128xf32, #tpu.memory_space<hbm>>
        %dma_wait3A_106 = arith.constant 0 : i32
        %dma_wait3A_107 = arith.constant 0 : i32
        %dma_wait3A_108 = tpu.memref_slice %arg11[%run_scoped3A, %dma_wait3A_106, %dma_wait3A_107] : memref<2x128x128xf32, #tpu.memory_space<vmem>> -> memref<1x128x128xf32, #tpu.memory_space<vmem>>
        %dma_wait3A_109 = tpu.memref_squeeze %dma_wait3A_108 : memref<1x128x128xf32, #tpu.memory_space<vmem>> -> memref<128x128xf32, #tpu.memory_space<vmem>>
        tpu.wait_dma2 semaphore(%run_scoped3A_81 : memref<!tpu.dma_semaphore, #tpu.memory_space<semaphore_mem>>) src(%dma_wait3A_109 : memref<128x128xf32, #tpu.memory_space<vmem>>) dst(%dma_wait3A_105 : memref<128x128xf32, #tpu.memory_space<hbm>>)
        tpu.yield
      }) : () -> ()
      %dma_start3A_44 = arith.constant 0 : i32
      %dma_start3A_45 = arith.constant 0 : i32
      %dma_start3A_46 = arith.constant 0 : i32
      %dma_start3A_47 = tpu.memref_slice %arg11[%dma_start3A_44, %dma_start3A_45, %dma_start3A_46] : memref<2x128x128xf32, #tpu.memory_space<vmem>> -> memref<1x128x128xf32, #tpu.memory_space<vmem>>
      %dma_start3A_48 = tpu.memref_squeeze %dma_start3A_47 : memref<1x128x128xf32, #tpu.memory_space<vmem>> -> memref<128x128xf32, #tpu.memory_space<vmem>>
      %dma_start3A_49 = arith.constant 0 : i32
      %dma_start3A_50 = tpu.memref_slice %arg10[%scan3A_6, %dma_start3A_49] : memref<4x128xi32, #tpu.memory_space<vmem>> -> memref<1x128xi32, #tpu.memory_space<vmem>>
      %dma_start3A_51 = tpu.memref_squeeze %dma_start3A_50 : memref<1x128xi32, #tpu.memory_space<vmem>> -> memref<128xi32, #tpu.memory_space<vmem>>
      %dma_start3A_52 = arith.constant 0 : i32
      %dma_start3A_53 = arith.constant 0 : i32
      %dma_start3A_54 = tpu.memref_slice %arg6[%dma_start3A_52, %dma_start3A_53] : memref<1000x128xf32, #tpu.memory_space<hbm>> -> memref<1000x128xf32, #tpu.memory_space<hbm>>
      tpu.enqueue_indirect_dma source(%dma_start3A_54 : memref<1000x128xf32, #tpu.memory_space<hbm>>) target(%dma_start3A_48 : memref<128x128xf32, #tpu.memory_space<vmem>>) offsets(%dma_start3A_51 : memref<128xi32, #tpu.memory_space<vmem>>) semaphore(%arg12 : memref<!tpu.dma_semaphore, #tpu.memory_space<semaphore_mem>>)
      %dma_wait3A_55 = arith.constant 1 : i32
      %dma_wait3A_56 = arith.constant 0 : i32
      %dma_wait3A_57 = arith.constant 0 : i32
      %dma_wait3A_58 = tpu.memref_slice %arg11[%dma_wait3A_55, %dma_wait3A_56, %dma_wait3A_57] : memref<2x128x128xf32, #tpu.memory_space<vmem>> -> memref<1x128x128xf32, #tpu.memory_space<vmem>>
      %dma_wait3A_59 = tpu.memref_squeeze %dma_wait3A_58 : memref<1x128x128xf32, #tpu.memory_space<vmem>> -> memref<128x128xf32, #tpu.memory_space<vmem>>
      %dma_wait3A_60 = arith.constant 0 : i32
      %dma_wait3A_61 = tpu.memref_slice %arg9[%scan3A_6, %dma_wait3A_60] : memref<4x128xi32, #tpu.memory_space<vmem>> -> memref<1x128xi32, #tpu.memory_space<vmem>>
      %dma_wait3A_62 = tpu.memref_squeeze %dma_wait3A_61 : memref<1x128xi32, #tpu.memory_space<vmem>> -> memref<128xi32, #tpu.memory_space<vmem>>
      %dma_wait3A_63 = arith.constant 0 : i32
      %dma_wait3A_64 = arith.constant 0 : i32
      %dma_wait3A_65 = tpu.memref_slice %arg5[%dma_wait3A_63, %dma_wait3A_64] : memref<100000x128xf32, #tpu.memory_space<hbm>> -> memref<100000x128xf32, #tpu.memory_space<hbm>>
      tpu.wait_indirect_dma semaphore(%arg13 : memref<!tpu.dma_semaphore, #tpu.memory_space<semaphore_mem>>) src(%dma_wait3A_65 : memref<100000x128xf32, #tpu.memory_space<hbm>>) dst(%dma_wait3A_59 : memref<128x128xf32, #tpu.memory_space<vmem>>)
      %run_scoped3A_66 = arith.constant 1 : i32
      %run_scoped3A_67 = arith.constant 1 : i32
      "tpu.region"() ({
        %run_scoped3A_81 = tpu.sem_alloc : memref<!tpu.dma_semaphore, #tpu.memory_space<semaphore_mem>>
        %dma_start3A_82 = arith.constant 0 : i32
        %dma_start3A_83 = arith.constant 0 : i32
        %dma_start3A_84 = tpu.memref_slice %arg11[%run_scoped3A_66, %dma_start3A_82, %dma_start3A_83] : memref<2x128x128xf32, #tpu.memory_space<vmem>> -> memref<1x128x128xf32, #tpu.memory_space<vmem>>
        %dma_start3A_85 = tpu.memref_squeeze %dma_start3A_84 : memref<1x128x128xf32, #tpu.memory_space<vmem>> -> memref<128x128xf32, #tpu.memory_space<vmem>>
        %dma_start3A_86 = arith.constant 0 : i32
        %dma_start3A_87 = tpu.memref_slice %arg7[%run_scoped3A_67, %add3A_11, %dma_start3A_86] : memref<3x16384x128xf32, #tpu.memory_space<hbm>> -> memref<1x128x128xf32, #tpu.memory_space<hbm>>
        %dma_start3A_88 = tpu.memref_squeeze %dma_start3A_87 : memref<1x128x128xf32, #tpu.memory_space<hbm>> -> memref<128x128xf32, #tpu.memory_space<hbm>>
        %dma_start3A_89 = arith.constant 0 : i32
        %dma_start3A_90 = tpu.memref_slice %arg7[%run_scoped3A_67, %add3A_11, %dma_start3A_89] : memref<3x16384x128xf32, #tpu.memory_space<hbm>> -> memref<1x128x128xf32, #tpu.memory_space<hbm>>
        %dma_start3A_91 = tpu.memref_squeeze %dma_start3A_90 : memref<1x128x128xf32, #tpu.memory_space<hbm>> -> memref<128x128xf32, #tpu.memory_space<hbm>>
        %dma_start3A_92 = arith.constant 0 : i32
        %dma_start3A_93 = arith.constant 0 : i32
        %dma_start3A_94 = tpu.memref_slice %arg11[%run_scoped3A_66, %dma_start3A_92, %dma_start3A_93] : memref<2x128x128xf32, #tpu.memory_space<vmem>> -> memref<1x128x128xf32, #tpu.memory_space<vmem>>
        %dma_start3A_95 = tpu.memref_squeeze %dma_start3A_94 : memref<1x128x128xf32, #tpu.memory_space<vmem>> -> memref<128x128xf32, #tpu.memory_space<vmem>>
        tpu.enqueue_dma source(%dma_start3A_95 : memref<128x128xf32, #tpu.memory_space<vmem>>) target(%dma_start3A_91 : memref<128x128xf32, #tpu.memory_space<hbm>>) target_semaphore(%run_scoped3A_81 : memref<!tpu.dma_semaphore, #tpu.memory_space<semaphore_mem>>)
        %dma_wait3A_96 = arith.constant 0 : i32
        %dma_wait3A_97 = arith.constant 0 : i32
        %dma_wait3A_98 = tpu.memref_slice %arg11[%run_scoped3A_66, %dma_wait3A_96, %dma_wait3A_97] : memref<2x128x128xf32, #tpu.memory_space<vmem>> -> memref<1x128x128xf32, #tpu.memory_space<vmem>>
        %dma_wait3A_99 = tpu.memref_squeeze %dma_wait3A_98 : memref<1x128x128xf32, #tpu.memory_space<vmem>> -> memref<128x128xf32, #tpu.memory_space<vmem>>
        %dma_wait3A_100 = arith.constant 0 : i32
        %dma_wait3A_101 = tpu.memref_slice %arg7[%run_scoped3A_67, %add3A_11, %dma_wait3A_100] : memref<3x16384x128xf32, #tpu.memory_space<hbm>> -> memref<1x128x128xf32, #tpu.memory_space<hbm>>
        %dma_wait3A_102 = tpu.memref_squeeze %dma_wait3A_101 : memref<1x128x128xf32, #tpu.memory_space<hbm>> -> memref<128x128xf32, #tpu.memory_space<hbm>>
        %dma_wait3A_103 = arith.constant 0 : i32
        %dma_wait3A_104 = tpu.memref_slice %arg7[%run_scoped3A_67, %add3A_11, %dma_wait3A_103] : memref<3x16384x128xf32, #tpu.memory_space<hbm>> -> memref<1x128x128xf32, #tpu.memory_space<hbm>>
        %dma_wait3A_105 = tpu.memref_squeeze %dma_wait3A_104 : memref<1x128x128xf32, #tpu.memory_space<hbm>> -> memref<128x128xf32, #tpu.memory_space<hbm>>
        %dma_wait3A_106 = arith.constant 0 : i32
        %dma_wait3A_107 = arith.constant 0 : i32
        %dma_wait3A_108 = tpu.memref_slice %arg11[%run_scoped3A_66, %dma_wait3A_106, %dma_wait3A_107] : memref<2x128x128xf32, #tpu.memory_space<vmem>> -> memref<1x128x128xf32, #tpu.memory_space<vmem>>
        %dma_wait3A_109 = tpu.memref_squeeze %dma_wait3A_108 : memref<1x128x128xf32, #tpu.memory_space<vmem>> -> memref<128x128xf32, #tpu.memory_space<vmem>>
        tpu.wait_dma2 semaphore(%run_scoped3A_81 : memref<!tpu.dma_semaphore, #tpu.memory_space<semaphore_mem>>) src(%dma_wait3A_109 : memref<128x128xf32, #tpu.memory_space<vmem>>) dst(%dma_wait3A_105 : memref<128x128xf32, #tpu.memory_space<hbm>>)
        tpu.yield
      }) : () -> ()
      %dma_wait3A_68 = arith.constant 0 : i32
      %dma_wait3A_69 = arith.constant 0 : i32
      %dma_wait3A_70 = arith.constant 0 : i32
      %dma_wait3A_71 = tpu.memref_slice %arg11[%dma_wait3A_68, %dma_wait3A_69, %dma_wait3A_70] : memref<2x128x128xf32, #tpu.memory_space<vmem>> -> memref<1x128x128xf32, #tpu.memory_space<vmem>>
      %dma_wait3A_72 = tpu.memref_squeeze %dma_wait3A_71 : memref<1x128x128xf32, #tpu.memory_space<vmem>> -> memref<128x128xf32, #tpu.memory_space<vmem>>
      %dma_wait3A_73 = arith.constant 0 : i32
      %dma_wait3A_74 = tpu.memref_slice %arg10[%scan3A_6, %dma_wait3A_73] : memref<4x128xi32, #tpu.memory_space<vmem>> -> memref<1x128xi32, #tpu.memory_space<vmem>>
      %dma_wait3A_75 = tpu.memref_squeeze %dma_wait3A_74 : memref<1x128xi32, #tpu.memory_space<vmem>> -> memref<128xi32, #tpu.memory_space<vmem>>
      %dma_wait3A_76 = arith.constant 0 : i32
      %dma_wait3A_77 = arith.constant 0 : i32
      %dma_wait3A_78 = tpu.memref_slice %arg6[%dma_wait3A_76, %dma_wait3A_77] : memref<1000x128xf32, #tpu.memory_space<hbm>> -> memref<1000x128xf32, #tpu.memory_space<hbm>>
      tpu.wait_indirect_dma semaphore(%arg12 : memref<!tpu.dma_semaphore, #tpu.memory_space<semaphore_mem>>) src(%dma_wait3A_78 : memref<1000x128xf32, #tpu.memory_space<hbm>>) dst(%dma_wait3A_72 : memref<128x128xf32, #tpu.memory_space<vmem>>)
      %run_scoped3A_79 = arith.constant 0 : i32
      %run_scoped3A_80 = arith.constant 2 : i32
      "tpu.region"() ({
        %run_scoped3A_81 = tpu.sem_alloc : memref<!tpu.dma_semaphore, #tpu.memory_space<semaphore_mem>>
        %dma_start3A_82 = arith.constant 0 : i32
        %dma_start3A_83 = arith.constant 0 : i32
        %dma_start3A_84 = tpu.memref_slice %arg11[%run_scoped3A_79, %dma_start3A_82, %dma_start3A_83] : memref<2x128x128xf32, #tpu.memory_space<vmem>> -> memref<1x128x128xf32, #tpu.memory_space<vmem>>
        %dma_start3A_85 = tpu.memref_squeeze %dma_start3A_84 : memref<1x128x128xf32, #tpu.memory_space<vmem>> -> memref<128x128xf32, #tpu.memory_space<vmem>>
        %dma_start3A_86 = arith.constant 0 : i32
        %dma_start3A_87 = tpu.memref_slice %arg7[%run_scoped3A_80, %add3A_11, %dma_start3A_86] : memref<3x16384x128xf32, #tpu.memory_space<hbm>> -> memref<1x128x128xf32, #tpu.memory_space<hbm>>
        %dma_start3A_88 = tpu.memref_squeeze %dma_start3A_87 : memref<1x128x128xf32, #tpu.memory_space<hbm>> -> memref<128x128xf32, #tpu.memory_space<hbm>>
        %dma_start3A_89 = arith.constant 0 : i32
        %dma_start3A_90 = tpu.memref_slice %arg7[%run_scoped3A_80, %add3A_11, %dma_start3A_89] : memref<3x16384x128xf32, #tpu.memory_space<hbm>> -> memref<1x128x128xf32, #tpu.memory_space<hbm>>
        %dma_start3A_91 = tpu.memref_squeeze %dma_start3A_90 : memref<1x128x128xf32, #tpu.memory_space<hbm>> -> memref<128x128xf32, #tpu.memory_space<hbm>>
        %dma_start3A_92 = arith.constant 0 : i32
        %dma_start3A_93 = arith.constant 0 : i32
        %dma_start3A_94 = tpu.memref_slice %arg11[%run_scoped3A_79, %dma_start3A_92, %dma_start3A_93] : memref<2x128x128xf32, #tpu.memory_space<vmem>> -> memref<1x128x128xf32, #tpu.memory_space<vmem>>
        %dma_start3A_95 = tpu.memref_squeeze %dma_start3A_94 : memref<1x128x128xf32, #tpu.memory_space<vmem>> -> memref<128x128xf32, #tpu.memory_space<vmem>>
        tpu.enqueue_dma source(%dma_start3A_95 : memref<128x128xf32, #tpu.memory_space<vmem>>) target(%dma_start3A_91 : memref<128x128xf32, #tpu.memory_space<hbm>>) target_semaphore(%run_scoped3A_81 : memref<!tpu.dma_semaphore, #tpu.memory_space<semaphore_mem>>)
        %dma_wait3A_96 = arith.constant 0 : i32
        %dma_wait3A_97 = arith.constant 0 : i32
        %dma_wait3A_98 = tpu.memref_slice %arg11[%run_scoped3A_79, %dma_wait3A_96, %dma_wait3A_97] : memref<2x128x128xf32, #tpu.memory_space<vmem>> -> memref<1x128x128xf32, #tpu.memory_space<vmem>>
        %dma_wait3A_99 = tpu.memref_squeeze %dma_wait3A_98 : memref<1x128x128xf32, #tpu.memory_space<vmem>> -> memref<128x128xf32, #tpu.memory_space<vmem>>
        %dma_wait3A_100 = arith.constant 0 : i32
        %dma_wait3A_101 = tpu.memref_slice %arg7[%run_scoped3A_80, %add3A_11, %dma_wait3A_100] : memref<3x16384x128xf32, #tpu.memory_space<hbm>> -> memref<1x128x128xf32, #tpu.memory_space<hbm>>
        %dma_wait3A_102 = tpu.memref_squeeze %dma_wait3A_101 : memref<1x128x128xf32, #tpu.memory_space<hbm>> -> memref<128x128xf32, #tpu.memory_space<hbm>>
        %dma_wait3A_103 = arith.constant 0 : i32
        %dma_wait3A_104 = tpu.memref_slice %arg7[%run_scoped3A_80, %add3A_11, %dma_wait3A_103] : memref<3x16384x128xf32, #tpu.memory_space<hbm>> -> memref<1x128x128xf32, #tpu.memory_space<hbm>>
        %dma_wait3A_105 = tpu.memref_squeeze %dma_wait3A_104 : memref<1x128x128xf32, #tpu.memory_space<hbm>> -> memref<128x128xf32, #tpu.memory_space<hbm>>
        %dma_wait3A_106 = arith.constant 0 : i32
        %dma_wait3A_107 = arith.constant 0 : i32
        %dma_wait3A_108 = tpu.memref_slice %arg11[%run_scoped3A_79, %dma_wait3A_106, %dma_wait3A_107] : memref<2x128x128xf32, #tpu.memory_space<vmem>> -> memref<1x128x128xf32, #tpu.memory_space<vmem>>
        %dma_wait3A_109 = tpu.memref_squeeze %dma_wait3A_108 : memref<1x128x128xf32, #tpu.memory_space<vmem>> -> memref<128x128xf32, #tpu.memory_space<vmem>>
        tpu.wait_dma2 semaphore(%run_scoped3A_81 : memref<!tpu.dma_semaphore, #tpu.memory_space<semaphore_mem>>) src(%dma_wait3A_109 : memref<128x128xf32, #tpu.memory_space<vmem>>) dst(%dma_wait3A_105 : memref<128x128xf32, #tpu.memory_space<hbm>>)
        tpu.yield
      }) : () -> ()
    }
    %scan3A_5 = arith.constant 4 : i32
    return
  }
}

#map = affine_map<(d0, d1) -> (0, 0, 0)>
#map1 = affine_map<(d0, d1) -> (0, 0)>
module attributes {stable_mosaic.version = 14 : i64} {
  func.func @body(%arg0: i32, %arg1: i32, %arg2: memref<32x4x128xi32, #tpu.memory_space<hbm>>, %arg3: memref<32x4x128xi32, #tpu.memory_space<hbm>>, %arg4: memref<32x4x128xi32, #tpu.memory_space<hbm>>, %arg5: memref<100000x128xf32, #tpu.memory_space<hbm>>, %arg6: memref<100000x128xf32, #tpu.memory_space<hbm>>, %arg7: memref<100000x128xf32, #tpu.memory_space<hbm>>, %arg8: memref<6x16384x128xf32, #tpu.memory_space<hbm>>, %arg9: memref<4x128xi32, #tpu.memory_space<vmem>>, %arg10: memref<4x128xi32, #tpu.memory_space<vmem>>, %arg11: memref<4x128xi32, #tpu.memory_space<vmem>>, %arg12: memref<2x128x128xf32, #tpu.memory_space<vmem>>, %arg13: memref<!tpu.dma_semaphore, #tpu.memory_space<semaphore_mem>>, %arg14: memref<!tpu.dma_semaphore, #tpu.memory_space<semaphore_mem>>) attributes {dimension_semantics = [#tpu.dimension_semantics<core_parallel>, #tpu.dimension_semantics<subcore_parallel>], iteration_bounds = array<i64: 2, 16>, scalar_prefetch = 0 : i64, scratch_operands = 6 : i64, tpu.core_type = #tpu.core_type<sc_vector_subcore>, window_params = [{transform_indices = #map}, {transform_indices = #map}, {transform_indices = #map}, {transform_indices = #map1}, {transform_indices = #map1}, {transform_indices = #map1}, {transform_indices = #map}]} {
    %mul3A = arith.constant 2 : i32
    %mul3A_0 = arith.muli %arg1, %mul3A : i32
    %add3A = arith.addi %mul3A_0, %arg0 : i32
    "tpu.region"() ({
      %run_scoped3A = tpu.sem_alloc : memref<!tpu.dma_semaphore, #tpu.memory_space<semaphore_mem>>
      %dma_start3A = arith.constant 0 : i32
      %dma_start3A_6 = arith.constant 0 : i32
      %dma_start3A_7 = tpu.memref_slice %arg2[%add3A, %dma_start3A, %dma_start3A_6] : memref<32x4x128xi32, #tpu.memory_space<hbm>> -> memref<1x4x128xi32, #tpu.memory_space<hbm>>
      %dma_start3A_8 = tpu.memref_squeeze %dma_start3A_7 : memref<1x4x128xi32, #tpu.memory_space<hbm>> -> memref<4x128xi32, #tpu.memory_space<hbm>>
      %dma_start3A_9 = arith.constant 0 : i32
      %dma_start3A_10 = arith.constant 0 : i32
      %dma_start3A_11 = tpu.memref_slice %arg2[%add3A, %dma_start3A_9, %dma_start3A_10] : memref<32x4x128xi32, #tpu.memory_space<hbm>> -> memref<1x4x128xi32, #tpu.memory_space<hbm>>
      %dma_start3A_12 = tpu.memref_squeeze %dma_start3A_11 : memref<1x4x128xi32, #tpu.memory_space<hbm>> -> memref<4x128xi32, #tpu.memory_space<hbm>>
      tpu.enqueue_dma source(%dma_start3A_12 : memref<4x128xi32, #tpu.memory_space<hbm>>) target(%arg9 : memref<4x128xi32, #tpu.memory_space<vmem>>) target_semaphore(%run_scoped3A : memref<!tpu.dma_semaphore, #tpu.memory_space<semaphore_mem>>)
      %dma_wait3A = arith.constant 0 : i32
      %dma_wait3A_13 = arith.constant 0 : i32
      %dma_wait3A_14 = tpu.memref_slice %arg2[%add3A, %dma_wait3A, %dma_wait3A_13] : memref<32x4x128xi32, #tpu.memory_space<hbm>> -> memref<1x4x128xi32, #tpu.memory_space<hbm>>
      %dma_wait3A_15 = tpu.memref_squeeze %dma_wait3A_14 : memref<1x4x128xi32, #tpu.memory_space<hbm>> -> memref<4x128xi32, #tpu.memory_space<hbm>>
      %dma_wait3A_16 = arith.constant 0 : i32
      %dma_wait3A_17 = arith.constant 0 : i32
      %dma_wait3A_18 = tpu.memref_slice %arg2[%add3A, %dma_wait3A_16, %dma_wait3A_17] : memref<32x4x128xi32, #tpu.memory_space<hbm>> -> memref<1x4x128xi32, #tpu.memory_space<hbm>>
      %dma_wait3A_19 = tpu.memref_squeeze %dma_wait3A_18 : memref<1x4x128xi32, #tpu.memory_space<hbm>> -> memref<4x128xi32, #tpu.memory_space<hbm>>
      tpu.wait_dma2 semaphore(%run_scoped3A : memref<!tpu.dma_semaphore, #tpu.memory_space<semaphore_mem>>) src(%dma_wait3A_19 : memref<4x128xi32, #tpu.memory_space<hbm>>) dst(%arg9 : memref<4x128xi32, #tpu.memory_space<vmem>>)
      tpu.yield
    }) : () -> ()
    "tpu.region"() ({
      %run_scoped3A = tpu.sem_alloc : memref<!tpu.dma_semaphore, #tpu.memory_space<semaphore_mem>>
      %dma_start3A = arith.constant 0 : i32
      %dma_start3A_6 = arith.constant 0 : i32
      %dma_start3A_7 = tpu.memref_slice %arg3[%add3A, %dma_start3A, %dma_start3A_6] : memref<32x4x128xi32, #tpu.memory_space<hbm>> -> memref<1x4x128xi32, #tpu.memory_space<hbm>>
      %dma_start3A_8 = tpu.memref_squeeze %dma_start3A_7 : memref<1x4x128xi32, #tpu.memory_space<hbm>> -> memref<4x128xi32, #tpu.memory_space<hbm>>
      %dma_start3A_9 = arith.constant 0 : i32
      %dma_start3A_10 = arith.constant 0 : i32
      %dma_start3A_11 = tpu.memref_slice %arg3[%add3A, %dma_start3A_9, %dma_start3A_10] : memref<32x4x128xi32, #tpu.memory_space<hbm>> -> memref<1x4x128xi32, #tpu.memory_space<hbm>>
      %dma_start3A_12 = tpu.memref_squeeze %dma_start3A_11 : memref<1x4x128xi32, #tpu.memory_space<hbm>> -> memref<4x128xi32, #tpu.memory_space<hbm>>
      tpu.enqueue_dma source(%dma_start3A_12 : memref<4x128xi32, #tpu.memory_space<hbm>>) target(%arg10 : memref<4x128xi32, #tpu.memory_space<vmem>>) target_semaphore(%run_scoped3A : memref<!tpu.dma_semaphore, #tpu.memory_space<semaphore_mem>>)
      %dma_wait3A = arith.constant 0 : i32
      %dma_wait3A_13 = arith.constant 0 : i32
      %dma_wait3A_14 = tpu.memref_slice %arg3[%add3A, %dma_wait3A, %dma_wait3A_13] : memref<32x4x128xi32, #tpu.memory_space<hbm>> -> memref<1x4x128xi32, #tpu.memory_space<hbm>>
      %dma_wait3A_15 = tpu.memref_squeeze %dma_wait3A_14 : memref<1x4x128xi32, #tpu.memory_space<hbm>> -> memref<4x128xi32, #tpu.memory_space<hbm>>
      %dma_wait3A_16 = arith.constant 0 : i32
      %dma_wait3A_17 = arith.constant 0 : i32
      %dma_wait3A_18 = tpu.memref_slice %arg3[%add3A, %dma_wait3A_16, %dma_wait3A_17] : memref<32x4x128xi32, #tpu.memory_space<hbm>> -> memref<1x4x128xi32, #tpu.memory_space<hbm>>
      %dma_wait3A_19 = tpu.memref_squeeze %dma_wait3A_18 : memref<1x4x128xi32, #tpu.memory_space<hbm>> -> memref<4x128xi32, #tpu.memory_space<hbm>>
      tpu.wait_dma2 semaphore(%run_scoped3A : memref<!tpu.dma_semaphore, #tpu.memory_space<semaphore_mem>>) src(%dma_wait3A_19 : memref<4x128xi32, #tpu.memory_space<hbm>>) dst(%arg10 : memref<4x128xi32, #tpu.memory_space<vmem>>)
      tpu.yield
    }) : () -> ()
    "tpu.region"() ({
      %run_scoped3A = tpu.sem_alloc : memref<!tpu.dma_semaphore, #tpu.memory_space<semaphore_mem>>
      %dma_start3A = arith.constant 0 : i32
      %dma_start3A_6 = arith.constant 0 : i32
      %dma_start3A_7 = tpu.memref_slice %arg4[%add3A, %dma_start3A, %dma_start3A_6] : memref<32x4x128xi32, #tpu.memory_space<hbm>> -> memref<1x4x128xi32, #tpu.memory_space<hbm>>
      %dma_start3A_8 = tpu.memref_squeeze %dma_start3A_7 : memref<1x4x128xi32, #tpu.memory_space<hbm>> -> memref<4x128xi32, #tpu.memory_space<hbm>>
      %dma_start3A_9 = arith.constant 0 : i32
      %dma_start3A_10 = arith.constant 0 : i32
      %dma_start3A_11 = tpu.memref_slice %arg4[%add3A, %dma_start3A_9, %dma_start3A_10] : memref<32x4x128xi32, #tpu.memory_space<hbm>> -> memref<1x4x128xi32, #tpu.memory_space<hbm>>
      %dma_start3A_12 = tpu.memref_squeeze %dma_start3A_11 : memref<1x4x128xi32, #tpu.memory_space<hbm>> -> memref<4x128xi32, #tpu.memory_space<hbm>>
      tpu.enqueue_dma source(%dma_start3A_12 : memref<4x128xi32, #tpu.memory_space<hbm>>) target(%arg11 : memref<4x128xi32, #tpu.memory_space<vmem>>) target_semaphore(%run_scoped3A : memref<!tpu.dma_semaphore, #tpu.memory_space<semaphore_mem>>)
      %dma_wait3A = arith.constant 0 : i32
      %dma_wait3A_13 = arith.constant 0 : i32
      %dma_wait3A_14 = tpu.memref_slice %arg4[%add3A, %dma_wait3A, %dma_wait3A_13] : memref<32x4x128xi32, #tpu.memory_space<hbm>> -> memref<1x4x128xi32, #tpu.memory_space<hbm>>
      %dma_wait3A_15 = tpu.memref_squeeze %dma_wait3A_14 : memref<1x4x128xi32, #tpu.memory_space<hbm>> -> memref<4x128xi32, #tpu.memory_space<hbm>>
      %dma_wait3A_16 = arith.constant 0 : i32
      %dma_wait3A_17 = arith.constant 0 : i32
      %dma_wait3A_18 = tpu.memref_slice %arg4[%add3A, %dma_wait3A_16, %dma_wait3A_17] : memref<32x4x128xi32, #tpu.memory_space<hbm>> -> memref<1x4x128xi32, #tpu.memory_space<hbm>>
      %dma_wait3A_19 = tpu.memref_squeeze %dma_wait3A_18 : memref<1x4x128xi32, #tpu.memory_space<hbm>> -> memref<4x128xi32, #tpu.memory_space<hbm>>
      tpu.wait_dma2 semaphore(%run_scoped3A : memref<!tpu.dma_semaphore, #tpu.memory_space<semaphore_mem>>) src(%dma_wait3A_19 : memref<4x128xi32, #tpu.memory_space<hbm>>) dst(%arg11 : memref<4x128xi32, #tpu.memory_space<vmem>>)
      tpu.yield
    }) : () -> ()
    %scan3A = arith.constant 0 : i32
    %scan3A_1 = arith.constant 0 : i32
    %scan3A_2 = arith.constant 4 : i32
    %scan3A_3 = arith.addi %scan3A_1, %scan3A_2 : i32
    %scan3A_4 = arith.constant 1 : i32
    scf.for %scan3A_6 = %scan3A_1 to %scan3A_3 step %scan3A_4  : i32 {
      %mul3A_7 = arith.constant 512 : i32
      %mul3A_8 = arith.muli %add3A, %mul3A_7 : i32
      %mul3A_9 = arith.constant 128 : i32
      %mul3A_10 = arith.muli %scan3A_6, %mul3A_9 : i32
      %add3A_11 = arith.addi %mul3A_8, %mul3A_10 : i32
      %dma_start3A = arith.constant 0 : i32
      %dma_start3A_12 = arith.constant 0 : i32
      %dma_start3A_13 = arith.constant 0 : i32
      %dma_start3A_14 = tpu.memref_slice %arg12[%dma_start3A, %dma_start3A_12, %dma_start3A_13] : memref<2x128x128xf32, #tpu.memory_space<vmem>> -> memref<1x128x128xf32, #tpu.memory_space<vmem>>
      %dma_start3A_15 = tpu.memref_squeeze %dma_start3A_14 : memref<1x128x128xf32, #tpu.memory_space<vmem>> -> memref<128x128xf32, #tpu.memory_space<vmem>>
      %dma_start3A_16 = arith.constant 0 : i32
      %dma_start3A_17 = tpu.memref_slice %arg9[%scan3A_6, %dma_start3A_16] : memref<4x128xi32, #tpu.memory_space<vmem>> -> memref<1x128xi32, #tpu.memory_space<vmem>>
      %dma_start3A_18 = tpu.memref_squeeze %dma_start3A_17 : memref<1x128xi32, #tpu.memory_space<vmem>> -> memref<128xi32, #tpu.memory_space<vmem>>
      %dma_start3A_19 = arith.constant 0 : i32
      %dma_start3A_20 = arith.constant 0 : i32
      %dma_start3A_21 = tpu.memref_slice %arg5[%dma_start3A_19, %dma_start3A_20] : memref<100000x128xf32, #tpu.memory_space<hbm>> -> memref<100000x128xf32, #tpu.memory_space<hbm>>
      tpu.enqueue_indirect_dma source(%dma_start3A_21 : memref<100000x128xf32, #tpu.memory_space<hbm>>) target(%dma_start3A_15 : memref<128x128xf32, #tpu.memory_space<vmem>>) offsets(%dma_start3A_18 : memref<128xi32, #tpu.memory_space<vmem>>) semaphore(%arg13 : memref<!tpu.dma_semaphore, #tpu.memory_space<semaphore_mem>>)
      %dma_start3A_22 = arith.constant 1 : i32
      %dma_start3A_23 = arith.constant 0 : i32
      %dma_start3A_24 = arith.constant 0 : i32
      %dma_start3A_25 = tpu.memref_slice %arg12[%dma_start3A_22, %dma_start3A_23, %dma_start3A_24] : memref<2x128x128xf32, #tpu.memory_space<vmem>> -> memref<1x128x128xf32, #tpu.memory_space<vmem>>
      %dma_start3A_26 = tpu.memref_squeeze %dma_start3A_25 : memref<1x128x128xf32, #tpu.memory_space<vmem>> -> memref<128x128xf32, #tpu.memory_space<vmem>>
      %dma_start3A_27 = arith.constant 0 : i32
      %dma_start3A_28 = tpu.memref_slice %arg9[%scan3A_6, %dma_start3A_27] : memref<4x128xi32, #tpu.memory_space<vmem>> -> memref<1x128xi32, #tpu.memory_space<vmem>>
      %dma_start3A_29 = tpu.memref_squeeze %dma_start3A_28 : memref<1x128xi32, #tpu.memory_space<vmem>> -> memref<128xi32, #tpu.memory_space<vmem>>
      %dma_start3A_30 = arith.constant 0 : i32
      %dma_start3A_31 = arith.constant 0 : i32
      %dma_start3A_32 = tpu.memref_slice %arg6[%dma_start3A_30, %dma_start3A_31] : memref<100000x128xf32, #tpu.memory_space<hbm>> -> memref<100000x128xf32, #tpu.memory_space<hbm>>
      tpu.enqueue_indirect_dma source(%dma_start3A_32 : memref<100000x128xf32, #tpu.memory_space<hbm>>) target(%dma_start3A_26 : memref<128x128xf32, #tpu.memory_space<vmem>>) offsets(%dma_start3A_29 : memref<128xi32, #tpu.memory_space<vmem>>) semaphore(%arg14 : memref<!tpu.dma_semaphore, #tpu.memory_space<semaphore_mem>>)
      %dma_wait3A = arith.constant 0 : i32
      %dma_wait3A_33 = arith.constant 0 : i32
      %dma_wait3A_34 = arith.constant 0 : i32
      %dma_wait3A_35 = tpu.memref_slice %arg12[%dma_wait3A, %dma_wait3A_33, %dma_wait3A_34] : memref<2x128x128xf32, #tpu.memory_space<vmem>> -> memref<1x128x128xf32, #tpu.memory_space<vmem>>
      %dma_wait3A_36 = tpu.memref_squeeze %dma_wait3A_35 : memref<1x128x128xf32, #tpu.memory_space<vmem>> -> memref<128x128xf32, #tpu.memory_space<vmem>>
      %dma_wait3A_37 = arith.constant 0 : i32
      %dma_wait3A_38 = tpu.memref_slice %arg9[%scan3A_6, %dma_wait3A_37] : memref<4x128xi32, #tpu.memory_space<vmem>> -> memref<1x128xi32, #tpu.memory_space<vmem>>
      %dma_wait3A_39 = tpu.memref_squeeze %dma_wait3A_38 : memref<1x128xi32, #tpu.memory_space<vmem>> -> memref<128xi32, #tpu.memory_space<vmem>>
      %dma_wait3A_40 = arith.constant 0 : i32
      %dma_wait3A_41 = arith.constant 0 : i32
      %dma_wait3A_42 = tpu.memref_slice %arg5[%dma_wait3A_40, %dma_wait3A_41] : memref<100000x128xf32, #tpu.memory_space<hbm>> -> memref<100000x128xf32, #tpu.memory_space<hbm>>
      tpu.wait_indirect_dma semaphore(%arg13 : memref<!tpu.dma_semaphore, #tpu.memory_space<semaphore_mem>>) src(%dma_wait3A_42 : memref<100000x128xf32, #tpu.memory_space<hbm>>) dst(%dma_wait3A_36 : memref<128x128xf32, #tpu.memory_space<vmem>>)
      %run_scoped3A = arith.constant 0 : i32
      %run_scoped3A_43 = arith.constant 0 : i32
      "tpu.region"() ({
        %run_scoped3A_153 = tpu.sem_alloc : memref<!tpu.dma_semaphore, #tpu.memory_space<semaphore_mem>>
        %dma_start3A_154 = arith.constant 0 : i32
        %dma_start3A_155 = arith.constant 0 : i32
        %dma_start3A_156 = tpu.memref_slice %arg12[%run_scoped3A, %dma_start3A_154, %dma_start3A_155] : memref<2x128x128xf32, #tpu.memory_space<vmem>> -> memref<1x128x128xf32, #tpu.memory_space<vmem>>
        %dma_start3A_157 = tpu.memref_squeeze %dma_start3A_156 : memref<1x128x128xf32, #tpu.memory_space<vmem>> -> memref<128x128xf32, #tpu.memory_space<vmem>>
        %dma_start3A_158 = arith.constant 0 : i32
        %dma_start3A_159 = tpu.memref_slice %arg8[%run_scoped3A_43, %add3A_11, %dma_start3A_158] : memref<6x16384x128xf32, #tpu.memory_space<hbm>> -> memref<1x128x128xf32, #tpu.memory_space<hbm>>
        %dma_start3A_160 = tpu.memref_squeeze %dma_start3A_159 : memref<1x128x128xf32, #tpu.memory_space<hbm>> -> memref<128x128xf32, #tpu.memory_space<hbm>>
        %dma_start3A_161 = arith.constant 0 : i32
        %dma_start3A_162 = tpu.memref_slice %arg8[%run_scoped3A_43, %add3A_11, %dma_start3A_161] : memref<6x16384x128xf32, #tpu.memory_space<hbm>> -> memref<1x128x128xf32, #tpu.memory_space<hbm>>
        %dma_start3A_163 = tpu.memref_squeeze %dma_start3A_162 : memref<1x128x128xf32, #tpu.memory_space<hbm>> -> memref<128x128xf32, #tpu.memory_space<hbm>>
        %dma_start3A_164 = arith.constant 0 : i32
        %dma_start3A_165 = arith.constant 0 : i32
        %dma_start3A_166 = tpu.memref_slice %arg12[%run_scoped3A, %dma_start3A_164, %dma_start3A_165] : memref<2x128x128xf32, #tpu.memory_space<vmem>> -> memref<1x128x128xf32, #tpu.memory_space<vmem>>
        %dma_start3A_167 = tpu.memref_squeeze %dma_start3A_166 : memref<1x128x128xf32, #tpu.memory_space<vmem>> -> memref<128x128xf32, #tpu.memory_space<vmem>>
        tpu.enqueue_dma source(%dma_start3A_167 : memref<128x128xf32, #tpu.memory_space<vmem>>) target(%dma_start3A_163 : memref<128x128xf32, #tpu.memory_space<hbm>>) target_semaphore(%run_scoped3A_153 : memref<!tpu.dma_semaphore, #tpu.memory_space<semaphore_mem>>)
        %dma_wait3A_168 = arith.constant 0 : i32
        %dma_wait3A_169 = arith.constant 0 : i32
        %dma_wait3A_170 = tpu.memref_slice %arg12[%run_scoped3A, %dma_wait3A_168, %dma_wait3A_169] : memref<2x128x128xf32, #tpu.memory_space<vmem>> -> memref<1x128x128xf32, #tpu.memory_space<vmem>>
        %dma_wait3A_171 = tpu.memref_squeeze %dma_wait3A_170 : memref<1x128x128xf32, #tpu.memory_space<vmem>> -> memref<128x128xf32, #tpu.memory_space<vmem>>
        %dma_wait3A_172 = arith.constant 0 : i32
        %dma_wait3A_173 = tpu.memref_slice %arg8[%run_scoped3A_43, %add3A_11, %dma_wait3A_172] : memref<6x16384x128xf32, #tpu.memory_space<hbm>> -> memref<1x128x128xf32, #tpu.memory_space<hbm>>
        %dma_wait3A_174 = tpu.memref_squeeze %dma_wait3A_173 : memref<1x128x128xf32, #tpu.memory_space<hbm>> -> memref<128x128xf32, #tpu.memory_space<hbm>>
        %dma_wait3A_175 = arith.constant 0 : i32
        %dma_wait3A_176 = tpu.memref_slice %arg8[%run_scoped3A_43, %add3A_11, %dma_wait3A_175] : memref<6x16384x128xf32, #tpu.memory_space<hbm>> -> memref<1x128x128xf32, #tpu.memory_space<hbm>>
        %dma_wait3A_177 = tpu.memref_squeeze %dma_wait3A_176 : memref<1x128x128xf32, #tpu.memory_space<hbm>> -> memref<128x128xf32, #tpu.memory_space<hbm>>
        %dma_wait3A_178 = arith.constant 0 : i32
        %dma_wait3A_179 = arith.constant 0 : i32
        %dma_wait3A_180 = tpu.memref_slice %arg12[%run_scoped3A, %dma_wait3A_178, %dma_wait3A_179] : memref<2x128x128xf32, #tpu.memory_space<vmem>> -> memref<1x128x128xf32, #tpu.memory_space<vmem>>
        %dma_wait3A_181 = tpu.memref_squeeze %dma_wait3A_180 : memref<1x128x128xf32, #tpu.memory_space<vmem>> -> memref<128x128xf32, #tpu.memory_space<vmem>>
        tpu.wait_dma2 semaphore(%run_scoped3A_153 : memref<!tpu.dma_semaphore, #tpu.memory_space<semaphore_mem>>) src(%dma_wait3A_181 : memref<128x128xf32, #tpu.memory_space<vmem>>) dst(%dma_wait3A_177 : memref<128x128xf32, #tpu.memory_space<hbm>>)
        tpu.yield
      }) : () -> ()
      %dma_start3A_44 = arith.constant 0 : i32
      %dma_start3A_45 = arith.constant 0 : i32
      %dma_start3A_46 = arith.constant 0 : i32
      %dma_start3A_47 = tpu.memref_slice %arg12[%dma_start3A_44, %dma_start3A_45, %dma_start3A_46] : memref<2x128x128xf32, #tpu.memory_space<vmem>> -> memref<1x128x128xf32, #tpu.memory_space<vmem>>
      %dma_start3A_48 = tpu.memref_squeeze %dma_start3A_47 : memref<1x128x128xf32, #tpu.memory_space<vmem>> -> memref<128x128xf32, #tpu.memory_space<vmem>>
      %dma_start3A_49 = arith.constant 0 : i32
      %dma_start3A_50 = tpu.memref_slice %arg9[%scan3A_6, %dma_start3A_49] : memref<4x128xi32, #tpu.memory_space<vmem>> -> memref<1x128xi32, #tpu.memory_space<vmem>>
      %dma_start3A_51 = tpu.memref_squeeze %dma_start3A_50 : memref<1x128xi32, #tpu.memory_space<vmem>> -> memref<128xi32, #tpu.memory_space<vmem>>
      %dma_start3A_52 = arith.constant 0 : i32
      %dma_start3A_53 = arith.constant 0 : i32
      %dma_start3A_54 = tpu.memref_slice %arg7[%dma_start3A_52, %dma_start3A_53] : memref<100000x128xf32, #tpu.memory_space<hbm>> -> memref<100000x128xf32, #tpu.memory_space<hbm>>
      tpu.enqueue_indirect_dma source(%dma_start3A_54 : memref<100000x128xf32, #tpu.memory_space<hbm>>) target(%dma_start3A_48 : memref<128x128xf32, #tpu.memory_space<vmem>>) offsets(%dma_start3A_51 : memref<128xi32, #tpu.memory_space<vmem>>) semaphore(%arg13 : memref<!tpu.dma_semaphore, #tpu.memory_space<semaphore_mem>>)
      %dma_wait3A_55 = arith.constant 1 : i32
      %dma_wait3A_56 = arith.constant 0 : i32
      %dma_wait3A_57 = arith.constant 0 : i32
      %dma_wait3A_58 = tpu.memref_slice %arg12[%dma_wait3A_55, %dma_wait3A_56, %dma_wait3A_57] : memref<2x128x128xf32, #tpu.memory_space<vmem>> -> memref<1x128x128xf32, #tpu.memory_space<vmem>>
      %dma_wait3A_59 = tpu.memref_squeeze %dma_wait3A_58 : memref<1x128x128xf32, #tpu.memory_space<vmem>> -> memref<128x128xf32, #tpu.memory_space<vmem>>
      %dma_wait3A_60 = arith.constant 0 : i32
      %dma_wait3A_61 = tpu.memref_slice %arg9[%scan3A_6, %dma_wait3A_60] : memref<4x128xi32, #tpu.memory_space<vmem>> -> memref<1x128xi32, #tpu.memory_space<vmem>>
      %dma_wait3A_62 = tpu.memref_squeeze %dma_wait3A_61 : memref<1x128xi32, #tpu.memory_space<vmem>> -> memref<128xi32, #tpu.memory_space<vmem>>
      %dma_wait3A_63 = arith.constant 0 : i32
      %dma_wait3A_64 = arith.constant 0 : i32
      %dma_wait3A_65 = tpu.memref_slice %arg6[%dma_wait3A_63, %dma_wait3A_64] : memref<100000x128xf32, #tpu.memory_space<hbm>> -> memref<100000x128xf32, #tpu.memory_space<hbm>>
      tpu.wait_indirect_dma semaphore(%arg14 : memref<!tpu.dma_semaphore, #tpu.memory_space<semaphore_mem>>) src(%dma_wait3A_65 : memref<100000x128xf32, #tpu.memory_space<hbm>>) dst(%dma_wait3A_59 : memref<128x128xf32, #tpu.memory_space<vmem>>)
      %run_scoped3A_66 = arith.constant 1 : i32
      %run_scoped3A_67 = arith.constant 1 : i32
      "tpu.region"() ({
        %run_scoped3A_153 = tpu.sem_alloc : memref<!tpu.dma_semaphore, #tpu.memory_space<semaphore_mem>>
        %dma_start3A_154 = arith.constant 0 : i32
        %dma_start3A_155 = arith.constant 0 : i32
        %dma_start3A_156 = tpu.memref_slice %arg12[%run_scoped3A_66, %dma_start3A_154, %dma_start3A_155] : memref<2x128x128xf32, #tpu.memory_space<vmem>> -> memref<1x128x128xf32, #tpu.memory_space<vmem>>
        %dma_start3A_157 = tpu.memref_squeeze %dma_start3A_156 : memref<1x128x128xf32, #tpu.memory_space<vmem>> -> memref<128x128xf32, #tpu.memory_space<vmem>>
        %dma_start3A_158 = arith.constant 0 : i32
        %dma_start3A_159 = tpu.memref_slice %arg8[%run_scoped3A_67, %add3A_11, %dma_start3A_158] : memref<6x16384x128xf32, #tpu.memory_space<hbm>> -> memref<1x128x128xf32, #tpu.memory_space<hbm>>
        %dma_start3A_160 = tpu.memref_squeeze %dma_start3A_159 : memref<1x128x128xf32, #tpu.memory_space<hbm>> -> memref<128x128xf32, #tpu.memory_space<hbm>>
        %dma_start3A_161 = arith.constant 0 : i32
        %dma_start3A_162 = tpu.memref_slice %arg8[%run_scoped3A_67, %add3A_11, %dma_start3A_161] : memref<6x16384x128xf32, #tpu.memory_space<hbm>> -> memref<1x128x128xf32, #tpu.memory_space<hbm>>
        %dma_start3A_163 = tpu.memref_squeeze %dma_start3A_162 : memref<1x128x128xf32, #tpu.memory_space<hbm>> -> memref<128x128xf32, #tpu.memory_space<hbm>>
        %dma_start3A_164 = arith.constant 0 : i32
        %dma_start3A_165 = arith.constant 0 : i32
        %dma_start3A_166 = tpu.memref_slice %arg12[%run_scoped3A_66, %dma_start3A_164, %dma_start3A_165] : memref<2x128x128xf32, #tpu.memory_space<vmem>> -> memref<1x128x128xf32, #tpu.memory_space<vmem>>
        %dma_start3A_167 = tpu.memref_squeeze %dma_start3A_166 : memref<1x128x128xf32, #tpu.memory_space<vmem>> -> memref<128x128xf32, #tpu.memory_space<vmem>>
        tpu.enqueue_dma source(%dma_start3A_167 : memref<128x128xf32, #tpu.memory_space<vmem>>) target(%dma_start3A_163 : memref<128x128xf32, #tpu.memory_space<hbm>>) target_semaphore(%run_scoped3A_153 : memref<!tpu.dma_semaphore, #tpu.memory_space<semaphore_mem>>)
        %dma_wait3A_168 = arith.constant 0 : i32
        %dma_wait3A_169 = arith.constant 0 : i32
        %dma_wait3A_170 = tpu.memref_slice %arg12[%run_scoped3A_66, %dma_wait3A_168, %dma_wait3A_169] : memref<2x128x128xf32, #tpu.memory_space<vmem>> -> memref<1x128x128xf32, #tpu.memory_space<vmem>>
        %dma_wait3A_171 = tpu.memref_squeeze %dma_wait3A_170 : memref<1x128x128xf32, #tpu.memory_space<vmem>> -> memref<128x128xf32, #tpu.memory_space<vmem>>
        %dma_wait3A_172 = arith.constant 0 : i32
        %dma_wait3A_173 = tpu.memref_slice %arg8[%run_scoped3A_67, %add3A_11, %dma_wait3A_172] : memref<6x16384x128xf32, #tpu.memory_space<hbm>> -> memref<1x128x128xf32, #tpu.memory_space<hbm>>
        %dma_wait3A_174 = tpu.memref_squeeze %dma_wait3A_173 : memref<1x128x128xf32, #tpu.memory_space<hbm>> -> memref<128x128xf32, #tpu.memory_space<hbm>>
        %dma_wait3A_175 = arith.constant 0 : i32
        %dma_wait3A_176 = tpu.memref_slice %arg8[%run_scoped3A_67, %add3A_11, %dma_wait3A_175] : memref<6x16384x128xf32, #tpu.memory_space<hbm>> -> memref<1x128x128xf32, #tpu.memory_space<hbm>>
        %dma_wait3A_177 = tpu.memref_squeeze %dma_wait3A_176 : memref<1x128x128xf32, #tpu.memory_space<hbm>> -> memref<128x128xf32, #tpu.memory_space<hbm>>
        %dma_wait3A_178 = arith.constant 0 : i32
        %dma_wait3A_179 = arith.constant 0 : i32
        %dma_wait3A_180 = tpu.memref_slice %arg12[%run_scoped3A_66, %dma_wait3A_178, %dma_wait3A_179] : memref<2x128x128xf32, #tpu.memory_space<vmem>> -> memref<1x128x128xf32, #tpu.memory_space<vmem>>
        %dma_wait3A_181 = tpu.memref_squeeze %dma_wait3A_180 : memref<1x128x128xf32, #tpu.memory_space<vmem>> -> memref<128x128xf32, #tpu.memory_space<vmem>>
        tpu.wait_dma2 semaphore(%run_scoped3A_153 : memref<!tpu.dma_semaphore, #tpu.memory_space<semaphore_mem>>) src(%dma_wait3A_181 : memref<128x128xf32, #tpu.memory_space<vmem>>) dst(%dma_wait3A_177 : memref<128x128xf32, #tpu.memory_space<hbm>>)
        tpu.yield
      }) : () -> ()
      %dma_start3A_68 = arith.constant 1 : i32
      %dma_start3A_69 = arith.constant 0 : i32
      %dma_start3A_70 = arith.constant 0 : i32
      %dma_start3A_71 = tpu.memref_slice %arg12[%dma_start3A_68, %dma_start3A_69, %dma_start3A_70] : memref<2x128x128xf32, #tpu.memory_space<vmem>> -> memref<1x128x128xf32, #tpu.memory_space<vmem>>
      %dma_start3A_72 = tpu.memref_squeeze %dma_start3A_71 : memref<1x128x128xf32, #tpu.memory_space<vmem>> -> memref<128x128xf32, #tpu.memory_space<vmem>>
      %dma_start3A_73 = arith.constant 0 : i32
      %dma_start3A_74 = tpu.memref_slice %arg10[%scan3A_6, %dma_start3A_73] : memref<4x128xi32, #tpu.memory_space<vmem>> -> memref<1x128xi32, #tpu.memory_space<vmem>>
      %dma_start3A_75 = tpu.memref_squeeze %dma_start3A_74 : memref<1x128xi32, #tpu.memory_space<vmem>> -> memref<128xi32, #tpu.memory_space<vmem>>
      %dma_start3A_76 = arith.constant 0 : i32
      %dma_start3A_77 = arith.constant 0 : i32
      %dma_start3A_78 = tpu.memref_slice %arg5[%dma_start3A_76, %dma_start3A_77] : memref<100000x128xf32, #tpu.memory_space<hbm>> -> memref<100000x128xf32, #tpu.memory_space<hbm>>
      tpu.enqueue_indirect_dma source(%dma_start3A_78 : memref<100000x128xf32, #tpu.memory_space<hbm>>) target(%dma_start3A_72 : memref<128x128xf32, #tpu.memory_space<vmem>>) offsets(%dma_start3A_75 : memref<128xi32, #tpu.memory_space<vmem>>) semaphore(%arg14 : memref<!tpu.dma_semaphore, #tpu.memory_space<semaphore_mem>>)
      %dma_wait3A_79 = arith.constant 0 : i32
      %dma_wait3A_80 = arith.constant 0 : i32
      %dma_wait3A_81 = arith.constant 0 : i32
      %dma_wait3A_82 = tpu.memref_slice %arg12[%dma_wait3A_79, %dma_wait3A_80, %dma_wait3A_81] : memref<2x128x128xf32, #tpu.memory_space<vmem>> -> memref<1x128x128xf32, #tpu.memory_space<vmem>>
      %dma_wait3A_83 = tpu.memref_squeeze %dma_wait3A_82 : memref<1x128x128xf32, #tpu.memory_space<vmem>> -> memref<128x128xf32, #tpu.memory_space<vmem>>
      %dma_wait3A_84 = arith.constant 0 : i32
      %dma_wait3A_85 = tpu.memref_slice %arg9[%scan3A_6, %dma_wait3A_84] : memref<4x128xi32, #tpu.memory_space<vmem>> -> memref<1x128xi32, #tpu.memory_space<vmem>>
      %dma_wait3A_86 = tpu.memref_squeeze %dma_wait3A_85 : memref<1x128xi32, #tpu.memory_space<vmem>> -> memref<128xi32, #tpu.memory_space<vmem>>
      %dma_wait3A_87 = arith.constant 0 : i32
      %dma_wait3A_88 = arith.constant 0 : i32
      %dma_wait3A_89 = tpu.memref_slice %arg7[%dma_wait3A_87, %dma_wait3A_88] : memref<100000x128xf32, #tpu.memory_space<hbm>> -> memref<100000x128xf32, #tpu.memory_space<hbm>>
      tpu.wait_indirect_dma semaphore(%arg13 : memref<!tpu.dma_semaphore, #tpu.memory_space<semaphore_mem>>) src(%dma_wait3A_89 : memref<100000x128xf32, #tpu.memory_space<hbm>>) dst(%dma_wait3A_83 : memref<128x128xf32, #tpu.memory_space<vmem>>)
      %run_scoped3A_90 = arith.constant 0 : i32
      %run_scoped3A_91 = arith.constant 2 : i32
      "tpu.region"() ({
        %run_scoped3A_153 = tpu.sem_alloc : memref<!tpu.dma_semaphore, #tpu.memory_space<semaphore_mem>>
        %dma_start3A_154 = arith.constant 0 : i32
        %dma_start3A_155 = arith.constant 0 : i32
        %dma_start3A_156 = tpu.memref_slice %arg12[%run_scoped3A_90, %dma_start3A_154, %dma_start3A_155] : memref<2x128x128xf32, #tpu.memory_space<vmem>> -> memref<1x128x128xf32, #tpu.memory_space<vmem>>
        %dma_start3A_157 = tpu.memref_squeeze %dma_start3A_156 : memref<1x128x128xf32, #tpu.memory_space<vmem>> -> memref<128x128xf32, #tpu.memory_space<vmem>>
        %dma_start3A_158 = arith.constant 0 : i32
        %dma_start3A_159 = tpu.memref_slice %arg8[%run_scoped3A_91, %add3A_11, %dma_start3A_158] : memref<6x16384x128xf32, #tpu.memory_space<hbm>> -> memref<1x128x128xf32, #tpu.memory_space<hbm>>
        %dma_start3A_160 = tpu.memref_squeeze %dma_start3A_159 : memref<1x128x128xf32, #tpu.memory_space<hbm>> -> memref<128x128xf32, #tpu.memory_space<hbm>>
        %dma_start3A_161 = arith.constant 0 : i32
        %dma_start3A_162 = tpu.memref_slice %arg8[%run_scoped3A_91, %add3A_11, %dma_start3A_161] : memref<6x16384x128xf32, #tpu.memory_space<hbm>> -> memref<1x128x128xf32, #tpu.memory_space<hbm>>
        %dma_start3A_163 = tpu.memref_squeeze %dma_start3A_162 : memref<1x128x128xf32, #tpu.memory_space<hbm>> -> memref<128x128xf32, #tpu.memory_space<hbm>>
        %dma_start3A_164 = arith.constant 0 : i32
        %dma_start3A_165 = arith.constant 0 : i32
        %dma_start3A_166 = tpu.memref_slice %arg12[%run_scoped3A_90, %dma_start3A_164, %dma_start3A_165] : memref<2x128x128xf32, #tpu.memory_space<vmem>> -> memref<1x128x128xf32, #tpu.memory_space<vmem>>
        %dma_start3A_167 = tpu.memref_squeeze %dma_start3A_166 : memref<1x128x128xf32, #tpu.memory_space<vmem>> -> memref<128x128xf32, #tpu.memory_space<vmem>>
        tpu.enqueue_dma source(%dma_start3A_167 : memref<128x128xf32, #tpu.memory_space<vmem>>) target(%dma_start3A_163 : memref<128x128xf32, #tpu.memory_space<hbm>>) target_semaphore(%run_scoped3A_153 : memref<!tpu.dma_semaphore, #tpu.memory_space<semaphore_mem>>)
        %dma_wait3A_168 = arith.constant 0 : i32
        %dma_wait3A_169 = arith.constant 0 : i32
        %dma_wait3A_170 = tpu.memref_slice %arg12[%run_scoped3A_90, %dma_wait3A_168, %dma_wait3A_169] : memref<2x128x128xf32, #tpu.memory_space<vmem>> -> memref<1x128x128xf32, #tpu.memory_space<vmem>>
        %dma_wait3A_171 = tpu.memref_squeeze %dma_wait3A_170 : memref<1x128x128xf32, #tpu.memory_space<vmem>> -> memref<128x128xf32, #tpu.memory_space<vmem>>
        %dma_wait3A_172 = arith.constant 0 : i32
        %dma_wait3A_173 = tpu.memref_slice %arg8[%run_scoped3A_91, %add3A_11, %dma_wait3A_172] : memref<6x16384x128xf32, #tpu.memory_space<hbm>> -> memref<1x128x128xf32, #tpu.memory_space<hbm>>
        %dma_wait3A_174 = tpu.memref_squeeze %dma_wait3A_173 : memref<1x128x128xf32, #tpu.memory_space<hbm>> -> memref<128x128xf32, #tpu.memory_space<hbm>>
        %dma_wait3A_175 = arith.constant 0 : i32
        %dma_wait3A_176 = tpu.memref_slice %arg8[%run_scoped3A_91, %add3A_11, %dma_wait3A_175] : memref<6x16384x128xf32, #tpu.memory_space<hbm>> -> memref<1x128x128xf32, #tpu.memory_space<hbm>>
        %dma_wait3A_177 = tpu.memref_squeeze %dma_wait3A_176 : memref<1x128x128xf32, #tpu.memory_space<hbm>> -> memref<128x128xf32, #tpu.memory_space<hbm>>
        %dma_wait3A_178 = arith.constant 0 : i32
        %dma_wait3A_179 = arith.constant 0 : i32
        %dma_wait3A_180 = tpu.memref_slice %arg12[%run_scoped3A_90, %dma_wait3A_178, %dma_wait3A_179] : memref<2x128x128xf32, #tpu.memory_space<vmem>> -> memref<1x128x128xf32, #tpu.memory_space<vmem>>
        %dma_wait3A_181 = tpu.memref_squeeze %dma_wait3A_180 : memref<1x128x128xf32, #tpu.memory_space<vmem>> -> memref<128x128xf32, #tpu.memory_space<vmem>>
        tpu.wait_dma2 semaphore(%run_scoped3A_153 : memref<!tpu.dma_semaphore, #tpu.memory_space<semaphore_mem>>) src(%dma_wait3A_181 : memref<128x128xf32, #tpu.memory_space<vmem>>) dst(%dma_wait3A_177 : memref<128x128xf32, #tpu.memory_space<hbm>>)
        tpu.yield
      }) : () -> ()
      %dma_start3A_92 = arith.constant 0 : i32
      %dma_start3A_93 = arith.constant 0 : i32
      %dma_start3A_94 = arith.constant 0 : i32
      %dma_start3A_95 = tpu.memref_slice %arg12[%dma_start3A_92, %dma_start3A_93, %dma_start3A_94] : memref<2x128x128xf32, #tpu.memory_space<vmem>> -> memref<1x128x128xf32, #tpu.memory_space<vmem>>
      %dma_start3A_96 = tpu.memref_squeeze %dma_start3A_95 : memref<1x128x128xf32, #tpu.memory_space<vmem>> -> memref<128x128xf32, #tpu.memory_space<vmem>>
      %dma_start3A_97 = arith.constant 0 : i32
      %dma_start3A_98 = tpu.memref_slice %arg10[%scan3A_6, %dma_start3A_97] : memref<4x128xi32, #tpu.memory_space<vmem>> -> memref<1x128xi32, #tpu.memory_space<vmem>>
      %dma_start3A_99 = tpu.memref_squeeze %dma_start3A_98 : memref<1x128xi32, #tpu.memory_space<vmem>> -> memref<128xi32, #tpu.memory_space<vmem>>
      %dma_start3A_100 = arith.constant 0 : i32
      %dma_start3A_101 = arith.constant 0 : i32
      %dma_start3A_102 = tpu.memref_slice %arg6[%dma_start3A_100, %dma_start3A_101] : memref<100000x128xf32, #tpu.memory_space<hbm>> -> memref<100000x128xf32, #tpu.memory_space<hbm>>
      tpu.enqueue_indirect_dma source(%dma_start3A_102 : memref<100000x128xf32, #tpu.memory_space<hbm>>) target(%dma_start3A_96 : memref<128x128xf32, #tpu.memory_space<vmem>>) offsets(%dma_start3A_99 : memref<128xi32, #tpu.memory_space<vmem>>) semaphore(%arg13 : memref<!tpu.dma_semaphore, #tpu.memory_space<semaphore_mem>>)
      %dma_wait3A_103 = arith.constant 1 : i32
      %dma_wait3A_104 = arith.constant 0 : i32
      %dma_wait3A_105 = arith.constant 0 : i32
      %dma_wait3A_106 = tpu.memref_slice %arg12[%dma_wait3A_103, %dma_wait3A_104, %dma_wait3A_105] : memref<2x128x128xf32, #tpu.memory_space<vmem>> -> memref<1x128x128xf32, #tpu.memory_space<vmem>>
      %dma_wait3A_107 = tpu.memref_squeeze %dma_wait3A_106 : memref<1x128x128xf32, #tpu.memory_space<vmem>> -> memref<128x128xf32, #tpu.memory_space<vmem>>
      %dma_wait3A_108 = arith.constant 0 : i32
      %dma_wait3A_109 = tpu.memref_slice %arg10[%scan3A_6, %dma_wait3A_108] : memref<4x128xi32, #tpu.memory_space<vmem>> -> memref<1x128xi32, #tpu.memory_space<vmem>>
      %dma_wait3A_110 = tpu.memref_squeeze %dma_wait3A_109 : memref<1x128xi32, #tpu.memory_space<vmem>> -> memref<128xi32, #tpu.memory_space<vmem>>
      %dma_wait3A_111 = arith.constant 0 : i32
      %dma_wait3A_112 = arith.constant 0 : i32
      %dma_wait3A_113 = tpu.memref_slice %arg5[%dma_wait3A_111, %dma_wait3A_112] : memref<100000x128xf32, #tpu.memory_space<hbm>> -> memref<100000x128xf32, #tpu.memory_space<hbm>>
      tpu.wait_indirect_dma semaphore(%arg14 : memref<!tpu.dma_semaphore, #tpu.memory_space<semaphore_mem>>) src(%dma_wait3A_113 : memref<100000x128xf32, #tpu.memory_space<hbm>>) dst(%dma_wait3A_107 : memref<128x128xf32, #tpu.memory_space<vmem>>)
      %run_scoped3A_114 = arith.constant 1 : i32
      %run_scoped3A_115 = arith.constant 3 : i32
      "tpu.region"() ({
        %run_scoped3A_153 = tpu.sem_alloc : memref<!tpu.dma_semaphore, #tpu.memory_space<semaphore_mem>>
        %dma_start3A_154 = arith.constant 0 : i32
        %dma_start3A_155 = arith.constant 0 : i32
        %dma_start3A_156 = tpu.memref_slice %arg12[%run_scoped3A_114, %dma_start3A_154, %dma_start3A_155] : memref<2x128x128xf32, #tpu.memory_space<vmem>> -> memref<1x128x128xf32, #tpu.memory_space<vmem>>
        %dma_start3A_157 = tpu.memref_squeeze %dma_start3A_156 : memref<1x128x128xf32, #tpu.memory_space<vmem>> -> memref<128x128xf32, #tpu.memory_space<vmem>>
        %dma_start3A_158 = arith.constant 0 : i32
        %dma_start3A_159 = tpu.memref_slice %arg8[%run_scoped3A_115, %add3A_11, %dma_start3A_158] : memref<6x16384x128xf32, #tpu.memory_space<hbm>> -> memref<1x128x128xf32, #tpu.memory_space<hbm>>
        %dma_start3A_160 = tpu.memref_squeeze %dma_start3A_159 : memref<1x128x128xf32, #tpu.memory_space<hbm>> -> memref<128x128xf32, #tpu.memory_space<hbm>>
        %dma_start3A_161 = arith.constant 0 : i32
        %dma_start3A_162 = tpu.memref_slice %arg8[%run_scoped3A_115, %add3A_11, %dma_start3A_161] : memref<6x16384x128xf32, #tpu.memory_space<hbm>> -> memref<1x128x128xf32, #tpu.memory_space<hbm>>
        %dma_start3A_163 = tpu.memref_squeeze %dma_start3A_162 : memref<1x128x128xf32, #tpu.memory_space<hbm>> -> memref<128x128xf32, #tpu.memory_space<hbm>>
        %dma_start3A_164 = arith.constant 0 : i32
        %dma_start3A_165 = arith.constant 0 : i32
        %dma_start3A_166 = tpu.memref_slice %arg12[%run_scoped3A_114, %dma_start3A_164, %dma_start3A_165] : memref<2x128x128xf32, #tpu.memory_space<vmem>> -> memref<1x128x128xf32, #tpu.memory_space<vmem>>
        %dma_start3A_167 = tpu.memref_squeeze %dma_start3A_166 : memref<1x128x128xf32, #tpu.memory_space<vmem>> -> memref<128x128xf32, #tpu.memory_space<vmem>>
        tpu.enqueue_dma source(%dma_start3A_167 : memref<128x128xf32, #tpu.memory_space<vmem>>) target(%dma_start3A_163 : memref<128x128xf32, #tpu.memory_space<hbm>>) target_semaphore(%run_scoped3A_153 : memref<!tpu.dma_semaphore, #tpu.memory_space<semaphore_mem>>)
        %dma_wait3A_168 = arith.constant 0 : i32
        %dma_wait3A_169 = arith.constant 0 : i32
        %dma_wait3A_170 = tpu.memref_slice %arg12[%run_scoped3A_114, %dma_wait3A_168, %dma_wait3A_169] : memref<2x128x128xf32, #tpu.memory_space<vmem>> -> memref<1x128x128xf32, #tpu.memory_space<vmem>>
        %dma_wait3A_171 = tpu.memref_squeeze %dma_wait3A_170 : memref<1x128x128xf32, #tpu.memory_space<vmem>> -> memref<128x128xf32, #tpu.memory_space<vmem>>
        %dma_wait3A_172 = arith.constant 0 : i32
        %dma_wait3A_173 = tpu.memref_slice %arg8[%run_scoped3A_115, %add3A_11, %dma_wait3A_172] : memref<6x16384x128xf32, #tpu.memory_space<hbm>> -> memref<1x128x128xf32, #tpu.memory_space<hbm>>
        %dma_wait3A_174 = tpu.memref_squeeze %dma_wait3A_173 : memref<1x128x128xf32, #tpu.memory_space<hbm>> -> memref<128x128xf32, #tpu.memory_space<hbm>>
        %dma_wait3A_175 = arith.constant 0 : i32
        %dma_wait3A_176 = tpu.memref_slice %arg8[%run_scoped3A_115, %add3A_11, %dma_wait3A_175] : memref<6x16384x128xf32, #tpu.memory_space<hbm>> -> memref<1x128x128xf32, #tpu.memory_space<hbm>>
        %dma_wait3A_177 = tpu.memref_squeeze %dma_wait3A_176 : memref<1x128x128xf32, #tpu.memory_space<hbm>> -> memref<128x128xf32, #tpu.memory_space<hbm>>
        %dma_wait3A_178 = arith.constant 0 : i32
        %dma_wait3A_179 = arith.constant 0 : i32
        %dma_wait3A_180 = tpu.memref_slice %arg12[%run_scoped3A_114, %dma_wait3A_178, %dma_wait3A_179] : memref<2x128x128xf32, #tpu.memory_space<vmem>> -> memref<1x128x128xf32, #tpu.memory_space<vmem>>
        %dma_wait3A_181 = tpu.memref_squeeze %dma_wait3A_180 : memref<1x128x128xf32, #tpu.memory_space<vmem>> -> memref<128x128xf32, #tpu.memory_space<vmem>>
        tpu.wait_dma2 semaphore(%run_scoped3A_153 : memref<!tpu.dma_semaphore, #tpu.memory_space<semaphore_mem>>) src(%dma_wait3A_181 : memref<128x128xf32, #tpu.memory_space<vmem>>) dst(%dma_wait3A_177 : memref<128x128xf32, #tpu.memory_space<hbm>>)
        tpu.yield
      }) : () -> ()
      %dma_start3A_116 = arith.constant 1 : i32
      %dma_start3A_117 = arith.constant 0 : i32
      %dma_start3A_118 = arith.constant 0 : i32
      %dma_start3A_119 = tpu.memref_slice %arg12[%dma_start3A_116, %dma_start3A_117, %dma_start3A_118] : memref<2x128x128xf32, #tpu.memory_space<vmem>> -> memref<1x128x128xf32, #tpu.memory_space<vmem>>
      %dma_start3A_120 = tpu.memref_squeeze %dma_start3A_119 : memref<1x128x128xf32, #tpu.memory_space<vmem>> -> memref<128x128xf32, #tpu.memory_space<vmem>>
      %dma_start3A_121 = arith.constant 0 : i32
      %dma_start3A_122 = tpu.memref_slice %arg10[%scan3A_6, %dma_start3A_121] : memref<4x128xi32, #tpu.memory_space<vmem>> -> memref<1x128xi32, #tpu.memory_space<vmem>>
      %dma_start3A_123 = tpu.memref_squeeze %dma_start3A_122 : memref<1x128xi32, #tpu.memory_space<vmem>> -> memref<128xi32, #tpu.memory_space<vmem>>
      %dma_start3A_124 = arith.constant 0 : i32
      %dma_start3A_125 = arith.constant 0 : i32
      %dma_start3A_126 = tpu.memref_slice %arg7[%dma_start3A_124, %dma_start3A_125] : memref<100000x128xf32, #tpu.memory_space<hbm>> -> memref<100000x128xf32, #tpu.memory_space<hbm>>
      tpu.enqueue_indirect_dma source(%dma_start3A_126 : memref<100000x128xf32, #tpu.memory_space<hbm>>) target(%dma_start3A_120 : memref<128x128xf32, #tpu.memory_space<vmem>>) offsets(%dma_start3A_123 : memref<128xi32, #tpu.memory_space<vmem>>) semaphore(%arg14 : memref<!tpu.dma_semaphore, #tpu.memory_space<semaphore_mem>>)
      %dma_wait3A_127 = arith.constant 0 : i32
      %dma_wait3A_128 = arith.constant 0 : i32
      %dma_wait3A_129 = arith.constant 0 : i32
      %dma_wait3A_130 = tpu.memref_slice %arg12[%dma_wait3A_127, %dma_wait3A_128, %dma_wait3A_129] : memref<2x128x128xf32, #tpu.memory_space<vmem>> -> memref<1x128x128xf32, #tpu.memory_space<vmem>>
      %dma_wait3A_131 = tpu.memref_squeeze %dma_wait3A_130 : memref<1x128x128xf32, #tpu.memory_space<vmem>> -> memref<128x128xf32, #tpu.memory_space<vmem>>
      %dma_wait3A_132 = arith.constant 0 : i32
      %dma_wait3A_133 = tpu.memref_slice %arg10[%scan3A_6, %dma_wait3A_132] : memref<4x128xi32, #tpu.memory_space<vmem>> -> memref<1x128xi32, #tpu.memory_space<vmem>>
      %dma_wait3A_134 = tpu.memref_squeeze %dma_wait3A_133 : memref<1x128xi32, #tpu.memory_space<vmem>> -> memref<128xi32, #tpu.memory_space<vmem>>
      %dma_wait3A_135 = arith.constant 0 : i32
      %dma_wait3A_136 = arith.constant 0 : i32
      %dma_wait3A_137 = tpu.memref_slice %arg6[%dma_wait3A_135, %dma_wait3A_136] : memref<100000x128xf32, #tpu.memory_space<hbm>> -> memref<100000x128xf32, #tpu.memory_space<hbm>>
      tpu.wait_indirect_dma semaphore(%arg13 : memref<!tpu.dma_semaphore, #tpu.memory_space<semaphore_mem>>) src(%dma_wait3A_137 : memref<100000x128xf32, #tpu.memory_space<hbm>>) dst(%dma_wait3A_131 : memref<128x128xf32, #tpu.memory_space<vmem>>)
      %run_scoped3A_138 = arith.constant 0 : i32
      %run_scoped3A_139 = arith.constant 4 : i32
      "tpu.region"() ({
        %run_scoped3A_153 = tpu.sem_alloc : memref<!tpu.dma_semaphore, #tpu.memory_space<semaphore_mem>>
        %dma_start3A_154 = arith.constant 0 : i32
        %dma_start3A_155 = arith.constant 0 : i32
        %dma_start3A_156 = tpu.memref_slice %arg12[%run_scoped3A_138, %dma_start3A_154, %dma_start3A_155] : memref<2x128x128xf32, #tpu.memory_space<vmem>> -> memref<1x128x128xf32, #tpu.memory_space<vmem>>
        %dma_start3A_157 = tpu.memref_squeeze %dma_start3A_156 : memref<1x128x128xf32, #tpu.memory_space<vmem>> -> memref<128x128xf32, #tpu.memory_space<vmem>>
        %dma_start3A_158 = arith.constant 0 : i32
        %dma_start3A_159 = tpu.memref_slice %arg8[%run_scoped3A_139, %add3A_11, %dma_start3A_158] : memref<6x16384x128xf32, #tpu.memory_space<hbm>> -> memref<1x128x128xf32, #tpu.memory_space<hbm>>
        %dma_start3A_160 = tpu.memref_squeeze %dma_start3A_159 : memref<1x128x128xf32, #tpu.memory_space<hbm>> -> memref<128x128xf32, #tpu.memory_space<hbm>>
        %dma_start3A_161 = arith.constant 0 : i32
        %dma_start3A_162 = tpu.memref_slice %arg8[%run_scoped3A_139, %add3A_11, %dma_start3A_161] : memref<6x16384x128xf32, #tpu.memory_space<hbm>> -> memref<1x128x128xf32, #tpu.memory_space<hbm>>
        %dma_start3A_163 = tpu.memref_squeeze %dma_start3A_162 : memref<1x128x128xf32, #tpu.memory_space<hbm>> -> memref<128x128xf32, #tpu.memory_space<hbm>>
        %dma_start3A_164 = arith.constant 0 : i32
        %dma_start3A_165 = arith.constant 0 : i32
        %dma_start3A_166 = tpu.memref_slice %arg12[%run_scoped3A_138, %dma_start3A_164, %dma_start3A_165] : memref<2x128x128xf32, #tpu.memory_space<vmem>> -> memref<1x128x128xf32, #tpu.memory_space<vmem>>
        %dma_start3A_167 = tpu.memref_squeeze %dma_start3A_166 : memref<1x128x128xf32, #tpu.memory_space<vmem>> -> memref<128x128xf32, #tpu.memory_space<vmem>>
        tpu.enqueue_dma source(%dma_start3A_167 : memref<128x128xf32, #tpu.memory_space<vmem>>) target(%dma_start3A_163 : memref<128x128xf32, #tpu.memory_space<hbm>>) target_semaphore(%run_scoped3A_153 : memref<!tpu.dma_semaphore, #tpu.memory_space<semaphore_mem>>)
        %dma_wait3A_168 = arith.constant 0 : i32
        %dma_wait3A_169 = arith.constant 0 : i32
        %dma_wait3A_170 = tpu.memref_slice %arg12[%run_scoped3A_138, %dma_wait3A_168, %dma_wait3A_169] : memref<2x128x128xf32, #tpu.memory_space<vmem>> -> memref<1x128x128xf32, #tpu.memory_space<vmem>>
        %dma_wait3A_171 = tpu.memref_squeeze %dma_wait3A_170 : memref<1x128x128xf32, #tpu.memory_space<vmem>> -> memref<128x128xf32, #tpu.memory_space<vmem>>
        %dma_wait3A_172 = arith.constant 0 : i32
        %dma_wait3A_173 = tpu.memref_slice %arg8[%run_scoped3A_139, %add3A_11, %dma_wait3A_172] : memref<6x16384x128xf32, #tpu.memory_space<hbm>> -> memref<1x128x128xf32, #tpu.memory_space<hbm>>
        %dma_wait3A_174 = tpu.memref_squeeze %dma_wait3A_173 : memref<1x128x128xf32, #tpu.memory_space<hbm>> -> memref<128x128xf32, #tpu.memory_space<hbm>>
        %dma_wait3A_175 = arith.constant 0 : i32
        %dma_wait3A_176 = tpu.memref_slice %arg8[%run_scoped3A_139, %add3A_11, %dma_wait3A_175] : memref<6x16384x128xf32, #tpu.memory_space<hbm>> -> memref<1x128x128xf32, #tpu.memory_space<hbm>>
        %dma_wait3A_177 = tpu.memref_squeeze %dma_wait3A_176 : memref<1x128x128xf32, #tpu.memory_space<hbm>> -> memref<128x128xf32, #tpu.memory_space<hbm>>
        %dma_wait3A_178 = arith.constant 0 : i32
        %dma_wait3A_179 = arith.constant 0 : i32
        %dma_wait3A_180 = tpu.memref_slice %arg12[%run_scoped3A_138, %dma_wait3A_178, %dma_wait3A_179] : memref<2x128x128xf32, #tpu.memory_space<vmem>> -> memref<1x128x128xf32, #tpu.memory_space<vmem>>
        %dma_wait3A_181 = tpu.memref_squeeze %dma_wait3A_180 : memref<1x128x128xf32, #tpu.memory_space<vmem>> -> memref<128x128xf32, #tpu.memory_space<vmem>>
        tpu.wait_dma2 semaphore(%run_scoped3A_153 : memref<!tpu.dma_semaphore, #tpu.memory_space<semaphore_mem>>) src(%dma_wait3A_181 : memref<128x128xf32, #tpu.memory_space<vmem>>) dst(%dma_wait3A_177 : memref<128x128xf32, #tpu.memory_space<hbm>>)
        tpu.yield
      }) : () -> ()
      %dma_wait3A_140 = arith.constant 1 : i32
      %dma_wait3A_141 = arith.constant 0 : i32
      %dma_wait3A_142 = arith.constant 0 : i32
      %dma_wait3A_143 = tpu.memref_slice %arg12[%dma_wait3A_140, %dma_wait3A_141, %dma_wait3A_142] : memref<2x128x128xf32, #tpu.memory_space<vmem>> -> memref<1x128x128xf32, #tpu.memory_space<vmem>>
      %dma_wait3A_144 = tpu.memref_squeeze %dma_wait3A_143 : memref<1x128x128xf32, #tpu.memory_space<vmem>> -> memref<128x128xf32, #tpu.memory_space<vmem>>
      %dma_wait3A_145 = arith.constant 0 : i32
      %dma_wait3A_146 = tpu.memref_slice %arg10[%scan3A_6, %dma_wait3A_145] : memref<4x128xi32, #tpu.memory_space<vmem>> -> memref<1x128xi32, #tpu.memory_space<vmem>>
      %dma_wait3A_147 = tpu.memref_squeeze %dma_wait3A_146 : memref<1x128xi32, #tpu.memory_space<vmem>> -> memref<128xi32, #tpu.memory_space<vmem>>
      %dma_wait3A_148 = arith.constant 0 : i32
      %dma_wait3A_149 = arith.constant 0 : i32
      %dma_wait3A_150 = tpu.memref_slice %arg7[%dma_wait3A_148, %dma_wait3A_149] : memref<100000x128xf32, #tpu.memory_space<hbm>> -> memref<100000x128xf32, #tpu.memory_space<hbm>>
      tpu.wait_indirect_dma semaphore(%arg14 : memref<!tpu.dma_semaphore, #tpu.memory_space<semaphore_mem>>) src(%dma_wait3A_150 : memref<100000x128xf32, #tpu.memory_space<hbm>>) dst(%dma_wait3A_144 : memref<128x128xf32, #tpu.memory_space<vmem>>)
      %run_scoped3A_151 = arith.constant 1 : i32
      %run_scoped3A_152 = arith.constant 5 : i32
      "tpu.region"() ({
        %run_scoped3A_153 = tpu.sem_alloc : memref<!tpu.dma_semaphore, #tpu.memory_space<semaphore_mem>>
        %dma_start3A_154 = arith.constant 0 : i32
        %dma_start3A_155 = arith.constant 0 : i32
        %dma_start3A_156 = tpu.memref_slice %arg12[%run_scoped3A_151, %dma_start3A_154, %dma_start3A_155] : memref<2x128x128xf32, #tpu.memory_space<vmem>> -> memref<1x128x128xf32, #tpu.memory_space<vmem>>
        %dma_start3A_157 = tpu.memref_squeeze %dma_start3A_156 : memref<1x128x128xf32, #tpu.memory_space<vmem>> -> memref<128x128xf32, #tpu.memory_space<vmem>>
        %dma_start3A_158 = arith.constant 0 : i32
        %dma_start3A_159 = tpu.memref_slice %arg8[%run_scoped3A_152, %add3A_11, %dma_start3A_158] : memref<6x16384x128xf32, #tpu.memory_space<hbm>> -> memref<1x128x128xf32, #tpu.memory_space<hbm>>
        %dma_start3A_160 = tpu.memref_squeeze %dma_start3A_159 : memref<1x128x128xf32, #tpu.memory_space<hbm>> -> memref<128x128xf32, #tpu.memory_space<hbm>>
        %dma_start3A_161 = arith.constant 0 : i32
        %dma_start3A_162 = tpu.memref_slice %arg8[%run_scoped3A_152, %add3A_11, %dma_start3A_161] : memref<6x16384x128xf32, #tpu.memory_space<hbm>> -> memref<1x128x128xf32, #tpu.memory_space<hbm>>
        %dma_start3A_163 = tpu.memref_squeeze %dma_start3A_162 : memref<1x128x128xf32, #tpu.memory_space<hbm>> -> memref<128x128xf32, #tpu.memory_space<hbm>>
        %dma_start3A_164 = arith.constant 0 : i32
        %dma_start3A_165 = arith.constant 0 : i32
        %dma_start3A_166 = tpu.memref_slice %arg12[%run_scoped3A_151, %dma_start3A_164, %dma_start3A_165] : memref<2x128x128xf32, #tpu.memory_space<vmem>> -> memref<1x128x128xf32, #tpu.memory_space<vmem>>
        %dma_start3A_167 = tpu.memref_squeeze %dma_start3A_166 : memref<1x128x128xf32, #tpu.memory_space<vmem>> -> memref<128x128xf32, #tpu.memory_space<vmem>>
        tpu.enqueue_dma source(%dma_start3A_167 : memref<128x128xf32, #tpu.memory_space<vmem>>) target(%dma_start3A_163 : memref<128x128xf32, #tpu.memory_space<hbm>>) target_semaphore(%run_scoped3A_153 : memref<!tpu.dma_semaphore, #tpu.memory_space<semaphore_mem>>)
        %dma_wait3A_168 = arith.constant 0 : i32
        %dma_wait3A_169 = arith.constant 0 : i32
        %dma_wait3A_170 = tpu.memref_slice %arg12[%run_scoped3A_151, %dma_wait3A_168, %dma_wait3A_169] : memref<2x128x128xf32, #tpu.memory_space<vmem>> -> memref<1x128x128xf32, #tpu.memory_space<vmem>>
        %dma_wait3A_171 = tpu.memref_squeeze %dma_wait3A_170 : memref<1x128x128xf32, #tpu.memory_space<vmem>> -> memref<128x128xf32, #tpu.memory_space<vmem>>
        %dma_wait3A_172 = arith.constant 0 : i32
        %dma_wait3A_173 = tpu.memref_slice %arg8[%run_scoped3A_152, %add3A_11, %dma_wait3A_172] : memref<6x16384x128xf32, #tpu.memory_space<hbm>> -> memref<1x128x128xf32, #tpu.memory_space<hbm>>
        %dma_wait3A_174 = tpu.memref_squeeze %dma_wait3A_173 : memref<1x128x128xf32, #tpu.memory_space<hbm>> -> memref<128x128xf32, #tpu.memory_space<hbm>>
        %dma_wait3A_175 = arith.constant 0 : i32
        %dma_wait3A_176 = tpu.memref_slice %arg8[%run_scoped3A_152, %add3A_11, %dma_wait3A_175] : memref<6x16384x128xf32, #tpu.memory_space<hbm>> -> memref<1x128x128xf32, #tpu.memory_space<hbm>>
        %dma_wait3A_177 = tpu.memref_squeeze %dma_wait3A_176 : memref<1x128x128xf32, #tpu.memory_space<hbm>> -> memref<128x128xf32, #tpu.memory_space<hbm>>
        %dma_wait3A_178 = arith.constant 0 : i32
        %dma_wait3A_179 = arith.constant 0 : i32
        %dma_wait3A_180 = tpu.memref_slice %arg12[%run_scoped3A_151, %dma_wait3A_178, %dma_wait3A_179] : memref<2x128x128xf32, #tpu.memory_space<vmem>> -> memref<1x128x128xf32, #tpu.memory_space<vmem>>
        %dma_wait3A_181 = tpu.memref_squeeze %dma_wait3A_180 : memref<1x128x128xf32, #tpu.memory_space<vmem>> -> memref<128x128xf32, #tpu.memory_space<vmem>>
        tpu.wait_dma2 semaphore(%run_scoped3A_153 : memref<!tpu.dma_semaphore, #tpu.memory_space<semaphore_mem>>) src(%dma_wait3A_181 : memref<128x128xf32, #tpu.memory_space<vmem>>) dst(%dma_wait3A_177 : memref<128x128xf32, #tpu.memory_space<hbm>>)
        tpu.yield
      }) : () -> ()
    }
    %scan3A_5 = arith.constant 4 : i32
    return
  }
}

#map = affine_map<(d0, d1) -> (0, 0, 0)>
#map1 = affine_map<(d0, d1) -> (0, 0)>
module attributes {stable_mosaic.version = 14 : i64} {
  func.func @body(%arg0: i32, %arg1: i32, %arg2: memref<32x4x128xi32, #tpu.memory_space<hbm>>, %arg3: memref<32x4x128xi32, #tpu.memory_space<hbm>>, %arg4: memref<32x4x128xi32, #tpu.memory_space<hbm>>, %arg5: memref<100000x128xf32, #tpu.memory_space<hbm>>, %arg6: memref<100000x128xf32, #tpu.memory_space<hbm>>, %arg7: memref<100000x128xf32, #tpu.memory_space<hbm>>, %arg8: memref<6x16384x128xf32, #tpu.memory_space<hbm>>, %arg9: memref<4x128xi32, #tpu.memory_space<vmem>>, %arg10: memref<4x128xi32, #tpu.memory_space<vmem>>, %arg11: memref<4x128xi32, #tpu.memory_space<vmem>>, %arg12: memref<2x128x128xf32, #tpu.memory_space<vmem>>, %arg13: memref<!tpu.dma_semaphore, #tpu.memory_space<semaphore_mem>>, %arg14: memref<!tpu.dma_semaphore, #tpu.memory_space<semaphore_mem>>) attributes {dimension_semantics = [#tpu.dimension_semantics<core_parallel>, #tpu.dimension_semantics<subcore_parallel>], iteration_bounds = array<i64: 2, 16>, scalar_prefetch = 0 : i64, scratch_operands = 6 : i64, tpu.core_type = #tpu.core_type<sc_vector_subcore>, window_params = [{transform_indices = #map}, {transform_indices = #map}, {transform_indices = #map}, {transform_indices = #map1}, {transform_indices = #map1}, {transform_indices = #map1}, {transform_indices = #map}]} {
    %mul3A = arith.constant 2 : i32
    %mul3A_0 = arith.muli %arg1, %mul3A : i32
    %add3A = arith.addi %mul3A_0, %arg0 : i32
    "tpu.region"() ({
      %run_scoped3A = tpu.sem_alloc : memref<!tpu.dma_semaphore, #tpu.memory_space<semaphore_mem>>
      %dma_start3A = arith.constant 0 : i32
      %dma_start3A_6 = arith.constant 0 : i32
      %dma_start3A_7 = tpu.memref_slice %arg2[%add3A, %dma_start3A, %dma_start3A_6] : memref<32x4x128xi32, #tpu.memory_space<hbm>> -> memref<1x4x128xi32, #tpu.memory_space<hbm>>
      %dma_start3A_8 = tpu.memref_squeeze %dma_start3A_7 : memref<1x4x128xi32, #tpu.memory_space<hbm>> -> memref<4x128xi32, #tpu.memory_space<hbm>>
      %dma_start3A_9 = arith.constant 0 : i32
      %dma_start3A_10 = arith.constant 0 : i32
      %dma_start3A_11 = tpu.memref_slice %arg2[%add3A, %dma_start3A_9, %dma_start3A_10] : memref<32x4x128xi32, #tpu.memory_space<hbm>> -> memref<1x4x128xi32, #tpu.memory_space<hbm>>
      %dma_start3A_12 = tpu.memref_squeeze %dma_start3A_11 : memref<1x4x128xi32, #tpu.memory_space<hbm>> -> memref<4x128xi32, #tpu.memory_space<hbm>>
      tpu.enqueue_dma source(%dma_start3A_12 : memref<4x128xi32, #tpu.memory_space<hbm>>) target(%arg9 : memref<4x128xi32, #tpu.memory_space<vmem>>) target_semaphore(%run_scoped3A : memref<!tpu.dma_semaphore, #tpu.memory_space<semaphore_mem>>)
      %dma_wait3A = arith.constant 0 : i32
      %dma_wait3A_13 = arith.constant 0 : i32
      %dma_wait3A_14 = tpu.memref_slice %arg2[%add3A, %dma_wait3A, %dma_wait3A_13] : memref<32x4x128xi32, #tpu.memory_space<hbm>> -> memref<1x4x128xi32, #tpu.memory_space<hbm>>
      %dma_wait3A_15 = tpu.memref_squeeze %dma_wait3A_14 : memref<1x4x128xi32, #tpu.memory_space<hbm>> -> memref<4x128xi32, #tpu.memory_space<hbm>>
      %dma_wait3A_16 = arith.constant 0 : i32
      %dma_wait3A_17 = arith.constant 0 : i32
      %dma_wait3A_18 = tpu.memref_slice %arg2[%add3A, %dma_wait3A_16, %dma_wait3A_17] : memref<32x4x128xi32, #tpu.memory_space<hbm>> -> memref<1x4x128xi32, #tpu.memory_space<hbm>>
      %dma_wait3A_19 = tpu.memref_squeeze %dma_wait3A_18 : memref<1x4x128xi32, #tpu.memory_space<hbm>> -> memref<4x128xi32, #tpu.memory_space<hbm>>
      tpu.wait_dma2 semaphore(%run_scoped3A : memref<!tpu.dma_semaphore, #tpu.memory_space<semaphore_mem>>) src(%dma_wait3A_19 : memref<4x128xi32, #tpu.memory_space<hbm>>) dst(%arg9 : memref<4x128xi32, #tpu.memory_space<vmem>>)
      tpu.yield
    }) : () -> ()
    "tpu.region"() ({
      %run_scoped3A = tpu.sem_alloc : memref<!tpu.dma_semaphore, #tpu.memory_space<semaphore_mem>>
      %dma_start3A = arith.constant 0 : i32
      %dma_start3A_6 = arith.constant 0 : i32
      %dma_start3A_7 = tpu.memref_slice %arg3[%add3A, %dma_start3A, %dma_start3A_6] : memref<32x4x128xi32, #tpu.memory_space<hbm>> -> memref<1x4x128xi32, #tpu.memory_space<hbm>>
      %dma_start3A_8 = tpu.memref_squeeze %dma_start3A_7 : memref<1x4x128xi32, #tpu.memory_space<hbm>> -> memref<4x128xi32, #tpu.memory_space<hbm>>
      %dma_start3A_9 = arith.constant 0 : i32
      %dma_start3A_10 = arith.constant 0 : i32
      %dma_start3A_11 = tpu.memref_slice %arg3[%add3A, %dma_start3A_9, %dma_start3A_10] : memref<32x4x128xi32, #tpu.memory_space<hbm>> -> memref<1x4x128xi32, #tpu.memory_space<hbm>>
      %dma_start3A_12 = tpu.memref_squeeze %dma_start3A_11 : memref<1x4x128xi32, #tpu.memory_space<hbm>> -> memref<4x128xi32, #tpu.memory_space<hbm>>
      tpu.enqueue_dma source(%dma_start3A_12 : memref<4x128xi32, #tpu.memory_space<hbm>>) target(%arg10 : memref<4x128xi32, #tpu.memory_space<vmem>>) target_semaphore(%run_scoped3A : memref<!tpu.dma_semaphore, #tpu.memory_space<semaphore_mem>>)
      %dma_wait3A = arith.constant 0 : i32
      %dma_wait3A_13 = arith.constant 0 : i32
      %dma_wait3A_14 = tpu.memref_slice %arg3[%add3A, %dma_wait3A, %dma_wait3A_13] : memref<32x4x128xi32, #tpu.memory_space<hbm>> -> memref<1x4x128xi32, #tpu.memory_space<hbm>>
      %dma_wait3A_15 = tpu.memref_squeeze %dma_wait3A_14 : memref<1x4x128xi32, #tpu.memory_space<hbm>> -> memref<4x128xi32, #tpu.memory_space<hbm>>
      %dma_wait3A_16 = arith.constant 0 : i32
      %dma_wait3A_17 = arith.constant 0 : i32
      %dma_wait3A_18 = tpu.memref_slice %arg3[%add3A, %dma_wait3A_16, %dma_wait3A_17] : memref<32x4x128xi32, #tpu.memory_space<hbm>> -> memref<1x4x128xi32, #tpu.memory_space<hbm>>
      %dma_wait3A_19 = tpu.memref_squeeze %dma_wait3A_18 : memref<1x4x128xi32, #tpu.memory_space<hbm>> -> memref<4x128xi32, #tpu.memory_space<hbm>>
      tpu.wait_dma2 semaphore(%run_scoped3A : memref<!tpu.dma_semaphore, #tpu.memory_space<semaphore_mem>>) src(%dma_wait3A_19 : memref<4x128xi32, #tpu.memory_space<hbm>>) dst(%arg10 : memref<4x128xi32, #tpu.memory_space<vmem>>)
      tpu.yield
    }) : () -> ()
    "tpu.region"() ({
      %run_scoped3A = tpu.sem_alloc : memref<!tpu.dma_semaphore, #tpu.memory_space<semaphore_mem>>
      %dma_start3A = arith.constant 0 : i32
      %dma_start3A_6 = arith.constant 0 : i32
      %dma_start3A_7 = tpu.memref_slice %arg4[%add3A, %dma_start3A, %dma_start3A_6] : memref<32x4x128xi32, #tpu.memory_space<hbm>> -> memref<1x4x128xi32, #tpu.memory_space<hbm>>
      %dma_start3A_8 = tpu.memref_squeeze %dma_start3A_7 : memref<1x4x128xi32, #tpu.memory_space<hbm>> -> memref<4x128xi32, #tpu.memory_space<hbm>>
      %dma_start3A_9 = arith.constant 0 : i32
      %dma_start3A_10 = arith.constant 0 : i32
      %dma_start3A_11 = tpu.memref_slice %arg4[%add3A, %dma_start3A_9, %dma_start3A_10] : memref<32x4x128xi32, #tpu.memory_space<hbm>> -> memref<1x4x128xi32, #tpu.memory_space<hbm>>
      %dma_start3A_12 = tpu.memref_squeeze %dma_start3A_11 : memref<1x4x128xi32, #tpu.memory_space<hbm>> -> memref<4x128xi32, #tpu.memory_space<hbm>>
      tpu.enqueue_dma source(%dma_start3A_12 : memref<4x128xi32, #tpu.memory_space<hbm>>) target(%arg11 : memref<4x128xi32, #tpu.memory_space<vmem>>) target_semaphore(%run_scoped3A : memref<!tpu.dma_semaphore, #tpu.memory_space<semaphore_mem>>)
      %dma_wait3A = arith.constant 0 : i32
      %dma_wait3A_13 = arith.constant 0 : i32
      %dma_wait3A_14 = tpu.memref_slice %arg4[%add3A, %dma_wait3A, %dma_wait3A_13] : memref<32x4x128xi32, #tpu.memory_space<hbm>> -> memref<1x4x128xi32, #tpu.memory_space<hbm>>
      %dma_wait3A_15 = tpu.memref_squeeze %dma_wait3A_14 : memref<1x4x128xi32, #tpu.memory_space<hbm>> -> memref<4x128xi32, #tpu.memory_space<hbm>>
      %dma_wait3A_16 = arith.constant 0 : i32
      %dma_wait3A_17 = arith.constant 0 : i32
      %dma_wait3A_18 = tpu.memref_slice %arg4[%add3A, %dma_wait3A_16, %dma_wait3A_17] : memref<32x4x128xi32, #tpu.memory_space<hbm>> -> memref<1x4x128xi32, #tpu.memory_space<hbm>>
      %dma_wait3A_19 = tpu.memref_squeeze %dma_wait3A_18 : memref<1x4x128xi32, #tpu.memory_space<hbm>> -> memref<4x128xi32, #tpu.memory_space<hbm>>
      tpu.wait_dma2 semaphore(%run_scoped3A : memref<!tpu.dma_semaphore, #tpu.memory_space<semaphore_mem>>) src(%dma_wait3A_19 : memref<4x128xi32, #tpu.memory_space<hbm>>) dst(%arg11 : memref<4x128xi32, #tpu.memory_space<vmem>>)
      tpu.yield
    }) : () -> ()
    %scan3A = arith.constant 0 : i32
    %scan3A_1 = arith.constant 0 : i32
    %scan3A_2 = arith.constant 4 : i32
    %scan3A_3 = arith.addi %scan3A_1, %scan3A_2 : i32
    %scan3A_4 = arith.constant 1 : i32
    scf.for %scan3A_6 = %scan3A_1 to %scan3A_3 step %scan3A_4  : i32 {
      %mul3A_7 = arith.constant 512 : i32
      %mul3A_8 = arith.muli %add3A, %mul3A_7 : i32
      %mul3A_9 = arith.constant 128 : i32
      %mul3A_10 = arith.muli %scan3A_6, %mul3A_9 : i32
      %add3A_11 = arith.addi %mul3A_8, %mul3A_10 : i32
      %dma_start3A = arith.constant 0 : i32
      %dma_start3A_12 = arith.constant 0 : i32
      %dma_start3A_13 = arith.constant 0 : i32
      %dma_start3A_14 = tpu.memref_slice %arg12[%dma_start3A, %dma_start3A_12, %dma_start3A_13] : memref<2x128x128xf32, #tpu.memory_space<vmem>> -> memref<1x128x128xf32, #tpu.memory_space<vmem>>
      %dma_start3A_15 = tpu.memref_squeeze %dma_start3A_14 : memref<1x128x128xf32, #tpu.memory_space<vmem>> -> memref<128x128xf32, #tpu.memory_space<vmem>>
      %dma_start3A_16 = arith.constant 0 : i32
      %dma_start3A_17 = tpu.memref_slice %arg9[%scan3A_6, %dma_start3A_16] : memref<4x128xi32, #tpu.memory_space<vmem>> -> memref<1x128xi32, #tpu.memory_space<vmem>>
      %dma_start3A_18 = tpu.memref_squeeze %dma_start3A_17 : memref<1x128xi32, #tpu.memory_space<vmem>> -> memref<128xi32, #tpu.memory_space<vmem>>
      %dma_start3A_19 = arith.constant 0 : i32
      %dma_start3A_20 = arith.constant 0 : i32
      %dma_start3A_21 = tpu.memref_slice %arg5[%dma_start3A_19, %dma_start3A_20] : memref<100000x128xf32, #tpu.memory_space<hbm>> -> memref<100000x128xf32, #tpu.memory_space<hbm>>
      tpu.enqueue_indirect_dma source(%dma_start3A_21 : memref<100000x128xf32, #tpu.memory_space<hbm>>) target(%dma_start3A_15 : memref<128x128xf32, #tpu.memory_space<vmem>>) offsets(%dma_start3A_18 : memref<128xi32, #tpu.memory_space<vmem>>) semaphore(%arg13 : memref<!tpu.dma_semaphore, #tpu.memory_space<semaphore_mem>>)
      %dma_start3A_22 = arith.constant 1 : i32
      %dma_start3A_23 = arith.constant 0 : i32
      %dma_start3A_24 = arith.constant 0 : i32
      %dma_start3A_25 = tpu.memref_slice %arg12[%dma_start3A_22, %dma_start3A_23, %dma_start3A_24] : memref<2x128x128xf32, #tpu.memory_space<vmem>> -> memref<1x128x128xf32, #tpu.memory_space<vmem>>
      %dma_start3A_26 = tpu.memref_squeeze %dma_start3A_25 : memref<1x128x128xf32, #tpu.memory_space<vmem>> -> memref<128x128xf32, #tpu.memory_space<vmem>>
      %dma_start3A_27 = arith.constant 0 : i32
      %dma_start3A_28 = tpu.memref_slice %arg9[%scan3A_6, %dma_start3A_27] : memref<4x128xi32, #tpu.memory_space<vmem>> -> memref<1x128xi32, #tpu.memory_space<vmem>>
      %dma_start3A_29 = tpu.memref_squeeze %dma_start3A_28 : memref<1x128xi32, #tpu.memory_space<vmem>> -> memref<128xi32, #tpu.memory_space<vmem>>
      %dma_start3A_30 = arith.constant 0 : i32
      %dma_start3A_31 = arith.constant 0 : i32
      %dma_start3A_32 = tpu.memref_slice %arg6[%dma_start3A_30, %dma_start3A_31] : memref<100000x128xf32, #tpu.memory_space<hbm>> -> memref<100000x128xf32, #tpu.memory_space<hbm>>
      tpu.enqueue_indirect_dma source(%dma_start3A_32 : memref<100000x128xf32, #tpu.memory_space<hbm>>) target(%dma_start3A_26 : memref<128x128xf32, #tpu.memory_space<vmem>>) offsets(%dma_start3A_29 : memref<128xi32, #tpu.memory_space<vmem>>) semaphore(%arg14 : memref<!tpu.dma_semaphore, #tpu.memory_space<semaphore_mem>>)
      %dma_wait3A = arith.constant 0 : i32
      %dma_wait3A_33 = arith.constant 0 : i32
      %dma_wait3A_34 = arith.constant 0 : i32
      %dma_wait3A_35 = tpu.memref_slice %arg12[%dma_wait3A, %dma_wait3A_33, %dma_wait3A_34] : memref<2x128x128xf32, #tpu.memory_space<vmem>> -> memref<1x128x128xf32, #tpu.memory_space<vmem>>
      %dma_wait3A_36 = tpu.memref_squeeze %dma_wait3A_35 : memref<1x128x128xf32, #tpu.memory_space<vmem>> -> memref<128x128xf32, #tpu.memory_space<vmem>>
      %dma_wait3A_37 = arith.constant 0 : i32
      %dma_wait3A_38 = tpu.memref_slice %arg9[%scan3A_6, %dma_wait3A_37] : memref<4x128xi32, #tpu.memory_space<vmem>> -> memref<1x128xi32, #tpu.memory_space<vmem>>
      %dma_wait3A_39 = tpu.memref_squeeze %dma_wait3A_38 : memref<1x128xi32, #tpu.memory_space<vmem>> -> memref<128xi32, #tpu.memory_space<vmem>>
      %dma_wait3A_40 = arith.constant 0 : i32
      %dma_wait3A_41 = arith.constant 0 : i32
      %dma_wait3A_42 = tpu.memref_slice %arg5[%dma_wait3A_40, %dma_wait3A_41] : memref<100000x128xf32, #tpu.memory_space<hbm>> -> memref<100000x128xf32, #tpu.memory_space<hbm>>
      tpu.wait_indirect_dma semaphore(%arg13 : memref<!tpu.dma_semaphore, #tpu.memory_space<semaphore_mem>>) src(%dma_wait3A_42 : memref<100000x128xf32, #tpu.memory_space<hbm>>) dst(%dma_wait3A_36 : memref<128x128xf32, #tpu.memory_space<vmem>>)
      %run_scoped3A = arith.constant 0 : i32
      %run_scoped3A_43 = arith.constant 0 : i32
      "tpu.region"() ({
        %run_scoped3A_153 = tpu.sem_alloc : memref<!tpu.dma_semaphore, #tpu.memory_space<semaphore_mem>>
        %dma_start3A_154 = arith.constant 0 : i32
        %dma_start3A_155 = arith.constant 0 : i32
        %dma_start3A_156 = tpu.memref_slice %arg12[%run_scoped3A, %dma_start3A_154, %dma_start3A_155] : memref<2x128x128xf32, #tpu.memory_space<vmem>> -> memref<1x128x128xf32, #tpu.memory_space<vmem>>
        %dma_start3A_157 = tpu.memref_squeeze %dma_start3A_156 : memref<1x128x128xf32, #tpu.memory_space<vmem>> -> memref<128x128xf32, #tpu.memory_space<vmem>>
        %dma_start3A_158 = arith.constant 0 : i32
        %dma_start3A_159 = tpu.memref_slice %arg8[%run_scoped3A_43, %add3A_11, %dma_start3A_158] : memref<6x16384x128xf32, #tpu.memory_space<hbm>> -> memref<1x128x128xf32, #tpu.memory_space<hbm>>
        %dma_start3A_160 = tpu.memref_squeeze %dma_start3A_159 : memref<1x128x128xf32, #tpu.memory_space<hbm>> -> memref<128x128xf32, #tpu.memory_space<hbm>>
        %dma_start3A_161 = arith.constant 0 : i32
        %dma_start3A_162 = tpu.memref_slice %arg8[%run_scoped3A_43, %add3A_11, %dma_start3A_161] : memref<6x16384x128xf32, #tpu.memory_space<hbm>> -> memref<1x128x128xf32, #tpu.memory_space<hbm>>
        %dma_start3A_163 = tpu.memref_squeeze %dma_start3A_162 : memref<1x128x128xf32, #tpu.memory_space<hbm>> -> memref<128x128xf32, #tpu.memory_space<hbm>>
        %dma_start3A_164 = arith.constant 0 : i32
        %dma_start3A_165 = arith.constant 0 : i32
        %dma_start3A_166 = tpu.memref_slice %arg12[%run_scoped3A, %dma_start3A_164, %dma_start3A_165] : memref<2x128x128xf32, #tpu.memory_space<vmem>> -> memref<1x128x128xf32, #tpu.memory_space<vmem>>
        %dma_start3A_167 = tpu.memref_squeeze %dma_start3A_166 : memref<1x128x128xf32, #tpu.memory_space<vmem>> -> memref<128x128xf32, #tpu.memory_space<vmem>>
        tpu.enqueue_dma source(%dma_start3A_167 : memref<128x128xf32, #tpu.memory_space<vmem>>) target(%dma_start3A_163 : memref<128x128xf32, #tpu.memory_space<hbm>>) target_semaphore(%run_scoped3A_153 : memref<!tpu.dma_semaphore, #tpu.memory_space<semaphore_mem>>)
        %dma_wait3A_168 = arith.constant 0 : i32
        %dma_wait3A_169 = arith.constant 0 : i32
        %dma_wait3A_170 = tpu.memref_slice %arg12[%run_scoped3A, %dma_wait3A_168, %dma_wait3A_169] : memref<2x128x128xf32, #tpu.memory_space<vmem>> -> memref<1x128x128xf32, #tpu.memory_space<vmem>>
        %dma_wait3A_171 = tpu.memref_squeeze %dma_wait3A_170 : memref<1x128x128xf32, #tpu.memory_space<vmem>> -> memref<128x128xf32, #tpu.memory_space<vmem>>
        %dma_wait3A_172 = arith.constant 0 : i32
        %dma_wait3A_173 = tpu.memref_slice %arg8[%run_scoped3A_43, %add3A_11, %dma_wait3A_172] : memref<6x16384x128xf32, #tpu.memory_space<hbm>> -> memref<1x128x128xf32, #tpu.memory_space<hbm>>
        %dma_wait3A_174 = tpu.memref_squeeze %dma_wait3A_173 : memref<1x128x128xf32, #tpu.memory_space<hbm>> -> memref<128x128xf32, #tpu.memory_space<hbm>>
        %dma_wait3A_175 = arith.constant 0 : i32
        %dma_wait3A_176 = tpu.memref_slice %arg8[%run_scoped3A_43, %add3A_11, %dma_wait3A_175] : memref<6x16384x128xf32, #tpu.memory_space<hbm>> -> memref<1x128x128xf32, #tpu.memory_space<hbm>>
        %dma_wait3A_177 = tpu.memref_squeeze %dma_wait3A_176 : memref<1x128x128xf32, #tpu.memory_space<hbm>> -> memref<128x128xf32, #tpu.memory_space<hbm>>
        %dma_wait3A_178 = arith.constant 0 : i32
        %dma_wait3A_179 = arith.constant 0 : i32
        %dma_wait3A_180 = tpu.memref_slice %arg12[%run_scoped3A, %dma_wait3A_178, %dma_wait3A_179] : memref<2x128x128xf32, #tpu.memory_space<vmem>> -> memref<1x128x128xf32, #tpu.memory_space<vmem>>
        %dma_wait3A_181 = tpu.memref_squeeze %dma_wait3A_180 : memref<1x128x128xf32, #tpu.memory_space<vmem>> -> memref<128x128xf32, #tpu.memory_space<vmem>>
        tpu.wait_dma2 semaphore(%run_scoped3A_153 : memref<!tpu.dma_semaphore, #tpu.memory_space<semaphore_mem>>) src(%dma_wait3A_181 : memref<128x128xf32, #tpu.memory_space<vmem>>) dst(%dma_wait3A_177 : memref<128x128xf32, #tpu.memory_space<hbm>>)
        tpu.yield
      }) : () -> ()
      %dma_start3A_44 = arith.constant 0 : i32
      %dma_start3A_45 = arith.constant 0 : i32
      %dma_start3A_46 = arith.constant 0 : i32
      %dma_start3A_47 = tpu.memref_slice %arg12[%dma_start3A_44, %dma_start3A_45, %dma_start3A_46] : memref<2x128x128xf32, #tpu.memory_space<vmem>> -> memref<1x128x128xf32, #tpu.memory_space<vmem>>
      %dma_start3A_48 = tpu.memref_squeeze %dma_start3A_47 : memref<1x128x128xf32, #tpu.memory_space<vmem>> -> memref<128x128xf32, #tpu.memory_space<vmem>>
      %dma_start3A_49 = arith.constant 0 : i32
      %dma_start3A_50 = tpu.memref_slice %arg9[%scan3A_6, %dma_start3A_49] : memref<4x128xi32, #tpu.memory_space<vmem>> -> memref<1x128xi32, #tpu.memory_space<vmem>>
      %dma_start3A_51 = tpu.memref_squeeze %dma_start3A_50 : memref<1x128xi32, #tpu.memory_space<vmem>> -> memref<128xi32, #tpu.memory_space<vmem>>
      %dma_start3A_52 = arith.constant 0 : i32
      %dma_start3A_53 = arith.constant 0 : i32
      %dma_start3A_54 = tpu.memref_slice %arg7[%dma_start3A_52, %dma_start3A_53] : memref<100000x128xf32, #tpu.memory_space<hbm>> -> memref<100000x128xf32, #tpu.memory_space<hbm>>
      tpu.enqueue_indirect_dma source(%dma_start3A_54 : memref<100000x128xf32, #tpu.memory_space<hbm>>) target(%dma_start3A_48 : memref<128x128xf32, #tpu.memory_space<vmem>>) offsets(%dma_start3A_51 : memref<128xi32, #tpu.memory_space<vmem>>) semaphore(%arg13 : memref<!tpu.dma_semaphore, #tpu.memory_space<semaphore_mem>>)
      %dma_wait3A_55 = arith.constant 1 : i32
      %dma_wait3A_56 = arith.constant 0 : i32
      %dma_wait3A_57 = arith.constant 0 : i32
      %dma_wait3A_58 = tpu.memref_slice %arg12[%dma_wait3A_55, %dma_wait3A_56, %dma_wait3A_57] : memref<2x128x128xf32, #tpu.memory_space<vmem>> -> memref<1x128x128xf32, #tpu.memory_space<vmem>>
      %dma_wait3A_59 = tpu.memref_squeeze %dma_wait3A_58 : memref<1x128x128xf32, #tpu.memory_space<vmem>> -> memref<128x128xf32, #tpu.memory_space<vmem>>
      %dma_wait3A_60 = arith.constant 0 : i32
      %dma_wait3A_61 = tpu.memref_slice %arg9[%scan3A_6, %dma_wait3A_60] : memref<4x128xi32, #tpu.memory_space<vmem>> -> memref<1x128xi32, #tpu.memory_space<vmem>>
      %dma_wait3A_62 = tpu.memref_squeeze %dma_wait3A_61 : memref<1x128xi32, #tpu.memory_space<vmem>> -> memref<128xi32, #tpu.memory_space<vmem>>
      %dma_wait3A_63 = arith.constant 0 : i32
      %dma_wait3A_64 = arith.constant 0 : i32
      %dma_wait3A_65 = tpu.memref_slice %arg6[%dma_wait3A_63, %dma_wait3A_64] : memref<100000x128xf32, #tpu.memory_space<hbm>> -> memref<100000x128xf32, #tpu.memory_space<hbm>>
      tpu.wait_indirect_dma semaphore(%arg14 : memref<!tpu.dma_semaphore, #tpu.memory_space<semaphore_mem>>) src(%dma_wait3A_65 : memref<100000x128xf32, #tpu.memory_space<hbm>>) dst(%dma_wait3A_59 : memref<128x128xf32, #tpu.memory_space<vmem>>)
      %run_scoped3A_66 = arith.constant 1 : i32
      %run_scoped3A_67 = arith.constant 1 : i32
      "tpu.region"() ({
        %run_scoped3A_153 = tpu.sem_alloc : memref<!tpu.dma_semaphore, #tpu.memory_space<semaphore_mem>>
        %dma_start3A_154 = arith.constant 0 : i32
        %dma_start3A_155 = arith.constant 0 : i32
        %dma_start3A_156 = tpu.memref_slice %arg12[%run_scoped3A_66, %dma_start3A_154, %dma_start3A_155] : memref<2x128x128xf32, #tpu.memory_space<vmem>> -> memref<1x128x128xf32, #tpu.memory_space<vmem>>
        %dma_start3A_157 = tpu.memref_squeeze %dma_start3A_156 : memref<1x128x128xf32, #tpu.memory_space<vmem>> -> memref<128x128xf32, #tpu.memory_space<vmem>>
        %dma_start3A_158 = arith.constant 0 : i32
        %dma_start3A_159 = tpu.memref_slice %arg8[%run_scoped3A_67, %add3A_11, %dma_start3A_158] : memref<6x16384x128xf32, #tpu.memory_space<hbm>> -> memref<1x128x128xf32, #tpu.memory_space<hbm>>
        %dma_start3A_160 = tpu.memref_squeeze %dma_start3A_159 : memref<1x128x128xf32, #tpu.memory_space<hbm>> -> memref<128x128xf32, #tpu.memory_space<hbm>>
        %dma_start3A_161 = arith.constant 0 : i32
        %dma_start3A_162 = tpu.memref_slice %arg8[%run_scoped3A_67, %add3A_11, %dma_start3A_161] : memref<6x16384x128xf32, #tpu.memory_space<hbm>> -> memref<1x128x128xf32, #tpu.memory_space<hbm>>
        %dma_start3A_163 = tpu.memref_squeeze %dma_start3A_162 : memref<1x128x128xf32, #tpu.memory_space<hbm>> -> memref<128x128xf32, #tpu.memory_space<hbm>>
        %dma_start3A_164 = arith.constant 0 : i32
        %dma_start3A_165 = arith.constant 0 : i32
        %dma_start3A_166 = tpu.memref_slice %arg12[%run_scoped3A_66, %dma_start3A_164, %dma_start3A_165] : memref<2x128x128xf32, #tpu.memory_space<vmem>> -> memref<1x128x128xf32, #tpu.memory_space<vmem>>
        %dma_start3A_167 = tpu.memref_squeeze %dma_start3A_166 : memref<1x128x128xf32, #tpu.memory_space<vmem>> -> memref<128x128xf32, #tpu.memory_space<vmem>>
        tpu.enqueue_dma source(%dma_start3A_167 : memref<128x128xf32, #tpu.memory_space<vmem>>) target(%dma_start3A_163 : memref<128x128xf32, #tpu.memory_space<hbm>>) target_semaphore(%run_scoped3A_153 : memref<!tpu.dma_semaphore, #tpu.memory_space<semaphore_mem>>)
        %dma_wait3A_168 = arith.constant 0 : i32
        %dma_wait3A_169 = arith.constant 0 : i32
        %dma_wait3A_170 = tpu.memref_slice %arg12[%run_scoped3A_66, %dma_wait3A_168, %dma_wait3A_169] : memref<2x128x128xf32, #tpu.memory_space<vmem>> -> memref<1x128x128xf32, #tpu.memory_space<vmem>>
        %dma_wait3A_171 = tpu.memref_squeeze %dma_wait3A_170 : memref<1x128x128xf32, #tpu.memory_space<vmem>> -> memref<128x128xf32, #tpu.memory_space<vmem>>
        %dma_wait3A_172 = arith.constant 0 : i32
        %dma_wait3A_173 = tpu.memref_slice %arg8[%run_scoped3A_67, %add3A_11, %dma_wait3A_172] : memref<6x16384x128xf32, #tpu.memory_space<hbm>> -> memref<1x128x128xf32, #tpu.memory_space<hbm>>
        %dma_wait3A_174 = tpu.memref_squeeze %dma_wait3A_173 : memref<1x128x128xf32, #tpu.memory_space<hbm>> -> memref<128x128xf32, #tpu.memory_space<hbm>>
        %dma_wait3A_175 = arith.constant 0 : i32
        %dma_wait3A_176 = tpu.memref_slice %arg8[%run_scoped3A_67, %add3A_11, %dma_wait3A_175] : memref<6x16384x128xf32, #tpu.memory_space<hbm>> -> memref<1x128x128xf32, #tpu.memory_space<hbm>>
        %dma_wait3A_177 = tpu.memref_squeeze %dma_wait3A_176 : memref<1x128x128xf32, #tpu.memory_space<hbm>> -> memref<128x128xf32, #tpu.memory_space<hbm>>
        %dma_wait3A_178 = arith.constant 0 : i32
        %dma_wait3A_179 = arith.constant 0 : i32
        %dma_wait3A_180 = tpu.memref_slice %arg12[%run_scoped3A_66, %dma_wait3A_178, %dma_wait3A_179] : memref<2x128x128xf32, #tpu.memory_space<vmem>> -> memref<1x128x128xf32, #tpu.memory_space<vmem>>
        %dma_wait3A_181 = tpu.memref_squeeze %dma_wait3A_180 : memref<1x128x128xf32, #tpu.memory_space<vmem>> -> memref<128x128xf32, #tpu.memory_space<vmem>>
        tpu.wait_dma2 semaphore(%run_scoped3A_153 : memref<!tpu.dma_semaphore, #tpu.memory_space<semaphore_mem>>) src(%dma_wait3A_181 : memref<128x128xf32, #tpu.memory_space<vmem>>) dst(%dma_wait3A_177 : memref<128x128xf32, #tpu.memory_space<hbm>>)
        tpu.yield
      }) : () -> ()
      %dma_start3A_68 = arith.constant 1 : i32
      %dma_start3A_69 = arith.constant 0 : i32
      %dma_start3A_70 = arith.constant 0 : i32
      %dma_start3A_71 = tpu.memref_slice %arg12[%dma_start3A_68, %dma_start3A_69, %dma_start3A_70] : memref<2x128x128xf32, #tpu.memory_space<vmem>> -> memref<1x128x128xf32, #tpu.memory_space<vmem>>
      %dma_start3A_72 = tpu.memref_squeeze %dma_start3A_71 : memref<1x128x128xf32, #tpu.memory_space<vmem>> -> memref<128x128xf32, #tpu.memory_space<vmem>>
      %dma_start3A_73 = arith.constant 0 : i32
      %dma_start3A_74 = tpu.memref_slice %arg10[%scan3A_6, %dma_start3A_73] : memref<4x128xi32, #tpu.memory_space<vmem>> -> memref<1x128xi32, #tpu.memory_space<vmem>>
      %dma_start3A_75 = tpu.memref_squeeze %dma_start3A_74 : memref<1x128xi32, #tpu.memory_space<vmem>> -> memref<128xi32, #tpu.memory_space<vmem>>
      %dma_start3A_76 = arith.constant 0 : i32
      %dma_start3A_77 = arith.constant 0 : i32
      %dma_start3A_78 = tpu.memref_slice %arg5[%dma_start3A_76, %dma_start3A_77] : memref<100000x128xf32, #tpu.memory_space<hbm>> -> memref<100000x128xf32, #tpu.memory_space<hbm>>
      tpu.enqueue_indirect_dma source(%dma_start3A_78 : memref<100000x128xf32, #tpu.memory_space<hbm>>) target(%dma_start3A_72 : memref<128x128xf32, #tpu.memory_space<vmem>>) offsets(%dma_start3A_75 : memref<128xi32, #tpu.memory_space<vmem>>) semaphore(%arg14 : memref<!tpu.dma_semaphore, #tpu.memory_space<semaphore_mem>>)
      %dma_wait3A_79 = arith.constant 0 : i32
      %dma_wait3A_80 = arith.constant 0 : i32
      %dma_wait3A_81 = arith.constant 0 : i32
      %dma_wait3A_82 = tpu.memref_slice %arg12[%dma_wait3A_79, %dma_wait3A_80, %dma_wait3A_81] : memref<2x128x128xf32, #tpu.memory_space<vmem>> -> memref<1x128x128xf32, #tpu.memory_space<vmem>>
      %dma_wait3A_83 = tpu.memref_squeeze %dma_wait3A_82 : memref<1x128x128xf32, #tpu.memory_space<vmem>> -> memref<128x128xf32, #tpu.memory_space<vmem>>
      %dma_wait3A_84 = arith.constant 0 : i32
      %dma_wait3A_85 = tpu.memref_slice %arg9[%scan3A_6, %dma_wait3A_84] : memref<4x128xi32, #tpu.memory_space<vmem>> -> memref<1x128xi32, #tpu.memory_space<vmem>>
      %dma_wait3A_86 = tpu.memref_squeeze %dma_wait3A_85 : memref<1x128xi32, #tpu.memory_space<vmem>> -> memref<128xi32, #tpu.memory_space<vmem>>
      %dma_wait3A_87 = arith.constant 0 : i32
      %dma_wait3A_88 = arith.constant 0 : i32
      %dma_wait3A_89 = tpu.memref_slice %arg7[%dma_wait3A_87, %dma_wait3A_88] : memref<100000x128xf32, #tpu.memory_space<hbm>> -> memref<100000x128xf32, #tpu.memory_space<hbm>>
      tpu.wait_indirect_dma semaphore(%arg13 : memref<!tpu.dma_semaphore, #tpu.memory_space<semaphore_mem>>) src(%dma_wait3A_89 : memref<100000x128xf32, #tpu.memory_space<hbm>>) dst(%dma_wait3A_83 : memref<128x128xf32, #tpu.memory_space<vmem>>)
      %run_scoped3A_90 = arith.constant 0 : i32
      %run_scoped3A_91 = arith.constant 2 : i32
      "tpu.region"() ({
        %run_scoped3A_153 = tpu.sem_alloc : memref<!tpu.dma_semaphore, #tpu.memory_space<semaphore_mem>>
        %dma_start3A_154 = arith.constant 0 : i32
        %dma_start3A_155 = arith.constant 0 : i32
        %dma_start3A_156 = tpu.memref_slice %arg12[%run_scoped3A_90, %dma_start3A_154, %dma_start3A_155] : memref<2x128x128xf32, #tpu.memory_space<vmem>> -> memref<1x128x128xf32, #tpu.memory_space<vmem>>
        %dma_start3A_157 = tpu.memref_squeeze %dma_start3A_156 : memref<1x128x128xf32, #tpu.memory_space<vmem>> -> memref<128x128xf32, #tpu.memory_space<vmem>>
        %dma_start3A_158 = arith.constant 0 : i32
        %dma_start3A_159 = tpu.memref_slice %arg8[%run_scoped3A_91, %add3A_11, %dma_start3A_158] : memref<6x16384x128xf32, #tpu.memory_space<hbm>> -> memref<1x128x128xf32, #tpu.memory_space<hbm>>
        %dma_start3A_160 = tpu.memref_squeeze %dma_start3A_159 : memref<1x128x128xf32, #tpu.memory_space<hbm>> -> memref<128x128xf32, #tpu.memory_space<hbm>>
        %dma_start3A_161 = arith.constant 0 : i32
        %dma_start3A_162 = tpu.memref_slice %arg8[%run_scoped3A_91, %add3A_11, %dma_start3A_161] : memref<6x16384x128xf32, #tpu.memory_space<hbm>> -> memref<1x128x128xf32, #tpu.memory_space<hbm>>
        %dma_start3A_163 = tpu.memref_squeeze %dma_start3A_162 : memref<1x128x128xf32, #tpu.memory_space<hbm>> -> memref<128x128xf32, #tpu.memory_space<hbm>>
        %dma_start3A_164 = arith.constant 0 : i32
        %dma_start3A_165 = arith.constant 0 : i32
        %dma_start3A_166 = tpu.memref_slice %arg12[%run_scoped3A_90, %dma_start3A_164, %dma_start3A_165] : memref<2x128x128xf32, #tpu.memory_space<vmem>> -> memref<1x128x128xf32, #tpu.memory_space<vmem>>
        %dma_start3A_167 = tpu.memref_squeeze %dma_start3A_166 : memref<1x128x128xf32, #tpu.memory_space<vmem>> -> memref<128x128xf32, #tpu.memory_space<vmem>>
        tpu.enqueue_dma source(%dma_start3A_167 : memref<128x128xf32, #tpu.memory_space<vmem>>) target(%dma_start3A_163 : memref<128x128xf32, #tpu.memory_space<hbm>>) target_semaphore(%run_scoped3A_153 : memref<!tpu.dma_semaphore, #tpu.memory_space<semaphore_mem>>)
        %dma_wait3A_168 = arith.constant 0 : i32
        %dma_wait3A_169 = arith.constant 0 : i32
        %dma_wait3A_170 = tpu.memref_slice %arg12[%run_scoped3A_90, %dma_wait3A_168, %dma_wait3A_169] : memref<2x128x128xf32, #tpu.memory_space<vmem>> -> memref<1x128x128xf32, #tpu.memory_space<vmem>>
        %dma_wait3A_171 = tpu.memref_squeeze %dma_wait3A_170 : memref<1x128x128xf32, #tpu.memory_space<vmem>> -> memref<128x128xf32, #tpu.memory_space<vmem>>
        %dma_wait3A_172 = arith.constant 0 : i32
        %dma_wait3A_173 = tpu.memref_slice %arg8[%run_scoped3A_91, %add3A_11, %dma_wait3A_172] : memref<6x16384x128xf32, #tpu.memory_space<hbm>> -> memref<1x128x128xf32, #tpu.memory_space<hbm>>
        %dma_wait3A_174 = tpu.memref_squeeze %dma_wait3A_173 : memref<1x128x128xf32, #tpu.memory_space<hbm>> -> memref<128x128xf32, #tpu.memory_space<hbm>>
        %dma_wait3A_175 = arith.constant 0 : i32
        %dma_wait3A_176 = tpu.memref_slice %arg8[%run_scoped3A_91, %add3A_11, %dma_wait3A_175] : memref<6x16384x128xf32, #tpu.memory_space<hbm>> -> memref<1x128x128xf32, #tpu.memory_space<hbm>>
        %dma_wait3A_177 = tpu.memref_squeeze %dma_wait3A_176 : memref<1x128x128xf32, #tpu.memory_space<hbm>> -> memref<128x128xf32, #tpu.memory_space<hbm>>
        %dma_wait3A_178 = arith.constant 0 : i32
        %dma_wait3A_179 = arith.constant 0 : i32
        %dma_wait3A_180 = tpu.memref_slice %arg12[%run_scoped3A_90, %dma_wait3A_178, %dma_wait3A_179] : memref<2x128x128xf32, #tpu.memory_space<vmem>> -> memref<1x128x128xf32, #tpu.memory_space<vmem>>
        %dma_wait3A_181 = tpu.memref_squeeze %dma_wait3A_180 : memref<1x128x128xf32, #tpu.memory_space<vmem>> -> memref<128x128xf32, #tpu.memory_space<vmem>>
        tpu.wait_dma2 semaphore(%run_scoped3A_153 : memref<!tpu.dma_semaphore, #tpu.memory_space<semaphore_mem>>) src(%dma_wait3A_181 : memref<128x128xf32, #tpu.memory_space<vmem>>) dst(%dma_wait3A_177 : memref<128x128xf32, #tpu.memory_space<hbm>>)
        tpu.yield
      }) : () -> ()
      %dma_start3A_92 = arith.constant 0 : i32
      %dma_start3A_93 = arith.constant 0 : i32
      %dma_start3A_94 = arith.constant 0 : i32
      %dma_start3A_95 = tpu.memref_slice %arg12[%dma_start3A_92, %dma_start3A_93, %dma_start3A_94] : memref<2x128x128xf32, #tpu.memory_space<vmem>> -> memref<1x128x128xf32, #tpu.memory_space<vmem>>
      %dma_start3A_96 = tpu.memref_squeeze %dma_start3A_95 : memref<1x128x128xf32, #tpu.memory_space<vmem>> -> memref<128x128xf32, #tpu.memory_space<vmem>>
      %dma_start3A_97 = arith.constant 0 : i32
      %dma_start3A_98 = tpu.memref_slice %arg10[%scan3A_6, %dma_start3A_97] : memref<4x128xi32, #tpu.memory_space<vmem>> -> memref<1x128xi32, #tpu.memory_space<vmem>>
      %dma_start3A_99 = tpu.memref_squeeze %dma_start3A_98 : memref<1x128xi32, #tpu.memory_space<vmem>> -> memref<128xi32, #tpu.memory_space<vmem>>
      %dma_start3A_100 = arith.constant 0 : i32
      %dma_start3A_101 = arith.constant 0 : i32
      %dma_start3A_102 = tpu.memref_slice %arg6[%dma_start3A_100, %dma_start3A_101] : memref<100000x128xf32, #tpu.memory_space<hbm>> -> memref<100000x128xf32, #tpu.memory_space<hbm>>
      tpu.enqueue_indirect_dma source(%dma_start3A_102 : memref<100000x128xf32, #tpu.memory_space<hbm>>) target(%dma_start3A_96 : memref<128x128xf32, #tpu.memory_space<vmem>>) offsets(%dma_start3A_99 : memref<128xi32, #tpu.memory_space<vmem>>) semaphore(%arg13 : memref<!tpu.dma_semaphore, #tpu.memory_space<semaphore_mem>>)
      %dma_wait3A_103 = arith.constant 1 : i32
      %dma_wait3A_104 = arith.constant 0 : i32
      %dma_wait3A_105 = arith.constant 0 : i32
      %dma_wait3A_106 = tpu.memref_slice %arg12[%dma_wait3A_103, %dma_wait3A_104, %dma_wait3A_105] : memref<2x128x128xf32, #tpu.memory_space<vmem>> -> memref<1x128x128xf32, #tpu.memory_space<vmem>>
      %dma_wait3A_107 = tpu.memref_squeeze %dma_wait3A_106 : memref<1x128x128xf32, #tpu.memory_space<vmem>> -> memref<128x128xf32, #tpu.memory_space<vmem>>
      %dma_wait3A_108 = arith.constant 0 : i32
      %dma_wait3A_109 = tpu.memref_slice %arg10[%scan3A_6, %dma_wait3A_108] : memref<4x128xi32, #tpu.memory_space<vmem>> -> memref<1x128xi32, #tpu.memory_space<vmem>>
      %dma_wait3A_110 = tpu.memref_squeeze %dma_wait3A_109 : memref<1x128xi32, #tpu.memory_space<vmem>> -> memref<128xi32, #tpu.memory_space<vmem>>
      %dma_wait3A_111 = arith.constant 0 : i32
      %dma_wait3A_112 = arith.constant 0 : i32
      %dma_wait3A_113 = tpu.memref_slice %arg5[%dma_wait3A_111, %dma_wait3A_112] : memref<100000x128xf32, #tpu.memory_space<hbm>> -> memref<100000x128xf32, #tpu.memory_space<hbm>>
      tpu.wait_indirect_dma semaphore(%arg14 : memref<!tpu.dma_semaphore, #tpu.memory_space<semaphore_mem>>) src(%dma_wait3A_113 : memref<100000x128xf32, #tpu.memory_space<hbm>>) dst(%dma_wait3A_107 : memref<128x128xf32, #tpu.memory_space<vmem>>)
      %run_scoped3A_114 = arith.constant 1 : i32
      %run_scoped3A_115 = arith.constant 3 : i32
      "tpu.region"() ({
        %run_scoped3A_153 = tpu.sem_alloc : memref<!tpu.dma_semaphore, #tpu.memory_space<semaphore_mem>>
        %dma_start3A_154 = arith.constant 0 : i32
        %dma_start3A_155 = arith.constant 0 : i32
        %dma_start3A_156 = tpu.memref_slice %arg12[%run_scoped3A_114, %dma_start3A_154, %dma_start3A_155] : memref<2x128x128xf32, #tpu.memory_space<vmem>> -> memref<1x128x128xf32, #tpu.memory_space<vmem>>
        %dma_start3A_157 = tpu.memref_squeeze %dma_start3A_156 : memref<1x128x128xf32, #tpu.memory_space<vmem>> -> memref<128x128xf32, #tpu.memory_space<vmem>>
        %dma_start3A_158 = arith.constant 0 : i32
        %dma_start3A_159 = tpu.memref_slice %arg8[%run_scoped3A_115, %add3A_11, %dma_start3A_158] : memref<6x16384x128xf32, #tpu.memory_space<hbm>> -> memref<1x128x128xf32, #tpu.memory_space<hbm>>
        %dma_start3A_160 = tpu.memref_squeeze %dma_start3A_159 : memref<1x128x128xf32, #tpu.memory_space<hbm>> -> memref<128x128xf32, #tpu.memory_space<hbm>>
        %dma_start3A_161 = arith.constant 0 : i32
        %dma_start3A_162 = tpu.memref_slice %arg8[%run_scoped3A_115, %add3A_11, %dma_start3A_161] : memref<6x16384x128xf32, #tpu.memory_space<hbm>> -> memref<1x128x128xf32, #tpu.memory_space<hbm>>
        %dma_start3A_163 = tpu.memref_squeeze %dma_start3A_162 : memref<1x128x128xf32, #tpu.memory_space<hbm>> -> memref<128x128xf32, #tpu.memory_space<hbm>>
        %dma_start3A_164 = arith.constant 0 : i32
        %dma_start3A_165 = arith.constant 0 : i32
        %dma_start3A_166 = tpu.memref_slice %arg12[%run_scoped3A_114, %dma_start3A_164, %dma_start3A_165] : memref<2x128x128xf32, #tpu.memory_space<vmem>> -> memref<1x128x128xf32, #tpu.memory_space<vmem>>
        %dma_start3A_167 = tpu.memref_squeeze %dma_start3A_166 : memref<1x128x128xf32, #tpu.memory_space<vmem>> -> memref<128x128xf32, #tpu.memory_space<vmem>>
        tpu.enqueue_dma source(%dma_start3A_167 : memref<128x128xf32, #tpu.memory_space<vmem>>) target(%dma_start3A_163 : memref<128x128xf32, #tpu.memory_space<hbm>>) target_semaphore(%run_scoped3A_153 : memref<!tpu.dma_semaphore, #tpu.memory_space<semaphore_mem>>)
        %dma_wait3A_168 = arith.constant 0 : i32
        %dma_wait3A_169 = arith.constant 0 : i32
        %dma_wait3A_170 = tpu.memref_slice %arg12[%run_scoped3A_114, %dma_wait3A_168, %dma_wait3A_169] : memref<2x128x128xf32, #tpu.memory_space<vmem>> -> memref<1x128x128xf32, #tpu.memory_space<vmem>>
        %dma_wait3A_171 = tpu.memref_squeeze %dma_wait3A_170 : memref<1x128x128xf32, #tpu.memory_space<vmem>> -> memref<128x128xf32, #tpu.memory_space<vmem>>
        %dma_wait3A_172 = arith.constant 0 : i32
        %dma_wait3A_173 = tpu.memref_slice %arg8[%run_scoped3A_115, %add3A_11, %dma_wait3A_172] : memref<6x16384x128xf32, #tpu.memory_space<hbm>> -> memref<1x128x128xf32, #tpu.memory_space<hbm>>
        %dma_wait3A_174 = tpu.memref_squeeze %dma_wait3A_173 : memref<1x128x128xf32, #tpu.memory_space<hbm>> -> memref<128x128xf32, #tpu.memory_space<hbm>>
        %dma_wait3A_175 = arith.constant 0 : i32
        %dma_wait3A_176 = tpu.memref_slice %arg8[%run_scoped3A_115, %add3A_11, %dma_wait3A_175] : memref<6x16384x128xf32, #tpu.memory_space<hbm>> -> memref<1x128x128xf32, #tpu.memory_space<hbm>>
        %dma_wait3A_177 = tpu.memref_squeeze %dma_wait3A_176 : memref<1x128x128xf32, #tpu.memory_space<hbm>> -> memref<128x128xf32, #tpu.memory_space<hbm>>
        %dma_wait3A_178 = arith.constant 0 : i32
        %dma_wait3A_179 = arith.constant 0 : i32
        %dma_wait3A_180 = tpu.memref_slice %arg12[%run_scoped3A_114, %dma_wait3A_178, %dma_wait3A_179] : memref<2x128x128xf32, #tpu.memory_space<vmem>> -> memref<1x128x128xf32, #tpu.memory_space<vmem>>
        %dma_wait3A_181 = tpu.memref_squeeze %dma_wait3A_180 : memref<1x128x128xf32, #tpu.memory_space<vmem>> -> memref<128x128xf32, #tpu.memory_space<vmem>>
        tpu.wait_dma2 semaphore(%run_scoped3A_153 : memref<!tpu.dma_semaphore, #tpu.memory_space<semaphore_mem>>) src(%dma_wait3A_181 : memref<128x128xf32, #tpu.memory_space<vmem>>) dst(%dma_wait3A_177 : memref<128x128xf32, #tpu.memory_space<hbm>>)
        tpu.yield
      }) : () -> ()
      %dma_start3A_116 = arith.constant 1 : i32
      %dma_start3A_117 = arith.constant 0 : i32
      %dma_start3A_118 = arith.constant 0 : i32
      %dma_start3A_119 = tpu.memref_slice %arg12[%dma_start3A_116, %dma_start3A_117, %dma_start3A_118] : memref<2x128x128xf32, #tpu.memory_space<vmem>> -> memref<1x128x128xf32, #tpu.memory_space<vmem>>
      %dma_start3A_120 = tpu.memref_squeeze %dma_start3A_119 : memref<1x128x128xf32, #tpu.memory_space<vmem>> -> memref<128x128xf32, #tpu.memory_space<vmem>>
      %dma_start3A_121 = arith.constant 0 : i32
      %dma_start3A_122 = tpu.memref_slice %arg10[%scan3A_6, %dma_start3A_121] : memref<4x128xi32, #tpu.memory_space<vmem>> -> memref<1x128xi32, #tpu.memory_space<vmem>>
      %dma_start3A_123 = tpu.memref_squeeze %dma_start3A_122 : memref<1x128xi32, #tpu.memory_space<vmem>> -> memref<128xi32, #tpu.memory_space<vmem>>
      %dma_start3A_124 = arith.constant 0 : i32
      %dma_start3A_125 = arith.constant 0 : i32
      %dma_start3A_126 = tpu.memref_slice %arg7[%dma_start3A_124, %dma_start3A_125] : memref<100000x128xf32, #tpu.memory_space<hbm>> -> memref<100000x128xf32, #tpu.memory_space<hbm>>
      tpu.enqueue_indirect_dma source(%dma_start3A_126 : memref<100000x128xf32, #tpu.memory_space<hbm>>) target(%dma_start3A_120 : memref<128x128xf32, #tpu.memory_space<vmem>>) offsets(%dma_start3A_123 : memref<128xi32, #tpu.memory_space<vmem>>) semaphore(%arg14 : memref<!tpu.dma_semaphore, #tpu.memory_space<semaphore_mem>>)
      %dma_wait3A_127 = arith.constant 0 : i32
      %dma_wait3A_128 = arith.constant 0 : i32
      %dma_wait3A_129 = arith.constant 0 : i32
      %dma_wait3A_130 = tpu.memref_slice %arg12[%dma_wait3A_127, %dma_wait3A_128, %dma_wait3A_129] : memref<2x128x128xf32, #tpu.memory_space<vmem>> -> memref<1x128x128xf32, #tpu.memory_space<vmem>>
      %dma_wait3A_131 = tpu.memref_squeeze %dma_wait3A_130 : memref<1x128x128xf32, #tpu.memory_space<vmem>> -> memref<128x128xf32, #tpu.memory_space<vmem>>
      %dma_wait3A_132 = arith.constant 0 : i32
      %dma_wait3A_133 = tpu.memref_slice %arg10[%scan3A_6, %dma_wait3A_132] : memref<4x128xi32, #tpu.memory_space<vmem>> -> memref<1x128xi32, #tpu.memory_space<vmem>>
      %dma_wait3A_134 = tpu.memref_squeeze %dma_wait3A_133 : memref<1x128xi32, #tpu.memory_space<vmem>> -> memref<128xi32, #tpu.memory_space<vmem>>
      %dma_wait3A_135 = arith.constant 0 : i32
      %dma_wait3A_136 = arith.constant 0 : i32
      %dma_wait3A_137 = tpu.memref_slice %arg6[%dma_wait3A_135, %dma_wait3A_136] : memref<100000x128xf32, #tpu.memory_space<hbm>> -> memref<100000x128xf32, #tpu.memory_space<hbm>>
      tpu.wait_indirect_dma semaphore(%arg13 : memref<!tpu.dma_semaphore, #tpu.memory_space<semaphore_mem>>) src(%dma_wait3A_137 : memref<100000x128xf32, #tpu.memory_space<hbm>>) dst(%dma_wait3A_131 : memref<128x128xf32, #tpu.memory_space<vmem>>)
      %run_scoped3A_138 = arith.constant 0 : i32
      %run_scoped3A_139 = arith.constant 4 : i32
      "tpu.region"() ({
        %run_scoped3A_153 = tpu.sem_alloc : memref<!tpu.dma_semaphore, #tpu.memory_space<semaphore_mem>>
        %dma_start3A_154 = arith.constant 0 : i32
        %dma_start3A_155 = arith.constant 0 : i32
        %dma_start3A_156 = tpu.memref_slice %arg12[%run_scoped3A_138, %dma_start3A_154, %dma_start3A_155] : memref<2x128x128xf32, #tpu.memory_space<vmem>> -> memref<1x128x128xf32, #tpu.memory_space<vmem>>
        %dma_start3A_157 = tpu.memref_squeeze %dma_start3A_156 : memref<1x128x128xf32, #tpu.memory_space<vmem>> -> memref<128x128xf32, #tpu.memory_space<vmem>>
        %dma_start3A_158 = arith.constant 0 : i32
        %dma_start3A_159 = tpu.memref_slice %arg8[%run_scoped3A_139, %add3A_11, %dma_start3A_158] : memref<6x16384x128xf32, #tpu.memory_space<hbm>> -> memref<1x128x128xf32, #tpu.memory_space<hbm>>
        %dma_start3A_160 = tpu.memref_squeeze %dma_start3A_159 : memref<1x128x128xf32, #tpu.memory_space<hbm>> -> memref<128x128xf32, #tpu.memory_space<hbm>>
        %dma_start3A_161 = arith.constant 0 : i32
        %dma_start3A_162 = tpu.memref_slice %arg8[%run_scoped3A_139, %add3A_11, %dma_start3A_161] : memref<6x16384x128xf32, #tpu.memory_space<hbm>> -> memref<1x128x128xf32, #tpu.memory_space<hbm>>
        %dma_start3A_163 = tpu.memref_squeeze %dma_start3A_162 : memref<1x128x128xf32, #tpu.memory_space<hbm>> -> memref<128x128xf32, #tpu.memory_space<hbm>>
        %dma_start3A_164 = arith.constant 0 : i32
        %dma_start3A_165 = arith.constant 0 : i32
        %dma_start3A_166 = tpu.memref_slice %arg12[%run_scoped3A_138, %dma_start3A_164, %dma_start3A_165] : memref<2x128x128xf32, #tpu.memory_space<vmem>> -> memref<1x128x128xf32, #tpu.memory_space<vmem>>
        %dma_start3A_167 = tpu.memref_squeeze %dma_start3A_166 : memref<1x128x128xf32, #tpu.memory_space<vmem>> -> memref<128x128xf32, #tpu.memory_space<vmem>>
        tpu.enqueue_dma source(%dma_start3A_167 : memref<128x128xf32, #tpu.memory_space<vmem>>) target(%dma_start3A_163 : memref<128x128xf32, #tpu.memory_space<hbm>>) target_semaphore(%run_scoped3A_153 : memref<!tpu.dma_semaphore, #tpu.memory_space<semaphore_mem>>)
        %dma_wait3A_168 = arith.constant 0 : i32
        %dma_wait3A_169 = arith.constant 0 : i32
        %dma_wait3A_170 = tpu.memref_slice %arg12[%run_scoped3A_138, %dma_wait3A_168, %dma_wait3A_169] : memref<2x128x128xf32, #tpu.memory_space<vmem>> -> memref<1x128x128xf32, #tpu.memory_space<vmem>>
        %dma_wait3A_171 = tpu.memref_squeeze %dma_wait3A_170 : memref<1x128x128xf32, #tpu.memory_space<vmem>> -> memref<128x128xf32, #tpu.memory_space<vmem>>
        %dma_wait3A_172 = arith.constant 0 : i32
        %dma_wait3A_173 = tpu.memref_slice %arg8[%run_scoped3A_139, %add3A_11, %dma_wait3A_172] : memref<6x16384x128xf32, #tpu.memory_space<hbm>> -> memref<1x128x128xf32, #tpu.memory_space<hbm>>
        %dma_wait3A_174 = tpu.memref_squeeze %dma_wait3A_173 : memref<1x128x128xf32, #tpu.memory_space<hbm>> -> memref<128x128xf32, #tpu.memory_space<hbm>>
        %dma_wait3A_175 = arith.constant 0 : i32
        %dma_wait3A_176 = tpu.memref_slice %arg8[%run_scoped3A_139, %add3A_11, %dma_wait3A_175] : memref<6x16384x128xf32, #tpu.memory_space<hbm>> -> memref<1x128x128xf32, #tpu.memory_space<hbm>>
        %dma_wait3A_177 = tpu.memref_squeeze %dma_wait3A_176 : memref<1x128x128xf32, #tpu.memory_space<hbm>> -> memref<128x128xf32, #tpu.memory_space<hbm>>
        %dma_wait3A_178 = arith.constant 0 : i32
        %dma_wait3A_179 = arith.constant 0 : i32
        %dma_wait3A_180 = tpu.memref_slice %arg12[%run_scoped3A_138, %dma_wait3A_178, %dma_wait3A_179] : memref<2x128x128xf32, #tpu.memory_space<vmem>> -> memref<1x128x128xf32, #tpu.memory_space<vmem>>
        %dma_wait3A_181 = tpu.memref_squeeze %dma_wait3A_180 : memref<1x128x128xf32, #tpu.memory_space<vmem>> -> memref<128x128xf32, #tpu.memory_space<vmem>>
        tpu.wait_dma2 semaphore(%run_scoped3A_153 : memref<!tpu.dma_semaphore, #tpu.memory_space<semaphore_mem>>) src(%dma_wait3A_181 : memref<128x128xf32, #tpu.memory_space<vmem>>) dst(%dma_wait3A_177 : memref<128x128xf32, #tpu.memory_space<hbm>>)
        tpu.yield
      }) : () -> ()
      %dma_wait3A_140 = arith.constant 1 : i32
      %dma_wait3A_141 = arith.constant 0 : i32
      %dma_wait3A_142 = arith.constant 0 : i32
      %dma_wait3A_143 = tpu.memref_slice %arg12[%dma_wait3A_140, %dma_wait3A_141, %dma_wait3A_142] : memref<2x128x128xf32, #tpu.memory_space<vmem>> -> memref<1x128x128xf32, #tpu.memory_space<vmem>>
      %dma_wait3A_144 = tpu.memref_squeeze %dma_wait3A_143 : memref<1x128x128xf32, #tpu.memory_space<vmem>> -> memref<128x128xf32, #tpu.memory_space<vmem>>
      %dma_wait3A_145 = arith.constant 0 : i32
      %dma_wait3A_146 = tpu.memref_slice %arg10[%scan3A_6, %dma_wait3A_145] : memref<4x128xi32, #tpu.memory_space<vmem>> -> memref<1x128xi32, #tpu.memory_space<vmem>>
      %dma_wait3A_147 = tpu.memref_squeeze %dma_wait3A_146 : memref<1x128xi32, #tpu.memory_space<vmem>> -> memref<128xi32, #tpu.memory_space<vmem>>
      %dma_wait3A_148 = arith.constant 0 : i32
      %dma_wait3A_149 = arith.constant 0 : i32
      %dma_wait3A_150 = tpu.memref_slice %arg7[%dma_wait3A_148, %dma_wait3A_149] : memref<100000x128xf32, #tpu.memory_space<hbm>> -> memref<100000x128xf32, #tpu.memory_space<hbm>>
      tpu.wait_indirect_dma semaphore(%arg14 : memref<!tpu.dma_semaphore, #tpu.memory_space<semaphore_mem>>) src(%dma_wait3A_150 : memref<100000x128xf32, #tpu.memory_space<hbm>>) dst(%dma_wait3A_144 : memref<128x128xf32, #tpu.memory_space<vmem>>)
      %run_scoped3A_151 = arith.constant 1 : i32
      %run_scoped3A_152 = arith.constant 5 : i32
      "tpu.region"() ({
        %run_scoped3A_153 = tpu.sem_alloc : memref<!tpu.dma_semaphore, #tpu.memory_space<semaphore_mem>>
        %dma_start3A_154 = arith.constant 0 : i32
        %dma_start3A_155 = arith.constant 0 : i32
        %dma_start3A_156 = tpu.memref_slice %arg12[%run_scoped3A_151, %dma_start3A_154, %dma_start3A_155] : memref<2x128x128xf32, #tpu.memory_space<vmem>> -> memref<1x128x128xf32, #tpu.memory_space<vmem>>
        %dma_start3A_157 = tpu.memref_squeeze %dma_start3A_156 : memref<1x128x128xf32, #tpu.memory_space<vmem>> -> memref<128x128xf32, #tpu.memory_space<vmem>>
        %dma_start3A_158 = arith.constant 0 : i32
        %dma_start3A_159 = tpu.memref_slice %arg8[%run_scoped3A_152, %add3A_11, %dma_start3A_158] : memref<6x16384x128xf32, #tpu.memory_space<hbm>> -> memref<1x128x128xf32, #tpu.memory_space<hbm>>
        %dma_start3A_160 = tpu.memref_squeeze %dma_start3A_159 : memref<1x128x128xf32, #tpu.memory_space<hbm>> -> memref<128x128xf32, #tpu.memory_space<hbm>>
        %dma_start3A_161 = arith.constant 0 : i32
        %dma_start3A_162 = tpu.memref_slice %arg8[%run_scoped3A_152, %add3A_11, %dma_start3A_161] : memref<6x16384x128xf32, #tpu.memory_space<hbm>> -> memref<1x128x128xf32, #tpu.memory_space<hbm>>
        %dma_start3A_163 = tpu.memref_squeeze %dma_start3A_162 : memref<1x128x128xf32, #tpu.memory_space<hbm>> -> memref<128x128xf32, #tpu.memory_space<hbm>>
        %dma_start3A_164 = arith.constant 0 : i32
        %dma_start3A_165 = arith.constant 0 : i32
        %dma_start3A_166 = tpu.memref_slice %arg12[%run_scoped3A_151, %dma_start3A_164, %dma_start3A_165] : memref<2x128x128xf32, #tpu.memory_space<vmem>> -> memref<1x128x128xf32, #tpu.memory_space<vmem>>
        %dma_start3A_167 = tpu.memref_squeeze %dma_start3A_166 : memref<1x128x128xf32, #tpu.memory_space<vmem>> -> memref<128x128xf32, #tpu.memory_space<vmem>>
        tpu.enqueue_dma source(%dma_start3A_167 : memref<128x128xf32, #tpu.memory_space<vmem>>) target(%dma_start3A_163 : memref<128x128xf32, #tpu.memory_space<hbm>>) target_semaphore(%run_scoped3A_153 : memref<!tpu.dma_semaphore, #tpu.memory_space<semaphore_mem>>)
        %dma_wait3A_168 = arith.constant 0 : i32
        %dma_wait3A_169 = arith.constant 0 : i32
        %dma_wait3A_170 = tpu.memref_slice %arg12[%run_scoped3A_151, %dma_wait3A_168, %dma_wait3A_169] : memref<2x128x128xf32, #tpu.memory_space<vmem>> -> memref<1x128x128xf32, #tpu.memory_space<vmem>>
        %dma_wait3A_171 = tpu.memref_squeeze %dma_wait3A_170 : memref<1x128x128xf32, #tpu.memory_space<vmem>> -> memref<128x128xf32, #tpu.memory_space<vmem>>
        %dma_wait3A_172 = arith.constant 0 : i32
        %dma_wait3A_173 = tpu.memref_slice %arg8[%run_scoped3A_152, %add3A_11, %dma_wait3A_172] : memref<6x16384x128xf32, #tpu.memory_space<hbm>> -> memref<1x128x128xf32, #tpu.memory_space<hbm>>
        %dma_wait3A_174 = tpu.memref_squeeze %dma_wait3A_173 : memref<1x128x128xf32, #tpu.memory_space<hbm>> -> memref<128x128xf32, #tpu.memory_space<hbm>>
        %dma_wait3A_175 = arith.constant 0 : i32
        %dma_wait3A_176 = tpu.memref_slice %arg8[%run_scoped3A_152, %add3A_11, %dma_wait3A_175] : memref<6x16384x128xf32, #tpu.memory_space<hbm>> -> memref<1x128x128xf32, #tpu.memory_space<hbm>>
        %dma_wait3A_177 = tpu.memref_squeeze %dma_wait3A_176 : memref<1x128x128xf32, #tpu.memory_space<hbm>> -> memref<128x128xf32, #tpu.memory_space<hbm>>
        %dma_wait3A_178 = arith.constant 0 : i32
        %dma_wait3A_179 = arith.constant 0 : i32
        %dma_wait3A_180 = tpu.memref_slice %arg12[%run_scoped3A_151, %dma_wait3A_178, %dma_wait3A_179] : memref<2x128x128xf32, #tpu.memory_space<vmem>> -> memref<1x128x128xf32, #tpu.memory_space<vmem>>
        %dma_wait3A_181 = tpu.memref_squeeze %dma_wait3A_180 : memref<1x128x128xf32, #tpu.memory_space<vmem>> -> memref<128x128xf32, #tpu.memory_space<vmem>>
        tpu.wait_dma2 semaphore(%run_scoped3A_153 : memref<!tpu.dma_semaphore, #tpu.memory_space<semaphore_mem>>) src(%dma_wait3A_181 : memref<128x128xf32, #tpu.memory_space<vmem>>) dst(%dma_wait3A_177 : memref<128x128xf32, #tpu.memory_space<hbm>>)
        tpu.yield
      }) : () -> ()
    }
    %scan3A_5 = arith.constant 4 : i32
    return
  }
}

#map = affine_map<(d0, d1) -> (0, 0, 0)>
#map1 = affine_map<(d0, d1) -> (0, 0)>
module attributes {stable_mosaic.version = 14 : i64} {
  func.func @body(%arg0: i32, %arg1: i32, %arg2: memref<32x4x128xi32, #tpu.memory_space<hbm>>, %arg3: memref<32x4x128xi32, #tpu.memory_space<hbm>>, %arg4: memref<32x4x128xi32, #tpu.memory_space<hbm>>, %arg5: memref<100000x128xf32, #tpu.memory_space<hbm>>, %arg6: memref<100000x128xf32, #tpu.memory_space<hbm>>, %arg7: memref<100000x128xf32, #tpu.memory_space<hbm>>, %arg8: memref<6x16384x128xf32, #tpu.memory_space<hbm>>, %arg9: memref<4x128xi32, #tpu.memory_space<vmem>>, %arg10: memref<4x128xi32, #tpu.memory_space<vmem>>, %arg11: memref<4x128xi32, #tpu.memory_space<vmem>>, %arg12: memref<2x128x128xf32, #tpu.memory_space<vmem>>, %arg13: memref<!tpu.dma_semaphore, #tpu.memory_space<semaphore_mem>>, %arg14: memref<!tpu.dma_semaphore, #tpu.memory_space<semaphore_mem>>) attributes {dimension_semantics = [#tpu.dimension_semantics<core_parallel>, #tpu.dimension_semantics<subcore_parallel>], iteration_bounds = array<i64: 2, 16>, scalar_prefetch = 0 : i64, scratch_operands = 6 : i64, tpu.core_type = #tpu.core_type<sc_vector_subcore>, window_params = [{transform_indices = #map}, {transform_indices = #map}, {transform_indices = #map}, {transform_indices = #map1}, {transform_indices = #map1}, {transform_indices = #map1}, {transform_indices = #map}]} {
    %mul3A = arith.constant 2 : i32
    %mul3A_0 = arith.muli %arg1, %mul3A : i32
    %add3A = arith.addi %mul3A_0, %arg0 : i32
    "tpu.region"() ({
      %run_scoped3A = tpu.sem_alloc : memref<!tpu.dma_semaphore, #tpu.memory_space<semaphore_mem>>
      %dma_start3A = arith.constant 0 : i32
      %dma_start3A_6 = arith.constant 0 : i32
      %dma_start3A_7 = tpu.memref_slice %arg2[%add3A, %dma_start3A, %dma_start3A_6] : memref<32x4x128xi32, #tpu.memory_space<hbm>> -> memref<1x4x128xi32, #tpu.memory_space<hbm>>
      %dma_start3A_8 = tpu.memref_squeeze %dma_start3A_7 : memref<1x4x128xi32, #tpu.memory_space<hbm>> -> memref<4x128xi32, #tpu.memory_space<hbm>>
      %dma_start3A_9 = arith.constant 0 : i32
      %dma_start3A_10 = arith.constant 0 : i32
      %dma_start3A_11 = tpu.memref_slice %arg2[%add3A, %dma_start3A_9, %dma_start3A_10] : memref<32x4x128xi32, #tpu.memory_space<hbm>> -> memref<1x4x128xi32, #tpu.memory_space<hbm>>
      %dma_start3A_12 = tpu.memref_squeeze %dma_start3A_11 : memref<1x4x128xi32, #tpu.memory_space<hbm>> -> memref<4x128xi32, #tpu.memory_space<hbm>>
      tpu.enqueue_dma source(%dma_start3A_12 : memref<4x128xi32, #tpu.memory_space<hbm>>) target(%arg9 : memref<4x128xi32, #tpu.memory_space<vmem>>) target_semaphore(%run_scoped3A : memref<!tpu.dma_semaphore, #tpu.memory_space<semaphore_mem>>)
      %dma_wait3A = arith.constant 0 : i32
      %dma_wait3A_13 = arith.constant 0 : i32
      %dma_wait3A_14 = tpu.memref_slice %arg2[%add3A, %dma_wait3A, %dma_wait3A_13] : memref<32x4x128xi32, #tpu.memory_space<hbm>> -> memref<1x4x128xi32, #tpu.memory_space<hbm>>
      %dma_wait3A_15 = tpu.memref_squeeze %dma_wait3A_14 : memref<1x4x128xi32, #tpu.memory_space<hbm>> -> memref<4x128xi32, #tpu.memory_space<hbm>>
      %dma_wait3A_16 = arith.constant 0 : i32
      %dma_wait3A_17 = arith.constant 0 : i32
      %dma_wait3A_18 = tpu.memref_slice %arg2[%add3A, %dma_wait3A_16, %dma_wait3A_17] : memref<32x4x128xi32, #tpu.memory_space<hbm>> -> memref<1x4x128xi32, #tpu.memory_space<hbm>>
      %dma_wait3A_19 = tpu.memref_squeeze %dma_wait3A_18 : memref<1x4x128xi32, #tpu.memory_space<hbm>> -> memref<4x128xi32, #tpu.memory_space<hbm>>
      tpu.wait_dma2 semaphore(%run_scoped3A : memref<!tpu.dma_semaphore, #tpu.memory_space<semaphore_mem>>) src(%dma_wait3A_19 : memref<4x128xi32, #tpu.memory_space<hbm>>) dst(%arg9 : memref<4x128xi32, #tpu.memory_space<vmem>>)
      tpu.yield
    }) : () -> ()
    "tpu.region"() ({
      %run_scoped3A = tpu.sem_alloc : memref<!tpu.dma_semaphore, #tpu.memory_space<semaphore_mem>>
      %dma_start3A = arith.constant 0 : i32
      %dma_start3A_6 = arith.constant 0 : i32
      %dma_start3A_7 = tpu.memref_slice %arg3[%add3A, %dma_start3A, %dma_start3A_6] : memref<32x4x128xi32, #tpu.memory_space<hbm>> -> memref<1x4x128xi32, #tpu.memory_space<hbm>>
      %dma_start3A_8 = tpu.memref_squeeze %dma_start3A_7 : memref<1x4x128xi32, #tpu.memory_space<hbm>> -> memref<4x128xi32, #tpu.memory_space<hbm>>
      %dma_start3A_9 = arith.constant 0 : i32
      %dma_start3A_10 = arith.constant 0 : i32
      %dma_start3A_11 = tpu.memref_slice %arg3[%add3A, %dma_start3A_9, %dma_start3A_10] : memref<32x4x128xi32, #tpu.memory_space<hbm>> -> memref<1x4x128xi32, #tpu.memory_space<hbm>>
      %dma_start3A_12 = tpu.memref_squeeze %dma_start3A_11 : memref<1x4x128xi32, #tpu.memory_space<hbm>> -> memref<4x128xi32, #tpu.memory_space<hbm>>
      tpu.enqueue_dma source(%dma_start3A_12 : memref<4x128xi32, #tpu.memory_space<hbm>>) target(%arg10 : memref<4x128xi32, #tpu.memory_space<vmem>>) target_semaphore(%run_scoped3A : memref<!tpu.dma_semaphore, #tpu.memory_space<semaphore_mem>>)
      %dma_wait3A = arith.constant 0 : i32
      %dma_wait3A_13 = arith.constant 0 : i32
      %dma_wait3A_14 = tpu.memref_slice %arg3[%add3A, %dma_wait3A, %dma_wait3A_13] : memref<32x4x128xi32, #tpu.memory_space<hbm>> -> memref<1x4x128xi32, #tpu.memory_space<hbm>>
      %dma_wait3A_15 = tpu.memref_squeeze %dma_wait3A_14 : memref<1x4x128xi32, #tpu.memory_space<hbm>> -> memref<4x128xi32, #tpu.memory_space<hbm>>
      %dma_wait3A_16 = arith.constant 0 : i32
      %dma_wait3A_17 = arith.constant 0 : i32
      %dma_wait3A_18 = tpu.memref_slice %arg3[%add3A, %dma_wait3A_16, %dma_wait3A_17] : memref<32x4x128xi32, #tpu.memory_space<hbm>> -> memref<1x4x128xi32, #tpu.memory_space<hbm>>
      %dma_wait3A_19 = tpu.memref_squeeze %dma_wait3A_18 : memref<1x4x128xi32, #tpu.memory_space<hbm>> -> memref<4x128xi32, #tpu.memory_space<hbm>>
      tpu.wait_dma2 semaphore(%run_scoped3A : memref<!tpu.dma_semaphore, #tpu.memory_space<semaphore_mem>>) src(%dma_wait3A_19 : memref<4x128xi32, #tpu.memory_space<hbm>>) dst(%arg10 : memref<4x128xi32, #tpu.memory_space<vmem>>)
      tpu.yield
    }) : () -> ()
    "tpu.region"() ({
      %run_scoped3A = tpu.sem_alloc : memref<!tpu.dma_semaphore, #tpu.memory_space<semaphore_mem>>
      %dma_start3A = arith.constant 0 : i32
      %dma_start3A_6 = arith.constant 0 : i32
      %dma_start3A_7 = tpu.memref_slice %arg4[%add3A, %dma_start3A, %dma_start3A_6] : memref<32x4x128xi32, #tpu.memory_space<hbm>> -> memref<1x4x128xi32, #tpu.memory_space<hbm>>
      %dma_start3A_8 = tpu.memref_squeeze %dma_start3A_7 : memref<1x4x128xi32, #tpu.memory_space<hbm>> -> memref<4x128xi32, #tpu.memory_space<hbm>>
      %dma_start3A_9 = arith.constant 0 : i32
      %dma_start3A_10 = arith.constant 0 : i32
      %dma_start3A_11 = tpu.memref_slice %arg4[%add3A, %dma_start3A_9, %dma_start3A_10] : memref<32x4x128xi32, #tpu.memory_space<hbm>> -> memref<1x4x128xi32, #tpu.memory_space<hbm>>
      %dma_start3A_12 = tpu.memref_squeeze %dma_start3A_11 : memref<1x4x128xi32, #tpu.memory_space<hbm>> -> memref<4x128xi32, #tpu.memory_space<hbm>>
      tpu.enqueue_dma source(%dma_start3A_12 : memref<4x128xi32, #tpu.memory_space<hbm>>) target(%arg11 : memref<4x128xi32, #tpu.memory_space<vmem>>) target_semaphore(%run_scoped3A : memref<!tpu.dma_semaphore, #tpu.memory_space<semaphore_mem>>)
      %dma_wait3A = arith.constant 0 : i32
      %dma_wait3A_13 = arith.constant 0 : i32
      %dma_wait3A_14 = tpu.memref_slice %arg4[%add3A, %dma_wait3A, %dma_wait3A_13] : memref<32x4x128xi32, #tpu.memory_space<hbm>> -> memref<1x4x128xi32, #tpu.memory_space<hbm>>
      %dma_wait3A_15 = tpu.memref_squeeze %dma_wait3A_14 : memref<1x4x128xi32, #tpu.memory_space<hbm>> -> memref<4x128xi32, #tpu.memory_space<hbm>>
      %dma_wait3A_16 = arith.constant 0 : i32
      %dma_wait3A_17 = arith.constant 0 : i32
      %dma_wait3A_18 = tpu.memref_slice %arg4[%add3A, %dma_wait3A_16, %dma_wait3A_17] : memref<32x4x128xi32, #tpu.memory_space<hbm>> -> memref<1x4x128xi32, #tpu.memory_space<hbm>>
      %dma_wait3A_19 = tpu.memref_squeeze %dma_wait3A_18 : memref<1x4x128xi32, #tpu.memory_space<hbm>> -> memref<4x128xi32, #tpu.memory_space<hbm>>
      tpu.wait_dma2 semaphore(%run_scoped3A : memref<!tpu.dma_semaphore, #tpu.memory_space<semaphore_mem>>) src(%dma_wait3A_19 : memref<4x128xi32, #tpu.memory_space<hbm>>) dst(%arg11 : memref<4x128xi32, #tpu.memory_space<vmem>>)
      tpu.yield
    }) : () -> ()
    %scan3A = arith.constant 0 : i32
    %scan3A_1 = arith.constant 0 : i32
    %scan3A_2 = arith.constant 4 : i32
    %scan3A_3 = arith.addi %scan3A_1, %scan3A_2 : i32
    %scan3A_4 = arith.constant 1 : i32
    scf.for %scan3A_6 = %scan3A_1 to %scan3A_3 step %scan3A_4  : i32 {
      %mul3A_7 = arith.constant 512 : i32
      %mul3A_8 = arith.muli %add3A, %mul3A_7 : i32
      %mul3A_9 = arith.constant 128 : i32
      %mul3A_10 = arith.muli %scan3A_6, %mul3A_9 : i32
      %add3A_11 = arith.addi %mul3A_8, %mul3A_10 : i32
      %dma_start3A = arith.constant 0 : i32
      %dma_start3A_12 = arith.constant 0 : i32
      %dma_start3A_13 = arith.constant 0 : i32
      %dma_start3A_14 = tpu.memref_slice %arg12[%dma_start3A, %dma_start3A_12, %dma_start3A_13] : memref<2x128x128xf32, #tpu.memory_space<vmem>> -> memref<1x128x128xf32, #tpu.memory_space<vmem>>
      %dma_start3A_15 = tpu.memref_squeeze %dma_start3A_14 : memref<1x128x128xf32, #tpu.memory_space<vmem>> -> memref<128x128xf32, #tpu.memory_space<vmem>>
      %dma_start3A_16 = arith.constant 0 : i32
      %dma_start3A_17 = tpu.memref_slice %arg9[%scan3A_6, %dma_start3A_16] : memref<4x128xi32, #tpu.memory_space<vmem>> -> memref<1x128xi32, #tpu.memory_space<vmem>>
      %dma_start3A_18 = tpu.memref_squeeze %dma_start3A_17 : memref<1x128xi32, #tpu.memory_space<vmem>> -> memref<128xi32, #tpu.memory_space<vmem>>
      %dma_start3A_19 = arith.constant 0 : i32
      %dma_start3A_20 = arith.constant 0 : i32
      %dma_start3A_21 = tpu.memref_slice %arg5[%dma_start3A_19, %dma_start3A_20] : memref<100000x128xf32, #tpu.memory_space<hbm>> -> memref<100000x128xf32, #tpu.memory_space<hbm>>
      tpu.enqueue_indirect_dma source(%dma_start3A_21 : memref<100000x128xf32, #tpu.memory_space<hbm>>) target(%dma_start3A_15 : memref<128x128xf32, #tpu.memory_space<vmem>>) offsets(%dma_start3A_18 : memref<128xi32, #tpu.memory_space<vmem>>) semaphore(%arg13 : memref<!tpu.dma_semaphore, #tpu.memory_space<semaphore_mem>>)
      %dma_start3A_22 = arith.constant 1 : i32
      %dma_start3A_23 = arith.constant 0 : i32
      %dma_start3A_24 = arith.constant 0 : i32
      %dma_start3A_25 = tpu.memref_slice %arg12[%dma_start3A_22, %dma_start3A_23, %dma_start3A_24] : memref<2x128x128xf32, #tpu.memory_space<vmem>> -> memref<1x128x128xf32, #tpu.memory_space<vmem>>
      %dma_start3A_26 = tpu.memref_squeeze %dma_start3A_25 : memref<1x128x128xf32, #tpu.memory_space<vmem>> -> memref<128x128xf32, #tpu.memory_space<vmem>>
      %dma_start3A_27 = arith.constant 0 : i32
      %dma_start3A_28 = tpu.memref_slice %arg9[%scan3A_6, %dma_start3A_27] : memref<4x128xi32, #tpu.memory_space<vmem>> -> memref<1x128xi32, #tpu.memory_space<vmem>>
      %dma_start3A_29 = tpu.memref_squeeze %dma_start3A_28 : memref<1x128xi32, #tpu.memory_space<vmem>> -> memref<128xi32, #tpu.memory_space<vmem>>
      %dma_start3A_30 = arith.constant 0 : i32
      %dma_start3A_31 = arith.constant 0 : i32
      %dma_start3A_32 = tpu.memref_slice %arg6[%dma_start3A_30, %dma_start3A_31] : memref<100000x128xf32, #tpu.memory_space<hbm>> -> memref<100000x128xf32, #tpu.memory_space<hbm>>
      tpu.enqueue_indirect_dma source(%dma_start3A_32 : memref<100000x128xf32, #tpu.memory_space<hbm>>) target(%dma_start3A_26 : memref<128x128xf32, #tpu.memory_space<vmem>>) offsets(%dma_start3A_29 : memref<128xi32, #tpu.memory_space<vmem>>) semaphore(%arg14 : memref<!tpu.dma_semaphore, #tpu.memory_space<semaphore_mem>>)
      %dma_wait3A = arith.constant 0 : i32
      %dma_wait3A_33 = arith.constant 0 : i32
      %dma_wait3A_34 = arith.constant 0 : i32
      %dma_wait3A_35 = tpu.memref_slice %arg12[%dma_wait3A, %dma_wait3A_33, %dma_wait3A_34] : memref<2x128x128xf32, #tpu.memory_space<vmem>> -> memref<1x128x128xf32, #tpu.memory_space<vmem>>
      %dma_wait3A_36 = tpu.memref_squeeze %dma_wait3A_35 : memref<1x128x128xf32, #tpu.memory_space<vmem>> -> memref<128x128xf32, #tpu.memory_space<vmem>>
      %dma_wait3A_37 = arith.constant 0 : i32
      %dma_wait3A_38 = tpu.memref_slice %arg9[%scan3A_6, %dma_wait3A_37] : memref<4x128xi32, #tpu.memory_space<vmem>> -> memref<1x128xi32, #tpu.memory_space<vmem>>
      %dma_wait3A_39 = tpu.memref_squeeze %dma_wait3A_38 : memref<1x128xi32, #tpu.memory_space<vmem>> -> memref<128xi32, #tpu.memory_space<vmem>>
      %dma_wait3A_40 = arith.constant 0 : i32
      %dma_wait3A_41 = arith.constant 0 : i32
      %dma_wait3A_42 = tpu.memref_slice %arg5[%dma_wait3A_40, %dma_wait3A_41] : memref<100000x128xf32, #tpu.memory_space<hbm>> -> memref<100000x128xf32, #tpu.memory_space<hbm>>
      tpu.wait_indirect_dma semaphore(%arg13 : memref<!tpu.dma_semaphore, #tpu.memory_space<semaphore_mem>>) src(%dma_wait3A_42 : memref<100000x128xf32, #tpu.memory_space<hbm>>) dst(%dma_wait3A_36 : memref<128x128xf32, #tpu.memory_space<vmem>>)
      %run_scoped3A = arith.constant 0 : i32
      %run_scoped3A_43 = arith.constant 0 : i32
      "tpu.region"() ({
        %run_scoped3A_153 = tpu.sem_alloc : memref<!tpu.dma_semaphore, #tpu.memory_space<semaphore_mem>>
        %dma_start3A_154 = arith.constant 0 : i32
        %dma_start3A_155 = arith.constant 0 : i32
        %dma_start3A_156 = tpu.memref_slice %arg12[%run_scoped3A, %dma_start3A_154, %dma_start3A_155] : memref<2x128x128xf32, #tpu.memory_space<vmem>> -> memref<1x128x128xf32, #tpu.memory_space<vmem>>
        %dma_start3A_157 = tpu.memref_squeeze %dma_start3A_156 : memref<1x128x128xf32, #tpu.memory_space<vmem>> -> memref<128x128xf32, #tpu.memory_space<vmem>>
        %dma_start3A_158 = arith.constant 0 : i32
        %dma_start3A_159 = tpu.memref_slice %arg8[%run_scoped3A_43, %add3A_11, %dma_start3A_158] : memref<6x16384x128xf32, #tpu.memory_space<hbm>> -> memref<1x128x128xf32, #tpu.memory_space<hbm>>
        %dma_start3A_160 = tpu.memref_squeeze %dma_start3A_159 : memref<1x128x128xf32, #tpu.memory_space<hbm>> -> memref<128x128xf32, #tpu.memory_space<hbm>>
        %dma_start3A_161 = arith.constant 0 : i32
        %dma_start3A_162 = tpu.memref_slice %arg8[%run_scoped3A_43, %add3A_11, %dma_start3A_161] : memref<6x16384x128xf32, #tpu.memory_space<hbm>> -> memref<1x128x128xf32, #tpu.memory_space<hbm>>
        %dma_start3A_163 = tpu.memref_squeeze %dma_start3A_162 : memref<1x128x128xf32, #tpu.memory_space<hbm>> -> memref<128x128xf32, #tpu.memory_space<hbm>>
        %dma_start3A_164 = arith.constant 0 : i32
        %dma_start3A_165 = arith.constant 0 : i32
        %dma_start3A_166 = tpu.memref_slice %arg12[%run_scoped3A, %dma_start3A_164, %dma_start3A_165] : memref<2x128x128xf32, #tpu.memory_space<vmem>> -> memref<1x128x128xf32, #tpu.memory_space<vmem>>
        %dma_start3A_167 = tpu.memref_squeeze %dma_start3A_166 : memref<1x128x128xf32, #tpu.memory_space<vmem>> -> memref<128x128xf32, #tpu.memory_space<vmem>>
        tpu.enqueue_dma source(%dma_start3A_167 : memref<128x128xf32, #tpu.memory_space<vmem>>) target(%dma_start3A_163 : memref<128x128xf32, #tpu.memory_space<hbm>>) target_semaphore(%run_scoped3A_153 : memref<!tpu.dma_semaphore, #tpu.memory_space<semaphore_mem>>)
        %dma_wait3A_168 = arith.constant 0 : i32
        %dma_wait3A_169 = arith.constant 0 : i32
        %dma_wait3A_170 = tpu.memref_slice %arg12[%run_scoped3A, %dma_wait3A_168, %dma_wait3A_169] : memref<2x128x128xf32, #tpu.memory_space<vmem>> -> memref<1x128x128xf32, #tpu.memory_space<vmem>>
        %dma_wait3A_171 = tpu.memref_squeeze %dma_wait3A_170 : memref<1x128x128xf32, #tpu.memory_space<vmem>> -> memref<128x128xf32, #tpu.memory_space<vmem>>
        %dma_wait3A_172 = arith.constant 0 : i32
        %dma_wait3A_173 = tpu.memref_slice %arg8[%run_scoped3A_43, %add3A_11, %dma_wait3A_172] : memref<6x16384x128xf32, #tpu.memory_space<hbm>> -> memref<1x128x128xf32, #tpu.memory_space<hbm>>
        %dma_wait3A_174 = tpu.memref_squeeze %dma_wait3A_173 : memref<1x128x128xf32, #tpu.memory_space<hbm>> -> memref<128x128xf32, #tpu.memory_space<hbm>>
        %dma_wait3A_175 = arith.constant 0 : i32
        %dma_wait3A_176 = tpu.memref_slice %arg8[%run_scoped3A_43, %add3A_11, %dma_wait3A_175] : memref<6x16384x128xf32, #tpu.memory_space<hbm>> -> memref<1x128x128xf32, #tpu.memory_space<hbm>>
        %dma_wait3A_177 = tpu.memref_squeeze %dma_wait3A_176 : memref<1x128x128xf32, #tpu.memory_space<hbm>> -> memref<128x128xf32, #tpu.memory_space<hbm>>
        %dma_wait3A_178 = arith.constant 0 : i32
        %dma_wait3A_179 = arith.constant 0 : i32
        %dma_wait3A_180 = tpu.memref_slice %arg12[%run_scoped3A, %dma_wait3A_178, %dma_wait3A_179] : memref<2x128x128xf32, #tpu.memory_space<vmem>> -> memref<1x128x128xf32, #tpu.memory_space<vmem>>
        %dma_wait3A_181 = tpu.memref_squeeze %dma_wait3A_180 : memref<1x128x128xf32, #tpu.memory_space<vmem>> -> memref<128x128xf32, #tpu.memory_space<vmem>>
        tpu.wait_dma2 semaphore(%run_scoped3A_153 : memref<!tpu.dma_semaphore, #tpu.memory_space<semaphore_mem>>) src(%dma_wait3A_181 : memref<128x128xf32, #tpu.memory_space<vmem>>) dst(%dma_wait3A_177 : memref<128x128xf32, #tpu.memory_space<hbm>>)
        tpu.yield
      }) : () -> ()
      %dma_start3A_44 = arith.constant 0 : i32
      %dma_start3A_45 = arith.constant 0 : i32
      %dma_start3A_46 = arith.constant 0 : i32
      %dma_start3A_47 = tpu.memref_slice %arg12[%dma_start3A_44, %dma_start3A_45, %dma_start3A_46] : memref<2x128x128xf32, #tpu.memory_space<vmem>> -> memref<1x128x128xf32, #tpu.memory_space<vmem>>
      %dma_start3A_48 = tpu.memref_squeeze %dma_start3A_47 : memref<1x128x128xf32, #tpu.memory_space<vmem>> -> memref<128x128xf32, #tpu.memory_space<vmem>>
      %dma_start3A_49 = arith.constant 0 : i32
      %dma_start3A_50 = tpu.memref_slice %arg9[%scan3A_6, %dma_start3A_49] : memref<4x128xi32, #tpu.memory_space<vmem>> -> memref<1x128xi32, #tpu.memory_space<vmem>>
      %dma_start3A_51 = tpu.memref_squeeze %dma_start3A_50 : memref<1x128xi32, #tpu.memory_space<vmem>> -> memref<128xi32, #tpu.memory_space<vmem>>
      %dma_start3A_52 = arith.constant 0 : i32
      %dma_start3A_53 = arith.constant 0 : i32
      %dma_start3A_54 = tpu.memref_slice %arg7[%dma_start3A_52, %dma_start3A_53] : memref<100000x128xf32, #tpu.memory_space<hbm>> -> memref<100000x128xf32, #tpu.memory_space<hbm>>
      tpu.enqueue_indirect_dma source(%dma_start3A_54 : memref<100000x128xf32, #tpu.memory_space<hbm>>) target(%dma_start3A_48 : memref<128x128xf32, #tpu.memory_space<vmem>>) offsets(%dma_start3A_51 : memref<128xi32, #tpu.memory_space<vmem>>) semaphore(%arg13 : memref<!tpu.dma_semaphore, #tpu.memory_space<semaphore_mem>>)
      %dma_wait3A_55 = arith.constant 1 : i32
      %dma_wait3A_56 = arith.constant 0 : i32
      %dma_wait3A_57 = arith.constant 0 : i32
      %dma_wait3A_58 = tpu.memref_slice %arg12[%dma_wait3A_55, %dma_wait3A_56, %dma_wait3A_57] : memref<2x128x128xf32, #tpu.memory_space<vmem>> -> memref<1x128x128xf32, #tpu.memory_space<vmem>>
      %dma_wait3A_59 = tpu.memref_squeeze %dma_wait3A_58 : memref<1x128x128xf32, #tpu.memory_space<vmem>> -> memref<128x128xf32, #tpu.memory_space<vmem>>
      %dma_wait3A_60 = arith.constant 0 : i32
      %dma_wait3A_61 = tpu.memref_slice %arg9[%scan3A_6, %dma_wait3A_60] : memref<4x128xi32, #tpu.memory_space<vmem>> -> memref<1x128xi32, #tpu.memory_space<vmem>>
      %dma_wait3A_62 = tpu.memref_squeeze %dma_wait3A_61 : memref<1x128xi32, #tpu.memory_space<vmem>> -> memref<128xi32, #tpu.memory_space<vmem>>
      %dma_wait3A_63 = arith.constant 0 : i32
      %dma_wait3A_64 = arith.constant 0 : i32
      %dma_wait3A_65 = tpu.memref_slice %arg6[%dma_wait3A_63, %dma_wait3A_64] : memref<100000x128xf32, #tpu.memory_space<hbm>> -> memref<100000x128xf32, #tpu.memory_space<hbm>>
      tpu.wait_indirect_dma semaphore(%arg14 : memref<!tpu.dma_semaphore, #tpu.memory_space<semaphore_mem>>) src(%dma_wait3A_65 : memref<100000x128xf32, #tpu.memory_space<hbm>>) dst(%dma_wait3A_59 : memref<128x128xf32, #tpu.memory_space<vmem>>)
      %run_scoped3A_66 = arith.constant 1 : i32
      %run_scoped3A_67 = arith.constant 1 : i32
      "tpu.region"() ({
        %run_scoped3A_153 = tpu.sem_alloc : memref<!tpu.dma_semaphore, #tpu.memory_space<semaphore_mem>>
        %dma_start3A_154 = arith.constant 0 : i32
        %dma_start3A_155 = arith.constant 0 : i32
        %dma_start3A_156 = tpu.memref_slice %arg12[%run_scoped3A_66, %dma_start3A_154, %dma_start3A_155] : memref<2x128x128xf32, #tpu.memory_space<vmem>> -> memref<1x128x128xf32, #tpu.memory_space<vmem>>
        %dma_start3A_157 = tpu.memref_squeeze %dma_start3A_156 : memref<1x128x128xf32, #tpu.memory_space<vmem>> -> memref<128x128xf32, #tpu.memory_space<vmem>>
        %dma_start3A_158 = arith.constant 0 : i32
        %dma_start3A_159 = tpu.memref_slice %arg8[%run_scoped3A_67, %add3A_11, %dma_start3A_158] : memref<6x16384x128xf32, #tpu.memory_space<hbm>> -> memref<1x128x128xf32, #tpu.memory_space<hbm>>
        %dma_start3A_160 = tpu.memref_squeeze %dma_start3A_159 : memref<1x128x128xf32, #tpu.memory_space<hbm>> -> memref<128x128xf32, #tpu.memory_space<hbm>>
        %dma_start3A_161 = arith.constant 0 : i32
        %dma_start3A_162 = tpu.memref_slice %arg8[%run_scoped3A_67, %add3A_11, %dma_start3A_161] : memref<6x16384x128xf32, #tpu.memory_space<hbm>> -> memref<1x128x128xf32, #tpu.memory_space<hbm>>
        %dma_start3A_163 = tpu.memref_squeeze %dma_start3A_162 : memref<1x128x128xf32, #tpu.memory_space<hbm>> -> memref<128x128xf32, #tpu.memory_space<hbm>>
        %dma_start3A_164 = arith.constant 0 : i32
        %dma_start3A_165 = arith.constant 0 : i32
        %dma_start3A_166 = tpu.memref_slice %arg12[%run_scoped3A_66, %dma_start3A_164, %dma_start3A_165] : memref<2x128x128xf32, #tpu.memory_space<vmem>> -> memref<1x128x128xf32, #tpu.memory_space<vmem>>
        %dma_start3A_167 = tpu.memref_squeeze %dma_start3A_166 : memref<1x128x128xf32, #tpu.memory_space<vmem>> -> memref<128x128xf32, #tpu.memory_space<vmem>>
        tpu.enqueue_dma source(%dma_start3A_167 : memref<128x128xf32, #tpu.memory_space<vmem>>) target(%dma_start3A_163 : memref<128x128xf32, #tpu.memory_space<hbm>>) target_semaphore(%run_scoped3A_153 : memref<!tpu.dma_semaphore, #tpu.memory_space<semaphore_mem>>)
        %dma_wait3A_168 = arith.constant 0 : i32
        %dma_wait3A_169 = arith.constant 0 : i32
        %dma_wait3A_170 = tpu.memref_slice %arg12[%run_scoped3A_66, %dma_wait3A_168, %dma_wait3A_169] : memref<2x128x128xf32, #tpu.memory_space<vmem>> -> memref<1x128x128xf32, #tpu.memory_space<vmem>>
        %dma_wait3A_171 = tpu.memref_squeeze %dma_wait3A_170 : memref<1x128x128xf32, #tpu.memory_space<vmem>> -> memref<128x128xf32, #tpu.memory_space<vmem>>
        %dma_wait3A_172 = arith.constant 0 : i32
        %dma_wait3A_173 = tpu.memref_slice %arg8[%run_scoped3A_67, %add3A_11, %dma_wait3A_172] : memref<6x16384x128xf32, #tpu.memory_space<hbm>> -> memref<1x128x128xf32, #tpu.memory_space<hbm>>
        %dma_wait3A_174 = tpu.memref_squeeze %dma_wait3A_173 : memref<1x128x128xf32, #tpu.memory_space<hbm>> -> memref<128x128xf32, #tpu.memory_space<hbm>>
        %dma_wait3A_175 = arith.constant 0 : i32
        %dma_wait3A_176 = tpu.memref_slice %arg8[%run_scoped3A_67, %add3A_11, %dma_wait3A_175] : memref<6x16384x128xf32, #tpu.memory_space<hbm>> -> memref<1x128x128xf32, #tpu.memory_space<hbm>>
        %dma_wait3A_177 = tpu.memref_squeeze %dma_wait3A_176 : memref<1x128x128xf32, #tpu.memory_space<hbm>> -> memref<128x128xf32, #tpu.memory_space<hbm>>
        %dma_wait3A_178 = arith.constant 0 : i32
        %dma_wait3A_179 = arith.constant 0 : i32
        %dma_wait3A_180 = tpu.memref_slice %arg12[%run_scoped3A_66, %dma_wait3A_178, %dma_wait3A_179] : memref<2x128x128xf32, #tpu.memory_space<vmem>> -> memref<1x128x128xf32, #tpu.memory_space<vmem>>
        %dma_wait3A_181 = tpu.memref_squeeze %dma_wait3A_180 : memref<1x128x128xf32, #tpu.memory_space<vmem>> -> memref<128x128xf32, #tpu.memory_space<vmem>>
        tpu.wait_dma2 semaphore(%run_scoped3A_153 : memref<!tpu.dma_semaphore, #tpu.memory_space<semaphore_mem>>) src(%dma_wait3A_181 : memref<128x128xf32, #tpu.memory_space<vmem>>) dst(%dma_wait3A_177 : memref<128x128xf32, #tpu.memory_space<hbm>>)
        tpu.yield
      }) : () -> ()
      %dma_start3A_68 = arith.constant 1 : i32
      %dma_start3A_69 = arith.constant 0 : i32
      %dma_start3A_70 = arith.constant 0 : i32
      %dma_start3A_71 = tpu.memref_slice %arg12[%dma_start3A_68, %dma_start3A_69, %dma_start3A_70] : memref<2x128x128xf32, #tpu.memory_space<vmem>> -> memref<1x128x128xf32, #tpu.memory_space<vmem>>
      %dma_start3A_72 = tpu.memref_squeeze %dma_start3A_71 : memref<1x128x128xf32, #tpu.memory_space<vmem>> -> memref<128x128xf32, #tpu.memory_space<vmem>>
      %dma_start3A_73 = arith.constant 0 : i32
      %dma_start3A_74 = tpu.memref_slice %arg10[%scan3A_6, %dma_start3A_73] : memref<4x128xi32, #tpu.memory_space<vmem>> -> memref<1x128xi32, #tpu.memory_space<vmem>>
      %dma_start3A_75 = tpu.memref_squeeze %dma_start3A_74 : memref<1x128xi32, #tpu.memory_space<vmem>> -> memref<128xi32, #tpu.memory_space<vmem>>
      %dma_start3A_76 = arith.constant 0 : i32
      %dma_start3A_77 = arith.constant 0 : i32
      %dma_start3A_78 = tpu.memref_slice %arg5[%dma_start3A_76, %dma_start3A_77] : memref<100000x128xf32, #tpu.memory_space<hbm>> -> memref<100000x128xf32, #tpu.memory_space<hbm>>
      tpu.enqueue_indirect_dma source(%dma_start3A_78 : memref<100000x128xf32, #tpu.memory_space<hbm>>) target(%dma_start3A_72 : memref<128x128xf32, #tpu.memory_space<vmem>>) offsets(%dma_start3A_75 : memref<128xi32, #tpu.memory_space<vmem>>) semaphore(%arg14 : memref<!tpu.dma_semaphore, #tpu.memory_space<semaphore_mem>>)
      %dma_wait3A_79 = arith.constant 0 : i32
      %dma_wait3A_80 = arith.constant 0 : i32
      %dma_wait3A_81 = arith.constant 0 : i32
      %dma_wait3A_82 = tpu.memref_slice %arg12[%dma_wait3A_79, %dma_wait3A_80, %dma_wait3A_81] : memref<2x128x128xf32, #tpu.memory_space<vmem>> -> memref<1x128x128xf32, #tpu.memory_space<vmem>>
      %dma_wait3A_83 = tpu.memref_squeeze %dma_wait3A_82 : memref<1x128x128xf32, #tpu.memory_space<vmem>> -> memref<128x128xf32, #tpu.memory_space<vmem>>
      %dma_wait3A_84 = arith.constant 0 : i32
      %dma_wait3A_85 = tpu.memref_slice %arg9[%scan3A_6, %dma_wait3A_84] : memref<4x128xi32, #tpu.memory_space<vmem>> -> memref<1x128xi32, #tpu.memory_space<vmem>>
      %dma_wait3A_86 = tpu.memref_squeeze %dma_wait3A_85 : memref<1x128xi32, #tpu.memory_space<vmem>> -> memref<128xi32, #tpu.memory_space<vmem>>
      %dma_wait3A_87 = arith.constant 0 : i32
      %dma_wait3A_88 = arith.constant 0 : i32
      %dma_wait3A_89 = tpu.memref_slice %arg7[%dma_wait3A_87, %dma_wait3A_88] : memref<100000x128xf32, #tpu.memory_space<hbm>> -> memref<100000x128xf32, #tpu.memory_space<hbm>>
      tpu.wait_indirect_dma semaphore(%arg13 : memref<!tpu.dma_semaphore, #tpu.memory_space<semaphore_mem>>) src(%dma_wait3A_89 : memref<100000x128xf32, #tpu.memory_space<hbm>>) dst(%dma_wait3A_83 : memref<128x128xf32, #tpu.memory_space<vmem>>)
      %run_scoped3A_90 = arith.constant 0 : i32
      %run_scoped3A_91 = arith.constant 2 : i32
      "tpu.region"() ({
        %run_scoped3A_153 = tpu.sem_alloc : memref<!tpu.dma_semaphore, #tpu.memory_space<semaphore_mem>>
        %dma_start3A_154 = arith.constant 0 : i32
        %dma_start3A_155 = arith.constant 0 : i32
        %dma_start3A_156 = tpu.memref_slice %arg12[%run_scoped3A_90, %dma_start3A_154, %dma_start3A_155] : memref<2x128x128xf32, #tpu.memory_space<vmem>> -> memref<1x128x128xf32, #tpu.memory_space<vmem>>
        %dma_start3A_157 = tpu.memref_squeeze %dma_start3A_156 : memref<1x128x128xf32, #tpu.memory_space<vmem>> -> memref<128x128xf32, #tpu.memory_space<vmem>>
        %dma_start3A_158 = arith.constant 0 : i32
        %dma_start3A_159 = tpu.memref_slice %arg8[%run_scoped3A_91, %add3A_11, %dma_start3A_158] : memref<6x16384x128xf32, #tpu.memory_space<hbm>> -> memref<1x128x128xf32, #tpu.memory_space<hbm>>
        %dma_start3A_160 = tpu.memref_squeeze %dma_start3A_159 : memref<1x128x128xf32, #tpu.memory_space<hbm>> -> memref<128x128xf32, #tpu.memory_space<hbm>>
        %dma_start3A_161 = arith.constant 0 : i32
        %dma_start3A_162 = tpu.memref_slice %arg8[%run_scoped3A_91, %add3A_11, %dma_start3A_161] : memref<6x16384x128xf32, #tpu.memory_space<hbm>> -> memref<1x128x128xf32, #tpu.memory_space<hbm>>
        %dma_start3A_163 = tpu.memref_squeeze %dma_start3A_162 : memref<1x128x128xf32, #tpu.memory_space<hbm>> -> memref<128x128xf32, #tpu.memory_space<hbm>>
        %dma_start3A_164 = arith.constant 0 : i32
        %dma_start3A_165 = arith.constant 0 : i32
        %dma_start3A_166 = tpu.memref_slice %arg12[%run_scoped3A_90, %dma_start3A_164, %dma_start3A_165] : memref<2x128x128xf32, #tpu.memory_space<vmem>> -> memref<1x128x128xf32, #tpu.memory_space<vmem>>
        %dma_start3A_167 = tpu.memref_squeeze %dma_start3A_166 : memref<1x128x128xf32, #tpu.memory_space<vmem>> -> memref<128x128xf32, #tpu.memory_space<vmem>>
        tpu.enqueue_dma source(%dma_start3A_167 : memref<128x128xf32, #tpu.memory_space<vmem>>) target(%dma_start3A_163 : memref<128x128xf32, #tpu.memory_space<hbm>>) target_semaphore(%run_scoped3A_153 : memref<!tpu.dma_semaphore, #tpu.memory_space<semaphore_mem>>)
        %dma_wait3A_168 = arith.constant 0 : i32
        %dma_wait3A_169 = arith.constant 0 : i32
        %dma_wait3A_170 = tpu.memref_slice %arg12[%run_scoped3A_90, %dma_wait3A_168, %dma_wait3A_169] : memref<2x128x128xf32, #tpu.memory_space<vmem>> -> memref<1x128x128xf32, #tpu.memory_space<vmem>>
        %dma_wait3A_171 = tpu.memref_squeeze %dma_wait3A_170 : memref<1x128x128xf32, #tpu.memory_space<vmem>> -> memref<128x128xf32, #tpu.memory_space<vmem>>
        %dma_wait3A_172 = arith.constant 0 : i32
        %dma_wait3A_173 = tpu.memref_slice %arg8[%run_scoped3A_91, %add3A_11, %dma_wait3A_172] : memref<6x16384x128xf32, #tpu.memory_space<hbm>> -> memref<1x128x128xf32, #tpu.memory_space<hbm>>
        %dma_wait3A_174 = tpu.memref_squeeze %dma_wait3A_173 : memref<1x128x128xf32, #tpu.memory_space<hbm>> -> memref<128x128xf32, #tpu.memory_space<hbm>>
        %dma_wait3A_175 = arith.constant 0 : i32
        %dma_wait3A_176 = tpu.memref_slice %arg8[%run_scoped3A_91, %add3A_11, %dma_wait3A_175] : memref<6x16384x128xf32, #tpu.memory_space<hbm>> -> memref<1x128x128xf32, #tpu.memory_space<hbm>>
        %dma_wait3A_177 = tpu.memref_squeeze %dma_wait3A_176 : memref<1x128x128xf32, #tpu.memory_space<hbm>> -> memref<128x128xf32, #tpu.memory_space<hbm>>
        %dma_wait3A_178 = arith.constant 0 : i32
        %dma_wait3A_179 = arith.constant 0 : i32
        %dma_wait3A_180 = tpu.memref_slice %arg12[%run_scoped3A_90, %dma_wait3A_178, %dma_wait3A_179] : memref<2x128x128xf32, #tpu.memory_space<vmem>> -> memref<1x128x128xf32, #tpu.memory_space<vmem>>
        %dma_wait3A_181 = tpu.memref_squeeze %dma_wait3A_180 : memref<1x128x128xf32, #tpu.memory_space<vmem>> -> memref<128x128xf32, #tpu.memory_space<vmem>>
        tpu.wait_dma2 semaphore(%run_scoped3A_153 : memref<!tpu.dma_semaphore, #tpu.memory_space<semaphore_mem>>) src(%dma_wait3A_181 : memref<128x128xf32, #tpu.memory_space<vmem>>) dst(%dma_wait3A_177 : memref<128x128xf32, #tpu.memory_space<hbm>>)
        tpu.yield
      }) : () -> ()
      %dma_start3A_92 = arith.constant 0 : i32
      %dma_start3A_93 = arith.constant 0 : i32
      %dma_start3A_94 = arith.constant 0 : i32
      %dma_start3A_95 = tpu.memref_slice %arg12[%dma_start3A_92, %dma_start3A_93, %dma_start3A_94] : memref<2x128x128xf32, #tpu.memory_space<vmem>> -> memref<1x128x128xf32, #tpu.memory_space<vmem>>
      %dma_start3A_96 = tpu.memref_squeeze %dma_start3A_95 : memref<1x128x128xf32, #tpu.memory_space<vmem>> -> memref<128x128xf32, #tpu.memory_space<vmem>>
      %dma_start3A_97 = arith.constant 0 : i32
      %dma_start3A_98 = tpu.memref_slice %arg10[%scan3A_6, %dma_start3A_97] : memref<4x128xi32, #tpu.memory_space<vmem>> -> memref<1x128xi32, #tpu.memory_space<vmem>>
      %dma_start3A_99 = tpu.memref_squeeze %dma_start3A_98 : memref<1x128xi32, #tpu.memory_space<vmem>> -> memref<128xi32, #tpu.memory_space<vmem>>
      %dma_start3A_100 = arith.constant 0 : i32
      %dma_start3A_101 = arith.constant 0 : i32
      %dma_start3A_102 = tpu.memref_slice %arg6[%dma_start3A_100, %dma_start3A_101] : memref<100000x128xf32, #tpu.memory_space<hbm>> -> memref<100000x128xf32, #tpu.memory_space<hbm>>
      tpu.enqueue_indirect_dma source(%dma_start3A_102 : memref<100000x128xf32, #tpu.memory_space<hbm>>) target(%dma_start3A_96 : memref<128x128xf32, #tpu.memory_space<vmem>>) offsets(%dma_start3A_99 : memref<128xi32, #tpu.memory_space<vmem>>) semaphore(%arg13 : memref<!tpu.dma_semaphore, #tpu.memory_space<semaphore_mem>>)
      %dma_wait3A_103 = arith.constant 1 : i32
      %dma_wait3A_104 = arith.constant 0 : i32
      %dma_wait3A_105 = arith.constant 0 : i32
      %dma_wait3A_106 = tpu.memref_slice %arg12[%dma_wait3A_103, %dma_wait3A_104, %dma_wait3A_105] : memref<2x128x128xf32, #tpu.memory_space<vmem>> -> memref<1x128x128xf32, #tpu.memory_space<vmem>>
      %dma_wait3A_107 = tpu.memref_squeeze %dma_wait3A_106 : memref<1x128x128xf32, #tpu.memory_space<vmem>> -> memref<128x128xf32, #tpu.memory_space<vmem>>
      %dma_wait3A_108 = arith.constant 0 : i32
      %dma_wait3A_109 = tpu.memref_slice %arg10[%scan3A_6, %dma_wait3A_108] : memref<4x128xi32, #tpu.memory_space<vmem>> -> memref<1x128xi32, #tpu.memory_space<vmem>>
      %dma_wait3A_110 = tpu.memref_squeeze %dma_wait3A_109 : memref<1x128xi32, #tpu.memory_space<vmem>> -> memref<128xi32, #tpu.memory_space<vmem>>
      %dma_wait3A_111 = arith.constant 0 : i32
      %dma_wait3A_112 = arith.constant 0 : i32
      %dma_wait3A_113 = tpu.memref_slice %arg5[%dma_wait3A_111, %dma_wait3A_112] : memref<100000x128xf32, #tpu.memory_space<hbm>> -> memref<100000x128xf32, #tpu.memory_space<hbm>>
      tpu.wait_indirect_dma semaphore(%arg14 : memref<!tpu.dma_semaphore, #tpu.memory_space<semaphore_mem>>) src(%dma_wait3A_113 : memref<100000x128xf32, #tpu.memory_space<hbm>>) dst(%dma_wait3A_107 : memref<128x128xf32, #tpu.memory_space<vmem>>)
      %run_scoped3A_114 = arith.constant 1 : i32
      %run_scoped3A_115 = arith.constant 3 : i32
      "tpu.region"() ({
        %run_scoped3A_153 = tpu.sem_alloc : memref<!tpu.dma_semaphore, #tpu.memory_space<semaphore_mem>>
        %dma_start3A_154 = arith.constant 0 : i32
        %dma_start3A_155 = arith.constant 0 : i32
        %dma_start3A_156 = tpu.memref_slice %arg12[%run_scoped3A_114, %dma_start3A_154, %dma_start3A_155] : memref<2x128x128xf32, #tpu.memory_space<vmem>> -> memref<1x128x128xf32, #tpu.memory_space<vmem>>
        %dma_start3A_157 = tpu.memref_squeeze %dma_start3A_156 : memref<1x128x128xf32, #tpu.memory_space<vmem>> -> memref<128x128xf32, #tpu.memory_space<vmem>>
        %dma_start3A_158 = arith.constant 0 : i32
        %dma_start3A_159 = tpu.memref_slice %arg8[%run_scoped3A_115, %add3A_11, %dma_start3A_158] : memref<6x16384x128xf32, #tpu.memory_space<hbm>> -> memref<1x128x128xf32, #tpu.memory_space<hbm>>
        %dma_start3A_160 = tpu.memref_squeeze %dma_start3A_159 : memref<1x128x128xf32, #tpu.memory_space<hbm>> -> memref<128x128xf32, #tpu.memory_space<hbm>>
        %dma_start3A_161 = arith.constant 0 : i32
        %dma_start3A_162 = tpu.memref_slice %arg8[%run_scoped3A_115, %add3A_11, %dma_start3A_161] : memref<6x16384x128xf32, #tpu.memory_space<hbm>> -> memref<1x128x128xf32, #tpu.memory_space<hbm>>
        %dma_start3A_163 = tpu.memref_squeeze %dma_start3A_162 : memref<1x128x128xf32, #tpu.memory_space<hbm>> -> memref<128x128xf32, #tpu.memory_space<hbm>>
        %dma_start3A_164 = arith.constant 0 : i32
        %dma_start3A_165 = arith.constant 0 : i32
        %dma_start3A_166 = tpu.memref_slice %arg12[%run_scoped3A_114, %dma_start3A_164, %dma_start3A_165] : memref<2x128x128xf32, #tpu.memory_space<vmem>> -> memref<1x128x128xf32, #tpu.memory_space<vmem>>
        %dma_start3A_167 = tpu.memref_squeeze %dma_start3A_166 : memref<1x128x128xf32, #tpu.memory_space<vmem>> -> memref<128x128xf32, #tpu.memory_space<vmem>>
        tpu.enqueue_dma source(%dma_start3A_167 : memref<128x128xf32, #tpu.memory_space<vmem>>) target(%dma_start3A_163 : memref<128x128xf32, #tpu.memory_space<hbm>>) target_semaphore(%run_scoped3A_153 : memref<!tpu.dma_semaphore, #tpu.memory_space<semaphore_mem>>)
        %dma_wait3A_168 = arith.constant 0 : i32
        %dma_wait3A_169 = arith.constant 0 : i32
        %dma_wait3A_170 = tpu.memref_slice %arg12[%run_scoped3A_114, %dma_wait3A_168, %dma_wait3A_169] : memref<2x128x128xf32, #tpu.memory_space<vmem>> -> memref<1x128x128xf32, #tpu.memory_space<vmem>>
        %dma_wait3A_171 = tpu.memref_squeeze %dma_wait3A_170 : memref<1x128x128xf32, #tpu.memory_space<vmem>> -> memref<128x128xf32, #tpu.memory_space<vmem>>
        %dma_wait3A_172 = arith.constant 0 : i32
        %dma_wait3A_173 = tpu.memref_slice %arg8[%run_scoped3A_115, %add3A_11, %dma_wait3A_172] : memref<6x16384x128xf32, #tpu.memory_space<hbm>> -> memref<1x128x128xf32, #tpu.memory_space<hbm>>
        %dma_wait3A_174 = tpu.memref_squeeze %dma_wait3A_173 : memref<1x128x128xf32, #tpu.memory_space<hbm>> -> memref<128x128xf32, #tpu.memory_space<hbm>>
        %dma_wait3A_175 = arith.constant 0 : i32
        %dma_wait3A_176 = tpu.memref_slice %arg8[%run_scoped3A_115, %add3A_11, %dma_wait3A_175] : memref<6x16384x128xf32, #tpu.memory_space<hbm>> -> memref<1x128x128xf32, #tpu.memory_space<hbm>>
        %dma_wait3A_177 = tpu.memref_squeeze %dma_wait3A_176 : memref<1x128x128xf32, #tpu.memory_space<hbm>> -> memref<128x128xf32, #tpu.memory_space<hbm>>
        %dma_wait3A_178 = arith.constant 0 : i32
        %dma_wait3A_179 = arith.constant 0 : i32
        %dma_wait3A_180 = tpu.memref_slice %arg12[%run_scoped3A_114, %dma_wait3A_178, %dma_wait3A_179] : memref<2x128x128xf32, #tpu.memory_space<vmem>> -> memref<1x128x128xf32, #tpu.memory_space<vmem>>
        %dma_wait3A_181 = tpu.memref_squeeze %dma_wait3A_180 : memref<1x128x128xf32, #tpu.memory_space<vmem>> -> memref<128x128xf32, #tpu.memory_space<vmem>>
        tpu.wait_dma2 semaphore(%run_scoped3A_153 : memref<!tpu.dma_semaphore, #tpu.memory_space<semaphore_mem>>) src(%dma_wait3A_181 : memref<128x128xf32, #tpu.memory_space<vmem>>) dst(%dma_wait3A_177 : memref<128x128xf32, #tpu.memory_space<hbm>>)
        tpu.yield
      }) : () -> ()
      %dma_start3A_116 = arith.constant 1 : i32
      %dma_start3A_117 = arith.constant 0 : i32
      %dma_start3A_118 = arith.constant 0 : i32
      %dma_start3A_119 = tpu.memref_slice %arg12[%dma_start3A_116, %dma_start3A_117, %dma_start3A_118] : memref<2x128x128xf32, #tpu.memory_space<vmem>> -> memref<1x128x128xf32, #tpu.memory_space<vmem>>
      %dma_start3A_120 = tpu.memref_squeeze %dma_start3A_119 : memref<1x128x128xf32, #tpu.memory_space<vmem>> -> memref<128x128xf32, #tpu.memory_space<vmem>>
      %dma_start3A_121 = arith.constant 0 : i32
      %dma_start3A_122 = tpu.memref_slice %arg10[%scan3A_6, %dma_start3A_121] : memref<4x128xi32, #tpu.memory_space<vmem>> -> memref<1x128xi32, #tpu.memory_space<vmem>>
      %dma_start3A_123 = tpu.memref_squeeze %dma_start3A_122 : memref<1x128xi32, #tpu.memory_space<vmem>> -> memref<128xi32, #tpu.memory_space<vmem>>
      %dma_start3A_124 = arith.constant 0 : i32
      %dma_start3A_125 = arith.constant 0 : i32
      %dma_start3A_126 = tpu.memref_slice %arg7[%dma_start3A_124, %dma_start3A_125] : memref<100000x128xf32, #tpu.memory_space<hbm>> -> memref<100000x128xf32, #tpu.memory_space<hbm>>
      tpu.enqueue_indirect_dma source(%dma_start3A_126 : memref<100000x128xf32, #tpu.memory_space<hbm>>) target(%dma_start3A_120 : memref<128x128xf32, #tpu.memory_space<vmem>>) offsets(%dma_start3A_123 : memref<128xi32, #tpu.memory_space<vmem>>) semaphore(%arg14 : memref<!tpu.dma_semaphore, #tpu.memory_space<semaphore_mem>>)
      %dma_wait3A_127 = arith.constant 0 : i32
      %dma_wait3A_128 = arith.constant 0 : i32
      %dma_wait3A_129 = arith.constant 0 : i32
      %dma_wait3A_130 = tpu.memref_slice %arg12[%dma_wait3A_127, %dma_wait3A_128, %dma_wait3A_129] : memref<2x128x128xf32, #tpu.memory_space<vmem>> -> memref<1x128x128xf32, #tpu.memory_space<vmem>>
      %dma_wait3A_131 = tpu.memref_squeeze %dma_wait3A_130 : memref<1x128x128xf32, #tpu.memory_space<vmem>> -> memref<128x128xf32, #tpu.memory_space<vmem>>
      %dma_wait3A_132 = arith.constant 0 : i32
      %dma_wait3A_133 = tpu.memref_slice %arg10[%scan3A_6, %dma_wait3A_132] : memref<4x128xi32, #tpu.memory_space<vmem>> -> memref<1x128xi32, #tpu.memory_space<vmem>>
      %dma_wait3A_134 = tpu.memref_squeeze %dma_wait3A_133 : memref<1x128xi32, #tpu.memory_space<vmem>> -> memref<128xi32, #tpu.memory_space<vmem>>
      %dma_wait3A_135 = arith.constant 0 : i32
      %dma_wait3A_136 = arith.constant 0 : i32
      %dma_wait3A_137 = tpu.memref_slice %arg6[%dma_wait3A_135, %dma_wait3A_136] : memref<100000x128xf32, #tpu.memory_space<hbm>> -> memref<100000x128xf32, #tpu.memory_space<hbm>>
      tpu.wait_indirect_dma semaphore(%arg13 : memref<!tpu.dma_semaphore, #tpu.memory_space<semaphore_mem>>) src(%dma_wait3A_137 : memref<100000x128xf32, #tpu.memory_space<hbm>>) dst(%dma_wait3A_131 : memref<128x128xf32, #tpu.memory_space<vmem>>)
      %run_scoped3A_138 = arith.constant 0 : i32
      %run_scoped3A_139 = arith.constant 4 : i32
      "tpu.region"() ({
        %run_scoped3A_153 = tpu.sem_alloc : memref<!tpu.dma_semaphore, #tpu.memory_space<semaphore_mem>>
        %dma_start3A_154 = arith.constant 0 : i32
        %dma_start3A_155 = arith.constant 0 : i32
        %dma_start3A_156 = tpu.memref_slice %arg12[%run_scoped3A_138, %dma_start3A_154, %dma_start3A_155] : memref<2x128x128xf32, #tpu.memory_space<vmem>> -> memref<1x128x128xf32, #tpu.memory_space<vmem>>
        %dma_start3A_157 = tpu.memref_squeeze %dma_start3A_156 : memref<1x128x128xf32, #tpu.memory_space<vmem>> -> memref<128x128xf32, #tpu.memory_space<vmem>>
        %dma_start3A_158 = arith.constant 0 : i32
        %dma_start3A_159 = tpu.memref_slice %arg8[%run_scoped3A_139, %add3A_11, %dma_start3A_158] : memref<6x16384x128xf32, #tpu.memory_space<hbm>> -> memref<1x128x128xf32, #tpu.memory_space<hbm>>
        %dma_start3A_160 = tpu.memref_squeeze %dma_start3A_159 : memref<1x128x128xf32, #tpu.memory_space<hbm>> -> memref<128x128xf32, #tpu.memory_space<hbm>>
        %dma_start3A_161 = arith.constant 0 : i32
        %dma_start3A_162 = tpu.memref_slice %arg8[%run_scoped3A_139, %add3A_11, %dma_start3A_161] : memref<6x16384x128xf32, #tpu.memory_space<hbm>> -> memref<1x128x128xf32, #tpu.memory_space<hbm>>
        %dma_start3A_163 = tpu.memref_squeeze %dma_start3A_162 : memref<1x128x128xf32, #tpu.memory_space<hbm>> -> memref<128x128xf32, #tpu.memory_space<hbm>>
        %dma_start3A_164 = arith.constant 0 : i32
        %dma_start3A_165 = arith.constant 0 : i32
        %dma_start3A_166 = tpu.memref_slice %arg12[%run_scoped3A_138, %dma_start3A_164, %dma_start3A_165] : memref<2x128x128xf32, #tpu.memory_space<vmem>> -> memref<1x128x128xf32, #tpu.memory_space<vmem>>
        %dma_start3A_167 = tpu.memref_squeeze %dma_start3A_166 : memref<1x128x128xf32, #tpu.memory_space<vmem>> -> memref<128x128xf32, #tpu.memory_space<vmem>>
        tpu.enqueue_dma source(%dma_start3A_167 : memref<128x128xf32, #tpu.memory_space<vmem>>) target(%dma_start3A_163 : memref<128x128xf32, #tpu.memory_space<hbm>>) target_semaphore(%run_scoped3A_153 : memref<!tpu.dma_semaphore, #tpu.memory_space<semaphore_mem>>)
        %dma_wait3A_168 = arith.constant 0 : i32
        %dma_wait3A_169 = arith.constant 0 : i32
        %dma_wait3A_170 = tpu.memref_slice %arg12[%run_scoped3A_138, %dma_wait3A_168, %dma_wait3A_169] : memref<2x128x128xf32, #tpu.memory_space<vmem>> -> memref<1x128x128xf32, #tpu.memory_space<vmem>>
        %dma_wait3A_171 = tpu.memref_squeeze %dma_wait3A_170 : memref<1x128x128xf32, #tpu.memory_space<vmem>> -> memref<128x128xf32, #tpu.memory_space<vmem>>
        %dma_wait3A_172 = arith.constant 0 : i32
        %dma_wait3A_173 = tpu.memref_slice %arg8[%run_scoped3A_139, %add3A_11, %dma_wait3A_172] : memref<6x16384x128xf32, #tpu.memory_space<hbm>> -> memref<1x128x128xf32, #tpu.memory_space<hbm>>
        %dma_wait3A_174 = tpu.memref_squeeze %dma_wait3A_173 : memref<1x128x128xf32, #tpu.memory_space<hbm>> -> memref<128x128xf32, #tpu.memory_space<hbm>>
        %dma_wait3A_175 = arith.constant 0 : i32
        %dma_wait3A_176 = tpu.memref_slice %arg8[%run_scoped3A_139, %add3A_11, %dma_wait3A_175] : memref<6x16384x128xf32, #tpu.memory_space<hbm>> -> memref<1x128x128xf32, #tpu.memory_space<hbm>>
        %dma_wait3A_177 = tpu.memref_squeeze %dma_wait3A_176 : memref<1x128x128xf32, #tpu.memory_space<hbm>> -> memref<128x128xf32, #tpu.memory_space<hbm>>
        %dma_wait3A_178 = arith.constant 0 : i32
        %dma_wait3A_179 = arith.constant 0 : i32
        %dma_wait3A_180 = tpu.memref_slice %arg12[%run_scoped3A_138, %dma_wait3A_178, %dma_wait3A_179] : memref<2x128x128xf32, #tpu.memory_space<vmem>> -> memref<1x128x128xf32, #tpu.memory_space<vmem>>
        %dma_wait3A_181 = tpu.memref_squeeze %dma_wait3A_180 : memref<1x128x128xf32, #tpu.memory_space<vmem>> -> memref<128x128xf32, #tpu.memory_space<vmem>>
        tpu.wait_dma2 semaphore(%run_scoped3A_153 : memref<!tpu.dma_semaphore, #tpu.memory_space<semaphore_mem>>) src(%dma_wait3A_181 : memref<128x128xf32, #tpu.memory_space<vmem>>) dst(%dma_wait3A_177 : memref<128x128xf32, #tpu.memory_space<hbm>>)
        tpu.yield
      }) : () -> ()
      %dma_wait3A_140 = arith.constant 1 : i32
      %dma_wait3A_141 = arith.constant 0 : i32
      %dma_wait3A_142 = arith.constant 0 : i32
      %dma_wait3A_143 = tpu.memref_slice %arg12[%dma_wait3A_140, %dma_wait3A_141, %dma_wait3A_142] : memref<2x128x128xf32, #tpu.memory_space<vmem>> -> memref<1x128x128xf32, #tpu.memory_space<vmem>>
      %dma_wait3A_144 = tpu.memref_squeeze %dma_wait3A_143 : memref<1x128x128xf32, #tpu.memory_space<vmem>> -> memref<128x128xf32, #tpu.memory_space<vmem>>
      %dma_wait3A_145 = arith.constant 0 : i32
      %dma_wait3A_146 = tpu.memref_slice %arg10[%scan3A_6, %dma_wait3A_145] : memref<4x128xi32, #tpu.memory_space<vmem>> -> memref<1x128xi32, #tpu.memory_space<vmem>>
      %dma_wait3A_147 = tpu.memref_squeeze %dma_wait3A_146 : memref<1x128xi32, #tpu.memory_space<vmem>> -> memref<128xi32, #tpu.memory_space<vmem>>
      %dma_wait3A_148 = arith.constant 0 : i32
      %dma_wait3A_149 = arith.constant 0 : i32
      %dma_wait3A_150 = tpu.memref_slice %arg7[%dma_wait3A_148, %dma_wait3A_149] : memref<100000x128xf32, #tpu.memory_space<hbm>> -> memref<100000x128xf32, #tpu.memory_space<hbm>>
      tpu.wait_indirect_dma semaphore(%arg14 : memref<!tpu.dma_semaphore, #tpu.memory_space<semaphore_mem>>) src(%dma_wait3A_150 : memref<100000x128xf32, #tpu.memory_space<hbm>>) dst(%dma_wait3A_144 : memref<128x128xf32, #tpu.memory_space<vmem>>)
      %run_scoped3A_151 = arith.constant 1 : i32
      %run_scoped3A_152 = arith.constant 5 : i32
      "tpu.region"() ({
        %run_scoped3A_153 = tpu.sem_alloc : memref<!tpu.dma_semaphore, #tpu.memory_space<semaphore_mem>>
        %dma_start3A_154 = arith.constant 0 : i32
        %dma_start3A_155 = arith.constant 0 : i32
        %dma_start3A_156 = tpu.memref_slice %arg12[%run_scoped3A_151, %dma_start3A_154, %dma_start3A_155] : memref<2x128x128xf32, #tpu.memory_space<vmem>> -> memref<1x128x128xf32, #tpu.memory_space<vmem>>
        %dma_start3A_157 = tpu.memref_squeeze %dma_start3A_156 : memref<1x128x128xf32, #tpu.memory_space<vmem>> -> memref<128x128xf32, #tpu.memory_space<vmem>>
        %dma_start3A_158 = arith.constant 0 : i32
        %dma_start3A_159 = tpu.memref_slice %arg8[%run_scoped3A_152, %add3A_11, %dma_start3A_158] : memref<6x16384x128xf32, #tpu.memory_space<hbm>> -> memref<1x128x128xf32, #tpu.memory_space<hbm>>
        %dma_start3A_160 = tpu.memref_squeeze %dma_start3A_159 : memref<1x128x128xf32, #tpu.memory_space<hbm>> -> memref<128x128xf32, #tpu.memory_space<hbm>>
        %dma_start3A_161 = arith.constant 0 : i32
        %dma_start3A_162 = tpu.memref_slice %arg8[%run_scoped3A_152, %add3A_11, %dma_start3A_161] : memref<6x16384x128xf32, #tpu.memory_space<hbm>> -> memref<1x128x128xf32, #tpu.memory_space<hbm>>
        %dma_start3A_163 = tpu.memref_squeeze %dma_start3A_162 : memref<1x128x128xf32, #tpu.memory_space<hbm>> -> memref<128x128xf32, #tpu.memory_space<hbm>>
        %dma_start3A_164 = arith.constant 0 : i32
        %dma_start3A_165 = arith.constant 0 : i32
        %dma_start3A_166 = tpu.memref_slice %arg12[%run_scoped3A_151, %dma_start3A_164, %dma_start3A_165] : memref<2x128x128xf32, #tpu.memory_space<vmem>> -> memref<1x128x128xf32, #tpu.memory_space<vmem>>
        %dma_start3A_167 = tpu.memref_squeeze %dma_start3A_166 : memref<1x128x128xf32, #tpu.memory_space<vmem>> -> memref<128x128xf32, #tpu.memory_space<vmem>>
        tpu.enqueue_dma source(%dma_start3A_167 : memref<128x128xf32, #tpu.memory_space<vmem>>) target(%dma_start3A_163 : memref<128x128xf32, #tpu.memory_space<hbm>>) target_semaphore(%run_scoped3A_153 : memref<!tpu.dma_semaphore, #tpu.memory_space<semaphore_mem>>)
        %dma_wait3A_168 = arith.constant 0 : i32
        %dma_wait3A_169 = arith.constant 0 : i32
        %dma_wait3A_170 = tpu.memref_slice %arg12[%run_scoped3A_151, %dma_wait3A_168, %dma_wait3A_169] : memref<2x128x128xf32, #tpu.memory_space<vmem>> -> memref<1x128x128xf32, #tpu.memory_space<vmem>>
        %dma_wait3A_171 = tpu.memref_squeeze %dma_wait3A_170 : memref<1x128x128xf32, #tpu.memory_space<vmem>> -> memref<128x128xf32, #tpu.memory_space<vmem>>
        %dma_wait3A_172 = arith.constant 0 : i32
        %dma_wait3A_173 = tpu.memref_slice %arg8[%run_scoped3A_152, %add3A_11, %dma_wait3A_172] : memref<6x16384x128xf32, #tpu.memory_space<hbm>> -> memref<1x128x128xf32, #tpu.memory_space<hbm>>
        %dma_wait3A_174 = tpu.memref_squeeze %dma_wait3A_173 : memref<1x128x128xf32, #tpu.memory_space<hbm>> -> memref<128x128xf32, #tpu.memory_space<hbm>>
        %dma_wait3A_175 = arith.constant 0 : i32
        %dma_wait3A_176 = tpu.memref_slice %arg8[%run_scoped3A_152, %add3A_11, %dma_wait3A_175] : memref<6x16384x128xf32, #tpu.memory_space<hbm>> -> memref<1x128x128xf32, #tpu.memory_space<hbm>>
        %dma_wait3A_177 = tpu.memref_squeeze %dma_wait3A_176 : memref<1x128x128xf32, #tpu.memory_space<hbm>> -> memref<128x128xf32, #tpu.memory_space<hbm>>
        %dma_wait3A_178 = arith.constant 0 : i32
        %dma_wait3A_179 = arith.constant 0 : i32
        %dma_wait3A_180 = tpu.memref_slice %arg12[%run_scoped3A_151, %dma_wait3A_178, %dma_wait3A_179] : memref<2x128x128xf32, #tpu.memory_space<vmem>> -> memref<1x128x128xf32, #tpu.memory_space<vmem>>
        %dma_wait3A_181 = tpu.memref_squeeze %dma_wait3A_180 : memref<1x128x128xf32, #tpu.memory_space<vmem>> -> memref<128x128xf32, #tpu.memory_space<vmem>>
        tpu.wait_dma2 semaphore(%run_scoped3A_153 : memref<!tpu.dma_semaphore, #tpu.memory_space<semaphore_mem>>) src(%dma_wait3A_181 : memref<128x128xf32, #tpu.memory_space<vmem>>) dst(%dma_wait3A_177 : memref<128x128xf32, #tpu.memory_space<hbm>>)
        tpu.yield
      }) : () -> ()
    }
    %scan3A_5 = arith.constant 4 : i32
    return
  }
}

module attributes {stable_mosaic.version = 14 : i64} {
  func.func @_combine_body(%arg0: i32, %arg1: memref<512x1xf32, #tpu.memory_space<vmem>>, %arg2: memref<512x1xf32, #tpu.memory_space<vmem>>, %arg3: memref<512x1xf32, #tpu.memory_space<vmem>>, %arg4: memref<3x512x128xf32, #tpu.memory_space<vmem>>, %arg5: memref<6x512x128xf32, #tpu.memory_space<vmem>>, %arg6: memref<6x512x128xf32, #tpu.memory_space<vmem>>, %arg7: memref<6x512x128xf32, #tpu.memory_space<vmem>>, %arg8: memref<512xf32, #tpu.memory_space<vmem>>) attributes {dimension_semantics = [#tpu.dimension_semantics<arbitrary>], iteration_bounds = array<i64: 32>, scalar_prefetch = 0 : i64, scratch_operands = 0 : i64, tpu.core_type = #tpu.core_type<tc>, window_params = [{transform_indices = @transform_0, window_bounds = array<i64: 512, 1>}, {transform_indices = @transform_1, window_bounds = array<i64: 512, 1>}, {transform_indices = @transform_2, window_bounds = array<i64: 512, 1>}, {transform_indices = @transform_3, window_bounds = array<i64: 3, 512, 128>}, {transform_indices = @transform_4, window_bounds = array<i64: 6, 512, 128>}, {transform_indices = @transform_5, window_bounds = array<i64: 6, 512, 128>}, {transform_indices = @transform_6, window_bounds = array<i64: 6, 512, 128>}, {transform_indices = @transform_7, window_bounds = array<i64: 512>}]} {
    %get3A = arith.constant 0 : index
    %get3A_0 = arith.constant 0 : index
    %get3A_1 = arith.constant 0 : index
    %get3A_2 = vector.load %arg4[%get3A, %get3A_0, %get3A_1] : memref<3x512x128xf32, #tpu.memory_space<vmem>>, vector<1x512x128xf32>
    %get3A_3 = vector.shape_cast %get3A_2 : vector<1x512x128xf32> to vector<512x128xf32>
    %get3A_4 = arith.constant 1 : index
    %get3A_5 = arith.constant 0 : index
    %get3A_6 = arith.constant 0 : index
    %get3A_7 = vector.load %arg4[%get3A_4, %get3A_5, %get3A_6] : memref<3x512x128xf32, #tpu.memory_space<vmem>>, vector<1x512x128xf32>
    %get3A_8 = vector.shape_cast %get3A_7 : vector<1x512x128xf32> to vector<512x128xf32>
    %get3A_9 = arith.constant 2 : index
    %get3A_10 = arith.constant 0 : index
    %get3A_11 = arith.constant 0 : index
    %get3A_12 = vector.load %arg4[%get3A_9, %get3A_10, %get3A_11] : memref<3x512x128xf32, #tpu.memory_space<vmem>>, vector<1x512x128xf32>
    %get3A_13 = vector.shape_cast %get3A_12 : vector<1x512x128xf32> to vector<512x128xf32>
    %get3A_14 = arith.constant 0 : index
    %get3A_15 = arith.constant 0 : index
    %get3A_16 = vector.load %arg1[%get3A_14, %get3A_15] : memref<512x1xf32, #tpu.memory_space<vmem>>, vector<512x1xf32>
    %get3A_17 = arith.constant 2 : index
    %get3A_18 = arith.constant 0 : index
    %get3A_19 = arith.constant 0 : index
    %get3A_20 = vector.load %arg5[%get3A_17, %get3A_18, %get3A_19] : memref<6x512x128xf32, #tpu.memory_space<vmem>>, vector<1x512x128xf32>
    %get3A_21 = vector.shape_cast %get3A_20 : vector<1x512x128xf32> to vector<512x128xf32>
    %get3A_22 = arith.constant 0 : index
    %get3A_23 = arith.constant 0 : index
    %get3A_24 = arith.constant 0 : index
    %get3A_25 = vector.load %arg5[%get3A_22, %get3A_23, %get3A_24] : memref<6x512x128xf32, #tpu.memory_space<vmem>>, vector<1x512x128xf32>
    %get3A_26 = vector.shape_cast %get3A_25 : vector<1x512x128xf32> to vector<512x128xf32>
    %mul3A = vector.broadcast %get3A_16 : vector<512x1xf32> to vector<512x128xf32>
    %mul3A_27 = arith.mulf %get3A_26, %mul3A : vector<512x128xf32>
    %get3A_28 = arith.constant 1 : index
    %get3A_29 = arith.constant 0 : index
    %get3A_30 = arith.constant 0 : index
    %get3A_31 = vector.load %arg5[%get3A_28, %get3A_29, %get3A_30] : memref<6x512x128xf32, #tpu.memory_space<vmem>>, vector<1x512x128xf32>
    %get3A_32 = vector.shape_cast %get3A_31 : vector<1x512x128xf32> to vector<512x128xf32>
    %add3A = arith.addf %mul3A_27, %get3A_32 : vector<512x128xf32>
    %mul3A_33 = arith.constant 0.159154937 : f32
    %mul3A_34 = vector.broadcast %mul3A_33 : f32 to vector<512x128xf32>
    %mul3A_35 = arith.mulf %add3A, %mul3A_34 : vector<512x128xf32>
    %add3A_36 = arith.constant 0x4B400000 : f32
    %add3A_37 = vector.broadcast %add3A_36 : f32 to vector<512x128xf32>
    %add3A_38 = arith.addf %mul3A_35, %add3A_37 : vector<512x128xf32>
    %sub3A = arith.constant 0x4B400000 : f32
    %sub3A_39 = vector.broadcast %sub3A : f32 to vector<512x128xf32>
    %sub3A_40 = arith.subf %add3A_38, %sub3A_39 : vector<512x128xf32>
    %mul3A_41 = arith.constant 6.281250e+00 : f32
    %mul3A_42 = vector.broadcast %mul3A_41 : f32 to vector<512x128xf32>
    %mul3A_43 = arith.mulf %sub3A_40, %mul3A_42 : vector<512x128xf32>
    %sub3A_44 = arith.subf %add3A, %mul3A_43 : vector<512x128xf32>
    %mul3A_45 = arith.constant 0.00193530717 : f32
    %mul3A_46 = vector.broadcast %mul3A_45 : f32 to vector<512x128xf32>
    %mul3A_47 = arith.mulf %sub3A_40, %mul3A_46 : vector<512x128xf32>
    %sub3A_48 = arith.subf %sub3A_44, %mul3A_47 : vector<512x128xf32>
    %mul3A_49 = arith.mulf %sub3A_48, %sub3A_48 : vector<512x128xf32>
    %mul3A_50 = arith.constant 2.173210e-06 : f32
    %mul3A_51 = vector.broadcast %mul3A_50 : f32 to vector<512x128xf32>
    %mul3A_52 = arith.mulf %mul3A_49, %mul3A_51 : vector<512x128xf32>
    %add3A_53 = arith.constant -1.93161817E-4 : f32
    %add3A_54 = vector.broadcast %add3A_53 : f32 to vector<512x128xf32>
    %add3A_55 = arith.addf %add3A_54, %mul3A_52 : vector<512x128xf32>
    %mul3A_56 = arith.mulf %mul3A_49, %add3A_55 : vector<512x128xf32>
    %add3A_57 = arith.constant 0.00831238274 : f32
    %add3A_58 = vector.broadcast %add3A_57 : f32 to vector<512x128xf32>
    %add3A_59 = arith.addf %add3A_58, %mul3A_56 : vector<512x128xf32>
    %mul3A_60 = arith.mulf %mul3A_49, %add3A_59 : vector<512x128xf32>
    %add3A_61 = arith.constant -0.166632578 : f32
    %add3A_62 = vector.broadcast %add3A_61 : f32 to vector<512x128xf32>
    %add3A_63 = arith.addf %add3A_62, %mul3A_60 : vector<512x128xf32>
    %mul3A_64 = arith.mulf %mul3A_49, %add3A_63 : vector<512x128xf32>
    %add3A_65 = arith.constant 0.999984562 : f32
    %add3A_66 = vector.broadcast %add3A_65 : f32 to vector<512x128xf32>
    %add3A_67 = arith.addf %add3A_66, %mul3A_64 : vector<512x128xf32>
    %mul3A_68 = arith.mulf %sub3A_48, %add3A_67 : vector<512x128xf32>
    %mul3A_69 = arith.mulf %get3A_21, %mul3A_68 : vector<512x128xf32>
    %get3A_70 = arith.constant 0 : index
    %get3A_71 = arith.constant 0 : index
    %get3A_72 = vector.load %arg2[%get3A_70, %get3A_71] : memref<512x1xf32, #tpu.memory_space<vmem>>, vector<512x1xf32>
    %get3A_73 = arith.constant 2 : index
    %get3A_74 = arith.constant 0 : index
    %get3A_75 = arith.constant 0 : index
    %get3A_76 = vector.load %arg6[%get3A_73, %get3A_74, %get3A_75] : memref<6x512x128xf32, #tpu.memory_space<vmem>>, vector<1x512x128xf32>
    %get3A_77 = vector.shape_cast %get3A_76 : vector<1x512x128xf32> to vector<512x128xf32>
    %get3A_78 = arith.constant 0 : index
    %get3A_79 = arith.constant 0 : index
    %get3A_80 = arith.constant 0 : index
    %get3A_81 = vector.load %arg6[%get3A_78, %get3A_79, %get3A_80] : memref<6x512x128xf32, #tpu.memory_space<vmem>>, vector<1x512x128xf32>
    %get3A_82 = vector.shape_cast %get3A_81 : vector<1x512x128xf32> to vector<512x128xf32>
    %mul3A_83 = vector.broadcast %get3A_72 : vector<512x1xf32> to vector<512x128xf32>
    %mul3A_84 = arith.mulf %get3A_82, %mul3A_83 : vector<512x128xf32>
    %get3A_85 = arith.constant 1 : index
    %get3A_86 = arith.constant 0 : index
    %get3A_87 = arith.constant 0 : index
    %get3A_88 = vector.load %arg6[%get3A_85, %get3A_86, %get3A_87] : memref<6x512x128xf32, #tpu.memory_space<vmem>>, vector<1x512x128xf32>
    %get3A_89 = vector.shape_cast %get3A_88 : vector<1x512x128xf32> to vector<512x128xf32>
    %add3A_90 = arith.addf %mul3A_84, %get3A_89 : vector<512x128xf32>
    %mul3A_91 = arith.constant 0.159154937 : f32
    %mul3A_92 = vector.broadcast %mul3A_91 : f32 to vector<512x128xf32>
    %mul3A_93 = arith.mulf %add3A_90, %mul3A_92 : vector<512x128xf32>
    %add3A_94 = arith.constant 0x4B400000 : f32
    %add3A_95 = vector.broadcast %add3A_94 : f32 to vector<512x128xf32>
    %add3A_96 = arith.addf %mul3A_93, %add3A_95 : vector<512x128xf32>
    %sub3A_97 = arith.constant 0x4B400000 : f32
    %sub3A_98 = vector.broadcast %sub3A_97 : f32 to vector<512x128xf32>
    %sub3A_99 = arith.subf %add3A_96, %sub3A_98 : vector<512x128xf32>
    %mul3A_100 = arith.constant 6.281250e+00 : f32
    %mul3A_101 = vector.broadcast %mul3A_100 : f32 to vector<512x128xf32>
    %mul3A_102 = arith.mulf %sub3A_99, %mul3A_101 : vector<512x128xf32>
    %sub3A_103 = arith.subf %add3A_90, %mul3A_102 : vector<512x128xf32>
    %mul3A_104 = arith.constant 0.00193530717 : f32
    %mul3A_105 = vector.broadcast %mul3A_104 : f32 to vector<512x128xf32>
    %mul3A_106 = arith.mulf %sub3A_99, %mul3A_105 : vector<512x128xf32>
    %sub3A_107 = arith.subf %sub3A_103, %mul3A_106 : vector<512x128xf32>
    %mul3A_108 = arith.mulf %sub3A_107, %sub3A_107 : vector<512x128xf32>
    %mul3A_109 = arith.constant 2.173210e-06 : f32
    %mul3A_110 = vector.broadcast %mul3A_109 : f32 to vector<512x128xf32>
    %mul3A_111 = arith.mulf %mul3A_108, %mul3A_110 : vector<512x128xf32>
    %add3A_112 = arith.constant -1.93161817E-4 : f32
    %add3A_113 = vector.broadcast %add3A_112 : f32 to vector<512x128xf32>
    %add3A_114 = arith.addf %add3A_113, %mul3A_111 : vector<512x128xf32>
    %mul3A_115 = arith.mulf %mul3A_108, %add3A_114 : vector<512x128xf32>
    %add3A_116 = arith.constant 0.00831238274 : f32
    %add3A_117 = vector.broadcast %add3A_116 : f32 to vector<512x128xf32>
    %add3A_118 = arith.addf %add3A_117, %mul3A_115 : vector<512x128xf32>
    %mul3A_119 = arith.mulf %mul3A_108, %add3A_118 : vector<512x128xf32>
    %add3A_120 = arith.constant -0.166632578 : f32
    %add3A_121 = vector.broadcast %add3A_120 : f32 to vector<512x128xf32>
    %add3A_122 = arith.addf %add3A_121, %mul3A_119 : vector<512x128xf32>
    %mul3A_123 = arith.mulf %mul3A_108, %add3A_122 : vector<512x128xf32>
    %add3A_124 = arith.constant 0.999984562 : f32
    %add3A_125 = vector.broadcast %add3A_124 : f32 to vector<512x128xf32>
    %add3A_126 = arith.addf %add3A_125, %mul3A_123 : vector<512x128xf32>
    %mul3A_127 = arith.mulf %sub3A_107, %add3A_126 : vector<512x128xf32>
    %mul3A_128 = arith.mulf %get3A_77, %mul3A_127 : vector<512x128xf32>
    %add3A_129 = arith.addf %mul3A_69, %mul3A_128 : vector<512x128xf32>
    %get3A_130 = arith.constant 0 : index
    %get3A_131 = arith.constant 0 : index
    %get3A_132 = vector.load %arg3[%get3A_130, %get3A_131] : memref<512x1xf32, #tpu.memory_space<vmem>>, vector<512x1xf32>
    %get3A_133 = arith.constant 2 : index
    %get3A_134 = arith.constant 0 : index
    %get3A_135 = arith.constant 0 : index
    %get3A_136 = vector.load %arg7[%get3A_133, %get3A_134, %get3A_135] : memref<6x512x128xf32, #tpu.memory_space<vmem>>, vector<1x512x128xf32>
    %get3A_137 = vector.shape_cast %get3A_136 : vector<1x512x128xf32> to vector<512x128xf32>
    %get3A_138 = arith.constant 0 : index
    %get3A_139 = arith.constant 0 : index
    %get3A_140 = arith.constant 0 : index
    %get3A_141 = vector.load %arg7[%get3A_138, %get3A_139, %get3A_140] : memref<6x512x128xf32, #tpu.memory_space<vmem>>, vector<1x512x128xf32>
    %get3A_142 = vector.shape_cast %get3A_141 : vector<1x512x128xf32> to vector<512x128xf32>
    %mul3A_143 = vector.broadcast %get3A_132 : vector<512x1xf32> to vector<512x128xf32>
    %mul3A_144 = arith.mulf %get3A_142, %mul3A_143 : vector<512x128xf32>
    %get3A_145 = arith.constant 1 : index
    %get3A_146 = arith.constant 0 : index
    %get3A_147 = arith.constant 0 : index
    %get3A_148 = vector.load %arg7[%get3A_145, %get3A_146, %get3A_147] : memref<6x512x128xf32, #tpu.memory_space<vmem>>, vector<1x512x128xf32>
    %get3A_149 = vector.shape_cast %get3A_148 : vector<1x512x128xf32> to vector<512x128xf32>
    %add3A_150 = arith.addf %mul3A_144, %get3A_149 : vector<512x128xf32>
    %mul3A_151 = arith.constant 0.159154937 : f32
    %mul3A_152 = vector.broadcast %mul3A_151 : f32 to vector<512x128xf32>
    %mul3A_153 = arith.mulf %add3A_150, %mul3A_152 : vector<512x128xf32>
    %add3A_154 = arith.constant 0x4B400000 : f32
    %add3A_155 = vector.broadcast %add3A_154 : f32 to vector<512x128xf32>
    %add3A_156 = arith.addf %mul3A_153, %add3A_155 : vector<512x128xf32>
    %sub3A_157 = arith.constant 0x4B400000 : f32
    %sub3A_158 = vector.broadcast %sub3A_157 : f32 to vector<512x128xf32>
    %sub3A_159 = arith.subf %add3A_156, %sub3A_158 : vector<512x128xf32>
    %mul3A_160 = arith.constant 6.281250e+00 : f32
    %mul3A_161 = vector.broadcast %mul3A_160 : f32 to vector<512x128xf32>
    %mul3A_162 = arith.mulf %sub3A_159, %mul3A_161 : vector<512x128xf32>
    %sub3A_163 = arith.subf %add3A_150, %mul3A_162 : vector<512x128xf32>
    %mul3A_164 = arith.constant 0.00193530717 : f32
    %mul3A_165 = vector.broadcast %mul3A_164 : f32 to vector<512x128xf32>
    %mul3A_166 = arith.mulf %sub3A_159, %mul3A_165 : vector<512x128xf32>
    %sub3A_167 = arith.subf %sub3A_163, %mul3A_166 : vector<512x128xf32>
    %mul3A_168 = arith.mulf %sub3A_167, %sub3A_167 : vector<512x128xf32>
    %mul3A_169 = arith.constant 2.173210e-06 : f32
    %mul3A_170 = vector.broadcast %mul3A_169 : f32 to vector<512x128xf32>
    %mul3A_171 = arith.mulf %mul3A_168, %mul3A_170 : vector<512x128xf32>
    %add3A_172 = arith.constant -1.93161817E-4 : f32
    %add3A_173 = vector.broadcast %add3A_172 : f32 to vector<512x128xf32>
    %add3A_174 = arith.addf %add3A_173, %mul3A_171 : vector<512x128xf32>
    %mul3A_175 = arith.mulf %mul3A_168, %add3A_174 : vector<512x128xf32>
    %add3A_176 = arith.constant 0.00831238274 : f32
    %add3A_177 = vector.broadcast %add3A_176 : f32 to vector<512x128xf32>
    %add3A_178 = arith.addf %add3A_177, %mul3A_175 : vector<512x128xf32>
    %mul3A_179 = arith.mulf %mul3A_168, %add3A_178 : vector<512x128xf32>
    %add3A_180 = arith.constant -0.166632578 : f32
    %add3A_181 = vector.broadcast %add3A_180 : f32 to vector<512x128xf32>
    %add3A_182 = arith.addf %add3A_181, %mul3A_179 : vector<512x128xf32>
    %mul3A_183 = arith.mulf %mul3A_168, %add3A_182 : vector<512x128xf32>
    %add3A_184 = arith.constant 0.999984562 : f32
    %add3A_185 = vector.broadcast %add3A_184 : f32 to vector<512x128xf32>
    %add3A_186 = arith.addf %add3A_185, %mul3A_183 : vector<512x128xf32>
    %mul3A_187 = arith.mulf %sub3A_167, %add3A_186 : vector<512x128xf32>
    %mul3A_188 = arith.mulf %get3A_137, %mul3A_187 : vector<512x128xf32>
    %add3A_189 = arith.addf %add3A_129, %mul3A_188 : vector<512x128xf32>
    %get3A_190 = arith.constant 0 : index
    %get3A_191 = arith.constant 0 : index
    %get3A_192 = vector.load %arg1[%get3A_190, %get3A_191] : memref<512x1xf32, #tpu.memory_space<vmem>>, vector<512x1xf32>
    %get3A_193 = arith.constant 5 : index
    %get3A_194 = arith.constant 0 : index
    %get3A_195 = arith.constant 0 : index
    %get3A_196 = vector.load %arg5[%get3A_193, %get3A_194, %get3A_195] : memref<6x512x128xf32, #tpu.memory_space<vmem>>, vector<1x512x128xf32>
    %get3A_197 = vector.shape_cast %get3A_196 : vector<1x512x128xf32> to vector<512x128xf32>
    %get3A_198 = arith.constant 3 : index
    %get3A_199 = arith.constant 0 : index
    %get3A_200 = arith.constant 0 : index
    %get3A_201 = vector.load %arg5[%get3A_198, %get3A_199, %get3A_200] : memref<6x512x128xf32, #tpu.memory_space<vmem>>, vector<1x512x128xf32>
    %get3A_202 = vector.shape_cast %get3A_201 : vector<1x512x128xf32> to vector<512x128xf32>
    %mul3A_203 = vector.broadcast %get3A_192 : vector<512x1xf32> to vector<512x128xf32>
    %mul3A_204 = arith.mulf %get3A_202, %mul3A_203 : vector<512x128xf32>
    %get3A_205 = arith.constant 4 : index
    %get3A_206 = arith.constant 0 : index
    %get3A_207 = arith.constant 0 : index
    %get3A_208 = vector.load %arg5[%get3A_205, %get3A_206, %get3A_207] : memref<6x512x128xf32, #tpu.memory_space<vmem>>, vector<1x512x128xf32>
    %get3A_209 = vector.shape_cast %get3A_208 : vector<1x512x128xf32> to vector<512x128xf32>
    %add3A_210 = arith.addf %mul3A_204, %get3A_209 : vector<512x128xf32>
    %mul3A_211 = arith.constant 0.159154937 : f32
    %mul3A_212 = vector.broadcast %mul3A_211 : f32 to vector<512x128xf32>
    %mul3A_213 = arith.mulf %add3A_210, %mul3A_212 : vector<512x128xf32>
    %add3A_214 = arith.constant 0x4B400000 : f32
    %add3A_215 = vector.broadcast %add3A_214 : f32 to vector<512x128xf32>
    %add3A_216 = arith.addf %mul3A_213, %add3A_215 : vector<512x128xf32>
    %sub3A_217 = arith.constant 0x4B400000 : f32
    %sub3A_218 = vector.broadcast %sub3A_217 : f32 to vector<512x128xf32>
    %sub3A_219 = arith.subf %add3A_216, %sub3A_218 : vector<512x128xf32>
    %mul3A_220 = arith.constant 6.281250e+00 : f32
    %mul3A_221 = vector.broadcast %mul3A_220 : f32 to vector<512x128xf32>
    %mul3A_222 = arith.mulf %sub3A_219, %mul3A_221 : vector<512x128xf32>
    %sub3A_223 = arith.subf %add3A_210, %mul3A_222 : vector<512x128xf32>
    %mul3A_224 = arith.constant 0.00193530717 : f32
    %mul3A_225 = vector.broadcast %mul3A_224 : f32 to vector<512x128xf32>
    %mul3A_226 = arith.mulf %sub3A_219, %mul3A_225 : vector<512x128xf32>
    %sub3A_227 = arith.subf %sub3A_223, %mul3A_226 : vector<512x128xf32>
    %mul3A_228 = arith.mulf %sub3A_227, %sub3A_227 : vector<512x128xf32>
    %mul3A_229 = arith.constant 2.173210e-06 : f32
    %mul3A_230 = vector.broadcast %mul3A_229 : f32 to vector<512x128xf32>
    %mul3A_231 = arith.mulf %mul3A_228, %mul3A_230 : vector<512x128xf32>
    %add3A_232 = arith.constant -1.93161817E-4 : f32
    %add3A_233 = vector.broadcast %add3A_232 : f32 to vector<512x128xf32>
    %add3A_234 = arith.addf %add3A_233, %mul3A_231 : vector<512x128xf32>
    %mul3A_235 = arith.mulf %mul3A_228, %add3A_234 : vector<512x128xf32>
    %add3A_236 = arith.constant 0.00831238274 : f32
    %add3A_237 = vector.broadcast %add3A_236 : f32 to vector<512x128xf32>
    %add3A_238 = arith.addf %add3A_237, %mul3A_235 : vector<512x128xf32>
    %mul3A_239 = arith.mulf %mul3A_228, %add3A_238 : vector<512x128xf32>
    %add3A_240 = arith.constant -0.166632578 : f32
    %add3A_241 = vector.broadcast %add3A_240 : f32 to vector<512x128xf32>
    %add3A_242 = arith.addf %add3A_241, %mul3A_239 : vector<512x128xf32>
    %mul3A_243 = arith.mulf %mul3A_228, %add3A_242 : vector<512x128xf32>
    %add3A_244 = arith.constant 0.999984562 : f32
    %add3A_245 = vector.broadcast %add3A_244 : f32 to vector<512x128xf32>
    %add3A_246 = arith.addf %add3A_245, %mul3A_243 : vector<512x128xf32>
    %mul3A_247 = arith.mulf %sub3A_227, %add3A_246 : vector<512x128xf32>
    %mul3A_248 = arith.mulf %get3A_197, %mul3A_247 : vector<512x128xf32>
    %get3A_249 = arith.constant 0 : index
    %get3A_250 = arith.constant 0 : index
    %get3A_251 = vector.load %arg2[%get3A_249, %get3A_250] : memref<512x1xf32, #tpu.memory_space<vmem>>, vector<512x1xf32>
    %get3A_252 = arith.constant 5 : index
    %get3A_253 = arith.constant 0 : index
    %get3A_254 = arith.constant 0 : index
    %get3A_255 = vector.load %arg6[%get3A_252, %get3A_253, %get3A_254] : memref<6x512x128xf32, #tpu.memory_space<vmem>>, vector<1x512x128xf32>
    %get3A_256 = vector.shape_cast %get3A_255 : vector<1x512x128xf32> to vector<512x128xf32>
    %get3A_257 = arith.constant 3 : index
    %get3A_258 = arith.constant 0 : index
    %get3A_259 = arith.constant 0 : index
    %get3A_260 = vector.load %arg6[%get3A_257, %get3A_258, %get3A_259] : memref<6x512x128xf32, #tpu.memory_space<vmem>>, vector<1x512x128xf32>
    %get3A_261 = vector.shape_cast %get3A_260 : vector<1x512x128xf32> to vector<512x128xf32>
    %mul3A_262 = vector.broadcast %get3A_251 : vector<512x1xf32> to vector<512x128xf32>
    %mul3A_263 = arith.mulf %get3A_261, %mul3A_262 : vector<512x128xf32>
    %get3A_264 = arith.constant 4 : index
    %get3A_265 = arith.constant 0 : index
    %get3A_266 = arith.constant 0 : index
    %get3A_267 = vector.load %arg6[%get3A_264, %get3A_265, %get3A_266] : memref<6x512x128xf32, #tpu.memory_space<vmem>>, vector<1x512x128xf32>
    %get3A_268 = vector.shape_cast %get3A_267 : vector<1x512x128xf32> to vector<512x128xf32>
    %add3A_269 = arith.addf %mul3A_263, %get3A_268 : vector<512x128xf32>
    %mul3A_270 = arith.constant 0.159154937 : f32
    %mul3A_271 = vector.broadcast %mul3A_270 : f32 to vector<512x128xf32>
    %mul3A_272 = arith.mulf %add3A_269, %mul3A_271 : vector<512x128xf32>
    %add3A_273 = arith.constant 0x4B400000 : f32
    %add3A_274 = vector.broadcast %add3A_273 : f32 to vector<512x128xf32>
    %add3A_275 = arith.addf %mul3A_272, %add3A_274 : vector<512x128xf32>
    %sub3A_276 = arith.constant 0x4B400000 : f32
    %sub3A_277 = vector.broadcast %sub3A_276 : f32 to vector<512x128xf32>
    %sub3A_278 = arith.subf %add3A_275, %sub3A_277 : vector<512x128xf32>
    %mul3A_279 = arith.constant 6.281250e+00 : f32
    %mul3A_280 = vector.broadcast %mul3A_279 : f32 to vector<512x128xf32>
    %mul3A_281 = arith.mulf %sub3A_278, %mul3A_280 : vector<512x128xf32>
    %sub3A_282 = arith.subf %add3A_269, %mul3A_281 : vector<512x128xf32>
    %mul3A_283 = arith.constant 0.00193530717 : f32
    %mul3A_284 = vector.broadcast %mul3A_283 : f32 to vector<512x128xf32>
    %mul3A_285 = arith.mulf %sub3A_278, %mul3A_284 : vector<512x128xf32>
    %sub3A_286 = arith.subf %sub3A_282, %mul3A_285 : vector<512x128xf32>
    %mul3A_287 = arith.mulf %sub3A_286, %sub3A_286 : vector<512x128xf32>
    %mul3A_288 = arith.constant 2.173210e-06 : f32
    %mul3A_289 = vector.broadcast %mul3A_288 : f32 to vector<512x128xf32>
    %mul3A_290 = arith.mulf %mul3A_287, %mul3A_289 : vector<512x128xf32>
    %add3A_291 = arith.constant -1.93161817E-4 : f32
    %add3A_292 = vector.broadcast %add3A_291 : f32 to vector<512x128xf32>
    %add3A_293 = arith.addf %add3A_292, %mul3A_290 : vector<512x128xf32>
    %mul3A_294 = arith.mulf %mul3A_287, %add3A_293 : vector<512x128xf32>
    %add3A_295 = arith.constant 0.00831238274 : f32
    %add3A_296 = vector.broadcast %add3A_295 : f32 to vector<512x128xf32>
    %add3A_297 = arith.addf %add3A_296, %mul3A_294 : vector<512x128xf32>
    %mul3A_298 = arith.mulf %mul3A_287, %add3A_297 : vector<512x128xf32>
    %add3A_299 = arith.constant -0.166632578 : f32
    %add3A_300 = vector.broadcast %add3A_299 : f32 to vector<512x128xf32>
    %add3A_301 = arith.addf %add3A_300, %mul3A_298 : vector<512x128xf32>
    %mul3A_302 = arith.mulf %mul3A_287, %add3A_301 : vector<512x128xf32>
    %add3A_303 = arith.constant 0.999984562 : f32
    %add3A_304 = vector.broadcast %add3A_303 : f32 to vector<512x128xf32>
    %add3A_305 = arith.addf %add3A_304, %mul3A_302 : vector<512x128xf32>
    %mul3A_306 = arith.mulf %sub3A_286, %add3A_305 : vector<512x128xf32>
    %mul3A_307 = arith.mulf %get3A_256, %mul3A_306 : vector<512x128xf32>
    %add3A_308 = arith.addf %mul3A_248, %mul3A_307 : vector<512x128xf32>
    %get3A_309 = arith.constant 0 : index
    %get3A_310 = arith.constant 0 : index
    %get3A_311 = vector.load %arg3[%get3A_309, %get3A_310] : memref<512x1xf32, #tpu.memory_space<vmem>>, vector<512x1xf32>
    %get3A_312 = arith.constant 5 : index
    %get3A_313 = arith.constant 0 : index
    %get3A_314 = arith.constant 0 : index
    %get3A_315 = vector.load %arg7[%get3A_312, %get3A_313, %get3A_314] : memref<6x512x128xf32, #tpu.memory_space<vmem>>, vector<1x512x128xf32>
    %get3A_316 = vector.shape_cast %get3A_315 : vector<1x512x128xf32> to vector<512x128xf32>
    %get3A_317 = arith.constant 3 : index
    %get3A_318 = arith.constant 0 : index
    %get3A_319 = arith.constant 0 : index
    %get3A_320 = vector.load %arg7[%get3A_317, %get3A_318, %get3A_319] : memref<6x512x128xf32, #tpu.memory_space<vmem>>, vector<1x512x128xf32>
    %get3A_321 = vector.shape_cast %get3A_320 : vector<1x512x128xf32> to vector<512x128xf32>
    %mul3A_322 = vector.broadcast %get3A_311 : vector<512x1xf32> to vector<512x128xf32>
    %mul3A_323 = arith.mulf %get3A_321, %mul3A_322 : vector<512x128xf32>
    %get3A_324 = arith.constant 4 : index
    %get3A_325 = arith.constant 0 : index
    %get3A_326 = arith.constant 0 : index
    %get3A_327 = vector.load %arg7[%get3A_324, %get3A_325, %get3A_326] : memref<6x512x128xf32, #tpu.memory_space<vmem>>, vector<1x512x128xf32>
    %get3A_328 = vector.shape_cast %get3A_327 : vector<1x512x128xf32> to vector<512x128xf32>
    %add3A_329 = arith.addf %mul3A_323, %get3A_328 : vector<512x128xf32>
    %mul3A_330 = arith.constant 0.159154937 : f32
    %mul3A_331 = vector.broadcast %mul3A_330 : f32 to vector<512x128xf32>
    %mul3A_332 = arith.mulf %add3A_329, %mul3A_331 : vector<512x128xf32>
    %add3A_333 = arith.constant 0x4B400000 : f32
    %add3A_334 = vector.broadcast %add3A_333 : f32 to vector<512x128xf32>
    %add3A_335 = arith.addf %mul3A_332, %add3A_334 : vector<512x128xf32>
    %sub3A_336 = arith.constant 0x4B400000 : f32
    %sub3A_337 = vector.broadcast %sub3A_336 : f32 to vector<512x128xf32>
    %sub3A_338 = arith.subf %add3A_335, %sub3A_337 : vector<512x128xf32>
    %mul3A_339 = arith.constant 6.281250e+00 : f32
    %mul3A_340 = vector.broadcast %mul3A_339 : f32 to vector<512x128xf32>
    %mul3A_341 = arith.mulf %sub3A_338, %mul3A_340 : vector<512x128xf32>
    %sub3A_342 = arith.subf %add3A_329, %mul3A_341 : vector<512x128xf32>
    %mul3A_343 = arith.constant 0.00193530717 : f32
    %mul3A_344 = vector.broadcast %mul3A_343 : f32 to vector<512x128xf32>
    %mul3A_345 = arith.mulf %sub3A_338, %mul3A_344 : vector<512x128xf32>
    %sub3A_346 = arith.subf %sub3A_342, %mul3A_345 : vector<512x128xf32>
    %mul3A_347 = arith.mulf %sub3A_346, %sub3A_346 : vector<512x128xf32>
    %mul3A_348 = arith.constant 2.173210e-06 : f32
    %mul3A_349 = vector.broadcast %mul3A_348 : f32 to vector<512x128xf32>
    %mul3A_350 = arith.mulf %mul3A_347, %mul3A_349 : vector<512x128xf32>
    %add3A_351 = arith.constant -1.93161817E-4 : f32
    %add3A_352 = vector.broadcast %add3A_351 : f32 to vector<512x128xf32>
    %add3A_353 = arith.addf %add3A_352, %mul3A_350 : vector<512x128xf32>
    %mul3A_354 = arith.mulf %mul3A_347, %add3A_353 : vector<512x128xf32>
    %add3A_355 = arith.constant 0.00831238274 : f32
    %add3A_356 = vector.broadcast %add3A_355 : f32 to vector<512x128xf32>
    %add3A_357 = arith.addf %add3A_356, %mul3A_354 : vector<512x128xf32>
    %mul3A_358 = arith.mulf %mul3A_347, %add3A_357 : vector<512x128xf32>
    %add3A_359 = arith.constant -0.166632578 : f32
    %add3A_360 = vector.broadcast %add3A_359 : f32 to vector<512x128xf32>
    %add3A_361 = arith.addf %add3A_360, %mul3A_358 : vector<512x128xf32>
    %mul3A_362 = arith.mulf %mul3A_347, %add3A_361 : vector<512x128xf32>
    %add3A_363 = arith.constant 0.999984562 : f32
    %add3A_364 = vector.broadcast %add3A_363 : f32 to vector<512x128xf32>
    %add3A_365 = arith.addf %add3A_364, %mul3A_362 : vector<512x128xf32>
    %mul3A_366 = arith.mulf %sub3A_346, %add3A_365 : vector<512x128xf32>
    %mul3A_367 = arith.mulf %get3A_316, %mul3A_366 : vector<512x128xf32>
    %add3A_368 = arith.addf %add3A_308, %mul3A_367 : vector<512x128xf32>
    %add3A_369 = arith.constant 1.57079637 : f32
    %add3A_370 = vector.broadcast %add3A_369 : f32 to vector<512x128xf32>
    %add3A_371 = arith.addf %get3A_13, %add3A_370 : vector<512x128xf32>
    %mul3A_372 = arith.constant 0.159154937 : f32
    %mul3A_373 = vector.broadcast %mul3A_372 : f32 to vector<512x128xf32>
    %mul3A_374 = arith.mulf %add3A_371, %mul3A_373 : vector<512x128xf32>
    %add3A_375 = arith.constant 0x4B400000 : f32
    %add3A_376 = vector.broadcast %add3A_375 : f32 to vector<512x128xf32>
    %add3A_377 = arith.addf %mul3A_374, %add3A_376 : vector<512x128xf32>
    %sub3A_378 = arith.constant 0x4B400000 : f32
    %sub3A_379 = vector.broadcast %sub3A_378 : f32 to vector<512x128xf32>
    %sub3A_380 = arith.subf %add3A_377, %sub3A_379 : vector<512x128xf32>
    %mul3A_381 = arith.constant 6.281250e+00 : f32
    %mul3A_382 = vector.broadcast %mul3A_381 : f32 to vector<512x128xf32>
    %mul3A_383 = arith.mulf %sub3A_380, %mul3A_382 : vector<512x128xf32>
    %sub3A_384 = arith.subf %add3A_371, %mul3A_383 : vector<512x128xf32>
    %mul3A_385 = arith.constant 0.00193530717 : f32
    %mul3A_386 = vector.broadcast %mul3A_385 : f32 to vector<512x128xf32>
    %mul3A_387 = arith.mulf %sub3A_380, %mul3A_386 : vector<512x128xf32>
    %sub3A_388 = arith.subf %sub3A_384, %mul3A_387 : vector<512x128xf32>
    %mul3A_389 = arith.mulf %sub3A_388, %sub3A_388 : vector<512x128xf32>
    %mul3A_390 = arith.constant 2.173210e-06 : f32
    %mul3A_391 = vector.broadcast %mul3A_390 : f32 to vector<512x128xf32>
    %mul3A_392 = arith.mulf %mul3A_389, %mul3A_391 : vector<512x128xf32>
    %add3A_393 = arith.constant -1.93161817E-4 : f32
    %add3A_394 = vector.broadcast %add3A_393 : f32 to vector<512x128xf32>
    %add3A_395 = arith.addf %add3A_394, %mul3A_392 : vector<512x128xf32>
    %mul3A_396 = arith.mulf %mul3A_389, %add3A_395 : vector<512x128xf32>
    %add3A_397 = arith.constant 0.00831238274 : f32
    %add3A_398 = vector.broadcast %add3A_397 : f32 to vector<512x128xf32>
    %add3A_399 = arith.addf %add3A_398, %mul3A_396 : vector<512x128xf32>
    %mul3A_400 = arith.mulf %mul3A_389, %add3A_399 : vector<512x128xf32>
    %add3A_401 = arith.constant -0.166632578 : f32
    %add3A_402 = vector.broadcast %add3A_401 : f32 to vector<512x128xf32>
    %add3A_403 = arith.addf %add3A_402, %mul3A_400 : vector<512x128xf32>
    %mul3A_404 = arith.mulf %mul3A_389, %add3A_403 : vector<512x128xf32>
    %add3A_405 = arith.constant 0.999984562 : f32
    %add3A_406 = vector.broadcast %add3A_405 : f32 to vector<512x128xf32>
    %add3A_407 = arith.addf %add3A_406, %mul3A_404 : vector<512x128xf32>
    %mul3A_408 = arith.mulf %sub3A_388, %add3A_407 : vector<512x128xf32>
    %mul3A_409 = arith.constant 0.159154937 : f32
    %mul3A_410 = vector.broadcast %mul3A_409 : f32 to vector<512x128xf32>
    %mul3A_411 = arith.mulf %get3A_13, %mul3A_410 : vector<512x128xf32>
    %add3A_412 = arith.constant 0x4B400000 : f32
    %add3A_413 = vector.broadcast %add3A_412 : f32 to vector<512x128xf32>
    %add3A_414 = arith.addf %mul3A_411, %add3A_413 : vector<512x128xf32>
    %sub3A_415 = arith.constant 0x4B400000 : f32
    %sub3A_416 = vector.broadcast %sub3A_415 : f32 to vector<512x128xf32>
    %sub3A_417 = arith.subf %add3A_414, %sub3A_416 : vector<512x128xf32>
    %mul3A_418 = arith.constant 6.281250e+00 : f32
    %mul3A_419 = vector.broadcast %mul3A_418 : f32 to vector<512x128xf32>
    %mul3A_420 = arith.mulf %sub3A_417, %mul3A_419 : vector<512x128xf32>
    %sub3A_421 = arith.subf %get3A_13, %mul3A_420 : vector<512x128xf32>
    %mul3A_422 = arith.constant 0.00193530717 : f32
    %mul3A_423 = vector.broadcast %mul3A_422 : f32 to vector<512x128xf32>
    %mul3A_424 = arith.mulf %sub3A_417, %mul3A_423 : vector<512x128xf32>
    %sub3A_425 = arith.subf %sub3A_421, %mul3A_424 : vector<512x128xf32>
    %mul3A_426 = arith.mulf %sub3A_425, %sub3A_425 : vector<512x128xf32>
    %mul3A_427 = arith.constant 2.173210e-06 : f32
    %mul3A_428 = vector.broadcast %mul3A_427 : f32 to vector<512x128xf32>
    %mul3A_429 = arith.mulf %mul3A_426, %mul3A_428 : vector<512x128xf32>
    %add3A_430 = arith.constant -1.93161817E-4 : f32
    %add3A_431 = vector.broadcast %add3A_430 : f32 to vector<512x128xf32>
    %add3A_432 = arith.addf %add3A_431, %mul3A_429 : vector<512x128xf32>
    %mul3A_433 = arith.mulf %mul3A_426, %add3A_432 : vector<512x128xf32>
    %add3A_434 = arith.constant 0.00831238274 : f32
    %add3A_435 = vector.broadcast %add3A_434 : f32 to vector<512x128xf32>
    %add3A_436 = arith.addf %add3A_435, %mul3A_433 : vector<512x128xf32>
    %mul3A_437 = arith.mulf %mul3A_426, %add3A_436 : vector<512x128xf32>
    %add3A_438 = arith.constant -0.166632578 : f32
    %add3A_439 = vector.broadcast %add3A_438 : f32 to vector<512x128xf32>
    %add3A_440 = arith.addf %add3A_439, %mul3A_437 : vector<512x128xf32>
    %mul3A_441 = arith.mulf %mul3A_426, %add3A_440 : vector<512x128xf32>
    %add3A_442 = arith.constant 0.999984562 : f32
    %add3A_443 = vector.broadcast %add3A_442 : f32 to vector<512x128xf32>
    %add3A_444 = arith.addf %add3A_443, %mul3A_441 : vector<512x128xf32>
    %mul3A_445 = arith.mulf %sub3A_425, %add3A_444 : vector<512x128xf32>
    %slice3A = vector.extract_strided_slice %get3A_3 {offsets = [0, 0], sizes = [512, 64], strides = [1, 1]} : vector<512x128xf32> to vector<512x64xf32>
    %slice3A_446 = vector.extract_strided_slice %get3A_8 {offsets = [0, 64], sizes = [512, 64], strides = [1, 1]} : vector<512x128xf32> to vector<512x64xf32>
    %slice3A_447 = vector.extract_strided_slice %get3A_8 {offsets = [0, 0], sizes = [512, 64], strides = [1, 1]} : vector<512x128xf32> to vector<512x64xf32>
    %slice3A_448 = vector.extract_strided_slice %get3A_3 {offsets = [0, 64], sizes = [512, 64], strides = [1, 1]} : vector<512x128xf32> to vector<512x64xf32>
    %slice3A_449 = vector.extract_strided_slice %mul3A_408 {offsets = [0, 0], sizes = [512, 64], strides = [1, 1]} : vector<512x128xf32> to vector<512x64xf32>
    %slice3A_450 = vector.extract_strided_slice %mul3A_445 {offsets = [0, 0], sizes = [512, 64], strides = [1, 1]} : vector<512x128xf32> to vector<512x64xf32>
    %mul3A_451 = arith.mulf %slice3A, %slice3A_449 : vector<512x64xf32>
    %mul3A_452 = arith.mulf %slice3A_446, %slice3A_450 : vector<512x64xf32>
    %sub3A_453 = arith.subf %mul3A_451, %mul3A_452 : vector<512x64xf32>
    %sub3A_454 = arith.subf %sub3A_453, %slice3A_447 : vector<512x64xf32>
    %mul3A_455 = arith.mulf %slice3A, %slice3A_450 : vector<512x64xf32>
    %mul3A_456 = arith.mulf %slice3A_446, %slice3A_449 : vector<512x64xf32>
    %add3A_457 = arith.addf %mul3A_455, %mul3A_456 : vector<512x64xf32>
    %sub3A_458 = arith.subf %add3A_457, %slice3A_448 : vector<512x64xf32>
    %mul3A_459 = arith.mulf %sub3A_454, %sub3A_454 : vector<512x64xf32>
    %mul3A_460 = arith.mulf %sub3A_458, %sub3A_458 : vector<512x64xf32>
    %add3A_461 = arith.addf %mul3A_459, %mul3A_460 : vector<512x64xf32>
    %sqrt3A = math.sqrt %add3A_461 : vector<512x64xf32>
    %reduce_sum3A = arith.constant dense<0.000000e+00> : vector<512xf32>
    %reduce_sum3A_462 = vector.multi_reduction <add>, %sqrt3A, %reduce_sum3A [1] : vector<512x64xf32> to vector<512xf32>
    %slice3A_463 = vector.extract_strided_slice %add3A_189 {offsets = [0, 0], sizes = [512, 64], strides = [1, 1]} : vector<512x128xf32> to vector<512x64xf32>
    %slice3A_464 = vector.extract_strided_slice %add3A_368 {offsets = [0, 0], sizes = [512, 64], strides = [1, 1]} : vector<512x128xf32> to vector<512x64xf32>
    %slice3A_465 = vector.extract_strided_slice %add3A_368 {offsets = [0, 64], sizes = [512, 64], strides = [1, 1]} : vector<512x128xf32> to vector<512x64xf32>
    %slice3A_466 = vector.extract_strided_slice %add3A_189 {offsets = [0, 64], sizes = [512, 64], strides = [1, 1]} : vector<512x128xf32> to vector<512x64xf32>
    %slice3A_467 = vector.extract_strided_slice %mul3A_408 {offsets = [0, 64], sizes = [512, 64], strides = [1, 1]} : vector<512x128xf32> to vector<512x64xf32>
    %slice3A_468 = vector.extract_strided_slice %mul3A_445 {offsets = [0, 64], sizes = [512, 64], strides = [1, 1]} : vector<512x128xf32> to vector<512x64xf32>
    %mul3A_469 = arith.mulf %slice3A_463, %slice3A_467 : vector<512x64xf32>
    %mul3A_470 = arith.mulf %slice3A_464, %slice3A_468 : vector<512x64xf32>
    %sub3A_471 = arith.subf %mul3A_469, %mul3A_470 : vector<512x64xf32>
    %sub3A_472 = arith.subf %sub3A_471, %slice3A_465 : vector<512x64xf32>
    %mul3A_473 = arith.mulf %slice3A_463, %slice3A_468 : vector<512x64xf32>
    %mul3A_474 = arith.mulf %slice3A_464, %slice3A_467 : vector<512x64xf32>
    %add3A_475 = arith.addf %mul3A_473, %mul3A_474 : vector<512x64xf32>
    %sub3A_476 = arith.subf %add3A_475, %slice3A_466 : vector<512x64xf32>
    %mul3A_477 = arith.mulf %sub3A_472, %sub3A_472 : vector<512x64xf32>
    %mul3A_478 = arith.mulf %sub3A_476, %sub3A_476 : vector<512x64xf32>
    %add3A_479 = arith.addf %mul3A_477, %mul3A_478 : vector<512x64xf32>
    %sqrt3A_480 = math.sqrt %add3A_479 : vector<512x64xf32>
    %reduce_sum3A_481 = arith.constant dense<0.000000e+00> : vector<512xf32>
    %reduce_sum3A_482 = vector.multi_reduction <add>, %sqrt3A_480, %reduce_sum3A_481 [1] : vector<512x64xf32> to vector<512xf32>
    %add3A_483 = arith.addf %reduce_sum3A_462, %reduce_sum3A_482 : vector<512xf32>
    %sub3A_484 = arith.constant 1.000000e+01 : f32
    %sub3A_485 = vector.broadcast %sub3A_484 : f32 to vector<512xf32>
    %sub3A_486 = arith.subf %sub3A_485, %add3A_483 : vector<512xf32>
    %swap3A = arith.constant 0 : index
    %swap3A_487 = vector.load %arg8[%swap3A] : memref<512xf32, #tpu.memory_space<vmem>>, vector<512xf32>
    tpu.vector_store %arg8[%swap3A], %sub3A_486 {strides = array<i32>} : memref<512xf32, #tpu.memory_space<vmem>>, vector<512xf32>,
    return
  }
  func.func @transform_0(%arg0: i32) -> (i32, i32) {
    %c0_i32 = arith.constant 0 : i32
    %c0_i32_0 = arith.constant 0 : i32
    return %arg0, %c0_i32 : i32, i32
  }
  func.func @transform_1(%arg0: i32) -> (i32, i32) {
    %c0_i32 = arith.constant 0 : i32
    %c0_i32_0 = arith.constant 0 : i32
    return %arg0, %c0_i32 : i32, i32
  }
  func.func @transform_2(%arg0: i32) -> (i32, i32) {
    %c0_i32 = arith.constant 0 : i32
    %c0_i32_0 = arith.constant 0 : i32
    return %arg0, %c0_i32 : i32, i32
  }
  func.func @transform_3(%arg0: i32) -> (i32, i32, i32) {
    %c0_i32 = arith.constant 0 : i32
    %c0_i32_0 = arith.constant 0 : i32
    %c0_i32_1 = arith.constant 0 : i32
    return %c0_i32, %arg0, %c0_i32_0 : i32, i32, i32
  }
  func.func @transform_4(%arg0: i32) -> (i32, i32, i32) {
    %c0_i32 = arith.constant 0 : i32
    %c0_i32_0 = arith.constant 0 : i32
    %c0_i32_1 = arith.constant 0 : i32
    return %c0_i32, %arg0, %c0_i32_0 : i32, i32, i32
  }
  func.func @transform_5(%arg0: i32) -> (i32, i32, i32) {
    %c0_i32 = arith.constant 0 : i32
    %c0_i32_0 = arith.constant 0 : i32
    %c0_i32_1 = arith.constant 0 : i32
    return %c0_i32, %arg0, %c0_i32_0 : i32, i32, i32
  }
  func.func @transform_6(%arg0: i32) -> (i32, i32, i32) {
    %c0_i32 = arith.constant 0 : i32
    %c0_i32_0 = arith.constant 0 : i32
    %c0_i32_1 = arith.constant 0 : i32
    return %c0_i32, %arg0, %c0_i32_0 : i32, i32, i32
  }
  func.func @transform_7(%arg0: i32) -> i32 {
    %c0_i32 = arith.constant 0 : i32
    return %arg0 : i32
  }
}

module attributes {stable_mosaic.version = 14 : i64} {
  func.func @_pack_body(%arg0: i32, %arg1: memref<64x8192xf32, #tpu.memory_space<vmem>>, %arg2: memref<64x8192xf32, #tpu.memory_space<vmem>>, %arg3: memref<8192x128xf32, #tpu.memory_space<vmem>>) attributes {dimension_semantics = [#tpu.dimension_semantics<arbitrary>], iteration_bounds = array<i64: 13>, scalar_prefetch = 0 : i64, scratch_operands = 0 : i64, tpu.core_type = #tpu.core_type<tc>, window_params = [{transform_indices = @transform_0, window_bounds = array<i64: 64, 8192>}, {transform_indices = @transform_1, window_bounds = array<i64: 64, 8192>}, {transform_indices = @transform_2, window_bounds = array<i64: 8192, 128>}]} {
    %get3A = arith.constant 0 : index
    %get3A_0 = arith.constant 0 : index
    %get3A_1 = vector.load %arg1[%get3A, %get3A_0] : memref<64x8192xf32, #tpu.memory_space<vmem>>, vector<64x8192xf32>
    %transpose3A = tpu.transpose %get3A_1, [1, 0] : vector<64x8192xf32> -> vector<8192x64xf32>
    %swap3A = arith.constant 0 : index
    %swap3A_2 = arith.constant 0 : index
    %swap3A_3 = vector.load %arg3[%swap3A, %swap3A_2] : memref<8192x128xf32, #tpu.memory_space<vmem>>, vector<8192x64xf32>
    tpu.vector_store %arg3[%swap3A, %swap3A_2], %transpose3A {strides = array<i32>} : memref<8192x128xf32, #tpu.memory_space<vmem>>, vector<8192x64xf32>,
    %get3A_4 = arith.constant 0 : index
    %get3A_5 = arith.constant 0 : index
    %get3A_6 = vector.load %arg2[%get3A_4, %get3A_5] : memref<64x8192xf32, #tpu.memory_space<vmem>>, vector<64x8192xf32>
    %transpose3A_7 = tpu.transpose %get3A_6, [1, 0] : vector<64x8192xf32> -> vector<8192x64xf32>
    %swap3A_8 = arith.constant 0 : index
    %swap3A_9 = arith.constant 64 : index
    %swap3A_10 = vector.load %arg3[%swap3A_8, %swap3A_9] : memref<8192x128xf32, #tpu.memory_space<vmem>>, vector<8192x64xf32>
    tpu.vector_store %arg3[%swap3A_8, %swap3A_9], %transpose3A_7 {strides = array<i32>} : memref<8192x128xf32, #tpu.memory_space<vmem>>, vector<8192x64xf32>,
    return
  }
  func.func @transform_0(%arg0: i32) -> (i32, i32) {
    %c0_i32 = arith.constant 0 : i32
    %c0_i32_0 = arith.constant 0 : i32
    return %c0_i32, %arg0 : i32, i32
  }
  func.func @transform_1(%arg0: i32) -> (i32, i32) {
    %c0_i32 = arith.constant 0 : i32
    %c0_i32_0 = arith.constant 0 : i32
    return %c0_i32, %arg0 : i32, i32
  }
  func.func @transform_2(%arg0: i32) -> (i32, i32) {
    %c0_i32 = arith.constant 0 : i32
    %c0_i32_0 = arith.constant 0 : i32
    return %arg0, %c0_i32 : i32, i32
  }
}

</mosaic_0001>

<sc_bundles>
// kernel: kernel.17.cloned.1.call-start
scs
__scs_entry_jumppad:
0x0: {  	(pc) =	sbr.rel $0x88, $3  }
0x1: {  	(tag) =	ssettag $0x0;
	lr =	simm.s32 $0x1  }
0x2: {  	[smem:$0x3F86] =	sst lr;
	_ =	strace $0xD0000000  }
0x3: {  	_ = 	snop  }
0x4: {  	_ = 	snop  }
0x5: {  	_ = 	snop  }
0x6: {  	_ = 	snop  }
0x7: {  	_ = 	snop  }
__scs_overlays_trampoline_lowered:
0x8: {  	[smem:$0x3F95] =	sst s0  }
0x9: {  	[smem:$0x3F96] =	sst s1  }
0xa: {  	[smem:$0x3F97] =	sst s2  }
0xb: {  	[smem:$0x3F98] =	sst s3  }
0xc: {  	[smem:$0x3F99] =	sst s4  }
0xd: {  	[smem:$0x3F9A] =	sst s5  }
0xe: {  	[smem:$0x3F9B] =	sst s6  }
0xf: {  	[smem:$0x3F9C] =	sst s7  }
0x10: {  	[smem:$0x3F9D] =	sst s8  }
0x11: {  	[smem:$0x3F9E] =	sst s9;
	s0 =	simm.s32 @!p0 $0x0  }
0x12: {  	s1 =	sld [smem:$0x3F84];
	s0 =	simm.s32 @p0 $0x1  }
0x13: {  	[smem:$0x3F9F] =	sst s0;
	s0 =	simm.s32 @!p1 $0x0  }
0x14: {  	s2 =	sld [smem:$0x3F83];
	s0 =	simm.s32 @p1 $0x1  }
0x15: {  	[smem:$0x3FA0] =	sst s0;
	s0 =	simm.s32 @!p2 $0x0  }
0x16: {  	s3 =	sld [smem:$0x3FDB];
	s0 =	simm.s32 @p2 $0x1  }
0x17: {  	s4 =	simm.s32 $0x1BF5;
	[smem:$0x3FA2] =	sst s0  }
0x18: {  	s0 =	sld [smem:$0x3F85];
	_ =	swait.ge [sflag:s4], $0x0  }
0x19: {  	s7 =	sld [smem:$0x3F86]  }
0x1a: {  	s8 =	sadd.s32 $0xFFFFE003, lr  }
0x1b: {  	s9 =	sadd.s32 $0xFFFFFEF7, lr;
	s5 =	simm.s32 $0xFFFFFFFF;
	p2 =	slt.u32 s8, $0xFFFFF086  }
0x1c: {  	p1 =	slt.u32 s9, $0xF7A;
	s5 =	simm.s32 @!p2 $0x0  }
0x1d: {  	s5 =	simm.s32 @p1 $0x1;
	p0 =	seq.s32 s7, s2  }
0x1e: {  	s7 =	smul.u32 @!p0 $0xF7A, s2;
	p2 =	seq.s32 @!p0 s5, $0x0  }
0x1f: {  	s9 =	smul.u32 $0xF7A, s1;
	s8 =	simm.s32 @!p0 $0x1BF5;
	p2 =	por !p2, p0  }
0x20: {  	[sflag:s8] =	ssyncset.s32 @!p0 $0xFFFFF086;
	s6 =	sadd.s32 @!p0 s3, s7;
	s7 =	simm.s32 @!p0 $0x108  }
0x21: {  	s3 =	sadd.s32 s3, s9;
	s6 =	sadd.s32 @!p0 $0x88, s6;
	s7 =	simm.s32 @p2 $0x1082  }
0x22: {  	[simem:s7], [sflag:s8] =	dma.local @!p0 [hbm:s6], $0xF7A  }
0x23: {  	s9 =	sor.u32 $0xD0000000, s2;
	s6 =	simm.s32 $0x108;
	_ =	swait.ge @!p0 [sflag:s8], $0x0  }
0x24: {  	s3 =	sadd.s32 $0x88, s3;
	s6 =	simm.s32 @!p1 $0x1082;
	[sflag:s4] =	ssyncset.s32 $0xFFFFF086  }
0x25: {  	[simem:s6], [sflag:s4] =	dma.local [hbm:s3], $0xF7A  }
0x26: {  	[smem:$0x3F86] =	sst s1;
	(tag) =	ssettag s2;
	_ =	strace s9  }
0x27: {  	s1 =	sld [smem:$0x3F96]  }
0x28: {  	s2 =	sld [smem:$0x3F97]  }
0x29: {  	s4 =	sld [smem:$0x3F99]  }
0x2a: {  	p0 =	seq.s32 s5, $0x0;
	s5 =	sld [smem:$0x3F9A]  }
0x2b: {  	s6 =	sld [smem:$0x3F9B]  }
0x2c: {  	s7 =	sld [smem:$0x3F9C]  }
0x2d: {  	s3 =	simm.s32 $0x108;
	s8 =	sld [smem:$0x3F9D]  }
0x2e: {  	s3 =	simm.s32 @!p0 $0x1082;
	s9 =	sld [smem:$0x3F9E]  }
0x2f: {  	lr =	sadd.s32 s0, s3;
	s0 =	sld [smem:$0x3F95]  }
0x30: {  	s3 =	sld [smem:$0x3F98]  }
0x31: {  	[smem:$0x3FA1] =	sst s10  }
0x32: {  	s10 =	sld [smem:$0x3F9F];
	_ =	sdelay $0x3  }
0x33: {  	p0 =	seq.s32 s10, $0x1;
	s10 =	sld [smem:$0x3FA1];
	_ =	sdelay $0x3  }
0x34: {  	[smem:$0x3FA1] =	sst s10  }
0x35: {  	s10 =	sld [smem:$0x3FA0];
	_ =	sdelay $0x3  }
0x36: {  	p1 =	seq.s32 s10, $0x1;
	s10 =	sld [smem:$0x3FA1];
	_ =	sdelay $0x3  }
0x37: {  	[smem:$0x3FA1] =	sst s10  }
0x38: {  	s10 =	sld [smem:$0x3FA2]  }
0x39: {  	_ = 	snop;
	(pc) =	sbr.ind lr, $3  }
0x3a: {  	_ = 	snop  }
0x3b: {  	_ = 	snop  }
0x3c: {  	p2 =	seq.s32 s10, $0x1;
	s10 =	sld [smem:$0x3FA1]  }
0x3d: {  	_ =	shalt  }
0x3e: {  	_ =	shalt  }
0x3f: {  	_ =	shalt  }
0x40: {  	_ =	shalt  }
0x41: {  	_ =	shalt  }
0x42: {  	_ =	shalt  }
0x43: {  	_ =	shalt  }
0x44: {  	_ =	shalt  }
0x45: {  	_ =	shalt  }
0x46: {  	_ =	shalt  }
0x47: {  	_ =	shalt  }
0x48: {  	_ =	shalt  }
0x49: {  	_ =	shalt  }
0x4a: {  	_ =	shalt  }
0x4b: {  	_ =	shalt  }
0x4c: {  	_ =	shalt  }
0x4d: {  	_ =	shalt  }
0x4e: {  	_ =	shalt  }
0x4f: {  	_ =	shalt  }
0x50: {  	_ =	shalt  }
0x51: {  	_ =	shalt  }
0x52: {  	_ =	shalt  }
0x53: {  	_ =	shalt  }
0x54: {  	_ =	shalt  }
0x55: {  	_ =	shalt  }
0x56: {  	_ =	shalt  }
0x57: {  	_ =	shalt  }
0x58: {  	_ =	shalt  }
0x59: {  	_ =	shalt  }
0x5a: {  	_ =	shalt  }
0x5b: {  	_ =	shalt  }
0x5c: {  	_ =	shalt  }
0x5d: {  	_ =	shalt  }
0x5e: {  	_ =	shalt  }
0x5f: {  	_ =	shalt  }
0x60: {  	_ =	shalt  }
0x61: {  	_ =	shalt  }
0x62: {  	_ =	shalt  }
0x63: {  	_ =	shalt  }
0x64: {  	_ =	shalt  }
0x65: {  	_ =	shalt  }
0x66: {  	_ =	shalt  }
0x67: {  	_ =	shalt  }
0x68: {  	_ =	shalt  }
0x69: {  	_ =	shalt  }
0x6a: {  	_ =	shalt  }
0x6b: {  	_ =	shalt  }
0x6c: {  	_ =	shalt  }
0x6d: {  	_ =	shalt  }
0x6e: {  	_ =	shalt  }
0x6f: {  	_ =	shalt  }
0x70: {  	_ =	shalt  }
0x71: {  	_ =	shalt  }
0x72: {  	_ =	shalt  }
0x73: {  	_ =	shalt  }
0x74: {  	_ =	shalt  }
0x75: {  	_ =	shalt  }
0x76: {  	_ =	shalt  }
0x77: {  	_ =	shalt  }
0x78: {  	_ =	shalt  }
0x79: {  	_ =	shalt  }
0x7a: {  	_ =	shalt  }
0x7b: {  	_ =	shalt  }
0x7c: {  	_ =	shalt  }
0x7d: {  	_ =	shalt  }
0x7e: {  	_ =	shalt  }
0x7f: {  	_ =	shalt  }
0x80: {  	_ =	shalt  }
0x81: {  	_ =	shalt  }
0x82: {  	_ =	shalt  }
0x83: {  	_ =	shalt  }
0x84: {  	_ =	shalt  }
0x85: {  	_ =	shalt  }
0x86: {  	_ =	shalt  }
0x87: {  	_ =	shalt  }
.Lfunc_end0:
.L_simem_size_0:
called_computation_lowered:
.L_overlay_start_0:
0x88: {  	s2 =	sld [smem:$0x3FD9]  }
0x89: {  	s3 =	sld [smem:$0x3FFE];
	_ =	sdelay $0x1  }
0x8a: {  	s1 =	srdreg.scid  }
0x8b: {  	s0 =	sand.u32 $0x1, s1  }
0x8c: {  	s17 =	sshll.u32 s0, $0xA;
	s2 =	sadd.s32 s3, s2  }
0x8d: {  	s2 =	sadd.s32 s2, s17  }
0x8e: {  	[smem:$0x3FAD] =	sst s2  }
0x8f: {  	_ = 	snop  }
0x90: {  	s5 =	sld [smem:$0x3FC9]  }
0x91: {  	s18 =	sld [smem:$0x3FC8]  }
0x92: {  	s6 =	sld [smem:$0x3FC7]  }
0x93: {  	s4 =	sld [smem:$0x3FC1];
	(tm) =	ssettm $0x1  }
0x94: {  	s19 =	sld [smem:$0x3FFB];
	_ =	sdelay $0x3  }
0x95: {  	_ =	strace s19  }
0x96: {  	s2 =	sld [smem:$0x3FFC];
	_ =	sdelay $0x3  }
0x97: {  	_ =	strace s2  }
0x98: {  	s2 =	sld [smem:$0x3FFD];
	_ =	sdelay $0x3  }
0x99: {  	_ =	strace s2  }
0x9a: {  	_ =	strace $0x8FFFFFFF  }
0x9b: {  	s20 =	sld [smem:$0x3FDB];
	_ =	sdelay $0x1  }
0x9c: {  	s7 =	simm.s32 $_scs_section_size  }
0x9d: {  	s8 =	simm.s32 $_size__tile_overlayer_lowered;
	s9 =	simm.s32 $_tile_overlayer_lowered  }
0x9e: {  	s10 =	simm.s32 $0x1BFF;
	s21 =	sshll.u32 s9, $0x1;
	s7 =	sadd.s32 s7, s20  }
0x9f: {  	s22 =	simm.s32 $0x0;
	s8 =	sshll.u32 s8, $0x1;
	s9 =	sadd.s32 s21, s7  }
0xa0: {  	[timem:s22], [sflag:s10] =	dma.local [hbm:s9], s8  }
0xa1: {  	_ =	swait.ge [sflag:s10], s8  }
0xa2: {  	s8 =	ssub.s32 $0x0, s8;
	[sflag:s10] =	ssyncset.done $0x0  }
0xa3: {  	[sflag:s10] =	ssyncadd.s32 s8;
	_ =	sdelay $0x1  }
0xa4: {  	s23 =	simm.s32 $0x1B8B  }
0xa5: {  	_ =	swait.ge [sflag:s23], $0x1  }
0xa6: {  	[sflag:s23] =	ssyncset.done $0x0  }
0xa7: {  	[sflag:s23] =	ssyncadd.s32 $0xFFFFFFFF  }
0xa8: {  	s8 =	sld [smem:$0x0]  }
0xa9: {  	s9 =	sand.u32 $0xFFFFFFFE, s1  }
0xaa: {  	p0 =	sne.s32 s1, s9  }
0xab: {  	s9 =	sshll.u32 @p0 s9, $0xE  }
0xac: {  	s9 =	sadd.s32 @p0 $0x11B8D, s9;
	s10 =	sshll.u32 @p0 s8, $0x11  }
0xad: {  	s9 =	sor.u32 @p0 s10, s9  }
0xae: {  	[sflag:s9] =	ssyncadd.remote.s32 @p0 $0x1;
	_ =	sdelay $0x1  }
0xaf: {  	s9 =	simm.s32 @p0 $0x1B8D  }
0xb0: {  	_ =	swait.eq @p0 [sflag:s9], $0x1  }
0xb1: {  	[sflag:s9] =	ssyncadd.s32 @p0 $0xFFFFFFFF  }
0xb2: {  	s10 =	sshll.u32 @!p0 s1, $0xE  }
0xb3: {  	s10 =	sor.u32 @!p0 $0x4000, s10;
	s9 =	simm.s32 @!p0 $0x1B8D  }
0xb4: {  	s8 =	sshll.u32 @!p0 s8, $0x11;
	s10 =	sadd.s32 @!p0 $0x11B8D, s10;
	_ =	swait.eq @!p0 [sflag:s9], $0x1  }
0xb5: {  	s8 =	sor.u32 @!p0 s8, s10;
	[sflag:s9] =	ssyncadd.s32 @!p0 $0xFFFFFFFF  }
0xb6: {  	s25 =	simm.s32 $0x1B8E;
	s24 =	sld [smem:$0x3FFE];
	[sflag:s8] =	ssyncadd.remote.s32 @!p0 $0x1  }
0xb7: {  	s26 =	simm.s32 $execute0_lowered;
	[smem:$0x3FD2] =	sst s25  }
0xb8: {  	s9 =	sshll.u32 s26, $0x1;
	_ =	strace $0x8000004F;
	[dreg:$0x1] =	wrdreg $0xFFFFFFFF  }
0xb9: {  	s28 =	simm.s32 $_size_execute0_lowered;
	s7 =	sadd.s32 s7, s9;
	[dreg:$0x0] =	wrdreg $0x0  }
0xba: {  	s9 =	sshll.u32 s28, $0x1;
	[dreg:$0x2] =	wrdreg s7  }
0xbb: {  	[dreg:$0x3] =	wrdreg s9  }
0xbc: {  	[dreg:$0x4] =	wrdreg $0xC0  }
0xbd: {  	_ =	task [dreg:s22], $0x5FFFF  }
0xbe: {  	[dreg:$0x1] =	wrdreg $0xFFFFFFFF  }
0xbf: {  	[dreg:$0x0] =	wrdreg $0x60  }
0xc0: {  	[dreg:$0x2] =	wrdreg s5  }
0xc1: {  	[dreg:$0x3] =	wrdreg s6  }
0xc2: {  	[dreg:$0x4] =	wrdreg s18  }
0xc3: {  	[dreg:$0x5] =	wrdreg s24  }
0xc4: {  	[dreg:$0x6] =	wrdreg s4  }
0xc5: {  	[dreg:$0x7] =	wrdreg $0x9  }
0xc6: {  	_ =	task.clear_ibuf [dreg:s22], $0x8FFFF;
	_ =	strace $0x9000004F  }
0xc7: {  	s29 =	simm.s32 $0x9;
	_ =	strace $0x80000051  }
0xc8: {  	_ =	swait.ge [sflag:s29], $0x1  }
0xc9: {  	[sflag:s29] =	ssyncadd.s32 $0xFFFFFFFF  }
0xca: {  	_ =	strace $0x90000051  }
0xcb: {  	_ =	sfence  }
0xcc: {  	s30 =	sld [smem:$0x0];
	_ =	sdelay $0x2  }
0xcd: {  	s31 =	sshll.u32 s1, $0xD;
	s1 =	sshrl.u32 s1, $0x2  }
0xce: {  	s4 =	sand.u32 $0x4000, s31;
	s1 =	sadd.s32 s1, s30  }
0xcf: {  	s0 =	sor.u32 s4, s0;
	s1 =	sshll.u32 s1, $0x11  }
0xd0: {  	s0 =	sor.u32 s1, s0  }
0xd1: {  	s0 =	sadd.s32 $0x8F2B, s0  }
0xd2: {  	[sflag:s0] =	ssyncadd.remote.s32 $0x1  }
0xd3: {  	_ =	sfence.sel $0xFFFF  }
0xd4: {  	[dreg:$0x0] =	wrdreg $0xFFFFFFFF;
	(pc) =	sbr.abs _section_cstart, $3  }
0xd5: {  	[dreg:$0x1] =	wrdreg $0xFFFFFFFF  }
0xd6: {  	_ =	task.clear_ibuf [dreg:s22], $0x2FFFF;
	_ =	strace $0x9FFFFFFF  }
0xd7: {  	(tm) =	ssettm $0x7FFFFFFF  }
tec
execute0_lowered:
.L_overlay_start_1:
0x0: {  	(tag) =	ssettag $0x1  }
0x1: {  	s4 =	rddreg [dreg:$0x0];
	s1 =	srdreg.scid  }
0x2: {  	s5 =	rddreg [dreg:$0x1];
	s0 =	stileid.u32;
	s1 =	sand.u32 $0x1, s1  }
0x3: {  	s6 =	rddreg [dreg:$0x2];
	s7 =	sshll.u32 s0, $0xA;
	s8 =	sshll.u32 s1, $0x9  }
0x4: {  	s13 =	rddreg [dreg:$0x3];
	s7 =	sor.u32 s8, s7  }
0x5: {  	s2 =	rddreg [dreg:$0x4];
	s3 =	simm.s32 $0x0;
	s8 =	sshrl.u32 s7, $0x3  }
0x6: {  	[smem:$0x7FF] =	sst s3;
	s28 =	sadd.s32 $0x13C3A00, s13;
	s4 =	sadd.s32 s4, s8  }
0x7: {  	_ =	strace $0x80000050;
	s19 =	sadd.s32 s5, s8;
	[dreg:$0x6] =	wrdreg s4  }
0x8: {  	s29 =	sshll.u32 s7, $0x4;
	s20 =	sadd.s32 s6, s8;
	[dreg:$0x7] =	wrdreg s19  }
0x9: {  	s30 =	sadd.s32 $0x1403A00, s13;
	s21 =	sadd.s32 s28, s29;
	[dreg:$0x8] =	wrdreg s20  }
0xa: {  	s23 =	sadd.s32 s29, s30;
	[dreg:$0x9] =	wrdreg s21  }
0xb: {  	[dreg:$0xa] =	wrdreg s23  }
0xc: {  	s4 =	simm.s32 $0x3;
	s22 =	rddreg [dreg:$0x6]  }
0xd: {  	[tilespmem:s3], [sflag:$0x3] =	stream.linear.gather [hbm4b:s22+s3], $0x200, $0x38;
	[tilespmem:$0x8600] =	vst v63  }
0xe: {  	_ =	swait.ge [sflag:s4], $0x200  }
0xf: {  	[sflag:s4] =	ssyncset.done $0x0  }
0x10: {  	s5 =	simm.s32 $0x200;
	s24 =	rddreg [dreg:$0x7];
	[sflag:s4] =	ssyncadd.s32 $0xFFFFFE00  }
0x11: {  	[tilespmem:s5], [sflag:$0x3] =	stream.linear.gather [hbm4b:s24+s3], $0x200, $0x38;
	[tilespmem:$0x8600] =	vst v63  }
0x12: {  	_ =	swait.ge [sflag:s4], $0x200  }
0x13: {  	[sflag:s4] =	ssyncset.done $0x0  }
0x14: {  	s6 =	simm.s32 $0x400;
	s25 =	rddreg [dreg:$0x8];
	[sflag:s4] =	ssyncadd.s32 $0xFFFFFE00  }
0x15: {  	[tilespmem:s6], [sflag:$0x3] =	stream.linear.gather [hbm4b:s25+s3], $0x200, $0x38;
	[tilespmem:$0x8600] =	vst v63  }
0x16: {  	_ =	swait.ge [sflag:s4], $0x200  }
0x17: {  	s9 =	simm.s32 $0x600;
	[sflag:s4] =	ssyncset.done $0x0  }
0x18: {  	s7 =	sadd.s32 $0x123D000, s13;
	s8 =	simm.s32 $0x80;
	[sflag:s4] =	ssyncadd.s32 $0xFFFFFE00  }
0x19: {  	[tilespmem:s9], [sflag:$0x1] =	stream.indirect.gather [hbm4b:s7+s8], $0x80, s3, s8, $0xb8;
	[tilespmem:$0x8600] =	vst v63  }
0x1a: {  	s10 =	simm.s32 $0x4600;
	s11 =	simm.s32 $0x1  }
0x1b: {  	[tilespmem:s10], [sflag:$0x2] =	stream.indirect.gather [hbm4b:s7+s8], $0x80, s5, s8, $0xb8;
	[tilespmem:$0x8600] =	vst v63  }
0x1c: {  	_ =	swait.ge [sflag:s11], $0x4000  }
0x1d: {  	[sflag:s11] =	ssyncset.done $0x0  }
0x1e: {  	s12 =	rddreg [dreg:$0x9];
	[sflag:s11] =	ssyncadd.s32 $0xFFFFC000  }
0x1f: {  	[hbm4b:s12+s3] =	stream.linear.scatter [tilespmem:s9], [sflag:$0x3], $0x4000, $0x38;
	[tilespmem:$0x8600] =	vst v63  }
0x20: {  	_ =	swait.ge [sflag:s4], $0x4000  }
0x21: {  	[sflag:s4] =	ssyncset.done $0x0  }
0x22: {  	s12 =	simm.s32 $0x2;
	[sflag:s4] =	ssyncadd.s32 $0xFFFFC000  }
0x23: {  	[tilespmem:s9], [sflag:$0x1] =	stream.indirect.gather [hbm4b:s2+s8], $0x80, s6, s8, $0xb8;
	[tilespmem:$0x8600] =	vst v63  }
0x24: {  	_ =	swait.ge [sflag:s12], $0x4000  }
0x25: {  	[sflag:s12] =	ssyncset.done $0x0  }
0x26: {  	s14 =	rddreg [dreg:$0xa];
	[sflag:s12] =	ssyncadd.s32 $0xFFFFC000  }
0x27: {  	[hbm4b:s14+s3] =	stream.linear.scatter [tilespmem:s10], [sflag:$0x3], $0x4000, $0x38;
	[tilespmem:$0x8600] =	vst v63  }
0x28: {  	_ =	swait.ge [sflag:s4], $0x4000  }
0x29: {  	[sflag:s4] =	ssyncset.done $0x0  }
0x2a: {  	[sflag:s4] =	ssyncadd.s32 $0xFFFFC000  }
0x2b: {  	_ =	swait.ge [sflag:s11], $0x4000  }
0x2c: {  	s26 =	sadd.s32 $0x1443A00, s13;
	[sflag:s11] =	ssyncset.done $0x0  }
0x2d: {  	s13 =	sadd.s32 s29, s26;
	[sflag:s11] =	ssyncadd.s32 $0xFFFFC000  }
0x2e: {  	[hbm4b:s13+s3] =	stream.linear.scatter [tilespmem:s9], [sflag:$0x3], $0x4000, $0x38;
	[tilespmem:$0x8600] =	vst v63  }
0x2f: {  	_ =	swait.ge [sflag:s4], $0x4000  }
0x30: {  	[sflag:s4] =	ssyncset.done $0x0  }
0x31: {  	[sflag:s4] =	ssyncadd.s32 $0xFFFFC000  }
0x32: {  	[tilespmem:s9], [sflag:$0x1] =	stream.indirect.gather [hbm4b:s7+s8], $0x80, s8, s8, $0xb8;
	[tilespmem:$0x8600] =	vst v63  }
0x33: {  	s14 =	simm.s32 $0x280  }
0x34: {  	[tilespmem:s10], [sflag:$0x2] =	stream.indirect.gather [hbm4b:s7+s8], $0x80, s14, s8, $0xb8;
	[tilespmem:$0x8600] =	vst v63  }
0x35: {  	_ =	swait.ge [sflag:s11], $0x4000  }
0x36: {  	s18 =	sor.u32 $0x800, s29;
	[sflag:s11] =	ssyncset.done $0x0  }
0x37: {  	s15 =	sadd.s32 s28, s18;
	[sflag:s11] =	ssyncadd.s32 $0xFFFFC000  }
0x38: {  	[hbm4b:s15+s3] =	stream.linear.scatter [tilespmem:s9], [sflag:$0x3], $0x4000, $0x38;
	[tilespmem:$0x8600] =	vst v63  }
0x39: {  	_ =	swait.ge [sflag:s4], $0x4000  }
0x3a: {  	[sflag:s4] =	ssyncset.done $0x0  }
0x3b: {  	s16 =	simm.s32 $0x480;
	[sflag:s4] =	ssyncadd.s32 $0xFFFFC000  }
0x3c: {  	[tilespmem:s9], [sflag:$0x1] =	stream.indirect.gather [hbm4b:s2+s8], $0x80, s16, s8, $0xb8;
	[tilespmem:$0x8600] =	vst v63  }
0x3d: {  	_ =	swait.ge [sflag:s12], $0x4000  }
0x3e: {  	[sflag:s12] =	ssyncset.done $0x0  }
0x3f: {  	s17 =	sadd.s32 s18, s30;
	[sflag:s12] =	ssyncadd.s32 $0xFFFFC000  }
0x40: {  	[hbm4b:s17+s3] =	stream.linear.scatter [tilespmem:s10], [sflag:$0x3], $0x4000, $0x38;
	[tilespmem:$0x8600] =	vst v63  }
0x41: {  	_ =	swait.ge [sflag:s4], $0x4000  }
0x42: {  	[sflag:s4] =	ssyncset.done $0x0  }
0x43: {  	[sflag:s4] =	ssyncadd.s32 $0xFFFFC000  }
0x44: {  	_ =	swait.ge [sflag:s11], $0x4000  }
0x45: {  	[sflag:s11] =	ssyncset.done $0x0  }
0x46: {  	s18 =	sadd.s32 s18, s26;
	[dreg:$0xb] =	wrdreg s26;
	[sflag:s11] =	ssyncadd.s32 $0xFFFFC000  }
0x47: {  	[hbm4b:s18+s3] =	stream.linear.scatter [tilespmem:s9], [sflag:$0x3], $0x4000, $0x38;
	[tilespmem:$0x8600] =	vst v63  }
0x48: {  	_ =	swait.ge [sflag:s4], $0x4000  }
0x49: {  	[sflag:s4] =	ssyncset.done $0x0  }
0x4a: {  	s19 =	simm.s32 $0x100;
	[sflag:s4] =	ssyncadd.s32 $0xFFFFC000  }
0x4b: {  	[tilespmem:s9], [sflag:$0x1] =	stream.indirect.gather [hbm4b:s7+s8], $0x80, s19, s8, $0xb8;
	[tilespmem:$0x8600] =	vst v63  }
0x4c: {  	s20 =	simm.s32 $0x300  }
0x4d: {  	[tilespmem:s10], [sflag:$0x2] =	stream.indirect.gather [hbm4b:s7+s8], $0x80, s20, s8, $0xb8;
	[tilespmem:$0x8600] =	vst v63  }
0x4e: {  	_ =	swait.ge [sflag:s11], $0x4000  }
0x4f: {  	s24 =	sor.u32 $0x1000, s29;
	[sflag:s11] =	ssyncset.done $0x0  }
0x50: {  	s21 =	sadd.s32 s28, s24;
	[sflag:s11] =	ssyncadd.s32 $0xFFFFC000  }
0x51: {  	[hbm4b:s21+s3] =	stream.linear.scatter [tilespmem:s9], [sflag:$0x3], $0x4000, $0x38;
	[tilespmem:$0x8600] =	vst v63  }
0x52: {  	_ =	swait.ge [sflag:s4], $0x4000  }
0x53: {  	[sflag:s4] =	ssyncset.done $0x0  }
0x54: {  	s22 =	simm.s32 $0x500;
	[sflag:s4] =	ssyncadd.s32 $0xFFFFC000  }
0x55: {  	[tilespmem:s9], [sflag:$0x1] =	stream.indirect.gather [hbm4b:s2+s8], $0x80, s22, s8, $0xb8;
	[tilespmem:$0x8600] =	vst v63  }
0x56: {  	_ =	swait.ge [sflag:s12], $0x4000  }
0x57: {  	[sflag:s12] =	ssyncset.done $0x0  }
0x58: {  	s23 =	sadd.s32 s24, s30;
	[sflag:s12] =	ssyncadd.s32 $0xFFFFC000  }
0x59: {  	[hbm4b:s23+s3] =	stream.linear.scatter [tilespmem:s10], [sflag:$0x3], $0x4000, $0x38;
	[tilespmem:$0x8600] =	vst v63  }
0x5a: {  	_ =	swait.ge [sflag:s4], $0x4000  }
0x5b: {  	[sflag:s4] =	ssyncset.done $0x0  }
0x5c: {  	[sflag:s4] =	ssyncadd.s32 $0xFFFFC000  }
0x5d: {  	_ =	swait.ge [sflag:s11], $0x4000  }
0x5e: {  	[sflag:s11] =	ssyncset.done $0x0  }
0x5f: {  	s24 =	sadd.s32 s24, s26;
	[sflag:s11] =	ssyncadd.s32 $0xFFFFC000  }
0x60: {  	[hbm4b:s24+s3] =	stream.linear.scatter [tilespmem:s9], [sflag:$0x3], $0x4000, $0x38;
	[tilespmem:$0x8600] =	vst v63  }
0x61: {  	_ =	swait.ge [sflag:s4], $0x4000  }
0x62: {  	[sflag:s4] =	ssyncset.done $0x0  }
0x63: {  	s25 =	simm.s32 $0x180;
	[sflag:s4] =	ssyncadd.s32 $0xFFFFC000  }
0x64: {  	[tilespmem:s9], [sflag:$0x1] =	stream.indirect.gather [hbm4b:s7+s8], $0x80, s25, s8, $0xb8;
	[tilespmem:$0x8600] =	vst v63  }
0x65: {  	s26 =	simm.s32 $0x380  }
0x66: {  	[tilespmem:s10], [sflag:$0x2] =	stream.indirect.gather [hbm4b:s7+s8], $0x80, s26, s8, $0xb8;
	[tilespmem:$0x8600] =	vst v63  }
0x67: {  	_ =	swait.ge [sflag:s11], $0x4000  }
0x68: {  	s0 =	sor.u32 $0x1800, s29;
	[sflag:s11] =	ssyncset.done $0x0  }
0x69: {  	s28 =	sadd.s32 s28, s0;
	[sflag:s11] =	ssyncadd.s32 $0xFFFFC000  }
0x6a: {  	[hbm4b:s28+s3] =	stream.linear.scatter [tilespmem:s9], [sflag:$0x3], $0x4000, $0x38;
	[tilespmem:$0x8600] =	vst v63  }
0x6b: {  	_ =	swait.ge [sflag:s4], $0x4000  }
0x6c: {  	[sflag:s4] =	ssyncset.done $0x0  }
0x6d: {  	s29 =	simm.s32 $0x580;
	[sflag:s4] =	ssyncadd.s32 $0xFFFFC000  }
0x6e: {  	[tilespmem:s9], [sflag:$0x1] =	stream.indirect.gather [hbm4b:s2+s8], $0x80, s29, s8, $0xb8;
	[tilespmem:$0x8600] =	vst v63  }
0x6f: {  	_ =	swait.ge [sflag:s12], $0x4000  }
0x70: {  	s1 =	ssub.s32 $0x2, s1;
	[sflag:s12] =	ssyncset.done $0x0  }
0x71: {  	s31 =	sshrl.u32 s1, $0x1;
	s30 =	sadd.s32 s0, s30;
	[sflag:s12] =	ssyncadd.s32 $0xFFFFC000  }
0x72: {  	[hbm4b:s30+s3] =	stream.linear.scatter [tilespmem:s10], [sflag:$0x3], $0x4000, $0x38;
	[tilespmem:$0x8600] =	vst v63  }
0x73: {  	s1 =	ssub.s32 s1, s31;
	_ =	swait.ge [sflag:s4], $0x4000  }
0x74: {  	s1 =	smax.u32 s1, $0x1;
	[sflag:s4] =	ssyncset.done $0x0  }
0x75: {  	p0 =	sne.s32 s1, $0x1;
	[sflag:s4] =	ssyncadd.s32 $0xFFFFC000  }
.Ltmp0:
0x76: {  	_ =	swait.ge [sflag:s11], $0x4000;
	(pc) =	sbr.rel @!p0 .LBB2_2-.Ltmp0, $4  }
0x77: {  	[sflag:s11] =	ssyncset.done $0x0;
	s31 =	rddreg [dreg:$0xb]  }
0x78: {  	s31 =	sadd.s32 s0, s31;
	[sflag:s11] =	ssyncadd.s32 $0xFFFFC000  }
0x79: {  	[hbm4b:s31+s3] =	stream.linear.scatter [tilespmem:s9], [sflag:$0x3], $0x4000, $0x38;
	[tilespmem:$0x8600] =	vst v63  }
0x7a: {  	s1 =	sadd.s32 $0xFFFFFFFF, s1;
	_ =	swait.ge [sflag:s4], $0x4000  }
.LBB2_1:
0x7b: {  	[sflag:s4] =	ssyncset.done $0x0  }
0x7c: {  	s0 =	rddreg [dreg:$0x6];
	[sflag:s4] =	ssyncadd.s32 $0xFFFFC000  }
0x7d: {  	[tilespmem:s3], [sflag:$0x3] =	stream.linear.gather [hbm4b:s0+s3], $0x200, $0x38;
	[tilespmem:$0x8600] =	vst v63  }
0x7e: {  	_ =	swait.ge [sflag:s4], $0x200  }
0x7f: {  	[sflag:s4] =	ssyncset.done $0x0  }
0x80: {  	s0 =	rddreg [dreg:$0x7];
	[sflag:s4] =	ssyncadd.s32 $0xFFFFFE00  }
0x81: {  	[tilespmem:s5], [sflag:$0x3] =	stream.linear.gather [hbm4b:s0+s3], $0x200, $0x38;
	[tilespmem:$0x8600] =	vst v63  }
0x82: {  	_ =	swait.ge [sflag:s4], $0x200  }
0x83: {  	[sflag:s4] =	ssyncset.done $0x0  }
0x84: {  	s0 =	rddreg [dreg:$0x8];
	[sflag:s4] =	ssyncadd.s32 $0xFFFFFE00  }
0x85: {  	[tilespmem:s6], [sflag:$0x3] =	stream.linear.gather [hbm4b:s0+s3], $0x200, $0x38;
	[tilespmem:$0x8600] =	vst v63  }
0x86: {  	_ =	swait.ge [sflag:s4], $0x200  }
0x87: {  	[sflag:s4] =	ssyncset.done $0x0  }
0x88: {  	[sflag:s4] =	ssyncadd.s32 $0xFFFFFE00  }
0x89: {  	[tilespmem:s9], [sflag:$0x1] =	stream.indirect.gather [hbm4b:s7+s8], $0x80, s3, s8, $0xb8;
	[tilespmem:$0x8600] =	vst v63  }
0x8a: {  	_ = 	snop  }
0x8b: {  	[tilespmem:s10], [sflag:$0x2] =	stream.indirect.gather [hbm4b:s7+s8], $0x80, s5, s8, $0xb8;
	[tilespmem:$0x8600] =	vst v63  }
0x8c: {  	_ =	swait.ge [sflag:s11], $0x4000  }
0x8d: {  	[sflag:s11] =	ssyncset.done $0x0  }
0x8e: {  	s0 =	rddreg [dreg:$0x9];
	[sflag:s11] =	ssyncadd.s32 $0xFFFFC000  }
0x8f: {  	[hbm4b:s0+s3] =	stream.linear.scatter [tilespmem:s9], [sflag:$0x3], $0x4000, $0x38;
	[tilespmem:$0x8600] =	vst v63  }
0x90: {  	_ =	swait.ge [sflag:s4], $0x4000  }
0x91: {  	[sflag:s4] =	ssyncset.done $0x0  }
0x92: {  	[sflag:s4] =	ssyncadd.s32 $0xFFFFC000  }
0x93: {  	[tilespmem:s9], [sflag:$0x1] =	stream.indirect.gather [hbm4b:s2+s8], $0x80, s6, s8, $0xb8;
	[tilespmem:$0x8600] =	vst v63  }
0x94: {  	_ =	swait.ge [sflag:s12], $0x4000  }
0x95: {  	[sflag:s12] =	ssyncset.done $0x0  }
0x96: {  	s0 =	rddreg [dreg:$0xa];
	[sflag:s12] =	ssyncadd.s32 $0xFFFFC000  }
0x97: {  	[hbm4b:s0+s3] =	stream.linear.scatter [tilespmem:s10], [sflag:$0x3], $0x4000, $0x38;
	[tilespmem:$0x8600] =	vst v63  }
0x98: {  	_ =	swait.ge [sflag:s4], $0x4000  }
0x99: {  	[sflag:s4] =	ssyncset.done $0x0  }
0x9a: {  	[sflag:s4] =	ssyncadd.s32 $0xFFFFC000  }
0x9b: {  	_ =	swait.ge [sflag:s11], $0x4000  }
0x9c: {  	[sflag:s11] =	ssyncset.done $0x0  }
0x9d: {  	[sflag:s11] =	ssyncadd.s32 $0xFFFFC000  }
0x9e: {  	[hbm4b:s13+s3] =	stream.linear.scatter [tilespmem:s9], [sflag:$0x3], $0x4000, $0x38;
	[tilespmem:$0x8600] =	vst v63  }
0x9f: {  	_ =	swait.ge [sflag:s4], $0x4000  }
0xa0: {  	[sflag:s4] =	ssyncset.done $0x0  }
0xa1: {  	[sflag:s4] =	ssyncadd.s32 $0xFFFFC000  }
0xa2: {  	[tilespmem:s9], [sflag:$0x1] =	stream.indirect.gather [hbm4b:s7+s8], $0x80, s8, s8, $0xb8;
	[tilespmem:$0x8600] =	vst v63  }
0xa3: {  	_ = 	snop  }
0xa4: {  	[tilespmem:s10], [sflag:$0x2] =	stream.indirect.gather [hbm4b:s7+s8], $0x80, s14, s8, $0xb8;
	[tilespmem:$0x8600] =	vst v63  }
0xa5: {  	_ =	swait.ge [sflag:s11], $0x4000  }
0xa6: {  	[sflag:s11] =	ssyncset.done $0x0  }
0xa7: {  	[sflag:s11] =	ssyncadd.s32 $0xFFFFC000  }
0xa8: {  	[hbm4b:s15+s3] =	stream.linear.scatter [tilespmem:s9], [sflag:$0x3], $0x4000, $0x38;
	[tilespmem:$0x8600] =	vst v63  }
0xa9: {  	_ =	swait.ge [sflag:s4], $0x4000  }
0xaa: {  	[sflag:s4] =	ssyncset.done $0x0  }
0xab: {  	[sflag:s4] =	ssyncadd.s32 $0xFFFFC000  }
0xac: {  	[tilespmem:s9], [sflag:$0x1] =	stream.indirect.gather [hbm4b:s2+s8], $0x80, s16, s8, $0xb8;
	[tilespmem:$0x8600] =	vst v63  }
0xad: {  	_ =	swait.ge [sflag:s12], $0x4000  }
0xae: {  	[sflag:s12] =	ssyncset.done $0x0  }
0xaf: {  	[sflag:s12] =	ssyncadd.s32 $0xFFFFC000  }
0xb0: {  	[hbm4b:s17+s3] =	stream.linear.scatter [tilespmem:s10], [sflag:$0x3], $0x4000, $0x38;
	[tilespmem:$0x8600] =	vst v63  }
0xb1: {  	_ =	swait.ge [sflag:s4], $0x4000  }
0xb2: {  	[sflag:s4] =	ssyncset.done $0x0  }
0xb3: {  	[sflag:s4] =	ssyncadd.s32 $0xFFFFC000  }
0xb4: {  	_ =	swait.ge [sflag:s11], $0x4000  }
0xb5: {  	[sflag:s11] =	ssyncset.done $0x0  }
0xb6: {  	[sflag:s11] =	ssyncadd.s32 $0xFFFFC000  }
0xb7: {  	[hbm4b:s18+s3] =	stream.linear.scatter [tilespmem:s9], [sflag:$0x3], $0x4000, $0x38;
	[tilespmem:$0x8600] =	vst v63  }
0xb8: {  	_ =	swait.ge [sflag:s4], $0x4000  }
0xb9: {  	[sflag:s4] =	ssyncset.done $0x0  }
0xba: {  	[sflag:s4] =	ssyncadd.s32 $0xFFFFC000  }
0xbb: {  	[tilespmem:s9], [sflag:$0x1] =	stream.indirect.gather [hbm4b:s7+s8], $0x80, s19, s8, $0xb8;
	[tilespmem:$0x8600] =	vst v63  }
0xbc: {  	_ = 	snop  }
0xbd: {  	[tilespmem:s10], [sflag:$0x2] =	stream.indirect.gather [hbm4b:s7+s8], $0x80, s20, s8, $0xb8;
	[tilespmem:$0x8600] =	vst v63  }
0xbe: {  	_ =	swait.ge [sflag:s11], $0x4000  }
0xbf: {  	[sflag:s11] =	ssyncset.done $0x0  }
0xc0: {  	[sflag:s11] =	ssyncadd.s32 $0xFFFFC000  }
0xc1: {  	[hbm4b:s21+s3] =	stream.linear.scatter [tilespmem:s9], [sflag:$0x3], $0x4000, $0x38;
	[tilespmem:$0x8600] =	vst v63  }
0xc2: {  	_ =	swait.ge [sflag:s4], $0x4000  }
0xc3: {  	[sflag:s4] =	ssyncset.done $0x0  }
0xc4: {  	[sflag:s4] =	ssyncadd.s32 $0xFFFFC000  }
0xc5: {  	[tilespmem:s9], [sflag:$0x1] =	stream.indirect.gather [hbm4b:s2+s8], $0x80, s22, s8, $0xb8;
	[tilespmem:$0x8600] =	vst v63  }
0xc6: {  	_ =	swait.ge [sflag:s12], $0x4000  }
0xc7: {  	[sflag:s12] =	ssyncset.done $0x0  }
0xc8: {  	[sflag:s12] =	ssyncadd.s32 $0xFFFFC000  }
0xc9: {  	[hbm4b:s23+s3] =	stream.linear.scatter [tilespmem:s10], [sflag:$0x3], $0x4000, $0x38;
	[tilespmem:$0x8600] =	vst v63  }
0xca: {  	_ =	swait.ge [sflag:s4], $0x4000  }
0xcb: {  	[sflag:s4] =	ssyncset.done $0x0  }
0xcc: {  	[sflag:s4] =	ssyncadd.s32 $0xFFFFC000  }
0xcd: {  	_ =	swait.ge [sflag:s11], $0x4000  }
0xce: {  	[sflag:s11] =	ssyncset.done $0x0  }
0xcf: {  	[sflag:s11] =	ssyncadd.s32 $0xFFFFC000  }
0xd0: {  	[hbm4b:s24+s3] =	stream.linear.scatter [tilespmem:s9], [sflag:$0x3], $0x4000, $0x38;
	[tilespmem:$0x8600] =	vst v63  }
0xd1: {  	_ =	swait.ge [sflag:s4], $0x4000  }
0xd2: {  	[sflag:s4] =	ssyncset.done $0x0  }
0xd3: {  	[sflag:s4] =	ssyncadd.s32 $0xFFFFC000  }
0xd4: {  	[tilespmem:s9], [sflag:$0x1] =	stream.indirect.gather [hbm4b:s7+s8], $0x80, s25, s8, $0xb8;
	[tilespmem:$0x8600] =	vst v63  }
0xd5: {  	_ = 	snop  }
0xd6: {  	[tilespmem:s10], [sflag:$0x2] =	stream.indirect.gather [hbm4b:s7+s8], $0x80, s26, s8, $0xb8;
	[tilespmem:$0x8600] =	vst v63  }
0xd7: {  	_ =	swait.ge [sflag:s11], $0x4000  }
0xd8: {  	[sflag:s11] =	ssyncset.done $0x0  }
0xd9: {  	[sflag:s11] =	ssyncadd.s32 $0xFFFFC000  }
0xda: {  	[hbm4b:s28+s3] =	stream.linear.scatter [tilespmem:s9], [sflag:$0x3], $0x4000, $0x38;
	[tilespmem:$0x8600] =	vst v63  }
0xdb: {  	_ =	swait.ge [sflag:s4], $0x4000  }
0xdc: {  	[sflag:s4] =	ssyncset.done $0x0  }
0xdd: {  	[sflag:s4] =	ssyncadd.s32 $0xFFFFC000  }
0xde: {  	[tilespmem:s9], [sflag:$0x1] =	stream.indirect.gather [hbm4b:s2+s8], $0x80, s29, s8, $0xb8;
	[tilespmem:$0x8600] =	vst v63  }
0xdf: {  	_ =	swait.ge [sflag:s12], $0x4000  }
0xe0: {  	[sflag:s12] =	ssyncset.done $0x0  }
0xe1: {  	[sflag:s12] =	ssyncadd.s32 $0xFFFFC000  }
0xe2: {  	[hbm4b:s30+s3] =	stream.linear.scatter [tilespmem:s10], [sflag:$0x3], $0x4000, $0x38;
	[tilespmem:$0x8600] =	vst v63  }
0xe3: {  	_ =	swait.ge [sflag:s4], $0x4000  }
0xe4: {  	[sflag:s4] =	ssyncset.done $0x0  }
0xe5: {  	p0 =	sne.s32 s1, $0x1;
	[sflag:s4] =	ssyncadd.s32 $0xFFFFC000  }
.Ltmp1:
0xe6: {  	_ =	swait.ge [sflag:s11], $0x4000;
	(pc) =	sbr.rel @p0 .LBB2_1-.Ltmp1, $4  }
0xe7: {  	[sflag:s11] =	ssyncset.done $0x0  }
0xe8: {  	[sflag:s11] =	ssyncadd.s32 $0xFFFFC000  }
0xe9: {  	[hbm4b:s31+s3] =	stream.linear.scatter [tilespmem:s9], [sflag:$0x3], $0x4000, $0x38;
	[tilespmem:$0x8600] =	vst v63  }
0xea: {  	s1 =	sadd.s32 $0xFFFFFFFF, s1;
	_ =	swait.ge [sflag:s4], $0x4000  }
.LBB2_2:
0xeb: {  	[sflag:s4] =	ssyncset.done $0x0  }
0xec: {  	[sflag:s4] =	ssyncadd.s32 $0xFFFFC000  }
0xed: {  	_ =	sfence.sel $0x180000  }
0xee: {  	[bflag:$0x0] =	sbarrier.arrive $0xFFFF  }
0xef: {  	_ =	strace $0x90000050  }
0xf0: {  	s0 =	stileid.u32;
	[bflag:$0x2] =	sbarrier.arrive $0xFFFF  }
0xf1: {  	p0 =	sne.s32 s0, $0x0;
	s0 =	rddreg [dreg:$0x5]  }
0xf2: {  	s0 =	sadd.s32 @!p0 $0x100000, s0  }
0xf3: {  	[sflag:s0] =	ssyncadd.tile.s32 @!p0 $0x1;
	_ =	shalt  }
.Lfunc_end2:
_tile_overlayer_lowered:
.L_overlay_start_2:
0xf4: {  	(tag) =	ssettag $0x2  }
0xf5: {  	s0 =	rddreg [dreg:$0x0];
	s2 =	stileid.u32  }
0xf6: {  	s1 =	rddreg [dreg:$0x1];
	p0 =	sne.s32 s2, $0x0  }
0xf7: {  	s3 =	rddreg [dreg:$0x2];
	[bflag:$0x3] =	sbarrier.arrive $0xFFFF;
	s2 =	simm.s32 @!p0 $0x1C03  }
0xf8: {  	[timem:s3], [sflag:s2] =	dma.local @!p0 [hbm:s0], s1  }
0xf9: {  	s0 =	simm.s32 @!p0 $0x3  }
0xfa: {  	_ =	swait.ge @!p0 [sflag:s0], s1  }
0xfb: {  	s1 =	ssub.s32 @!p0 $0x0, s1;
	[sflag:s0] =	ssyncset.done @!p0 $0x0  }
0xfc: {  	[sflag:s0] =	ssyncadd.s32 @!p0 s1  }
0xfd: {  	[bflag:$0x3] =	sbarrier.arrive $0xFFFF  }
0xfe: {  	_ =	shalt  }

// kernel: kernel.20.cloned.1.call-start
scs
__scs_entry_jumppad:
0x0: {  	(pc) =	sbr.rel $0x88, $3  }
0x1: {  	(tag) =	ssettag $0x0;
	lr =	simm.s32 $0x1  }
0x2: {  	[smem:$0x3F86] =	sst lr;
	_ =	strace $0xD0000000  }
0x3: {  	_ = 	snop  }
0x4: {  	_ = 	snop  }
0x5: {  	_ = 	snop  }
0x6: {  	_ = 	snop  }
0x7: {  	_ = 	snop  }
__scs_overlays_trampoline_lowered:
0x8: {  	[smem:$0x3F95] =	sst s0  }
0x9: {  	[smem:$0x3F96] =	sst s1  }
0xa: {  	[smem:$0x3F97] =	sst s2  }
0xb: {  	[smem:$0x3F98] =	sst s3  }
0xc: {  	[smem:$0x3F99] =	sst s4  }
0xd: {  	[smem:$0x3F9A] =	sst s5  }
0xe: {  	[smem:$0x3F9B] =	sst s6  }
0xf: {  	[smem:$0x3F9C] =	sst s7  }
0x10: {  	[smem:$0x3F9D] =	sst s8  }
0x11: {  	[smem:$0x3F9E] =	sst s9;
	s0 =	simm.s32 @!p0 $0x0  }
0x12: {  	s1 =	sld [smem:$0x3F84];
	s0 =	simm.s32 @p0 $0x1  }
0x13: {  	[smem:$0x3F9F] =	sst s0;
	s0 =	simm.s32 @!p1 $0x0  }
0x14: {  	s2 =	sld [smem:$0x3F83];
	s0 =	simm.s32 @p1 $0x1  }
0x15: {  	[smem:$0x3FA0] =	sst s0;
	s0 =	simm.s32 @!p2 $0x0  }
0x16: {  	s3 =	sld [smem:$0x3FDB];
	s0 =	simm.s32 @p2 $0x1  }
0x17: {  	s4 =	simm.s32 $0x1BF5;
	[smem:$0x3FA2] =	sst s0  }
0x18: {  	s0 =	sld [smem:$0x3F85];
	_ =	swait.ge [sflag:s4], $0x0  }
0x19: {  	s7 =	sld [smem:$0x3F86]  }
0x1a: {  	s8 =	sadd.s32 $0xFFFFE003, lr  }
0x1b: {  	s9 =	sadd.s32 $0xFFFFFEF7, lr;
	s5 =	simm.s32 $0xFFFFFFFF;
	p2 =	slt.u32 s8, $0xFFFFF086  }
0x1c: {  	p1 =	slt.u32 s9, $0xF7A;
	s5 =	simm.s32 @!p2 $0x0  }
0x1d: {  	s5 =	simm.s32 @p1 $0x1;
	p0 =	seq.s32 s7, s2  }
0x1e: {  	s7 =	smul.u32 @!p0 $0xF7A, s2;
	p2 =	seq.s32 @!p0 s5, $0x0  }
0x1f: {  	s9 =	smul.u32 $0xF7A, s1;
	s8 =	simm.s32 @!p0 $0x1BF5;
	p2 =	por !p2, p0  }
0x20: {  	[sflag:s8] =	ssyncset.s32 @!p0 $0xFFFFF086;
	s6 =	sadd.s32 @!p0 s3, s7;
	s7 =	simm.s32 @!p0 $0x108  }
0x21: {  	s3 =	sadd.s32 s3, s9;
	s6 =	sadd.s32 @!p0 $0x88, s6;
	s7 =	simm.s32 @p2 $0x1082  }
0x22: {  	[simem:s7], [sflag:s8] =	dma.local @!p0 [hbm:s6], $0xF7A  }
0x23: {  	s9 =	sor.u32 $0xD0000000, s2;
	s6 =	simm.s32 $0x108;
	_ =	swait.ge @!p0 [sflag:s8], $0x0  }
0x24: {  	s3 =	sadd.s32 $0x88, s3;
	s6 =	simm.s32 @!p1 $0x1082;
	[sflag:s4] =	ssyncset.s32 $0xFFFFF086  }
0x25: {  	[simem:s6], [sflag:s4] =	dma.local [hbm:s3], $0xF7A  }
0x26: {  	[smem:$0x3F86] =	sst s1;
	(tag) =	ssettag s2;
	_ =	strace s9  }
0x27: {  	s1 =	sld [smem:$0x3F96]  }
0x28: {  	s2 =	sld [smem:$0x3F97]  }
0x29: {  	s4 =	sld [smem:$0x3F99]  }
0x2a: {  	p0 =	seq.s32 s5, $0x0;
	s5 =	sld [smem:$0x3F9A]  }
0x2b: {  	s6 =	sld [smem:$0x3F9B]  }
0x2c: {  	s7 =	sld [smem:$0x3F9C]  }
0x2d: {  	s3 =	simm.s32 $0x108;
	s8 =	sld [smem:$0x3F9D]  }
0x2e: {  	s3 =	simm.s32 @!p0 $0x1082;
	s9 =	sld [smem:$0x3F9E]  }
0x2f: {  	lr =	sadd.s32 s0, s3;
	s0 =	sld [smem:$0x3F95]  }
0x30: {  	s3 =	sld [smem:$0x3F98]  }
0x31: {  	[smem:$0x3FA1] =	sst s10  }
0x32: {  	s10 =	sld [smem:$0x3F9F];
	_ =	sdelay $0x3  }
0x33: {  	p0 =	seq.s32 s10, $0x1;
	s10 =	sld [smem:$0x3FA1];
	_ =	sdelay $0x3  }
0x34: {  	[smem:$0x3FA1] =	sst s10  }
0x35: {  	s10 =	sld [smem:$0x3FA0];
	_ =	sdelay $0x3  }
0x36: {  	p1 =	seq.s32 s10, $0x1;
	s10 =	sld [smem:$0x3FA1];
	_ =	sdelay $0x3  }
0x37: {  	[smem:$0x3FA1] =	sst s10  }
0x38: {  	s10 =	sld [smem:$0x3FA2]  }
0x39: {  	_ = 	snop;
	(pc) =	sbr.ind lr, $3  }
0x3a: {  	_ = 	snop  }
0x3b: {  	_ = 	snop  }
0x3c: {  	p2 =	seq.s32 s10, $0x1;
	s10 =	sld [smem:$0x3FA1]  }
0x3d: {  	_ =	shalt  }
0x3e: {  	_ =	shalt  }
0x3f: {  	_ =	shalt  }
0x40: {  	_ =	shalt  }
0x41: {  	_ =	shalt  }
0x42: {  	_ =	shalt  }
0x43: {  	_ =	shalt  }
0x44: {  	_ =	shalt  }
0x45: {  	_ =	shalt  }
0x46: {  	_ =	shalt  }
0x47: {  	_ =	shalt  }
0x48: {  	_ =	shalt  }
0x49: {  	_ =	shalt  }
0x4a: {  	_ =	shalt  }
0x4b: {  	_ =	shalt  }
0x4c: {  	_ =	shalt  }
0x4d: {  	_ =	shalt  }
0x4e: {  	_ =	shalt  }
0x4f: {  	_ =	shalt  }
0x50: {  	_ =	shalt  }
0x51: {  	_ =	shalt  }
0x52: {  	_ =	shalt  }
0x53: {  	_ =	shalt  }
0x54: {  	_ =	shalt  }
0x55: {  	_ =	shalt  }
0x56: {  	_ =	shalt  }
0x57: {  	_ =	shalt  }
0x58: {  	_ =	shalt  }
0x59: {  	_ =	shalt  }
0x5a: {  	_ =	shalt  }
0x5b: {  	_ =	shalt  }
0x5c: {  	_ =	shalt  }
0x5d: {  	_ =	shalt  }
0x5e: {  	_ =	shalt  }
0x5f: {  	_ =	shalt  }
0x60: {  	_ =	shalt  }
0x61: {  	_ =	shalt  }
0x62: {  	_ =	shalt  }
0x63: {  	_ =	shalt  }
0x64: {  	_ =	shalt  }
0x65: {  	_ =	shalt  }
0x66: {  	_ =	shalt  }
0x67: {  	_ =	shalt  }
0x68: {  	_ =	shalt  }
0x69: {  	_ =	shalt  }
0x6a: {  	_ =	shalt  }
0x6b: {  	_ =	shalt  }
0x6c: {  	_ =	shalt  }
0x6d: {  	_ =	shalt  }
0x6e: {  	_ =	shalt  }
0x6f: {  	_ =	shalt  }
0x70: {  	_ =	shalt  }
0x71: {  	_ =	shalt  }
0x72: {  	_ =	shalt  }
0x73: {  	_ =	shalt  }
0x74: {  	_ =	shalt  }
0x75: {  	_ =	shalt  }
0x76: {  	_ =	shalt  }
0x77: {  	_ =	shalt  }
0x78: {  	_ =	shalt  }
0x79: {  	_ =	shalt  }
0x7a: {  	_ =	shalt  }
0x7b: {  	_ =	shalt  }
0x7c: {  	_ =	shalt  }
0x7d: {  	_ =	shalt  }
0x7e: {  	_ =	shalt  }
0x7f: {  	_ =	shalt  }
0x80: {  	_ =	shalt  }
0x81: {  	_ =	shalt  }
0x82: {  	_ =	shalt  }
0x83: {  	_ =	shalt  }
0x84: {  	_ =	shalt  }
0x85: {  	_ =	shalt  }
0x86: {  	_ =	shalt  }
0x87: {  	_ =	shalt  }
.Lfunc_end0:
.L_simem_size_0:
called_computation.1_lowered:
.L_overlay_start_0:
0x88: {  	s2 =	sld [smem:$0x3FD9]  }
0x89: {  	s3 =	sld [smem:$0x3FFE];
	_ =	sdelay $0x1  }
0x8a: {  	s1 =	srdreg.scid  }
0x8b: {  	s0 =	sand.u32 $0x1, s1  }
0x8c: {  	s17 =	sshll.u32 s0, $0xA;
	s2 =	sadd.s32 s3, s2  }
0x8d: {  	s2 =	sadd.s32 s2, s17  }
0x8e: {  	[smem:$0x3FAD] =	sst s2  }
0x8f: {  	_ = 	snop  }
0x90: {  	s2 =	sld [smem:$0x3FC9]  }
0x91: {  	s18 =	sld [smem:$0x3FC8]  }
0x92: {  	s4 =	sld [smem:$0x3FC7];
	(tm) =	ssettm $0x1  }
0x93: {  	s5 =	sld [smem:$0x3FFB];
	_ =	sdelay $0x3  }
0x94: {  	_ =	strace s5  }
0x95: {  	s5 =	sld [smem:$0x3FFC];
	_ =	sdelay $0x3  }
0x96: {  	_ =	strace s5  }
0x97: {  	s5 =	sld [smem:$0x3FFD];
	_ =	sdelay $0x3  }
0x98: {  	_ =	strace s5  }
0x99: {  	_ =	strace $0x8FFFFFFF  }
0x9a: {  	s19 =	sld [smem:$0x3FDB];
	_ =	sdelay $0x1  }
0x9b: {  	s6 =	simm.s32 $_scs_section_size  }
0x9c: {  	s7 =	simm.s32 $_size__tile_overlayer_lowered;
	s8 =	simm.s32 $_tile_overlayer_lowered  }
0x9d: {  	s22 =	simm.s32 $0x1BFF;
	s21 =	sshll.u32 s8, $0x1;
	s5 =	sadd.s32 s6, s19  }
0x9e: {  	s9 =	simm.s32 $0x0;
	s20 =	sshll.u32 s7, $0x1;
	s7 =	sadd.s32 s21, s5  }
0x9f: {  	[timem:s9], [sflag:s22] =	dma.local [hbm:s7], s20  }
0xa0: {  	_ =	swait.ge [sflag:s22], s20  }
0xa1: {  	s6 =	ssub.s32 $0x0, s20;
	[sflag:s22] =	ssyncset.done $0x0  }
0xa2: {  	[sflag:s22] =	ssyncadd.s32 s6;
	_ =	sdelay $0x1  }
0xa3: {  	s23 =	simm.s32 $0x1B8B  }
0xa4: {  	_ =	swait.ge [sflag:s23], $0x1  }
0xa5: {  	[sflag:s23] =	ssyncset.done $0x0  }
0xa6: {  	s25 =	simm.s32 $0x1B8E;
	s24 =	sld [smem:$0x3FFE];
	[sflag:s23] =	ssyncadd.s32 $0xFFFFFFFF  }
0xa7: {  	s26 =	simm.s32 $execute0_lowered;
	[smem:$0x3FD2] =	sst s25  }
0xa8: {  	s7 =	sshll.u32 s26, $0x1;
	_ =	strace $0x80000046;
	[dreg:$0x1] =	wrdreg $0xFFFFFFFF  }
0xa9: {  	s28 =	simm.s32 $_size_execute0_lowered;
	s5 =	sadd.s32 s5, s7;
	[dreg:$0x0] =	wrdreg $0x0  }
0xaa: {  	s7 =	sshll.u32 s28, $0x1;
	[dreg:$0x2] =	wrdreg s5  }
0xab: {  	[dreg:$0x3] =	wrdreg s7  }
0xac: {  	[dreg:$0x4] =	wrdreg $0xC0  }
0xad: {  	_ =	task [dreg:s9], $0x5FFFF  }
0xae: {  	[dreg:$0x1] =	wrdreg $0xFFFFFFFF  }
0xaf: {  	[dreg:$0x0] =	wrdreg $0x60  }
0xb0: {  	[dreg:$0x2] =	wrdreg s2  }
0xb1: {  	[dreg:$0x3] =	wrdreg s4  }
0xb2: {  	[dreg:$0x4] =	wrdreg s18  }
0xb3: {  	[dreg:$0x5] =	wrdreg s24  }
0xb4: {  	[dreg:$0x6] =	wrdreg $0xA  }
0xb5: {  	_ =	task.clear_ibuf [dreg:s9], $0x7FFFF;
	_ =	strace $0x90000046  }
0xb6: {  	s29 =	simm.s32 $0xA;
	_ =	strace $0x80000048  }
0xb7: {  	_ =	swait.ge [sflag:s29], $0x1  }
0xb8: {  	[sflag:s29] =	ssyncadd.s32 $0xFFFFFFFF  }
0xb9: {  	_ =	strace $0x90000048  }
0xba: {  	_ =	sfence  }
0xbb: {  	s30 =	sld [smem:$0x0];
	_ =	sdelay $0x2  }
0xbc: {  	s31 =	sshll.u32 s1, $0xD;
	s1 =	sshrl.u32 s1, $0x2  }
0xbd: {  	s3 =	sand.u32 $0x4000, s31;
	s1 =	sadd.s32 s1, s30  }
0xbe: {  	s0 =	sor.u32 s3, s0;
	s1 =	sshll.u32 s1, $0x11  }
0xbf: {  	s0 =	sor.u32 s1, s0  }
0xc0: {  	s0 =	sadd.s32 $0x8F2B, s0  }
0xc1: {  	[sflag:s0] =	ssyncadd.remote.s32 $0x1  }
0xc2: {  	_ =	sfence.sel $0xFFFF  }
0xc3: {  	[dreg:$0x0] =	wrdreg $0xFFFFFFFF;
	(pc) =	sbr.abs _section_cstart, $3  }
0xc4: {  	[dreg:$0x1] =	wrdreg $0xFFFFFFFF  }
0xc5: {  	_ =	task.clear_ibuf [dreg:s9], $0x2FFFF;
	_ =	strace $0x9FFFFFFF  }
0xc6: {  	(tm) =	ssettm $0x7FFFFFFF  }
0xc7: {  	_ =	shalt  }
tec
execute0_lowered:
.L_overlay_start_1:
0x0: {  	(tag) =	ssettag $0x1  }
0x1: {  	s6 =	rddreg [dreg:$0x0]  }
0x2: {  	s7 =	rddreg [dreg:$0x1]  }
0x3: {  	s8 =	rddreg [dreg:$0x2]  }
0x4: {  	s9 =	rddreg [dreg:$0x3]  }
0x5: {  	s0 =	rddreg [dreg:$0x4]  }
0x6: {  	s1 =	simm.s32 $0x0;
	s10 =	srdreg.scid;
	s2 =	stileid.u32  }
0x7: {  	s16 =	simm.s32 $0x1;
	s17 =	simm.s32 $0x2;
	s18 =	simm.s32 $0x0  }
0x8: {  	[smem:$0x7FF] =	sst s1;
	s3 =	sadd.s32 $0x1600, s9;
	s4 =	sadd.s32 $0x188000, s9  }
0x9: {  	s5 =	sadd.s32 $0x30EA00, s9;
	s10 =	sand.u32 $0x1, s10;
	s12 =	sshll.u32 s2, $0xA  }
0xa: {  	s14 =	sshll.u32 s2, $0xE;
	_ =	strace $0x80000047;
	s11 =	ssub.s32 $0x2, s10  }
0xb: {  	s13 =	sshll.u32 s10, $0x9;
	s29 =	sadd.s32 s14, s9;
	s10 =	sshll.u32 s10, $0xD  }
0xc: {  	s14 =	simm.s32 $0x600;
	s15 =	sshrl.u32 s11, $0x1;
	s12 =	sor.u32 s13, s12  }
0xd: {  	s10 =	sadd.s32 s10, s29;
	s13 =	simm.s32 $0x80;
	s30 =	ssub.s32 s11, s15  }
0xe: {  	s31 =	sshrl.u32 s12, $0x3;
	s10 =	sadd.s32 $0x495400, s10;
	s11 =	simm.s32 $0x3  }
0xf: {  	s12 =	simm.s32 $0x400;
	s15 =	simm.s32 $0x4600;
	s6 =	sadd.s32 s6, s31  }
0x10: {  	s7 =	sadd.s32 s7, s31;
	s8 =	sadd.s32 s8, s31;
	s9 =	smax.u32 s30, $0x1  }
.LBB2_1:
0x11: {  	[tilespmem:s1], [sflag:$0x3] =	stream.linear.gather [hbm4b:s6+s1], $0x200, $0x38;
	[tilespmem:$0x8600] =	vst v63  }
0x12: {  	_ =	swait.ge [sflag:s11], $0x200  }
0x13: {  	[sflag:s11] =	ssyncset.done $0x0  }
0x14: {  	s19 =	simm.s32 $0x200;
	[sflag:s11] =	ssyncadd.s32 $0xFFFFFE00  }
0x15: {  	[tilespmem:s19], [sflag:$0x3] =	stream.linear.gather [hbm4b:s7+s1], $0x200, $0x38;
	[tilespmem:$0x8600] =	vst v63  }
0x16: {  	_ =	swait.ge [sflag:s11], $0x200  }
0x17: {  	[sflag:s11] =	ssyncset.done $0x0  }
0x18: {  	[sflag:s11] =	ssyncadd.s32 $0xFFFFFE00  }
0x19: {  	[tilespmem:s12], [sflag:$0x3] =	stream.linear.gather [hbm4b:s8+s1], $0x200, $0x38;
	[tilespmem:$0x8600] =	vst v63  }
0x1a: {  	_ =	swait.ge [sflag:s11], $0x200  }
0x1b: {  	[sflag:s11] =	ssyncset.done $0x0  }
0x1c: {  	[sflag:s11] =	ssyncadd.s32 $0xFFFFFE00  }
0x1d: {  	[tilespmem:s14], [sflag:$0x1] =	stream.indirect.gather [hbm4b:s3+s13], $0x80, s1, s13, $0xb8;
	[tilespmem:$0x8600] =	vst v63  }
0x1e: {  	_ = 	snop  }
0x1f: {  	[tilespmem:s15], [sflag:$0x2] =	stream.indirect.gather [hbm4b:s4+s13], $0x80, s1, s13, $0xb8;
	[tilespmem:$0x8600] =	vst v63  }
0x20: {  	_ =	swait.ge [sflag:s16], $0x4000  }
0x21: {  	[sflag:s16] =	ssyncset.done $0x0  }
0x22: {  	s20 =	sadd.s32 $0x0, s10;
	[sflag:s16] =	ssyncadd.s32 $0xFFFFC000  }
0x23: {  	[hbm4b:s20+s1] =	stream.linear.scatter [tilespmem:s14], [sflag:$0x3], $0x4000, $0x38;
	[tilespmem:$0x8600] =	vst v63  }
0x24: {  	_ =	swait.ge [sflag:s11], $0x4000  }
0x25: {  	[sflag:s11] =	ssyncset.done $0x0  }
0x26: {  	[sflag:s11] =	ssyncadd.s32 $0xFFFFC000  }
0x27: {  	[tilespmem:s14], [sflag:$0x1] =	stream.indirect.gather [hbm4b:s5+s13], $0x80, s1, s13, $0xb8;
	[tilespmem:$0x8600] =	vst v63  }
0x28: {  	_ =	swait.ge [sflag:s17], $0x4000  }
0x29: {  	[sflag:s17] =	ssyncset.done $0x0  }
0x2a: {  	s21 =	sadd.s32 $0x40000, s20;
	[sflag:s17] =	ssyncadd.s32 $0xFFFFC000  }
0x2b: {  	[hbm4b:s21+s1] =	stream.linear.scatter [tilespmem:s15], [sflag:$0x3], $0x4000, $0x38;
	[tilespmem:$0x8600] =	vst v63  }
0x2c: {  	_ =	swait.ge [sflag:s11], $0x4000  }
0x2d: {  	[sflag:s11] =	ssyncset.done $0x0  }
0x2e: {  	[sflag:s11] =	ssyncadd.s32 $0xFFFFC000  }
0x2f: {  	[tilespmem:s15], [sflag:$0x2] =	stream.indirect.gather [hbm4b:s3+s13], $0x80, s19, s13, $0xb8;
	[tilespmem:$0x8600] =	vst v63  }
0x30: {  	_ =	swait.ge [sflag:s16], $0x4000  }
0x31: {  	[sflag:s16] =	ssyncset.done $0x0  }
0x32: {  	s29 =	sadd.s32 $0x80000, s20;
	[sflag:s16] =	ssyncadd.s32 $0xFFFFC000  }
0x33: {  	[hbm4b:s29+s1] =	stream.linear.scatter [tilespmem:s14], [sflag:$0x3], $0x4000, $0x38;
	[tilespmem:$0x8600] =	vst v63  }
0x34: {  	_ =	swait.ge [sflag:s11], $0x4000  }
0x35: {  	[sflag:s11] =	ssyncset.done $0x0  }
0x36: {  	[sflag:s11] =	ssyncadd.s32 $0xFFFFC000  }
0x37: {  	[tilespmem:s14], [sflag:$0x1] =	stream.indirect.gather [hbm4b:s4+s13], $0x80, s19, s13, $0xb8;
	[tilespmem:$0x8600] =	vst v63  }
0x38: {  	_ =	swait.ge [sflag:s17], $0x4000  }
0x39: {  	[sflag:s17] =	ssyncset.done $0x0  }
0x3a: {  	s30 =	sadd.s32 $0xC0000, s20;
	[sflag:s17] =	ssyncadd.s32 $0xFFFFC000  }
0x3b: {  	[hbm4b:s30+s1] =	stream.linear.scatter [tilespmem:s15], [sflag:$0x3], $0x4000, $0x38;
	[tilespmem:$0x8600] =	vst v63  }
0x3c: {  	_ =	swait.ge [sflag:s11], $0x4000  }
0x3d: {  	[sflag:s11] =	ssyncset.done $0x0  }
0x3e: {  	[sflag:s11] =	ssyncadd.s32 $0xFFFFC000  }
0x3f: {  	[tilespmem:s15], [sflag:$0x2] =	stream.indirect.gather [hbm4b:s5+s13], $0x80, s19, s13, $0xb8;
	[tilespmem:$0x8600] =	vst v63  }
0x40: {  	_ =	swait.ge [sflag:s16], $0x4000  }
0x41: {  	[sflag:s16] =	ssyncset.done $0x0  }
0x42: {  	s31 =	sadd.s32 $0x100000, s20;
	[sflag:s16] =	ssyncadd.s32 $0xFFFFC000  }
0x43: {  	[hbm4b:s31+s1] =	stream.linear.scatter [tilespmem:s14], [sflag:$0x3], $0x4000, $0x38;
	[tilespmem:$0x8600] =	vst v63  }
0x44: {  	_ =	swait.ge [sflag:s11], $0x4000  }
0x45: {  	[sflag:s11] =	ssyncset.done $0x0  }
0x46: {  	[sflag:s11] =	ssyncadd.s32 $0xFFFFC000  }
0x47: {  	_ =	swait.ge [sflag:s17], $0x4000  }
0x48: {  	[sflag:s17] =	ssyncset.done $0x0  }
0x49: {  	s20 =	sadd.s32 $0x140000, s20;
	[sflag:s17] =	ssyncadd.s32 $0xFFFFC000  }
0x4a: {  	[hbm4b:s20+s1] =	stream.linear.scatter [tilespmem:s15], [sflag:$0x3], $0x4000, $0x38;
	[tilespmem:$0x8600] =	vst v63  }
0x4b: {  	_ =	swait.ge [sflag:s11], $0x4000  }
0x4c: {  	s21 =	simm.s32 $0x0;
	s20 =	simm.s32 $0x800;
	[sflag:s11] =	ssyncset.done $0x0  }
.LBB2_2:
0x4d: {  	[sflag:s11] =	ssyncadd.s32 $0xFFFFC000;
	s21 =	sadd.s32 $0x80, s21;
	s19 =	sadd.s32 $0x80, s19  }
0x4e: {  	[tilespmem:s14], [sflag:$0x1] =	stream.indirect.gather [hbm4b:s3+s13], $0x80, s21, s13, $0xb8;
	[tilespmem:$0x8600] =	vst v63  }
0x4f: {  	p0 =	sne.s32 s20, $0x1800;
	s22 =	smov.u32 s20;
	s20 =	sadd.s32 $0x800, s20  }
0x50: {  	[tilespmem:s15], [sflag:$0x2] =	stream.indirect.gather [hbm4b:s4+s13], $0x80, s21, s13, $0xb8;
	[tilespmem:$0x8600] =	vst v63  }
0x51: {  	_ =	swait.ge [sflag:s16], $0x4000  }
0x52: {  	[sflag:s16] =	ssyncset.done $0x0  }
0x53: {  	s22 =	sadd.s32 s22, s10;
	[sflag:s16] =	ssyncadd.s32 $0xFFFFC000  }
0x54: {  	[hbm4b:s22+s1] =	stream.linear.scatter [tilespmem:s14], [sflag:$0x3], $0x4000, $0x38;
	[tilespmem:$0x8600] =	vst v63  }
0x55: {  	_ =	swait.ge [sflag:s11], $0x4000  }
0x56: {  	[sflag:s11] =	ssyncset.done $0x0  }
0x57: {  	[sflag:s11] =	ssyncadd.s32 $0xFFFFC000  }
0x58: {  	[tilespmem:s14], [sflag:$0x1] =	stream.indirect.gather [hbm4b:s5+s13], $0x80, s21, s13, $0xb8;
	[tilespmem:$0x8600] =	vst v63  }
0x59: {  	_ =	swait.ge [sflag:s17], $0x4000  }
0x5a: {  	[sflag:s17] =	ssyncset.done $0x0  }
0x5b: {  	s23 =	sadd.s32 $0x40000, s22;
	[sflag:s17] =	ssyncadd.s32 $0xFFFFC000  }
0x5c: {  	[hbm4b:s23+s1] =	stream.linear.scatter [tilespmem:s15], [sflag:$0x3], $0x4000, $0x38;
	[tilespmem:$0x8600] =	vst v63  }
0x5d: {  	_ =	swait.ge [sflag:s11], $0x4000  }
0x5e: {  	[sflag:s11] =	ssyncset.done $0x0  }
0x5f: {  	[sflag:s11] =	ssyncadd.s32 $0xFFFFC000  }
0x60: {  	[tilespmem:s15], [sflag:$0x2] =	stream.indirect.gather [hbm4b:s3+s13], $0x80, s19, s13, $0xb8;
	[tilespmem:$0x8600] =	vst v63  }
0x61: {  	_ =	swait.ge [sflag:s16], $0x4000  }
0x62: {  	[sflag:s16] =	ssyncset.done $0x0  }
0x63: {  	s23 =	sadd.s32 $0x80000, s22;
	[sflag:s16] =	ssyncadd.s32 $0xFFFFC000  }
0x64: {  	[hbm4b:s23+s1] =	stream.linear.scatter [tilespmem:s14], [sflag:$0x3], $0x4000, $0x38;
	[tilespmem:$0x8600] =	vst v63  }
0x65: {  	_ =	swait.ge [sflag:s11], $0x4000  }
0x66: {  	[sflag:s11] =	ssyncset.done $0x0  }
0x67: {  	[sflag:s11] =	ssyncadd.s32 $0xFFFFC000  }
0x68: {  	[tilespmem:s14], [sflag:$0x1] =	stream.indirect.gather [hbm4b:s4+s13], $0x80, s19, s13, $0xb8;
	[tilespmem:$0x8600] =	vst v63  }
0x69: {  	_ =	swait.ge [sflag:s17], $0x4000  }
0x6a: {  	[sflag:s17] =	ssyncset.done $0x0  }
0x6b: {  	s23 =	sadd.s32 $0xC0000, s22;
	[sflag:s17] =	ssyncadd.s32 $0xFFFFC000  }
0x6c: {  	[hbm4b:s23+s1] =	stream.linear.scatter [tilespmem:s15], [sflag:$0x3], $0x4000, $0x38;
	[tilespmem:$0x8600] =	vst v63  }
0x6d: {  	_ =	swait.ge [sflag:s11], $0x4000  }
0x6e: {  	[sflag:s11] =	ssyncset.done $0x0  }
0x6f: {  	[sflag:s11] =	ssyncadd.s32 $0xFFFFC000  }
0x70: {  	[tilespmem:s15], [sflag:$0x2] =	stream.indirect.gather [hbm4b:s5+s13], $0x80, s19, s13, $0xb8;
	[tilespmem:$0x8600] =	vst v63  }
0x71: {  	_ =	swait.ge [sflag:s16], $0x4000  }
0x72: {  	[sflag:s16] =	ssyncset.done $0x0  }
0x73: {  	s23 =	sadd.s32 $0x100000, s22;
	[sflag:s16] =	ssyncadd.s32 $0xFFFFC000  }
0x74: {  	[hbm4b:s23+s1] =	stream.linear.scatter [tilespmem:s14], [sflag:$0x3], $0x4000, $0x38;
	[tilespmem:$0x8600] =	vst v63  }
0x75: {  	_ =	swait.ge [sflag:s11], $0x4000  }
0x76: {  	[sflag:s11] =	ssyncset.done $0x0  }
0x77: {  	[sflag:s11] =	ssyncadd.s32 $0xFFFFC000  }
0x78: {  	_ =	swait.ge [sflag:s17], $0x4000  }
.Ltmp0:
0x79: {  	[sflag:s17] =	ssyncset.done $0x0;
	(pc) =	sbr.rel @p0 .LBB2_2-.Ltmp0, $4  }
0x7a: {  	s22 =	sadd.s32 $0x140000, s22;
	[sflag:s17] =	ssyncadd.s32 $0xFFFFC000  }
0x7b: {  	[hbm4b:s22+s1] =	stream.linear.scatter [tilespmem:s15], [sflag:$0x3], $0x4000, $0x38;
	[tilespmem:$0x8600] =	vst v63  }
0x7c: {  	_ =	swait.ge [sflag:s11], $0x4000  }
0x7d: {  	[sflag:s11] =	ssyncset.done $0x0  }
0x7e: {  	s18 =	sadd.s32 $0x1, s18  }
0x7f: {  	p0 =	sne.s32 s18, s9  }
.Ltmp1:
0x80: {  	_ = 	snop;
	(pc) =	sbr.rel @p0 .LBB2_1-.Ltmp1, $2  }
0x81: {  	_ =	sdelay $0x2  }
0x82: {  	[sflag:s11] =	ssyncadd.s32 $0xFFFFC000  }
0x83: {  	_ =	sfence.sel $0x180000  }
0x84: {  	[bflag:$0x0] =	sbarrier.arrive $0xFFFF  }
0x85: {  	p0 =	sne.s32 s2, $0x0;
	_ =	strace $0x90000047  }
0x86: {  	s0 =	sadd.s32 @!p0 $0x100000, s0;
	[bflag:$0x2] =	sbarrier.arrive $0xFFFF  }
0x87: {  	[sflag:s0] =	ssyncadd.tile.s32 @!p0 $0x1;
	_ =	shalt  }
.Lfunc_end2:
_tile_overlayer_lowered:
.L_overlay_start_2:
0x88: {  	(tag) =	ssettag $0x2  }
0x89: {  	s0 =	rddreg [dreg:$0x0];
	s2 =	stileid.u32  }
0x8a: {  	s1 =	rddreg [dreg:$0x1];
	p0 =	sne.s32 s2, $0x0  }
0x8b: {  	s3 =	rddreg [dreg:$0x2];
	[bflag:$0x3] =	sbarrier.arrive $0xFFFF;
	s2 =	simm.s32 @!p0 $0x1C03  }
0x8c: {  	[timem:s3], [sflag:s2] =	dma.local @!p0 [hbm:s0], s1  }
0x8d: {  	s0 =	simm.s32 @!p0 $0x3  }
0x8e: {  	_ =	swait.ge @!p0 [sflag:s0], s1  }
0x8f: {  	s1 =	ssub.s32 @!p0 $0x0, s1;
	[sflag:s0] =	ssyncset.done @!p0 $0x0  }
0x90: {  	[sflag:s0] =	ssyncadd.s32 @!p0 s1  }
0x91: {  	[bflag:$0x3] =	sbarrier.arrive $0xFFFF  }
0x92: {  	_ =	shalt  }

// kernel: kernel.23.cloned.1.call-start
scs
__scs_entry_jumppad:
0x0: {  	(pc) =	sbr.rel $0x88, $3  }
0x1: {  	(tag) =	ssettag $0x0;
	lr =	simm.s32 $0x1  }
0x2: {  	[smem:$0x3F86] =	sst lr;
	_ =	strace $0xD0000000  }
0x3: {  	_ = 	snop  }
0x4: {  	_ = 	snop  }
0x5: {  	_ = 	snop  }
0x6: {  	_ = 	snop  }
0x7: {  	_ = 	snop  }
__scs_overlays_trampoline_lowered:
0x8: {  	[smem:$0x3F95] =	sst s0  }
0x9: {  	[smem:$0x3F96] =	sst s1  }
0xa: {  	[smem:$0x3F97] =	sst s2  }
0xb: {  	[smem:$0x3F98] =	sst s3  }
0xc: {  	[smem:$0x3F99] =	sst s4  }
0xd: {  	[smem:$0x3F9A] =	sst s5  }
0xe: {  	[smem:$0x3F9B] =	sst s6  }
0xf: {  	[smem:$0x3F9C] =	sst s7  }
0x10: {  	[smem:$0x3F9D] =	sst s8  }
0x11: {  	[smem:$0x3F9E] =	sst s9;
	s0 =	simm.s32 @!p0 $0x0  }
0x12: {  	s1 =	sld [smem:$0x3F84];
	s0 =	simm.s32 @p0 $0x1  }
0x13: {  	[smem:$0x3F9F] =	sst s0;
	s0 =	simm.s32 @!p1 $0x0  }
0x14: {  	s2 =	sld [smem:$0x3F83];
	s0 =	simm.s32 @p1 $0x1  }
0x15: {  	[smem:$0x3FA0] =	sst s0;
	s0 =	simm.s32 @!p2 $0x0  }
0x16: {  	s3 =	sld [smem:$0x3FDB];
	s0 =	simm.s32 @p2 $0x1  }
0x17: {  	s4 =	simm.s32 $0x1BF5;
	[smem:$0x3FA2] =	sst s0  }
0x18: {  	s0 =	sld [smem:$0x3F85];
	_ =	swait.ge [sflag:s4], $0x0  }
0x19: {  	s7 =	sld [smem:$0x3F86]  }
0x1a: {  	s8 =	sadd.s32 $0xFFFFE003, lr  }
0x1b: {  	s9 =	sadd.s32 $0xFFFFFEF7, lr;
	s5 =	simm.s32 $0xFFFFFFFF;
	p2 =	slt.u32 s8, $0xFFFFF086  }
0x1c: {  	p1 =	slt.u32 s9, $0xF7A;
	s5 =	simm.s32 @!p2 $0x0  }
0x1d: {  	s5 =	simm.s32 @p1 $0x1;
	p0 =	seq.s32 s7, s2  }
0x1e: {  	s7 =	smul.u32 @!p0 $0xF7A, s2;
	p2 =	seq.s32 @!p0 s5, $0x0  }
0x1f: {  	s9 =	smul.u32 $0xF7A, s1;
	s8 =	simm.s32 @!p0 $0x1BF5;
	p2 =	por !p2, p0  }
0x20: {  	[sflag:s8] =	ssyncset.s32 @!p0 $0xFFFFF086;
	s6 =	sadd.s32 @!p0 s3, s7;
	s7 =	simm.s32 @!p0 $0x108  }
0x21: {  	s3 =	sadd.s32 s3, s9;
	s6 =	sadd.s32 @!p0 $0x88, s6;
	s7 =	simm.s32 @p2 $0x1082  }
0x22: {  	[simem:s7], [sflag:s8] =	dma.local @!p0 [hbm:s6], $0xF7A  }
0x23: {  	s9 =	sor.u32 $0xD0000000, s2;
	s6 =	simm.s32 $0x108;
	_ =	swait.ge @!p0 [sflag:s8], $0x0  }
0x24: {  	s3 =	sadd.s32 $0x88, s3;
	s6 =	simm.s32 @!p1 $0x1082;
	[sflag:s4] =	ssyncset.s32 $0xFFFFF086  }
0x25: {  	[simem:s6], [sflag:s4] =	dma.local [hbm:s3], $0xF7A  }
0x26: {  	[smem:$0x3F86] =	sst s1;
	(tag) =	ssettag s2;
	_ =	strace s9  }
0x27: {  	s1 =	sld [smem:$0x3F96]  }
0x28: {  	s2 =	sld [smem:$0x3F97]  }
0x29: {  	s4 =	sld [smem:$0x3F99]  }
0x2a: {  	p0 =	seq.s32 s5, $0x0;
	s5 =	sld [smem:$0x3F9A]  }
0x2b: {  	s6 =	sld [smem:$0x3F9B]  }
0x2c: {  	s7 =	sld [smem:$0x3F9C]  }
0x2d: {  	s3 =	simm.s32 $0x108;
	s8 =	sld [smem:$0x3F9D]  }
0x2e: {  	s3 =	simm.s32 @!p0 $0x1082;
	s9 =	sld [smem:$0x3F9E]  }
0x2f: {  	lr =	sadd.s32 s0, s3;
	s0 =	sld [smem:$0x3F95]  }
0x30: {  	s3 =	sld [smem:$0x3F98]  }
0x31: {  	[smem:$0x3FA1] =	sst s10  }
0x32: {  	s10 =	sld [smem:$0x3F9F];
	_ =	sdelay $0x3  }
0x33: {  	p0 =	seq.s32 s10, $0x1;
	s10 =	sld [smem:$0x3FA1];
	_ =	sdelay $0x3  }
0x34: {  	[smem:$0x3FA1] =	sst s10  }
0x35: {  	s10 =	sld [smem:$0x3FA0];
	_ =	sdelay $0x3  }
0x36: {  	p1 =	seq.s32 s10, $0x1;
	s10 =	sld [smem:$0x3FA1];
	_ =	sdelay $0x3  }
0x37: {  	[smem:$0x3FA1] =	sst s10  }
0x38: {  	s10 =	sld [smem:$0x3FA2]  }
0x39: {  	_ = 	snop;
	(pc) =	sbr.ind lr, $3  }
0x3a: {  	_ = 	snop  }
0x3b: {  	_ = 	snop  }
0x3c: {  	p2 =	seq.s32 s10, $0x1;
	s10 =	sld [smem:$0x3FA1]  }
0x3d: {  	_ =	shalt  }
0x3e: {  	_ =	shalt  }
0x3f: {  	_ =	shalt  }
0x40: {  	_ =	shalt  }
0x41: {  	_ =	shalt  }
0x42: {  	_ =	shalt  }
0x43: {  	_ =	shalt  }
0x44: {  	_ =	shalt  }
0x45: {  	_ =	shalt  }
0x46: {  	_ =	shalt  }
0x47: {  	_ =	shalt  }
0x48: {  	_ =	shalt  }
0x49: {  	_ =	shalt  }
0x4a: {  	_ =	shalt  }
0x4b: {  	_ =	shalt  }
0x4c: {  	_ =	shalt  }
0x4d: {  	_ =	shalt  }
0x4e: {  	_ =	shalt  }
0x4f: {  	_ =	shalt  }
0x50: {  	_ =	shalt  }
0x51: {  	_ =	shalt  }
0x52: {  	_ =	shalt  }
0x53: {  	_ =	shalt  }
0x54: {  	_ =	shalt  }
0x55: {  	_ =	shalt  }
0x56: {  	_ =	shalt  }
0x57: {  	_ =	shalt  }
0x58: {  	_ =	shalt  }
0x59: {  	_ =	shalt  }
0x5a: {  	_ =	shalt  }
0x5b: {  	_ =	shalt  }
0x5c: {  	_ =	shalt  }
0x5d: {  	_ =	shalt  }
0x5e: {  	_ =	shalt  }
0x5f: {  	_ =	shalt  }
0x60: {  	_ =	shalt  }
0x61: {  	_ =	shalt  }
0x62: {  	_ =	shalt  }
0x63: {  	_ =	shalt  }
0x64: {  	_ =	shalt  }
0x65: {  	_ =	shalt  }
0x66: {  	_ =	shalt  }
0x67: {  	_ =	shalt  }
0x68: {  	_ =	shalt  }
0x69: {  	_ =	shalt  }
0x6a: {  	_ =	shalt  }
0x6b: {  	_ =	shalt  }
0x6c: {  	_ =	shalt  }
0x6d: {  	_ =	shalt  }
0x6e: {  	_ =	shalt  }
0x6f: {  	_ =	shalt  }
0x70: {  	_ =	shalt  }
0x71: {  	_ =	shalt  }
0x72: {  	_ =	shalt  }
0x73: {  	_ =	shalt  }
0x74: {  	_ =	shalt  }
0x75: {  	_ =	shalt  }
0x76: {  	_ =	shalt  }
0x77: {  	_ =	shalt  }
0x78: {  	_ =	shalt  }
0x79: {  	_ =	shalt  }
0x7a: {  	_ =	shalt  }
0x7b: {  	_ =	shalt  }
0x7c: {  	_ =	shalt  }
0x7d: {  	_ =	shalt  }
0x7e: {  	_ =	shalt  }
0x7f: {  	_ =	shalt  }
0x80: {  	_ =	shalt  }
0x81: {  	_ =	shalt  }
0x82: {  	_ =	shalt  }
0x83: {  	_ =	shalt  }
0x84: {  	_ =	shalt  }
0x85: {  	_ =	shalt  }
0x86: {  	_ =	shalt  }
0x87: {  	_ =	shalt  }
.Lfunc_end0:
.L_simem_size_0:
called_computation.2_lowered:
.L_overlay_start_0:
0x88: {  	s2 =	sld [smem:$0x3FD9]  }
0x89: {  	s3 =	sld [smem:$0x3FFE];
	_ =	sdelay $0x1  }
0x8a: {  	s1 =	srdreg.scid  }
0x8b: {  	s0 =	sand.u32 $0x1, s1  }
0x8c: {  	s17 =	sshll.u32 s0, $0xA;
	s2 =	sadd.s32 s3, s2  }
0x8d: {  	s2 =	sadd.s32 s2, s17  }
0x8e: {  	[smem:$0x3FAD] =	sst s2  }
0x8f: {  	_ = 	snop  }
0x90: {  	s4 =	sld [smem:$0x3FC9]  }
0x91: {  	s18 =	sld [smem:$0x3FC8]  }
0x92: {  	s5 =	sld [smem:$0x3FC7];
	(tm) =	ssettm $0x1  }
0x93: {  	s19 =	sld [smem:$0x3FFB];
	_ =	sdelay $0x3  }
0x94: {  	_ =	strace s19  }
0x95: {  	s2 =	sld [smem:$0x3FFC];
	_ =	sdelay $0x3  }
0x96: {  	_ =	strace s2  }
0x97: {  	s2 =	sld [smem:$0x3FFD];
	_ =	sdelay $0x3  }
0x98: {  	_ =	strace s2  }
0x99: {  	_ =	strace $0x8FFFFFFF  }
0x9a: {  	s20 =	sld [smem:$0x3FDB];
	_ =	sdelay $0x1  }
0x9b: {  	s6 =	simm.s32 $_scs_section_size  }
0x9c: {  	s7 =	simm.s32 $_size__tile_overlayer_lowered;
	s8 =	simm.s32 $_tile_overlayer_lowered  }
0x9d: {  	s9 =	simm.s32 $0x1BFF;
	s21 =	sshll.u32 s8, $0x1;
	s6 =	sadd.s32 s6, s20  }
0x9e: {  	s22 =	simm.s32 $0x0;
	s7 =	sshll.u32 s7, $0x1;
	s8 =	sadd.s32 s21, s6  }
0x9f: {  	[timem:s22], [sflag:s9] =	dma.local [hbm:s8], s7  }
0xa0: {  	_ =	swait.ge [sflag:s9], s7  }
0xa1: {  	s7 =	ssub.s32 $0x0, s7;
	[sflag:s9] =	ssyncset.done $0x0  }
0xa2: {  	[sflag:s9] =	ssyncadd.s32 s7;
	_ =	sdelay $0x1  }
0xa3: {  	s23 =	simm.s32 $0x1B8B  }
0xa4: {  	_ =	swait.ge [sflag:s23], $0x1  }
0xa5: {  	[sflag:s23] =	ssyncset.done $0x0  }
0xa6: {  	[sflag:s23] =	ssyncadd.s32 $0xFFFFFFFF  }
0xa7: {  	s7 =	sld [smem:$0x0]  }
0xa8: {  	s8 =	sand.u32 $0xFFFFFFFE, s1  }
0xa9: {  	p0 =	sne.s32 s1, s8  }
0xaa: {  	s8 =	sshll.u32 @p0 s8, $0xE  }
0xab: {  	s8 =	sadd.s32 @p0 $0x11B8D, s8;
	s9 =	sshll.u32 @p0 s7, $0x11  }
0xac: {  	s8 =	sor.u32 @p0 s9, s8  }
0xad: {  	[sflag:s8] =	ssyncadd.remote.s32 @p0 $0x1;
	_ =	sdelay $0x1  }
0xae: {  	s8 =	simm.s32 @p0 $0x1B8D  }
0xaf: {  	_ =	swait.eq @p0 [sflag:s8], $0x1  }
0xb0: {  	[sflag:s8] =	ssyncadd.s32 @p0 $0xFFFFFFFF  }
0xb1: {  	s9 =	sshll.u32 @!p0 s1, $0xE  }
0xb2: {  	s9 =	sor.u32 @!p0 $0x4000, s9;
	s8 =	simm.s32 @!p0 $0x1B8D  }
0xb3: {  	s7 =	sshll.u32 @!p0 s7, $0x11;
	s9 =	sadd.s32 @!p0 $0x11B8D, s9;
	_ =	swait.eq @!p0 [sflag:s8], $0x1  }
0xb4: {  	s7 =	sor.u32 @!p0 s7, s9;
	[sflag:s8] =	ssyncadd.s32 @!p0 $0xFFFFFFFF  }
0xb5: {  	s25 =	simm.s32 $0x1B8E;
	s24 =	sld [smem:$0x3FFE];
	[sflag:s7] =	ssyncadd.remote.s32 @!p0 $0x1  }
0xb6: {  	s26 =	simm.s32 $execute0_lowered;
	[smem:$0x3FD2] =	sst s25  }
0xb7: {  	s8 =	sshll.u32 s26, $0x1;
	_ =	strace $0x80000049;
	[dreg:$0x1] =	wrdreg $0xFFFFFFFF  }
0xb8: {  	s28 =	simm.s32 $_size_execute0_lowered;
	s6 =	sadd.s32 s6, s8;
	[dreg:$0x0] =	wrdreg $0x0  }
0xb9: {  	s8 =	sshll.u32 s28, $0x1;
	[dreg:$0x2] =	wrdreg s6  }
0xba: {  	[dreg:$0x3] =	wrdreg s8  }
0xbb: {  	[dreg:$0x4] =	wrdreg $0xC0  }
0xbc: {  	_ =	task [dreg:s22], $0x5FFFF  }
0xbd: {  	[dreg:$0x1] =	wrdreg $0xFFFFFFFF  }
0xbe: {  	[dreg:$0x0] =	wrdreg $0x60  }
0xbf: {  	[dreg:$0x2] =	wrdreg s4  }
0xc0: {  	[dreg:$0x3] =	wrdreg s5  }
0xc1: {  	[dreg:$0x4] =	wrdreg s18  }
0xc2: {  	[dreg:$0x5] =	wrdreg s24  }
0xc3: {  	[dreg:$0x6] =	wrdreg $0xB  }
0xc4: {  	_ =	task.clear_ibuf [dreg:s22], $0x7FFFF;
	_ =	strace $0x90000049  }
0xc5: {  	s29 =	simm.s32 $0xB;
	_ =	strace $0x8000004B  }
0xc6: {  	_ =	swait.ge [sflag:s29], $0x1  }
0xc7: {  	[sflag:s29] =	ssyncadd.s32 $0xFFFFFFFF  }
0xc8: {  	_ =	strace $0x9000004B  }
0xc9: {  	_ =	sfence  }
0xca: {  	s30 =	sld [smem:$0x0];
	_ =	sdelay $0x2  }
0xcb: {  	s31 =	sshll.u32 s1, $0xD;
	s1 =	sshrl.u32 s1, $0x2  }
0xcc: {  	s4 =	sand.u32 $0x4000, s31;
	s1 =	sadd.s32 s1, s30  }
0xcd: {  	s0 =	sor.u32 s4, s0;
	s1 =	sshll.u32 s1, $0x11  }
0xce: {  	s0 =	sor.u32 s1, s0  }
0xcf: {  	s0 =	sadd.s32 $0x8F2B, s0  }
0xd0: {  	[sflag:s0] =	ssyncadd.remote.s32 $0x1  }
0xd1: {  	_ =	sfence.sel $0xFFFF  }
0xd2: {  	[dreg:$0x0] =	wrdreg $0xFFFFFFFF;
	(pc) =	sbr.abs _section_cstart, $3  }
0xd3: {  	[dreg:$0x1] =	wrdreg $0xFFFFFFFF  }
0xd4: {  	_ =	task.clear_ibuf [dreg:s22], $0x2FFFF;
	_ =	strace $0x9FFFFFFF  }
0xd5: {  	(tm) =	ssettm $0x7FFFFFFF  }
tec
execute0_lowered:
.L_overlay_start_1:
0x0: {  	(tag) =	ssettag $0x1  }
0x1: {  	s6 =	rddreg [dreg:$0x0]  }
0x2: {  	s7 =	rddreg [dreg:$0x1]  }
0x3: {  	s8 =	rddreg [dreg:$0x2]  }
0x4: {  	s9 =	rddreg [dreg:$0x3]  }
0x5: {  	s0 =	rddreg [dreg:$0x4]  }
0x6: {  	s1 =	simm.s32 $0x0;
	s10 =	srdreg.scid;
	s2 =	stileid.u32  }
0x7: {  	s16 =	simm.s32 $0x1;
	s17 =	simm.s32 $0x2;
	[smem:$0x7FF] =	sst s1  }
0x8: {  	s18 =	simm.s32 $0x0;
	s3 =	sadd.s32 $0x615400, s9;
	s4 =	sadd.s32 $0x79BE00, s9  }
0x9: {  	s5 =	sadd.s32 $0x922800, s9;
	s10 =	sand.u32 $0x1, s10;
	s12 =	sshll.u32 s2, $0xA  }
0xa: {  	s14 =	sshll.u32 s2, $0xE;
	_ =	strace $0x8000004A;
	s11 =	ssub.s32 $0x2, s10  }
0xb: {  	s13 =	sshll.u32 s10, $0x9;
	s29 =	sadd.s32 s14, s9;
	s10 =	sshll.u32 s10, $0xD  }
0xc: {  	s14 =	simm.s32 $0x600;
	s15 =	sshrl.u32 s11, $0x1;
	s12 =	sor.u32 s13, s12  }
0xd: {  	s10 =	sadd.s32 s10, s29;
	s13 =	simm.s32 $0x80;
	s30 =	ssub.s32 s11, s15  }
0xe: {  	s31 =	sshrl.u32 s12, $0x3;
	s10 =	sadd.s32 $0xAA9200, s10;
	s11 =	simm.s32 $0x3  }
0xf: {  	s12 =	simm.s32 $0x400;
	s15 =	simm.s32 $0x4600;
	s6 =	sadd.s32 s6, s31  }
0x10: {  	s7 =	sadd.s32 s7, s31;
	s8 =	sadd.s32 s8, s31;
	s9 =	smax.u32 s30, $0x1  }
.LBB2_1:
0x11: {  	[tilespmem:s1], [sflag:$0x3] =	stream.linear.gather [hbm4b:s6+s1], $0x200, $0x38;
	[tilespmem:$0x8600] =	vst v63  }
0x12: {  	_ =	swait.ge [sflag:s11], $0x200  }
0x13: {  	[sflag:s11] =	ssyncset.done $0x0  }
0x14: {  	s19 =	simm.s32 $0x200;
	[sflag:s11] =	ssyncadd.s32 $0xFFFFFE00  }
0x15: {  	[tilespmem:s19], [sflag:$0x3] =	stream.linear.gather [hbm4b:s7+s1], $0x200, $0x38;
	[tilespmem:$0x8600] =	vst v63  }
0x16: {  	_ =	swait.ge [sflag:s11], $0x200  }
0x17: {  	[sflag:s11] =	ssyncset.done $0x0  }
0x18: {  	[sflag:s11] =	ssyncadd.s32 $0xFFFFFE00  }
0x19: {  	[tilespmem:s12], [sflag:$0x3] =	stream.linear.gather [hbm4b:s8+s1], $0x200, $0x38;
	[tilespmem:$0x8600] =	vst v63  }
0x1a: {  	_ =	swait.ge [sflag:s11], $0x200  }
0x1b: {  	[sflag:s11] =	ssyncset.done $0x0  }
0x1c: {  	[sflag:s11] =	ssyncadd.s32 $0xFFFFFE00  }
0x1d: {  	[tilespmem:s14], [sflag:$0x1] =	stream.indirect.gather [hbm4b:s3+s13], $0x80, s1, s13, $0xb8;
	[tilespmem:$0x8600] =	vst v63  }
0x1e: {  	_ = 	snop  }
0x1f: {  	[tilespmem:s15], [sflag:$0x2] =	stream.indirect.gather [hbm4b:s4+s13], $0x80, s1, s13, $0xb8;
	[tilespmem:$0x8600] =	vst v63  }
0x20: {  	_ =	swait.ge [sflag:s16], $0x4000  }
0x21: {  	[sflag:s16] =	ssyncset.done $0x0  }
0x22: {  	s20 =	sadd.s32 $0x0, s10;
	[sflag:s16] =	ssyncadd.s32 $0xFFFFC000  }
0x23: {  	[hbm4b:s20+s1] =	stream.linear.scatter [tilespmem:s14], [sflag:$0x3], $0x4000, $0x38;
	[tilespmem:$0x8600] =	vst v63  }
0x24: {  	_ =	swait.ge [sflag:s11], $0x4000  }
0x25: {  	[sflag:s11] =	ssyncset.done $0x0  }
0x26: {  	[sflag:s11] =	ssyncadd.s32 $0xFFFFC000  }
0x27: {  	[tilespmem:s14], [sflag:$0x1] =	stream.indirect.gather [hbm4b:s5+s13], $0x80, s1, s13, $0xb8;
	[tilespmem:$0x8600] =	vst v63  }
0x28: {  	_ =	swait.ge [sflag:s17], $0x4000  }
0x29: {  	[sflag:s17] =	ssyncset.done $0x0  }
0x2a: {  	s21 =	sadd.s32 $0x40000, s20;
	[sflag:s17] =	ssyncadd.s32 $0xFFFFC000  }
0x2b: {  	[hbm4b:s21+s1] =	stream.linear.scatter [tilespmem:s15], [sflag:$0x3], $0x4000, $0x38;
	[tilespmem:$0x8600] =	vst v63  }
0x2c: {  	_ =	swait.ge [sflag:s11], $0x4000  }
0x2d: {  	[sflag:s11] =	ssyncset.done $0x0  }
0x2e: {  	[sflag:s11] =	ssyncadd.s32 $0xFFFFC000  }
0x2f: {  	[tilespmem:s15], [sflag:$0x2] =	stream.indirect.gather [hbm4b:s3+s13], $0x80, s19, s13, $0xb8;
	[tilespmem:$0x8600] =	vst v63  }
0x30: {  	_ =	swait.ge [sflag:s16], $0x4000  }
0x31: {  	[sflag:s16] =	ssyncset.done $0x0  }
0x32: {  	s29 =	sadd.s32 $0x80000, s20;
	[sflag:s16] =	ssyncadd.s32 $0xFFFFC000  }
0x33: {  	[hbm4b:s29+s1] =	stream.linear.scatter [tilespmem:s14], [sflag:$0x3], $0x4000, $0x38;
	[tilespmem:$0x8600] =	vst v63  }
0x34: {  	_ =	swait.ge [sflag:s11], $0x4000  }
0x35: {  	[sflag:s11] =	ssyncset.done $0x0  }
0x36: {  	[sflag:s11] =	ssyncadd.s32 $0xFFFFC000  }
0x37: {  	[tilespmem:s14], [sflag:$0x1] =	stream.indirect.gather [hbm4b:s4+s13], $0x80, s19, s13, $0xb8;
	[tilespmem:$0x8600] =	vst v63  }
0x38: {  	_ =	swait.ge [sflag:s17], $0x4000  }
0x39: {  	[sflag:s17] =	ssyncset.done $0x0  }
0x3a: {  	s30 =	sadd.s32 $0xC0000, s20;
	[sflag:s17] =	ssyncadd.s32 $0xFFFFC000  }
0x3b: {  	[hbm4b:s30+s1] =	stream.linear.scatter [tilespmem:s15], [sflag:$0x3], $0x4000, $0x38;
	[tilespmem:$0x8600] =	vst v63  }
0x3c: {  	_ =	swait.ge [sflag:s11], $0x4000  }
0x3d: {  	[sflag:s11] =	ssyncset.done $0x0  }
0x3e: {  	[sflag:s11] =	ssyncadd.s32 $0xFFFFC000  }
0x3f: {  	[tilespmem:s15], [sflag:$0x2] =	stream.indirect.gather [hbm4b:s5+s13], $0x80, s19, s13, $0xb8;
	[tilespmem:$0x8600] =	vst v63  }
0x40: {  	_ =	swait.ge [sflag:s16], $0x4000  }
0x41: {  	[sflag:s16] =	ssyncset.done $0x0  }
0x42: {  	s31 =	sadd.s32 $0x100000, s20;
	[sflag:s16] =	ssyncadd.s32 $0xFFFFC000  }
0x43: {  	[hbm4b:s31+s1] =	stream.linear.scatter [tilespmem:s14], [sflag:$0x3], $0x4000, $0x38;
	[tilespmem:$0x8600] =	vst v63  }
0x44: {  	_ =	swait.ge [sflag:s11], $0x4000  }
0x45: {  	[sflag:s11] =	ssyncset.done $0x0  }
0x46: {  	[sflag:s11] =	ssyncadd.s32 $0xFFFFC000  }
0x47: {  	_ =	swait.ge [sflag:s17], $0x4000  }
0x48: {  	[sflag:s17] =	ssyncset.done $0x0  }
0x49: {  	s20 =	sadd.s32 $0x140000, s20;
	[sflag:s17] =	ssyncadd.s32 $0xFFFFC000  }
0x4a: {  	[hbm4b:s20+s1] =	stream.linear.scatter [tilespmem:s15], [sflag:$0x3], $0x4000, $0x38;
	[tilespmem:$0x8600] =	vst v63  }
0x4b: {  	_ =	swait.ge [sflag:s11], $0x4000  }
0x4c: {  	s21 =	simm.s32 $0x0;
	s20 =	simm.s32 $0x800;
	[sflag:s11] =	ssyncset.done $0x0  }
.LBB2_2:
0x4d: {  	[sflag:s11] =	ssyncadd.s32 $0xFFFFC000;
	s21 =	sadd.s32 $0x80, s21;
	s19 =	sadd.s32 $0x80, s19  }
0x4e: {  	[tilespmem:s14], [sflag:$0x1] =	stream.indirect.gather [hbm4b:s3+s13], $0x80, s21, s13, $0xb8;
	[tilespmem:$0x8600] =	vst v63  }
0x4f: {  	p0 =	sne.s32 s20, $0x1800;
	s22 =	smov.u32 s20;
	s20 =	sadd.s32 $0x800, s20  }
0x50: {  	[tilespmem:s15], [sflag:$0x2] =	stream.indirect.gather [hbm4b:s4+s13], $0x80, s21, s13, $0xb8;
	[tilespmem:$0x8600] =	vst v63  }
0x51: {  	_ =	swait.ge [sflag:s16], $0x4000  }
0x52: {  	[sflag:s16] =	ssyncset.done $0x0  }
0x53: {  	s22 =	sadd.s32 s22, s10;
	[sflag:s16] =	ssyncadd.s32 $0xFFFFC000  }
0x54: {  	[hbm4b:s22+s1] =	stream.linear.scatter [tilespmem:s14], [sflag:$0x3], $0x4000, $0x38;
	[tilespmem:$0x8600] =	vst v63  }
0x55: {  	_ =	swait.ge [sflag:s11], $0x4000  }
0x56: {  	[sflag:s11] =	ssyncset.done $0x0  }
0x57: {  	[sflag:s11] =	ssyncadd.s32 $0xFFFFC000  }
0x58: {  	[tilespmem:s14], [sflag:$0x1] =	stream.indirect.gather [hbm4b:s5+s13], $0x80, s21, s13, $0xb8;
	[tilespmem:$0x8600] =	vst v63  }
0x59: {  	_ =	swait.ge [sflag:s17], $0x4000  }
0x5a: {  	[sflag:s17] =	ssyncset.done $0x0  }
0x5b: {  	s23 =	sadd.s32 $0x40000, s22;
	[sflag:s17] =	ssyncadd.s32 $0xFFFFC000  }
0x5c: {  	[hbm4b:s23+s1] =	stream.linear.scatter [tilespmem:s15], [sflag:$0x3], $0x4000, $0x38;
	[tilespmem:$0x8600] =	vst v63  }
0x5d: {  	_ =	swait.ge [sflag:s11], $0x4000  }
0x5e: {  	[sflag:s11] =	ssyncset.done $0x0  }
0x5f: {  	[sflag:s11] =	ssyncadd.s32 $0xFFFFC000  }
0x60: {  	[tilespmem:s15], [sflag:$0x2] =	stream.indirect.gather [hbm4b:s3+s13], $0x80, s19, s13, $0xb8;
	[tilespmem:$0x8600] =	vst v63  }
0x61: {  	_ =	swait.ge [sflag:s16], $0x4000  }
0x62: {  	[sflag:s16] =	ssyncset.done $0x0  }
0x63: {  	s23 =	sadd.s32 $0x80000, s22;
	[sflag:s16] =	ssyncadd.s32 $0xFFFFC000  }
0x64: {  	[hbm4b:s23+s1] =	stream.linear.scatter [tilespmem:s14], [sflag:$0x3], $0x4000, $0x38;
	[tilespmem:$0x8600] =	vst v63  }
0x65: {  	_ =	swait.ge [sflag:s11], $0x4000  }
0x66: {  	[sflag:s11] =	ssyncset.done $0x0  }
0x67: {  	[sflag:s11] =	ssyncadd.s32 $0xFFFFC000  }
0x68: {  	[tilespmem:s14], [sflag:$0x1] =	stream.indirect.gather [hbm4b:s4+s13], $0x80, s19, s13, $0xb8;
	[tilespmem:$0x8600] =	vst v63  }
0x69: {  	_ =	swait.ge [sflag:s17], $0x4000  }
0x6a: {  	[sflag:s17] =	ssyncset.done $0x0  }
0x6b: {  	s23 =	sadd.s32 $0xC0000, s22;
	[sflag:s17] =	ssyncadd.s32 $0xFFFFC000  }
0x6c: {  	[hbm4b:s23+s1] =	stream.linear.scatter [tilespmem:s15], [sflag:$0x3], $0x4000, $0x38;
	[tilespmem:$0x8600] =	vst v63  }
0x6d: {  	_ =	swait.ge [sflag:s11], $0x4000  }
0x6e: {  	[sflag:s11] =	ssyncset.done $0x0  }
0x6f: {  	[sflag:s11] =	ssyncadd.s32 $0xFFFFC000  }
0x70: {  	[tilespmem:s15], [sflag:$0x2] =	stream.indirect.gather [hbm4b:s5+s13], $0x80, s19, s13, $0xb8;
	[tilespmem:$0x8600] =	vst v63  }
0x71: {  	_ =	swait.ge [sflag:s16], $0x4000  }
0x72: {  	[sflag:s16] =	ssyncset.done $0x0  }
0x73: {  	s23 =	sadd.s32 $0x100000, s22;
	[sflag:s16] =	ssyncadd.s32 $0xFFFFC000  }
0x74: {  	[hbm4b:s23+s1] =	stream.linear.scatter [tilespmem:s14], [sflag:$0x3], $0x4000, $0x38;
	[tilespmem:$0x8600] =	vst v63  }
0x75: {  	_ =	swait.ge [sflag:s11], $0x4000  }
0x76: {  	[sflag:s11] =	ssyncset.done $0x0  }
0x77: {  	[sflag:s11] =	ssyncadd.s32 $0xFFFFC000  }
0x78: {  	_ =	swait.ge [sflag:s17], $0x4000  }
.Ltmp0:
0x79: {  	[sflag:s17] =	ssyncset.done $0x0;
	(pc) =	sbr.rel @p0 .LBB2_2-.Ltmp0, $4  }
0x7a: {  	s22 =	sadd.s32 $0x140000, s22;
	[sflag:s17] =	ssyncadd.s32 $0xFFFFC000  }
0x7b: {  	[hbm4b:s22+s1] =	stream.linear.scatter [tilespmem:s15], [sflag:$0x3], $0x4000, $0x38;
	[tilespmem:$0x8600] =	vst v63  }
0x7c: {  	_ =	swait.ge [sflag:s11], $0x4000  }
0x7d: {  	[sflag:s11] =	ssyncset.done $0x0  }
0x7e: {  	s18 =	sadd.s32 $0x1, s18  }
0x7f: {  	p0 =	sne.s32 s18, s9  }
.Ltmp1:
0x80: {  	_ = 	snop;
	(pc) =	sbr.rel @p0 .LBB2_1-.Ltmp1, $2  }
0x81: {  	_ =	sdelay $0x2  }
0x82: {  	[sflag:s11] =	ssyncadd.s32 $0xFFFFC000  }
0x83: {  	_ =	sfence.sel $0x180000  }
0x84: {  	[bflag:$0x0] =	sbarrier.arrive $0xFFFF  }
0x85: {  	p0 =	sne.s32 s2, $0x0;
	_ =	strace $0x9000004A  }
0x86: {  	s0 =	sadd.s32 @!p0 $0x100000, s0;
	[bflag:$0x2] =	sbarrier.arrive $0xFFFF  }
0x87: {  	[sflag:s0] =	ssyncadd.tile.s32 @!p0 $0x1;
	_ =	shalt  }
.Lfunc_end2:
_tile_overlayer_lowered:
.L_overlay_start_2:
0x88: {  	(tag) =	ssettag $0x2  }
0x89: {  	s0 =	rddreg [dreg:$0x0];
	s2 =	stileid.u32  }
0x8a: {  	s1 =	rddreg [dreg:$0x1];
	p0 =	sne.s32 s2, $0x0  }
0x8b: {  	s3 =	rddreg [dreg:$0x2];
	[bflag:$0x3] =	sbarrier.arrive $0xFFFF;
	s2 =	simm.s32 @!p0 $0x1C03  }
0x8c: {  	[timem:s3], [sflag:s2] =	dma.local @!p0 [hbm:s0], s1  }
0x8d: {  	s0 =	simm.s32 @!p0 $0x3  }
0x8e: {  	_ =	swait.ge @!p0 [sflag:s0], s1  }
0x8f: {  	s1 =	ssub.s32 @!p0 $0x0, s1;
	[sflag:s0] =	ssyncset.done @!p0 $0x0  }
0x90: {  	[sflag:s0] =	ssyncadd.s32 @!p0 s1  }
0x91: {  	[bflag:$0x3] =	sbarrier.arrive $0xFFFF  }
0x92: {  	_ =	shalt  }

// kernel: kernel.26.cloned.1.call-start
scs
__scs_entry_jumppad:
0x0: {  	(pc) =	sbr.rel $0x88, $3  }
0x1: {  	(tag) =	ssettag $0x0;
	lr =	simm.s32 $0x1  }
0x2: {  	[smem:$0x3F86] =	sst lr;
	_ =	strace $0xD0000000  }
0x3: {  	_ = 	snop  }
0x4: {  	_ = 	snop  }
0x5: {  	_ = 	snop  }
0x6: {  	_ = 	snop  }
0x7: {  	_ = 	snop  }
__scs_overlays_trampoline_lowered:
0x8: {  	[smem:$0x3F95] =	sst s0  }
0x9: {  	[smem:$0x3F96] =	sst s1  }
0xa: {  	[smem:$0x3F97] =	sst s2  }
0xb: {  	[smem:$0x3F98] =	sst s3  }
0xc: {  	[smem:$0x3F99] =	sst s4  }
0xd: {  	[smem:$0x3F9A] =	sst s5  }
0xe: {  	[smem:$0x3F9B] =	sst s6  }
0xf: {  	[smem:$0x3F9C] =	sst s7  }
0x10: {  	[smem:$0x3F9D] =	sst s8  }
0x11: {  	[smem:$0x3F9E] =	sst s9;
	s0 =	simm.s32 @!p0 $0x0  }
0x12: {  	s1 =	sld [smem:$0x3F84];
	s0 =	simm.s32 @p0 $0x1  }
0x13: {  	[smem:$0x3F9F] =	sst s0;
	s0 =	simm.s32 @!p1 $0x0  }
0x14: {  	s2 =	sld [smem:$0x3F83];
	s0 =	simm.s32 @p1 $0x1  }
0x15: {  	[smem:$0x3FA0] =	sst s0;
	s0 =	simm.s32 @!p2 $0x0  }
0x16: {  	s3 =	sld [smem:$0x3FDB];
	s0 =	simm.s32 @p2 $0x1  }
0x17: {  	s4 =	simm.s32 $0x1BF5;
	[smem:$0x3FA2] =	sst s0  }
0x18: {  	s0 =	sld [smem:$0x3F85];
	_ =	swait.ge [sflag:s4], $0x0  }
0x19: {  	s7 =	sld [smem:$0x3F86]  }
0x1a: {  	s8 =	sadd.s32 $0xFFFFE003, lr  }
0x1b: {  	s9 =	sadd.s32 $0xFFFFFEF7, lr;
	s5 =	simm.s32 $0xFFFFFFFF;
	p2 =	slt.u32 s8, $0xFFFFF086  }
0x1c: {  	p1 =	slt.u32 s9, $0xF7A;
	s5 =	simm.s32 @!p2 $0x0  }
0x1d: {  	s5 =	simm.s32 @p1 $0x1;
	p0 =	seq.s32 s7, s2  }
0x1e: {  	s7 =	smul.u32 @!p0 $0xF7A, s2;
	p2 =	seq.s32 @!p0 s5, $0x0  }
0x1f: {  	s9 =	smul.u32 $0xF7A, s1;
	s8 =	simm.s32 @!p0 $0x1BF5;
	p2 =	por !p2, p0  }
0x20: {  	[sflag:s8] =	ssyncset.s32 @!p0 $0xFFFFF086;
	s6 =	sadd.s32 @!p0 s3, s7;
	s7 =	simm.s32 @!p0 $0x108  }
0x21: {  	s3 =	sadd.s32 s3, s9;
	s6 =	sadd.s32 @!p0 $0x88, s6;
	s7 =	simm.s32 @p2 $0x1082  }
0x22: {  	[simem:s7], [sflag:s8] =	dma.local @!p0 [hbm:s6], $0xF7A  }
0x23: {  	s9 =	sor.u32 $0xD0000000, s2;
	s6 =	simm.s32 $0x108;
	_ =	swait.ge @!p0 [sflag:s8], $0x0  }
0x24: {  	s3 =	sadd.s32 $0x88, s3;
	s6 =	simm.s32 @!p1 $0x1082;
	[sflag:s4] =	ssyncset.s32 $0xFFFFF086  }
0x25: {  	[simem:s6], [sflag:s4] =	dma.local [hbm:s3], $0xF7A  }
0x26: {  	[smem:$0x3F86] =	sst s1;
	(tag) =	ssettag s2;
	_ =	strace s9  }
0x27: {  	s1 =	sld [smem:$0x3F96]  }
0x28: {  	s2 =	sld [smem:$0x3F97]  }
0x29: {  	s4 =	sld [smem:$0x3F99]  }
0x2a: {  	p0 =	seq.s32 s5, $0x0;
	s5 =	sld [smem:$0x3F9A]  }
0x2b: {  	s6 =	sld [smem:$0x3F9B]  }
0x2c: {  	s7 =	sld [smem:$0x3F9C]  }
0x2d: {  	s3 =	simm.s32 $0x108;
	s8 =	sld [smem:$0x3F9D]  }
0x2e: {  	s3 =	simm.s32 @!p0 $0x1082;
	s9 =	sld [smem:$0x3F9E]  }
0x2f: {  	lr =	sadd.s32 s0, s3;
	s0 =	sld [smem:$0x3F95]  }
0x30: {  	s3 =	sld [smem:$0x3F98]  }
0x31: {  	[smem:$0x3FA1] =	sst s10  }
0x32: {  	s10 =	sld [smem:$0x3F9F];
	_ =	sdelay $0x3  }
0x33: {  	p0 =	seq.s32 s10, $0x1;
	s10 =	sld [smem:$0x3FA1];
	_ =	sdelay $0x3  }
0x34: {  	[smem:$0x3FA1] =	sst s10  }
0x35: {  	s10 =	sld [smem:$0x3FA0];
	_ =	sdelay $0x3  }
0x36: {  	p1 =	seq.s32 s10, $0x1;
	s10 =	sld [smem:$0x3FA1];
	_ =	sdelay $0x3  }
0x37: {  	[smem:$0x3FA1] =	sst s10  }
0x38: {  	s10 =	sld [smem:$0x3FA2]  }
0x39: {  	_ = 	snop;
	(pc) =	sbr.ind lr, $3  }
0x3a: {  	_ = 	snop  }
0x3b: {  	_ = 	snop  }
0x3c: {  	p2 =	seq.s32 s10, $0x1;
	s10 =	sld [smem:$0x3FA1]  }
0x3d: {  	_ =	shalt  }
0x3e: {  	_ =	shalt  }
0x3f: {  	_ =	shalt  }
0x40: {  	_ =	shalt  }
0x41: {  	_ =	shalt  }
0x42: {  	_ =	shalt  }
0x43: {  	_ =	shalt  }
0x44: {  	_ =	shalt  }
0x45: {  	_ =	shalt  }
0x46: {  	_ =	shalt  }
0x47: {  	_ =	shalt  }
0x48: {  	_ =	shalt  }
0x49: {  	_ =	shalt  }
0x4a: {  	_ =	shalt  }
0x4b: {  	_ =	shalt  }
0x4c: {  	_ =	shalt  }
0x4d: {  	_ =	shalt  }
0x4e: {  	_ =	shalt  }
0x4f: {  	_ =	shalt  }
0x50: {  	_ =	shalt  }
0x51: {  	_ =	shalt  }
0x52: {  	_ =	shalt  }
0x53: {  	_ =	shalt  }
0x54: {  	_ =	shalt  }
0x55: {  	_ =	shalt  }
0x56: {  	_ =	shalt  }
0x57: {  	_ =	shalt  }
0x58: {  	_ =	shalt  }
0x59: {  	_ =	shalt  }
0x5a: {  	_ =	shalt  }
0x5b: {  	_ =	shalt  }
0x5c: {  	_ =	shalt  }
0x5d: {  	_ =	shalt  }
0x5e: {  	_ =	shalt  }
0x5f: {  	_ =	shalt  }
0x60: {  	_ =	shalt  }
0x61: {  	_ =	shalt  }
0x62: {  	_ =	shalt  }
0x63: {  	_ =	shalt  }
0x64: {  	_ =	shalt  }
0x65: {  	_ =	shalt  }
0x66: {  	_ =	shalt  }
0x67: {  	_ =	shalt  }
0x68: {  	_ =	shalt  }
0x69: {  	_ =	shalt  }
0x6a: {  	_ =	shalt  }
0x6b: {  	_ =	shalt  }
0x6c: {  	_ =	shalt  }
0x6d: {  	_ =	shalt  }
0x6e: {  	_ =	shalt  }
0x6f: {  	_ =	shalt  }
0x70: {  	_ =	shalt  }
0x71: {  	_ =	shalt  }
0x72: {  	_ =	shalt  }
0x73: {  	_ =	shalt  }
0x74: {  	_ =	shalt  }
0x75: {  	_ =	shalt  }
0x76: {  	_ =	shalt  }
0x77: {  	_ =	shalt  }
0x78: {  	_ =	shalt  }
0x79: {  	_ =	shalt  }
0x7a: {  	_ =	shalt  }
0x7b: {  	_ =	shalt  }
0x7c: {  	_ =	shalt  }
0x7d: {  	_ =	shalt  }
0x7e: {  	_ =	shalt  }
0x7f: {  	_ =	shalt  }
0x80: {  	_ =	shalt  }
0x81: {  	_ =	shalt  }
0x82: {  	_ =	shalt  }
0x83: {  	_ =	shalt  }
0x84: {  	_ =	shalt  }
0x85: {  	_ =	shalt  }
0x86: {  	_ =	shalt  }
0x87: {  	_ =	shalt  }
.Lfunc_end0:
.L_simem_size_0:
called_computation.3_lowered:
.L_overlay_start_0:
0x88: {  	s2 =	sld [smem:$0x3FD9]  }
0x89: {  	s3 =	sld [smem:$0x3FFE];
	_ =	sdelay $0x1  }
0x8a: {  	s1 =	srdreg.scid  }
0x8b: {  	s0 =	sand.u32 $0x1, s1  }
0x8c: {  	s17 =	sshll.u32 s0, $0xA;
	s2 =	sadd.s32 s3, s2  }
0x8d: {  	s2 =	sadd.s32 s2, s17  }
0x8e: {  	[smem:$0x3FAD] =	sst s2  }
0x8f: {  	_ = 	snop  }
0x90: {  	s4 =	sld [smem:$0x3FC9]  }
0x91: {  	s18 =	sld [smem:$0x3FC8]  }
0x92: {  	s5 =	sld [smem:$0x3FC7];
	(tm) =	ssettm $0x1  }
0x93: {  	s19 =	sld [smem:$0x3FFB];
	_ =	sdelay $0x3  }
0x94: {  	_ =	strace s19  }
0x95: {  	s2 =	sld [smem:$0x3FFC];
	_ =	sdelay $0x3  }
0x96: {  	_ =	strace s2  }
0x97: {  	s2 =	sld [smem:$0x3FFD];
	_ =	sdelay $0x3  }
0x98: {  	_ =	strace s2  }
0x99: {  	_ =	strace $0x8FFFFFFF  }
0x9a: {  	s20 =	sld [smem:$0x3FDB];
	_ =	sdelay $0x1  }
0x9b: {  	s6 =	simm.s32 $_scs_section_size  }
0x9c: {  	s7 =	simm.s32 $_size__tile_overlayer_lowered;
	s8 =	simm.s32 $_tile_overlayer_lowered  }
0x9d: {  	s9 =	simm.s32 $0x1BFF;
	s21 =	sshll.u32 s8, $0x1;
	s6 =	sadd.s32 s6, s20  }
0x9e: {  	s22 =	simm.s32 $0x0;
	s7 =	sshll.u32 s7, $0x1;
	s8 =	sadd.s32 s21, s6  }
0x9f: {  	[timem:s22], [sflag:s9] =	dma.local [hbm:s8], s7  }
0xa0: {  	_ =	swait.ge [sflag:s9], s7  }
0xa1: {  	s7 =	ssub.s32 $0x0, s7;
	[sflag:s9] =	ssyncset.done $0x0  }
0xa2: {  	[sflag:s9] =	ssyncadd.s32 s7;
	_ =	sdelay $0x1  }
0xa3: {  	s23 =	simm.s32 $0x1B8B  }
0xa4: {  	_ =	swait.ge [sflag:s23], $0x1  }
0xa5: {  	[sflag:s23] =	ssyncset.done $0x0  }
0xa6: {  	[sflag:s23] =	ssyncadd.s32 $0xFFFFFFFF  }
0xa7: {  	s7 =	sld [smem:$0x0]  }
0xa8: {  	s8 =	sand.u32 $0xFFFFFFFE, s1  }
0xa9: {  	p0 =	sne.s32 s1, s8  }
0xaa: {  	s8 =	sshll.u32 @p0 s8, $0xE  }
0xab: {  	s8 =	sadd.s32 @p0 $0x11B8D, s8;
	s9 =	sshll.u32 @p0 s7, $0x11  }
0xac: {  	s8 =	sor.u32 @p0 s9, s8  }
0xad: {  	[sflag:s8] =	ssyncadd.remote.s32 @p0 $0x1;
	_ =	sdelay $0x1  }
0xae: {  	s8 =	simm.s32 @p0 $0x1B8D  }
0xaf: {  	_ =	swait.eq @p0 [sflag:s8], $0x1  }
0xb0: {  	[sflag:s8] =	ssyncadd.s32 @p0 $0xFFFFFFFF  }
0xb1: {  	s9 =	sshll.u32 @!p0 s1, $0xE  }
0xb2: {  	s9 =	sor.u32 @!p0 $0x4000, s9;
	s8 =	simm.s32 @!p0 $0x1B8D  }
0xb3: {  	s7 =	sshll.u32 @!p0 s7, $0x11;
	s9 =	sadd.s32 @!p0 $0x11B8D, s9;
	_ =	swait.eq @!p0 [sflag:s8], $0x1  }
0xb4: {  	s7 =	sor.u32 @!p0 s7, s9;
	[sflag:s8] =	ssyncadd.s32 @!p0 $0xFFFFFFFF  }
0xb5: {  	s25 =	simm.s32 $0x1B8E;
	s24 =	sld [smem:$0x3FFE];
	[sflag:s7] =	ssyncadd.remote.s32 @!p0 $0x1  }
0xb6: {  	s26 =	simm.s32 $execute0_lowered;
	[smem:$0x3FD2] =	sst s25  }
0xb7: {  	s8 =	sshll.u32 s26, $0x1;
	_ =	strace $0x8000004C;
	[dreg:$0x1] =	wrdreg $0xFFFFFFFF  }
0xb8: {  	s28 =	simm.s32 $_size_execute0_lowered;
	s6 =	sadd.s32 s6, s8;
	[dreg:$0x0] =	wrdreg $0x0  }
0xb9: {  	s8 =	sshll.u32 s28, $0x1;
	[dreg:$0x2] =	wrdreg s6  }
0xba: {  	[dreg:$0x3] =	wrdreg s8  }
0xbb: {  	[dreg:$0x4] =	wrdreg $0xC0  }
0xbc: {  	_ =	task [dreg:s22], $0x5FFFF  }
0xbd: {  	[dreg:$0x1] =	wrdreg $0xFFFFFFFF  }
0xbe: {  	[dreg:$0x0] =	wrdreg $0x60  }
0xbf: {  	[dreg:$0x2] =	wrdreg s4  }
0xc0: {  	[dreg:$0x3] =	wrdreg s5  }
0xc1: {  	[dreg:$0x4] =	wrdreg s18  }
0xc2: {  	[dreg:$0x5] =	wrdreg s24  }
0xc3: {  	[dreg:$0x6] =	wrdreg $0xC  }
0xc4: {  	_ =	task.clear_ibuf [dreg:s22], $0x7FFFF;
	_ =	strace $0x9000004C  }
0xc5: {  	s29 =	simm.s32 $0xC;
	_ =	strace $0x8000004E  }
0xc6: {  	_ =	swait.ge [sflag:s29], $0x1  }
0xc7: {  	[sflag:s29] =	ssyncadd.s32 $0xFFFFFFFF  }
0xc8: {  	_ =	strace $0x9000004E  }
0xc9: {  	_ =	sfence  }
0xca: {  	s30 =	sld [smem:$0x0];
	_ =	sdelay $0x2  }
0xcb: {  	s31 =	sshll.u32 s1, $0xD;
	s1 =	sshrl.u32 s1, $0x2  }
0xcc: {  	s4 =	sand.u32 $0x4000, s31;
	s1 =	sadd.s32 s1, s30  }
0xcd: {  	s0 =	sor.u32 s4, s0;
	s1 =	sshll.u32 s1, $0x11  }
0xce: {  	s0 =	sor.u32 s1, s0  }
0xcf: {  	s0 =	sadd.s32 $0x8F2B, s0  }
0xd0: {  	[sflag:s0] =	ssyncadd.remote.s32 $0x1  }
0xd1: {  	_ =	sfence.sel $0xFFFF  }
0xd2: {  	[dreg:$0x0] =	wrdreg $0xFFFFFFFF;
	(pc) =	sbr.abs _section_cstart, $3  }
0xd3: {  	[dreg:$0x1] =	wrdreg $0xFFFFFFFF  }
0xd4: {  	_ =	task.clear_ibuf [dreg:s22], $0x2FFFF;
	_ =	strace $0x9FFFFFFF  }
0xd5: {  	(tm) =	ssettm $0x7FFFFFFF  }
tec
execute0_lowered:
.L_overlay_start_1:
0x0: {  	(tag) =	ssettag $0x1  }
0x1: {  	s6 =	rddreg [dreg:$0x0]  }
0x2: {  	s7 =	rddreg [dreg:$0x1]  }
0x3: {  	s8 =	rddreg [dreg:$0x2]  }
0x4: {  	s9 =	rddreg [dreg:$0x3]  }
0x5: {  	s0 =	rddreg [dreg:$0x4]  }
0x6: {  	s1 =	simm.s32 $0x0;
	s10 =	srdreg.scid;
	s2 =	stileid.u32  }
0x7: {  	s16 =	simm.s32 $0x1;
	s17 =	simm.s32 $0x2;
	[smem:$0x7FF] =	sst s1  }
0x8: {  	s18 =	simm.s32 $0x0;
	s3 =	sadd.s32 $0xC29200, s9;
	s4 =	sadd.s32 $0xDAFC00, s9  }
0x9: {  	s5 =	sadd.s32 $0xF36600, s9;
	s10 =	sand.u32 $0x1, s10;
	s12 =	sshll.u32 s2, $0xA  }
0xa: {  	s14 =	sshll.u32 s2, $0xE;
	_ =	strace $0x8000004D;
	s11 =	ssub.s32 $0x2, s10  }
0xb: {  	s13 =	sshll.u32 s10, $0x9;
	s29 =	sadd.s32 s14, s9;
	s10 =	sshll.u32 s10, $0xD  }
0xc: {  	s14 =	simm.s32 $0x600;
	s15 =	sshrl.u32 s11, $0x1;
	s12 =	sor.u32 s13, s12  }
0xd: {  	s10 =	sadd.s32 s10, s29;
	s13 =	simm.s32 $0x80;
	s30 =	ssub.s32 s11, s15  }
0xe: {  	s31 =	sshrl.u32 s12, $0x3;
	s10 =	sadd.s32 $0x10BD000, s10;
	s11 =	simm.s32 $0x3  }
0xf: {  	s12 =	simm.s32 $0x400;
	s15 =	simm.s32 $0x4600;
	s6 =	sadd.s32 s6, s31  }
0x10: {  	s7 =	sadd.s32 s7, s31;
	s8 =	sadd.s32 s8, s31;
	s9 =	smax.u32 s30, $0x1  }
.LBB2_1:
0x11: {  	[tilespmem:s1], [sflag:$0x3] =	stream.linear.gather [hbm4b:s6+s1], $0x200, $0x38;
	[tilespmem:$0x8600] =	vst v63  }
0x12: {  	_ =	swait.ge [sflag:s11], $0x200  }
0x13: {  	[sflag:s11] =	ssyncset.done $0x0  }
0x14: {  	s19 =	simm.s32 $0x200;
	[sflag:s11] =	ssyncadd.s32 $0xFFFFFE00  }
0x15: {  	[tilespmem:s19], [sflag:$0x3] =	stream.linear.gather [hbm4b:s7+s1], $0x200, $0x38;
	[tilespmem:$0x8600] =	vst v63  }
0x16: {  	_ =	swait.ge [sflag:s11], $0x200  }
0x17: {  	[sflag:s11] =	ssyncset.done $0x0  }
0x18: {  	[sflag:s11] =	ssyncadd.s32 $0xFFFFFE00  }
0x19: {  	[tilespmem:s12], [sflag:$0x3] =	stream.linear.gather [hbm4b:s8+s1], $0x200, $0x38;
	[tilespmem:$0x8600] =	vst v63  }
0x1a: {  	_ =	swait.ge [sflag:s11], $0x200  }
0x1b: {  	[sflag:s11] =	ssyncset.done $0x0  }
0x1c: {  	[sflag:s11] =	ssyncadd.s32 $0xFFFFFE00  }
0x1d: {  	[tilespmem:s14], [sflag:$0x1] =	stream.indirect.gather [hbm4b:s3+s13], $0x80, s1, s13, $0xb8;
	[tilespmem:$0x8600] =	vst v63  }
0x1e: {  	_ = 	snop  }
0x1f: {  	[tilespmem:s15], [sflag:$0x2] =	stream.indirect.gather [hbm4b:s4+s13], $0x80, s1, s13, $0xb8;
	[tilespmem:$0x8600] =	vst v63  }
0x20: {  	_ =	swait.ge [sflag:s16], $0x4000  }
0x21: {  	[sflag:s16] =	ssyncset.done $0x0  }
0x22: {  	s20 =	sadd.s32 $0x0, s10;
	[sflag:s16] =	ssyncadd.s32 $0xFFFFC000  }
0x23: {  	[hbm4b:s20+s1] =	stream.linear.scatter [tilespmem:s14], [sflag:$0x3], $0x4000, $0x38;
	[tilespmem:$0x8600] =	vst v63  }
0x24: {  	_ =	swait.ge [sflag:s11], $0x4000  }
0x25: {  	[sflag:s11] =	ssyncset.done $0x0  }
0x26: {  	[sflag:s11] =	ssyncadd.s32 $0xFFFFC000  }
0x27: {  	[tilespmem:s14], [sflag:$0x1] =	stream.indirect.gather [hbm4b:s5+s13], $0x80, s1, s13, $0xb8;
	[tilespmem:$0x8600] =	vst v63  }
0x28: {  	_ =	swait.ge [sflag:s17], $0x4000  }
0x29: {  	[sflag:s17] =	ssyncset.done $0x0  }
0x2a: {  	s21 =	sadd.s32 $0x40000, s20;
	[sflag:s17] =	ssyncadd.s32 $0xFFFFC000  }
0x2b: {  	[hbm4b:s21+s1] =	stream.linear.scatter [tilespmem:s15], [sflag:$0x3], $0x4000, $0x38;
	[tilespmem:$0x8600] =	vst v63  }
0x2c: {  	_ =	swait.ge [sflag:s11], $0x4000  }
0x2d: {  	[sflag:s11] =	ssyncset.done $0x0  }
0x2e: {  	[sflag:s11] =	ssyncadd.s32 $0xFFFFC000  }
0x2f: {  	[tilespmem:s15], [sflag:$0x2] =	stream.indirect.gather [hbm4b:s3+s13], $0x80, s19, s13, $0xb8;
	[tilespmem:$0x8600] =	vst v63  }
0x30: {  	_ =	swait.ge [sflag:s16], $0x4000  }
0x31: {  	[sflag:s16] =	ssyncset.done $0x0  }
0x32: {  	s29 =	sadd.s32 $0x80000, s20;
	[sflag:s16] =	ssyncadd.s32 $0xFFFFC000  }
0x33: {  	[hbm4b:s29+s1] =	stream.linear.scatter [tilespmem:s14], [sflag:$0x3], $0x4000, $0x38;
	[tilespmem:$0x8600] =	vst v63  }
0x34: {  	_ =	swait.ge [sflag:s11], $0x4000  }
0x35: {  	[sflag:s11] =	ssyncset.done $0x0  }
0x36: {  	[sflag:s11] =	ssyncadd.s32 $0xFFFFC000  }
0x37: {  	[tilespmem:s14], [sflag:$0x1] =	stream.indirect.gather [hbm4b:s4+s13], $0x80, s19, s13, $0xb8;
	[tilespmem:$0x8600] =	vst v63  }
0x38: {  	_ =	swait.ge [sflag:s17], $0x4000  }
0x39: {  	[sflag:s17] =	ssyncset.done $0x0  }
0x3a: {  	s30 =	sadd.s32 $0xC0000, s20;
	[sflag:s17] =	ssyncadd.s32 $0xFFFFC000  }
0x3b: {  	[hbm4b:s30+s1] =	stream.linear.scatter [tilespmem:s15], [sflag:$0x3], $0x4000, $0x38;
	[tilespmem:$0x8600] =	vst v63  }
0x3c: {  	_ =	swait.ge [sflag:s11], $0x4000  }
0x3d: {  	[sflag:s11] =	ssyncset.done $0x0  }
0x3e: {  	[sflag:s11] =	ssyncadd.s32 $0xFFFFC000  }
0x3f: {  	[tilespmem:s15], [sflag:$0x2] =	stream.indirect.gather [hbm4b:s5+s13], $0x80, s19, s13, $0xb8;
	[tilespmem:$0x8600] =	vst v63  }
0x40: {  	_ =	swait.ge [sflag:s16], $0x4000  }
0x41: {  	[sflag:s16] =	ssyncset.done $0x0  }
0x42: {  	s31 =	sadd.s32 $0x100000, s20;
	[sflag:s16] =	ssyncadd.s32 $0xFFFFC000  }
0x43: {  	[hbm4b:s31+s1] =	stream.linear.scatter [tilespmem:s14], [sflag:$0x3], $0x4000, $0x38;
	[tilespmem:$0x8600] =	vst v63  }
0x44: {  	_ =	swait.ge [sflag:s11], $0x4000  }
0x45: {  	[sflag:s11] =	ssyncset.done $0x0  }
0x46: {  	[sflag:s11] =	ssyncadd.s32 $0xFFFFC000  }
0x47: {  	_ =	swait.ge [sflag:s17], $0x4000  }
0x48: {  	[sflag:s17] =	ssyncset.done $0x0  }
0x49: {  	s20 =	sadd.s32 $0x140000, s20;
	[sflag:s17] =	ssyncadd.s32 $0xFFFFC000  }
0x4a: {  	[hbm4b:s20+s1] =	stream.linear.scatter [tilespmem:s15], [sflag:$0x3], $0x4000, $0x38;
	[tilespmem:$0x8600] =	vst v63  }
0x4b: {  	_ =	swait.ge [sflag:s11], $0x4000  }
0x4c: {  	s21 =	simm.s32 $0x0;
	s20 =	simm.s32 $0x800;
	[sflag:s11] =	ssyncset.done $0x0  }
.LBB2_2:
0x4d: {  	[sflag:s11] =	ssyncadd.s32 $0xFFFFC000;
	s21 =	sadd.s32 $0x80, s21;
	s19 =	sadd.s32 $0x80, s19  }
0x4e: {  	[tilespmem:s14], [sflag:$0x1] =	stream.indirect.gather [hbm4b:s3+s13], $0x80, s21, s13, $0xb8;
	[tilespmem:$0x8600] =	vst v63  }
0x4f: {  	p0 =	sne.s32 s20, $0x1800;
	s22 =	smov.u32 s20;
	s20 =	sadd.s32 $0x800, s20  }
0x50: {  	[tilespmem:s15], [sflag:$0x2] =	stream.indirect.gather [hbm4b:s4+s13], $0x80, s21, s13, $0xb8;
	[tilespmem:$0x8600] =	vst v63  }
0x51: {  	_ =	swait.ge [sflag:s16], $0x4000  }
0x52: {  	[sflag:s16] =	ssyncset.done $0x0  }
0x53: {  	s22 =	sadd.s32 s22, s10;
	[sflag:s16] =	ssyncadd.s32 $0xFFFFC000  }
0x54: {  	[hbm4b:s22+s1] =	stream.linear.scatter [tilespmem:s14], [sflag:$0x3], $0x4000, $0x38;
	[tilespmem:$0x8600] =	vst v63  }
0x55: {  	_ =	swait.ge [sflag:s11], $0x4000  }
0x56: {  	[sflag:s11] =	ssyncset.done $0x0  }
0x57: {  	[sflag:s11] =	ssyncadd.s32 $0xFFFFC000  }
0x58: {  	[tilespmem:s14], [sflag:$0x1] =	stream.indirect.gather [hbm4b:s5+s13], $0x80, s21, s13, $0xb8;
	[tilespmem:$0x8600] =	vst v63  }
0x59: {  	_ =	swait.ge [sflag:s17], $0x4000  }
0x5a: {  	[sflag:s17] =	ssyncset.done $0x0  }
0x5b: {  	s23 =	sadd.s32 $0x40000, s22;
	[sflag:s17] =	ssyncadd.s32 $0xFFFFC000  }
0x5c: {  	[hbm4b:s23+s1] =	stream.linear.scatter [tilespmem:s15], [sflag:$0x3], $0x4000, $0x38;
	[tilespmem:$0x8600] =	vst v63  }
0x5d: {  	_ =	swait.ge [sflag:s11], $0x4000  }
0x5e: {  	[sflag:s11] =	ssyncset.done $0x0  }
0x5f: {  	[sflag:s11] =	ssyncadd.s32 $0xFFFFC000  }
0x60: {  	[tilespmem:s15], [sflag:$0x2] =	stream.indirect.gather [hbm4b:s3+s13], $0x80, s19, s13, $0xb8;
	[tilespmem:$0x8600] =	vst v63  }
0x61: {  	_ =	swait.ge [sflag:s16], $0x4000  }
0x62: {  	[sflag:s16] =	ssyncset.done $0x0  }
0x63: {  	s23 =	sadd.s32 $0x80000, s22;
	[sflag:s16] =	ssyncadd.s32 $0xFFFFC000  }
0x64: {  	[hbm4b:s23+s1] =	stream.linear.scatter [tilespmem:s14], [sflag:$0x3], $0x4000, $0x38;
	[tilespmem:$0x8600] =	vst v63  }
0x65: {  	_ =	swait.ge [sflag:s11], $0x4000  }
0x66: {  	[sflag:s11] =	ssyncset.done $0x0  }
0x67: {  	[sflag:s11] =	ssyncadd.s32 $0xFFFFC000  }
0x68: {  	[tilespmem:s14], [sflag:$0x1] =	stream.indirect.gather [hbm4b:s4+s13], $0x80, s19, s13, $0xb8;
	[tilespmem:$0x8600] =	vst v63  }
0x69: {  	_ =	swait.ge [sflag:s17], $0x4000  }
0x6a: {  	[sflag:s17] =	ssyncset.done $0x0  }
0x6b: {  	s23 =	sadd.s32 $0xC0000, s22;
	[sflag:s17] =	ssyncadd.s32 $0xFFFFC000  }
0x6c: {  	[hbm4b:s23+s1] =	stream.linear.scatter [tilespmem:s15], [sflag:$0x3], $0x4000, $0x38;
	[tilespmem:$0x8600] =	vst v63  }
0x6d: {  	_ =	swait.ge [sflag:s11], $0x4000  }
0x6e: {  	[sflag:s11] =	ssyncset.done $0x0  }
0x6f: {  	[sflag:s11] =	ssyncadd.s32 $0xFFFFC000  }
0x70: {  	[tilespmem:s15], [sflag:$0x2] =	stream.indirect.gather [hbm4b:s5+s13], $0x80, s19, s13, $0xb8;
	[tilespmem:$0x8600] =	vst v63  }
0x71: {  	_ =	swait.ge [sflag:s16], $0x4000  }
0x72: {  	[sflag:s16] =	ssyncset.done $0x0  }
0x73: {  	s23 =	sadd.s32 $0x100000, s22;
	[sflag:s16] =	ssyncadd.s32 $0xFFFFC000  }
0x74: {  	[hbm4b:s23+s1] =	stream.linear.scatter [tilespmem:s14], [sflag:$0x3], $0x4000, $0x38;
	[tilespmem:$0x8600] =	vst v63  }
0x75: {  	_ =	swait.ge [sflag:s11], $0x4000  }
0x76: {  	[sflag:s11] =	ssyncset.done $0x0  }
0x77: {  	[sflag:s11] =	ssyncadd.s32 $0xFFFFC000  }
0x78: {  	_ =	swait.ge [sflag:s17], $0x4000  }
.Ltmp0:
0x79: {  	[sflag:s17] =	ssyncset.done $0x0;
	(pc) =	sbr.rel @p0 .LBB2_2-.Ltmp0, $4  }
0x7a: {  	s22 =	sadd.s32 $0x140000, s22;
	[sflag:s17] =	ssyncadd.s32 $0xFFFFC000  }
0x7b: {  	[hbm4b:s22+s1] =	stream.linear.scatter [tilespmem:s15], [sflag:$0x3], $0x4000, $0x38;
	[tilespmem:$0x8600] =	vst v63  }
0x7c: {  	_ =	swait.ge [sflag:s11], $0x4000  }
0x7d: {  	[sflag:s11] =	ssyncset.done $0x0  }
0x7e: {  	s18 =	sadd.s32 $0x1, s18  }
0x7f: {  	p0 =	sne.s32 s18, s9  }
.Ltmp1:
0x80: {  	_ = 	snop;
	(pc) =	sbr.rel @p0 .LBB2_1-.Ltmp1, $2  }
0x81: {  	_ =	sdelay $0x2  }
0x82: {  	[sflag:s11] =	ssyncadd.s32 $0xFFFFC000  }
0x83: {  	_ =	sfence.sel $0x180000  }
0x84: {  	[bflag:$0x0] =	sbarrier.arrive $0xFFFF  }
0x85: {  	p0 =	sne.s32 s2, $0x0;
	_ =	strace $0x9000004D  }
0x86: {  	s0 =	sadd.s32 @!p0 $0x100000, s0;
	[bflag:$0x2] =	sbarrier.arrive $0xFFFF  }
0x87: {  	[sflag:s0] =	ssyncadd.tile.s32 @!p0 $0x1;
	_ =	shalt  }
.Lfunc_end2:
_tile_overlayer_lowered:
.L_overlay_start_2:
0x88: {  	(tag) =	ssettag $0x2  }
0x89: {  	s0 =	rddreg [dreg:$0x0];
	s2 =	stileid.u32  }
0x8a: {  	s1 =	rddreg [dreg:$0x1];
	p0 =	sne.s32 s2, $0x0  }
0x8b: {  	s3 =	rddreg [dreg:$0x2];
	[bflag:$0x3] =	sbarrier.arrive $0xFFFF;
	s2 =	simm.s32 @!p0 $0x1C03  }
0x8c: {  	[timem:s3], [sflag:s2] =	dma.local @!p0 [hbm:s0], s1  }
0x8d: {  	s0 =	simm.s32 @!p0 $0x3  }
0x8e: {  	_ =	swait.ge @!p0 [sflag:s0], s1  }
0x8f: {  	s1 =	ssub.s32 @!p0 $0x0, s1;
	[sflag:s0] =	ssyncset.done @!p0 $0x0  }
0x90: {  	[sflag:s0] =	ssyncadd.s32 @!p0 s1  }
0x91: {  	[bflag:$0x3] =	sbarrier.arrive $0xFFFF  }
0x92: {  	_ =	shalt  }

</sc_bundles>
